<compile_context>
chip_gen: v7x
topology: tpu7x:2x2x1
jax: 0.10.2.dev20260603
libtpu: 0.0.44.dev20260713+nightly
codegen_flags: <defaults>
</compile_context>

<pallas_src>
import jax
import jax.numpy as jnp
from jax import lax
from jax.experimental import pallas as pl
from jax.experimental.pallas import tpu as pltpu
from jax.experimental.pallas import tpu_sc as plsc

VOCAB = 1000000
DIM = 64
B = 16384

NC = 2
NS = 16
L = 16
NW = NC * NS
BPW = B // NW
NCOL = (VOCAB + 127) // 128
NQUAD = (NCOL + 3) // 4
QPW = (NQUAD + NW - 1) // NW
PADMINOR = NCOL * 128
NROWS = B + 64
IDXCH = 2048
CAP = B + L


def _log1p_poly(u):
    z = u / (2.0 + u)
    z2 = z * z
    p = 1.0 / 9.0
    p = 1.0 / 7.0 + z2 * p
    p = 1.0 / 5.0 + z2 * p
    p = 1.0 / 3.0 + z2 * p
    p = 1.0 + z2 * p
    return 2.0 * z * p


def _extract_body(c_idx_hbm, t_idx_hbm, w_inT_hbm, w_outT_hbm,
                  rows_c_hbm, rows_t_hbm,
                  idxbuf, clist, tlist, colbuf_c,
                  sbuf_c, sbuf_t, pbuf_c, pbuf_t, estage,
                  sem_cc, sem_ct, sem_sc, sem_st):
    wid = lax.axis_index("s") * NC + lax.axis_index("c")
    p_lo = wid * QPW
    p_hi = jnp.minimum(p_lo + QPW, NQUAD)
    vlo = p_lo * 512
    vhi = jnp.minimum(p_hi * 512, VOCAB)
    lane = lax.iota(jnp.int32, L)
    trash = jnp.int32(B) + 2 * wid

    pltpu.make_async_copy(
        w_inT_hbm.at[pl.ds(0, DIM),
                     pl.ds(jnp.minimum(p_lo * 512, PADMINOR - 512), 512)],
        colbuf_c.at[pl.ds(0, DIM)], sem_cc).start()

    def pack(v, pos):
        rel = jnp.right_shift(v, 9) - p_lo
        return (jnp.left_shift(rel, 23)
                | jnp.left_shift(jnp.bitwise_and(v, 511), 14) | pos)

    def scan_chunk(ch, counts):
        pltpu.sync_copy(c_idx_hbm.at[pl.ds(ch * IDXCH, IDXCH)],
                        idxbuf.at[pl.ds(0, IDXCH)])
        pltpu.sync_copy(t_idx_hbm.at[pl.ds(ch * IDXCH, IDXCH)],
                        idxbuf.at[pl.ds(IDXCH, IDXCH)])

        def scan_vec(v8, counts2):
            n_c2, n_t2 = counts2
            pos = ch * IDXCH + v8 * L + lane
            cv = idxbuf[pl.ds(v8 * L, L)]
            tv = idxbuf[pl.ds(IDXCH + v8 * L, L)]
            cm = (cv >= vlo) & (cv < vhi)
            tm = (tv >= vlo) & (tv < vhi)
            plsc.store_compressed(clist.at[pl.ds(n_c2, L)], pack(cv, pos),
                                  mask=cm)
            plsc.store_compressed(tlist.at[pl.ds(n_t2, L)], pack(tv, pos),
                                  mask=tm)
            n_c2 = n_c2 + plsc.all_reduce_population_count(cm)[0]
            n_t2 = n_t2 + plsc.all_reduce_population_count(tm)[0]
            return n_c2, n_t2

        return lax.fori_loop(0, IDXCH // L, scan_vec, counts)

    n_c, n_t = lax.fori_loop(0, B // IDXCH, scan_chunk,
                             (jnp.int32(0), jnp.int32(0)))
    sentinel = jnp.full((L,), -1, jnp.int32)
    clist[pl.ds(n_c, L)] = sentinel
    tlist[pl.ds(n_t, L)] = sentinel

    def pair_dma(pr, par, buf, tbl, sem):
        off = jnp.minimum(pr * 512, PADMINOR - 512)
        return pltpu.make_async_copy(
            tbl.at[pl.ds(0, DIM), pl.ds(off, 512)],
            buf.at[pl.ds(par * DIM, DIM)], sem)

    def table_scan(rel, par, delta, n_s, nlist, plist, colbuf, sbuf, pbuf,
                   rows_hbm, sem):
        def scan_vec(e, n_s2):
            pe = plist[pl.ds(e * L, L)]
            m = jnp.right_shift(pe, 23) == rel
            plsc.store_compressed(estage.at[pl.ds(0, L)], pe, mask=m)
            mm = plsc.all_reduce_population_count(m)[0]

            def elem(j, n_s3):
                slot = jnp.bitwise_and(n_s3, 15)
                bi = jnp.bitwise_and(jnp.right_shift(n_s3, 4), 1)

                @pl.when((slot == 0) & (n_s3 >= 32))
                def _():
                    oldpos = pbuf[pl.ds(bi * L, L)]
                    pltpu.make_async_copy(
                        sbuf.at[pl.ds(bi * 16, 16)],
                        rows_hbm.at[oldpos], sem).wait()

                jv = jnp.full((L,), j, jnp.int32)
                pe_j = plsc.load_gather(estage.at[pl.ds(0, L)], [jv])[0]
                coff = jnp.full(
                    (L,),
                    jnp.bitwise_and(jnp.right_shift(pe_j, 14), 511) + delta)
                pos_j = jnp.bitwise_and(pe_j, 16383)
                for q in range(DIM // L):
                    rows = par * DIM + q * L + lane
                    vq = plsc.load_gather(colbuf, [rows, coff])
                    sbuf[jnp.bitwise_and(n_s3, 31), pl.ds(q * L, L)] = vq
                newpos = jnp.where(lane == slot, pos_j, pbuf[pl.ds(bi * L, L)])
                pbuf[pl.ds(bi * L, L)] = newpos
                n_s3 = n_s3 + 1

                @pl.when(jnp.bitwise_and(n_s3, 15) == 0)
                def _():
                    pltpu.make_async_copy(
                        sbuf.at[pl.ds(bi * 16, 16)],
                        rows_hbm.at[newpos], sem).start()

                return n_s3

            return lax.fori_loop(0, mm, elem, n_s2)

        nvec = (nlist + L - 1) // L
        return lax.fori_loop(0, nvec, scan_vec, n_s)

    def run_pass(tbl, sem_col, nlist, plist, sbuf, pbuf, rows_hbm, sem_s,
                 prologue_started=False):
        if not prologue_started:
            pair_dma(p_lo, jnp.int32(0), colbuf_c, tbl, sem_col).start()

        def sweep(pr, n_s):
            par = lax.rem(pr - p_lo, 2)
            rel = pr - p_lo
            delta = pr * 512 - jnp.minimum(pr * 512, PADMINOR - 512)
            nxt = pr + 1

            @pl.when(nxt < p_hi)
            def _():
                pair_dma(nxt, 1 - par, colbuf_c, tbl, sem_col).start()

            pair_dma(pr, par, colbuf_c, tbl, sem_col).wait()
            return table_scan(rel, par, delta, n_s, nlist, plist, colbuf_c,
                              sbuf, pbuf, rows_hbm, sem_s)

        return lax.fori_loop(p_lo, p_hi, sweep, jnp.int32(0))

    n_cs = run_pass(w_inT_hbm, sem_cc, n_c, clist, sbuf_c, pbuf_c,
                    rows_c_hbm, sem_sc, prologue_started=True)
    n_ts = run_pass(w_outT_hbm, sem_ct, n_t, tlist, sbuf_t, pbuf_t,
                    rows_t_hbm, sem_st)

    def flush_tail(n_s, sbuf, pbuf, rows_hbm, sem, toff):
        rem = jnp.bitwise_and(n_s, 15)
        nf = jnp.right_shift(n_s, 4)
        bi = jnp.bitwise_and(nf, 1)
        bj = jnp.bitwise_and(nf - 1, 1)

        @pl.when(rem != 0)
        def _():
            newpos = jnp.where(lane < rem, pbuf[pl.ds(bi * L, L)],
                               trash + toff)
            pbuf[pl.ds(bi * L, L)] = newpos
            pltpu.make_async_copy(
                sbuf.at[pl.ds(bi * 16, 16)],
                rows_hbm.at[newpos], sem).start()

        @pl.when(nf >= 1)
        def _():
            pltpu.make_async_copy(
                sbuf.at[pl.ds(bj * 16, 16)],
                rows_hbm.at[pbuf[pl.ds(bj * L, L)]], sem).wait()

        @pl.when(rem != 0)
        def _():
            pltpu.make_async_copy(
                sbuf.at[pl.ds(bi * 16, 16)],
                rows_hbm.at[pbuf[pl.ds(bi * L, L)]], sem).wait()

    flush_tail(n_cs, sbuf_c, pbuf_c, rows_c_hbm, sem_sc, 0)
    flush_tail(n_ts, sbuf_t, pbuf_t, rows_t_hbm, sem_st, 1)


def _loss_body(rows_c_hbm, rows_t_hbm, lab_hbm, out_hbm,
               cbuf, tbuf, lab_v, acc_v, sem):
    wid = lax.axis_index("s") * NC + lax.axis_index("c")
    base = wid * BPW
    lane = lax.iota(jnp.int32, L)
    pltpu.sync_copy(lab_hbm.at[pl.ds(base, BPW)], lab_v)

    CHROWS = 64
    NCH = BPW // CHROWS

    def chunk_dma(k, par, src, dstbuf):
        return pltpu.make_async_copy(
            src.at[pl.ds(base + k * CHROWS, CHROWS)],
            dstbuf.at[pl.ds(par * CHROWS, CHROWS)], sem)

    chunk_dma(jnp.int32(0), jnp.int32(0), rows_c_hbm, cbuf).start()
    chunk_dma(jnp.int32(0), jnp.int32(0), rows_t_hbm, tbuf).start()

    def chunk(k, acc):
        par = lax.rem(k, 2)

        @pl.when(k + 1 < NCH)
        def _():
            chunk_dma(k + 1, 1 - par, rows_c_hbm, cbuf).start()
            chunk_dma(k + 1, 1 - par, rows_t_hbm, tbuf).start()

        chunk_dma(k, par, rows_c_hbm, cbuf).wait()
        chunk_dma(k, par, rows_t_hbm, tbuf).wait()

        def group(g, acc2):
            sims = jnp.zeros((L,), jnp.float32)
            for r in range(L):
                row = par * CHROWS + g * L + r
                p = cbuf[row, pl.ds(0, L)] * tbuf[row, pl.ds(0, L)]
                for q in range(1, DIM // L):
                    p = p + cbuf[row, pl.ds(q * L, L)] * tbuf[row, pl.ds(q * L, L)]
                sims = jnp.where(lane == r, jnp.sum(p), sims)
            y = lab_v[pl.ds(k * CHROWS + g * L, L)]
            u = jnp.exp(-jnp.abs(sims))
            loss = jnp.maximum(sims, 0.0) - sims * y + _log1p_poly(u)
            return acc2 + loss

        return lax.fori_loop(0, CHROWS // L, group, acc)

    acc = lax.fori_loop(0, NCH, chunk, jnp.zeros((L,), jnp.float32))
    acc_v[...] = acc
    pltpu.sync_copy(acc_v, out_hbm.at[wid])


_MESH = dict(core_axis_name="c", subcore_axis_name="s")
_PARAMS = dict(needs_layout_passes=False, use_tc_tiling_on_sc=True,
               disable_bounds_checks=True)


@jax.jit
def _sc_call(c_idx, t_idx, lab_f32, w_inT, w_outT):
    rows_c, rows_t = pl.kernel(
        _extract_body,
        out_type=(jax.ShapeDtypeStruct((NROWS, 128), jnp.float32),
                  jax.ShapeDtypeStruct((NROWS, 128), jnp.float32)),
        mesh=plsc.VectorSubcoreMesh(**_MESH),
        compiler_params=pltpu.CompilerParams(**_PARAMS),
        scratch_types=[
            pltpu.VMEM((2 * IDXCH,), jnp.int32),
            pltpu.VMEM((CAP,), jnp.int32),
            pltpu.VMEM((CAP,), jnp.int32),
            pltpu.VMEM((2 * DIM, 512), jnp.float32),
            pltpu.VMEM((32, 128), jnp.float32),
            pltpu.VMEM((32, 128), jnp.float32),
            pltpu.VMEM((2 * L,), jnp.int32),
            pltpu.VMEM((2 * L,), jnp.int32),
            pltpu.VMEM((L,), jnp.int32),
            pltpu.SemaphoreType.DMA,
            pltpu.SemaphoreType.DMA,
            pltpu.SemaphoreType.DMA,
            pltpu.SemaphoreType.DMA,
        ],
    )(c_idx, t_idx, w_inT, w_outT)

    return pl.kernel(
        _loss_body,
        out_type=jax.ShapeDtypeStruct((NW, L), jnp.float32),
        mesh=plsc.VectorSubcoreMesh(**_MESH),
        compiler_params=pltpu.CompilerParams(**_PARAMS),
        scratch_types=[
            pltpu.VMEM((128, 128), jnp.float32),
            pltpu.VMEM((128, 128), jnp.float32),
            pltpu.VMEM((BPW,), jnp.float32),
            pltpu.VMEM((L,), jnp.float32),
            pltpu.SemaphoreType.DMA,
        ],
    )(rows_c, rows_t, lab_f32)


def kernel(center_words, target_words, label, W_in, W_out):
    c_idx = center_words.astype(jnp.int32)
    t_idx = target_words.astype(jnp.int32)
    lab = label.astype(jnp.float32)
    part = _sc_call(c_idx, t_idx, lab, W_in.T, W_out.T)
    return jnp.sum(part) / B

# --- scband reference (transcript-rebuilt; emitter-appended) ---
"""Pipeline reference for scband-skip-gram-11450382811520 (READ-ONLY COPY).

The authoritative reference and input builder live on the scoring server;
editing this copy changes nothing except your own understanding.
"""

import jax, jax.numpy as jnp
import numpy as np

VOCAB = 1000000
DIM = 64
B = 16384


def setup_inputs(seed: int = 0) -> dict:
    key = jax.random.key(seed)
    k1, k2, k3, k4, k5 = jax.random.split(key, 5)
    center_words = jax.random.randint(k1, (B,), 0, VOCAB)
    target_words = jax.random.randint(k2, (B,), 0, VOCAB)
    label = jax.random.randint(k3, (B,), 0, 2).astype(jnp.int32)
    W_in = jax.random.uniform(k4, (VOCAB, DIM), minval=-0.1, maxval=0.1, dtype=jnp.float32)
    W_out = jax.random.uniform(k5, (VOCAB, DIM), minval=-0.1, maxval=0.1, dtype=jnp.float32)
    return {"center_words": center_words, "target_words": target_words, "label": label, "W_in": W_in, "W_out": W_out}


def reference(center_words, target_words, label, W_in, W_out):
    # embedding lookups (SparseCore gathers)
    center_emb = jnp.take(W_in, center_words, axis=0)
    target_emb = jnp.take(W_out, target_words, axis=0)
    # dot-product similarity
    word_sim = jnp.sum(center_emb * target_emb, axis=-1)
    y = label.astype(jnp.float32)
    # BCEWithLogitsLoss, mean reduction (numerically stable form, matches torch)
    loss = jnp.mean(jnp.maximum(word_sim, 0.0) - word_sim * y + jnp.log1p(jnp.exp(-jnp.abs(word_sim))))
    return loss

if __name__ == "__main__":
    import jax
    _d = setup_inputs()
    print(jax.jit(kernel)(*tuple(_d.values())))

</pallas_src>

<mosaic_0001>
#map = affine_map<(d0, d1) -> (0, 0)>
#map1 = affine_map<(d0, d1) -> (0)>
module attributes {stable_mosaic.version = 14 : i64} {
  func.func @_loss_body(%arg0: i32, %arg1: i32, %arg2: memref<16448x128xf32, #tpu.memory_space<hbm>>, %arg3: memref<16448x128xf32, #tpu.memory_space<hbm>>, %arg4: memref<16384xf32, #tpu.memory_space<hbm>>, %arg5: memref<32x16xf32, #tpu.memory_space<hbm>>, %arg6: memref<128x128xf32, #tpu.memory_space<vmem>>, %arg7: memref<128x128xf32, #tpu.memory_space<vmem>>, %arg8: memref<512xf32, #tpu.memory_space<vmem>>, %arg9: memref<16xf32, #tpu.memory_space<vmem>>, %arg10: memref<!tpu.dma_semaphore, #tpu.memory_space<semaphore_mem>>) attributes {dimension_semantics = [#tpu.dimension_semantics<core_parallel>, #tpu.dimension_semantics<subcore_parallel>], iteration_bounds = array<i64: 2, 16>, scalar_prefetch = 0 : i64, scratch_operands = 5 : i64, tpu.core_type = #tpu.core_type<sc_vector_subcore>, window_params = [{transform_indices = #map}, {transform_indices = #map}, {transform_indices = #map1}, {transform_indices = #map}]} {
    %mul3A = arith.constant 2 : i32
    %mul3A_0 = arith.muli %arg1, %mul3A : i32
    %add3A = arith.addi %mul3A_0, %arg0 : i32
    %mul3A_1 = arith.constant 512 : i32
    %mul3A_2 = arith.muli %add3A, %mul3A_1 : i32
    %iota3A = tpu.iota {dimensions = array<i32: 0>} : vector<16xi32>
    "tpu.region"() ({
      %run_scoped3A = tpu.sem_alloc : memref<!tpu.dma_semaphore, #tpu.memory_space<semaphore_mem>>
      %dma_start3A_39 = tpu.memref_slice %arg4[%mul3A_2] : memref<16384xf32, #tpu.memory_space<hbm>> -> memref<512xf32, #tpu.memory_space<hbm>>
      %dma_start3A_40 = tpu.memref_slice %arg4[%mul3A_2] : memref<16384xf32, #tpu.memory_space<hbm>> -> memref<512xf32, #tpu.memory_space<hbm>>
      tpu.enqueue_dma source(%dma_start3A_40 : memref<512xf32, #tpu.memory_space<hbm>>) target(%arg8 : memref<512xf32, #tpu.memory_space<vmem>>) target_semaphore(%run_scoped3A : memref<!tpu.dma_semaphore, #tpu.memory_space<semaphore_mem>>)
      %dma_wait3A = tpu.memref_slice %arg4[%mul3A_2] : memref<16384xf32, #tpu.memory_space<hbm>> -> memref<512xf32, #tpu.memory_space<hbm>>
      %dma_wait3A_41 = tpu.memref_slice %arg4[%mul3A_2] : memref<16384xf32, #tpu.memory_space<hbm>> -> memref<512xf32, #tpu.memory_space<hbm>>
      tpu.wait_dma2 semaphore(%run_scoped3A : memref<!tpu.dma_semaphore, #tpu.memory_space<semaphore_mem>>) src(%dma_wait3A_41 : memref<512xf32, #tpu.memory_space<hbm>>) dst(%arg8 : memref<512xf32, #tpu.memory_space<vmem>>)
      tpu.yield
    }) : () -> ()
    %mul3A_3 = arith.constant 0 : i32
    %mul3A_4 = arith.constant 64 : i32
    %mul3A_5 = arith.muli %mul3A_3, %mul3A_4 : i32
    %add3A_6 = arith.addi %mul3A_2, %mul3A_5 : i32
    %mul3A_7 = arith.constant 0 : i32
    %mul3A_8 = arith.constant 64 : i32
    %mul3A_9 = arith.muli %mul3A_7, %mul3A_8 : i32
    %dma_start3A = arith.constant 0 : i32
    %dma_start3A_10 = tpu.memref_slice %arg6[%mul3A_9, %dma_start3A] : memref<128x128xf32, #tpu.memory_space<vmem>> -> memref<64x128xf32, #tpu.memory_space<vmem>>
    %dma_start3A_11 = arith.constant 0 : i32
    %dma_start3A_12 = tpu.memref_slice %arg2[%add3A_6, %dma_start3A_11] : memref<16448x128xf32, #tpu.memory_space<hbm>> -> memref<64x128xf32, #tpu.memory_space<hbm>>
    %dma_start3A_13 = arith.constant 0 : i32
    %dma_start3A_14 = tpu.memref_slice %arg6[%mul3A_9, %dma_start3A_13] : memref<128x128xf32, #tpu.memory_space<vmem>> -> memref<64x128xf32, #tpu.memory_space<vmem>>
    %dma_start3A_15 = arith.constant 0 : i32
    %dma_start3A_16 = tpu.memref_slice %arg2[%add3A_6, %dma_start3A_15] : memref<16448x128xf32, #tpu.memory_space<hbm>> -> memref<64x128xf32, #tpu.memory_space<hbm>>
    tpu.enqueue_dma source(%dma_start3A_16 : memref<64x128xf32, #tpu.memory_space<hbm>>) target(%dma_start3A_14 : memref<64x128xf32, #tpu.memory_space<vmem>>) target_semaphore(%arg10 : memref<!tpu.dma_semaphore, #tpu.memory_space<semaphore_mem>>)
    %mul3A_17 = arith.constant 0 : i32
    %mul3A_18 = arith.constant 64 : i32
    %mul3A_19 = arith.muli %mul3A_17, %mul3A_18 : i32
    %add3A_20 = arith.addi %mul3A_2, %mul3A_19 : i32
    %mul3A_21 = arith.constant 0 : i32
    %mul3A_22 = arith.constant 64 : i32
    %mul3A_23 = arith.muli %mul3A_21, %mul3A_22 : i32
    %dma_start3A_24 = arith.constant 0 : i32
    %dma_start3A_25 = tpu.memref_slice %arg7[%mul3A_23, %dma_start3A_24] : memref<128x128xf32, #tpu.memory_space<vmem>> -> memref<64x128xf32, #tpu.memory_space<vmem>>
    %dma_start3A_26 = arith.constant 0 : i32
    %dma_start3A_27 = tpu.memref_slice %arg3[%add3A_20, %dma_start3A_26] : memref<16448x128xf32, #tpu.memory_space<hbm>> -> memref<64x128xf32, #tpu.memory_space<hbm>>
    %dma_start3A_28 = arith.constant 0 : i32
    %dma_start3A_29 = tpu.memref_slice %arg7[%mul3A_23, %dma_start3A_28] : memref<128x128xf32, #tpu.memory_space<vmem>> -> memref<64x128xf32, #tpu.memory_space<vmem>>
    %dma_start3A_30 = arith.constant 0 : i32
    %dma_start3A_31 = tpu.memref_slice %arg3[%add3A_20, %dma_start3A_30] : memref<16448x128xf32, #tpu.memory_space<hbm>> -> memref<64x128xf32, #tpu.memory_space<hbm>>
    tpu.enqueue_dma source(%dma_start3A_31 : memref<64x128xf32, #tpu.memory_space<hbm>>) target(%dma_start3A_29 : memref<64x128xf32, #tpu.memory_space<vmem>>) target_semaphore(%arg10 : memref<!tpu.dma_semaphore, #tpu.memory_space<semaphore_mem>>)
    %broadcast_in_dim3A = arith.constant 0.000000e+00 : f32
    %broadcast_in_dim3A_32 = vector.broadcast %broadcast_in_dim3A : f32 to vector<16xf32>
    %scan3A = arith.constant 0 : i32
    %scan3A_33 = arith.constant 8 : i32
    %scan3A_34 = arith.addi %scan3A, %scan3A_33 : i32
    %scan3A_35 = arith.constant 1 : i32
    %scan3A_36 = scf.for %scan3A_39 = %scan3A to %scan3A_34 step %scan3A_35 iter_args(%scan3A_40 = %broadcast_in_dim3A_32) -> (vector<16xf32>)  : i32 {
      %rem3A = arith.constant 2 : i32
      %rem3A_41 = arith.remsi %scan3A_39, %rem3A : i32
      %add3A_42 = arith.constant 1 : i32
      %add3A_43 = arith.addi %scan3A_39, %add3A_42 : i32
      %lt3A = arith.constant 8 : i32
      %lt3A_44 = arith.cmpi slt, %add3A_43, %lt3A : i32
      %convert_element_type3A = arith.extui %lt3A_44 : i1 to i32
      %cond3A = arith.constant 0 : i32
      %cond3A_45 = arith.cmpi ne, %convert_element_type3A, %cond3A : i32
      scf.if %cond3A_45 {
        %add3A_77 = arith.constant 1 : i32
        %add3A_78 = arith.addi %scan3A_39, %add3A_77 : i32
        %sub3A = arith.constant 1 : i32
        %sub3A_79 = arith.subi %sub3A, %rem3A_41 : i32
        %mul3A_80 = arith.constant 64 : i32
        %mul3A_81 = arith.muli %add3A_78, %mul3A_80 : i32
        %add3A_82 = arith.addi %mul3A_2, %mul3A_81 : i32
        %mul3A_83 = arith.constant 64 : i32
        %mul3A_84 = arith.muli %sub3A_79, %mul3A_83 : i32
        %dma_start3A_85 = arith.constant 0 : i32
        %dma_start3A_86 = tpu.memref_slice %arg6[%mul3A_84, %dma_start3A_85] : memref<128x128xf32, #tpu.memory_space<vmem>> -> memref<64x128xf32, #tpu.memory_space<vmem>>
        %dma_start3A_87 = arith.constant 0 : i32
        %dma_start3A_88 = tpu.memref_slice %arg2[%add3A_82, %dma_start3A_87] : memref<16448x128xf32, #tpu.memory_space<hbm>> -> memref<64x128xf32, #tpu.memory_space<hbm>>
        %dma_start3A_89 = arith.constant 0 : i32
        %dma_start3A_90 = tpu.memref_slice %arg6[%mul3A_84, %dma_start3A_89] : memref<128x128xf32, #tpu.memory_space<vmem>> -> memref<64x128xf32, #tpu.memory_space<vmem>>
        %dma_start3A_91 = arith.constant 0 : i32
        %dma_start3A_92 = tpu.memref_slice %arg2[%add3A_82, %dma_start3A_91] : memref<16448x128xf32, #tpu.memory_space<hbm>> -> memref<64x128xf32, #tpu.memory_space<hbm>>
        tpu.enqueue_dma source(%dma_start3A_92 : memref<64x128xf32, #tpu.memory_space<hbm>>) target(%dma_start3A_90 : memref<64x128xf32, #tpu.memory_space<vmem>>) target_semaphore(%arg10 : memref<!tpu.dma_semaphore, #tpu.memory_space<semaphore_mem>>)
        %add3A_93 = arith.constant 1 : i32
        %add3A_94 = arith.addi %scan3A_39, %add3A_93 : i32
        %sub3A_95 = arith.constant 1 : i32
        %sub3A_96 = arith.subi %sub3A_95, %rem3A_41 : i32
        %mul3A_97 = arith.constant 64 : i32
        %mul3A_98 = arith.muli %add3A_94, %mul3A_97 : i32
        %add3A_99 = arith.addi %mul3A_2, %mul3A_98 : i32
        %mul3A_100 = arith.constant 64 : i32
        %mul3A_101 = arith.muli %sub3A_96, %mul3A_100 : i32
        %dma_start3A_102 = arith.constant 0 : i32
        %dma_start3A_103 = tpu.memref_slice %arg7[%mul3A_101, %dma_start3A_102] : memref<128x128xf32, #tpu.memory_space<vmem>> -> memref<64x128xf32, #tpu.memory_space<vmem>>
        %dma_start3A_104 = arith.constant 0 : i32
        %dma_start3A_105 = tpu.memref_slice %arg3[%add3A_99, %dma_start3A_104] : memref<16448x128xf32, #tpu.memory_space<hbm>> -> memref<64x128xf32, #tpu.memory_space<hbm>>
        %dma_start3A_106 = arith.constant 0 : i32
        %dma_start3A_107 = tpu.memref_slice %arg7[%mul3A_101, %dma_start3A_106] : memref<128x128xf32, #tpu.memory_space<vmem>> -> memref<64x128xf32, #tpu.memory_space<vmem>>
        %dma_start3A_108 = arith.constant 0 : i32
        %dma_start3A_109 = tpu.memref_slice %arg3[%add3A_99, %dma_start3A_108] : memref<16448x128xf32, #tpu.memory_space<hbm>> -> memref<64x128xf32, #tpu.memory_space<hbm>>
        tpu.enqueue_dma source(%dma_start3A_109 : memref<64x128xf32, #tpu.memory_space<hbm>>) target(%dma_start3A_107 : memref<64x128xf32, #tpu.memory_space<vmem>>) target_semaphore(%arg10 : memref<!tpu.dma_semaphore, #tpu.memory_space<semaphore_mem>>)
      } else {
      }
      %mul3A_46 = arith.constant 64 : i32
      %mul3A_47 = arith.muli %scan3A_39, %mul3A_46 : i32
      %add3A_48 = arith.addi %mul3A_2, %mul3A_47 : i32
      %mul3A_49 = arith.constant 64 : i32
      %mul3A_50 = arith.muli %rem3A_41, %mul3A_49 : i32
      %dma_wait3A = arith.constant 0 : i32
      %dma_wait3A_51 = tpu.memref_slice %arg6[%mul3A_50, %dma_wait3A] : memref<128x128xf32, #tpu.memory_space<vmem>> -> memref<64x128xf32, #tpu.memory_space<vmem>>
      %dma_wait3A_52 = arith.constant 0 : i32
      %dma_wait3A_53 = tpu.memref_slice %arg2[%add3A_48, %dma_wait3A_52] : memref<16448x128xf32, #tpu.memory_space<hbm>> -> memref<64x128xf32, #tpu.memory_space<hbm>>
      %dma_wait3A_54 = arith.constant 0 : i32
      %dma_wait3A_55 = tpu.memref_slice %arg6[%mul3A_50, %dma_wait3A_54] : memref<128x128xf32, #tpu.memory_space<vmem>> -> memref<64x128xf32, #tpu.memory_space<vmem>>
      %dma_wait3A_56 = arith.constant 0 : i32
      %dma_wait3A_57 = tpu.memref_slice %arg2[%add3A_48, %dma_wait3A_56] : memref<16448x128xf32, #tpu.memory_space<hbm>> -> memref<64x128xf32, #tpu.memory_space<hbm>>
      tpu.wait_dma2 semaphore(%arg10 : memref<!tpu.dma_semaphore, #tpu.memory_space<semaphore_mem>>) src(%dma_wait3A_57 : memref<64x128xf32, #tpu.memory_space<hbm>>) dst(%dma_wait3A_55 : memref<64x128xf32, #tpu.memory_space<vmem>>)
      %mul3A_58 = arith.constant 64 : i32
      %mul3A_59 = arith.muli %scan3A_39, %mul3A_58 : i32
      %add3A_60 = arith.addi %mul3A_2, %mul3A_59 : i32
      %mul3A_61 = arith.constant 64 : i32
      %mul3A_62 = arith.muli %rem3A_41, %mul3A_61 : i32
      %dma_wait3A_63 = arith.constant 0 : i32
      %dma_wait3A_64 = tpu.memref_slice %arg7[%mul3A_62, %dma_wait3A_63] : memref<128x128xf32, #tpu.memory_space<vmem>> -> memref<64x128xf32, #tpu.memory_space<vmem>>
      %dma_wait3A_65 = arith.constant 0 : i32
      %dma_wait3A_66 = tpu.memref_slice %arg3[%add3A_60, %dma_wait3A_65] : memref<16448x128xf32, #tpu.memory_space<hbm>> -> memref<64x128xf32, #tpu.memory_space<hbm>>
      %dma_wait3A_67 = arith.constant 0 : i32
      %dma_wait3A_68 = tpu.memref_slice %arg7[%mul3A_62, %dma_wait3A_67] : memref<128x128xf32, #tpu.memory_space<vmem>> -> memref<64x128xf32, #tpu.memory_space<vmem>>
      %dma_wait3A_69 = arith.constant 0 : i32
      %dma_wait3A_70 = tpu.memref_slice %arg3[%add3A_60, %dma_wait3A_69] : memref<16448x128xf32, #tpu.memory_space<hbm>> -> memref<64x128xf32, #tpu.memory_space<hbm>>
      tpu.wait_dma2 semaphore(%arg10 : memref<!tpu.dma_semaphore, #tpu.memory_space<semaphore_mem>>) src(%dma_wait3A_70 : memref<64x128xf32, #tpu.memory_space<hbm>>) dst(%dma_wait3A_68 : memref<64x128xf32, #tpu.memory_space<vmem>>)
      %scan3A_71 = arith.constant 0 : i32
      %scan3A_72 = arith.constant 4 : i32
      %scan3A_73 = arith.addi %scan3A_71, %scan3A_72 : i32
      %scan3A_74 = arith.constant 1 : i32
      %scan3A_75 = scf.for %scan3A_77 = %scan3A_71 to %scan3A_73 step %scan3A_74 iter_args(%scan3A_78 = %scan3A_40) -> (vector<16xf32>)  : i32 {
        %broadcast_in_dim3A_79 = arith.constant 0.000000e+00 : f32
        %broadcast_in_dim3A_80 = vector.broadcast %broadcast_in_dim3A_79 : f32 to vector<16xf32>
        %mul3A_81 = arith.constant 64 : i32
        %mul3A_82 = arith.muli %rem3A_41, %mul3A_81 : i32
        %mul3A_83 = arith.constant 16 : i32
        %mul3A_84 = arith.muli %scan3A_77, %mul3A_83 : i32
        %add3A_85 = arith.addi %mul3A_82, %mul3A_84 : i32
        %add3A_86 = arith.constant 0 : i32
        %add3A_87 = arith.addi %add3A_85, %add3A_86 : i32
        %get3A = arith.index_cast %add3A_87 : i32 to index
        %get3A_88 = arith.constant 0 : index
        %get3A_89 = tpu.vector_load %arg6[%get3A, %get3A_88] {strides = array<i32>} : memref<128x128xf32, #tpu.memory_space<vmem>>, vector<16xf32>,
        %get3A_90 = arith.index_cast %add3A_87 : i32 to index
        %get3A_91 = arith.constant 0 : index
        %get3A_92 = tpu.vector_load %arg7[%get3A_90, %get3A_91] {strides = array<i32>} : memref<128x128xf32, #tpu.memory_space<vmem>>, vector<16xf32>,
        %mul3A_93 = arith.mulf %get3A_89, %get3A_92 : vector<16xf32>
        %get3A_94 = arith.index_cast %add3A_87 : i32 to index
        %get3A_95 = arith.constant 16 : index
        %get3A_96 = tpu.vector_load %arg6[%get3A_94, %get3A_95] {strides = array<i32>} : memref<128x128xf32, #tpu.memory_space<vmem>>, vector<16xf32>,
        %get3A_97 = arith.index_cast %add3A_87 : i32 to index
        %get3A_98 = arith.constant 16 : index
        %get3A_99 = tpu.vector_load %arg7[%get3A_97, %get3A_98] {strides = array<i32>} : memref<128x128xf32, #tpu.memory_space<vmem>>, vector<16xf32>,
        %mul3A_100 = arith.mulf %get3A_96, %get3A_99 : vector<16xf32>
        %add3A_101 = arith.addf %mul3A_93, %mul3A_100 : vector<16xf32>
        %get3A_102 = arith.index_cast %add3A_87 : i32 to index
        %get3A_103 = arith.constant 32 : index
        %get3A_104 = tpu.vector_load %arg6[%get3A_102, %get3A_103] {strides = array<i32>} : memref<128x128xf32, #tpu.memory_space<vmem>>, vector<16xf32>,
        %get3A_105 = arith.index_cast %add3A_87 : i32 to index
        %get3A_106 = arith.constant 32 : index
        %get3A_107 = tpu.vector_load %arg7[%get3A_105, %get3A_106] {strides = array<i32>} : memref<128x128xf32, #tpu.memory_space<vmem>>, vector<16xf32>,
        %mul3A_108 = arith.mulf %get3A_104, %get3A_107 : vector<16xf32>
        %add3A_109 = arith.addf %add3A_101, %mul3A_108 : vector<16xf32>
        %get3A_110 = arith.index_cast %add3A_87 : i32 to index
        %get3A_111 = arith.constant 48 : index
        %get3A_112 = tpu.vector_load %arg6[%get3A_110, %get3A_111] {strides = array<i32>} : memref<128x128xf32, #tpu.memory_space<vmem>>, vector<16xf32>,
        %get3A_113 = arith.index_cast %add3A_87 : i32 to index
        %get3A_114 = arith.constant 48 : index
        %get3A_115 = tpu.vector_load %arg7[%get3A_113, %get3A_114] {strides = array<i32>} : memref<128x128xf32, #tpu.memory_space<vmem>>, vector<16xf32>,
        %mul3A_116 = arith.mulf %get3A_112, %get3A_115 : vector<16xf32>
        %add3A_117 = arith.addf %add3A_109, %mul3A_116 : vector<16xf32>
        %eq3A = arith.constant 0 : i32
        %eq3A_118 = vector.broadcast %eq3A : i32 to vector<16xi32>
        %eq3A_119 = arith.cmpi eq, %iota3A, %eq3A_118 : vector<16xi32>
        %reduce_sum3A = arith.constant true
        %reduce_sum3A_120 = vector.broadcast %reduce_sum3A : i1 to vector<16xi1>
        %reduce_sum3A_121 = tpu.scan <sum>, %add3A_117 masked %reduce_sum3A_120 : vector<16xf32>, vector<16xi1> -> vector<16xf32>
        %reduce_sum3A_122 = vector.extract %reduce_sum3A_121[15] : f32 from vector<16xf32>
        %broadcast_in_dim3A_123 = vector.broadcast %reduce_sum3A_122 : f32 to vector<16xf32>
        %select_n3A = arith.select %eq3A_119, %broadcast_in_dim3A_123, %broadcast_in_dim3A_80 : vector<16xi1>, vector<16xf32>
        %mul3A_124 = arith.constant 64 : i32
        %mul3A_125 = arith.muli %rem3A_41, %mul3A_124 : i32
        %mul3A_126 = arith.constant 16 : i32
        %mul3A_127 = arith.muli %scan3A_77, %mul3A_126 : i32
        %add3A_128 = arith.addi %mul3A_125, %mul3A_127 : i32
        %add3A_129 = arith.constant 1 : i32
        %add3A_130 = arith.addi %add3A_128, %add3A_129 : i32
        %get3A_131 = arith.index_cast %add3A_130 : i32 to index
        %get3A_132 = arith.constant 0 : index
        %get3A_133 = tpu.vector_load %arg6[%get3A_131, %get3A_132] {strides = array<i32>} : memref<128x128xf32, #tpu.memory_space<vmem>>, vector<16xf32>,
        %get3A_134 = arith.index_cast %add3A_130 : i32 to index
        %get3A_135 = arith.constant 0 : index
        %get3A_136 = tpu.vector_load %arg7[%get3A_134, %get3A_135] {strides = array<i32>} : memref<128x128xf32, #tpu.memory_space<vmem>>, vector<16xf32>,
        %mul3A_137 = arith.mulf %get3A_133, %get3A_136 : vector<16xf32>
        %get3A_138 = arith.index_cast %add3A_130 : i32 to index
        %get3A_139 = arith.constant 16 : index
        %get3A_140 = tpu.vector_load %arg6[%get3A_138, %get3A_139] {strides = array<i32>} : memref<128x128xf32, #tpu.memory_space<vmem>>, vector<16xf32>,
        %get3A_141 = arith.index_cast %add3A_130 : i32 to index
        %get3A_142 = arith.constant 16 : index
        %get3A_143 = tpu.vector_load %arg7[%get3A_141, %get3A_142] {strides = array<i32>} : memref<128x128xf32, #tpu.memory_space<vmem>>, vector<16xf32>,
        %mul3A_144 = arith.mulf %get3A_140, %get3A_143 : vector<16xf32>
        %add3A_145 = arith.addf %mul3A_137, %mul3A_144 : vector<16xf32>
        %get3A_146 = arith.index_cast %add3A_130 : i32 to index
        %get3A_147 = arith.constant 32 : index
        %get3A_148 = tpu.vector_load %arg6[%get3A_146, %get3A_147] {strides = array<i32>} : memref<128x128xf32, #tpu.memory_space<vmem>>, vector<16xf32>,
        %get3A_149 = arith.index_cast %add3A_130 : i32 to index
        %get3A_150 = arith.constant 32 : index
        %get3A_151 = tpu.vector_load %arg7[%get3A_149, %get3A_150] {strides = array<i32>} : memref<128x128xf32, #tpu.memory_space<vmem>>, vector<16xf32>,
        %mul3A_152 = arith.mulf %get3A_148, %get3A_151 : vector<16xf32>
        %add3A_153 = arith.addf %add3A_145, %mul3A_152 : vector<16xf32>
        %get3A_154 = arith.index_cast %add3A_130 : i32 to index
        %get3A_155 = arith.constant 48 : index
        %get3A_156 = tpu.vector_load %arg6[%get3A_154, %get3A_155] {strides = array<i32>} : memref<128x128xf32, #tpu.memory_space<vmem>>, vector<16xf32>,
        %get3A_157 = arith.index_cast %add3A_130 : i32 to index
        %get3A_158 = arith.constant 48 : index
        %get3A_159 = tpu.vector_load %arg7[%get3A_157, %get3A_158] {strides = array<i32>} : memref<128x128xf32, #tpu.memory_space<vmem>>, vector<16xf32>,
        %mul3A_160 = arith.mulf %get3A_156, %get3A_159 : vector<16xf32>
        %add3A_161 = arith.addf %add3A_153, %mul3A_160 : vector<16xf32>
        %eq3A_162 = arith.constant 1 : i32
        %eq3A_163 = vector.broadcast %eq3A_162 : i32 to vector<16xi32>
        %eq3A_164 = arith.cmpi eq, %iota3A, %eq3A_163 : vector<16xi32>
        %reduce_sum3A_165 = arith.constant true
        %reduce_sum3A_166 = vector.broadcast %reduce_sum3A_165 : i1 to vector<16xi1>
        %reduce_sum3A_167 = tpu.scan <sum>, %add3A_161 masked %reduce_sum3A_166 : vector<16xf32>, vector<16xi1> -> vector<16xf32>
        %reduce_sum3A_168 = vector.extract %reduce_sum3A_167[15] : f32 from vector<16xf32>
        %broadcast_in_dim3A_169 = vector.broadcast %reduce_sum3A_168 : f32 to vector<16xf32>
        %select_n3A_170 = arith.select %eq3A_164, %broadcast_in_dim3A_169, %select_n3A : vector<16xi1>, vector<16xf32>
        %mul3A_171 = arith.constant 64 : i32
        %mul3A_172 = arith.muli %rem3A_41, %mul3A_171 : i32
        %mul3A_173 = arith.constant 16 : i32
        %mul3A_174 = arith.muli %scan3A_77, %mul3A_173 : i32
        %add3A_175 = arith.addi %mul3A_172, %mul3A_174 : i32
        %add3A_176 = arith.constant 2 : i32
        %add3A_177 = arith.addi %add3A_175, %add3A_176 : i32
        %get3A_178 = arith.index_cast %add3A_177 : i32 to index
        %get3A_179 = arith.constant 0 : index
        %get3A_180 = tpu.vector_load %arg6[%get3A_178, %get3A_179] {strides = array<i32>} : memref<128x128xf32, #tpu.memory_space<vmem>>, vector<16xf32>,
        %get3A_181 = arith.index_cast %add3A_177 : i32 to index
        %get3A_182 = arith.constant 0 : index
        %get3A_183 = tpu.vector_load %arg7[%get3A_181, %get3A_182] {strides = array<i32>} : memref<128x128xf32, #tpu.memory_space<vmem>>, vector<16xf32>,
        %mul3A_184 = arith.mulf %get3A_180, %get3A_183 : vector<16xf32>
        %get3A_185 = arith.index_cast %add3A_177 : i32 to index
        %get3A_186 = arith.constant 16 : index
        %get3A_187 = tpu.vector_load %arg6[%get3A_185, %get3A_186] {strides = array<i32>} : memref<128x128xf32, #tpu.memory_space<vmem>>, vector<16xf32>,
        %get3A_188 = arith.index_cast %add3A_177 : i32 to index
        %get3A_189 = arith.constant 16 : index
        %get3A_190 = tpu.vector_load %arg7[%get3A_188, %get3A_189] {strides = array<i32>} : memref<128x128xf32, #tpu.memory_space<vmem>>, vector<16xf32>,
        %mul3A_191 = arith.mulf %get3A_187, %get3A_190 : vector<16xf32>
        %add3A_192 = arith.addf %mul3A_184, %mul3A_191 : vector<16xf32>
        %get3A_193 = arith.index_cast %add3A_177 : i32 to index
        %get3A_194 = arith.constant 32 : index
        %get3A_195 = tpu.vector_load %arg6[%get3A_193, %get3A_194] {strides = array<i32>} : memref<128x128xf32, #tpu.memory_space<vmem>>, vector<16xf32>,
        %get3A_196 = arith.index_cast %add3A_177 : i32 to index
        %get3A_197 = arith.constant 32 : index
        %get3A_198 = tpu.vector_load %arg7[%get3A_196, %get3A_197] {strides = array<i32>} : memref<128x128xf32, #tpu.memory_space<vmem>>, vector<16xf32>,
        %mul3A_199 = arith.mulf %get3A_195, %get3A_198 : vector<16xf32>
        %add3A_200 = arith.addf %add3A_192, %mul3A_199 : vector<16xf32>
        %get3A_201 = arith.index_cast %add3A_177 : i32 to index
        %get3A_202 = arith.constant 48 : index
        %get3A_203 = tpu.vector_load %arg6[%get3A_201, %get3A_202] {strides = array<i32>} : memref<128x128xf32, #tpu.memory_space<vmem>>, vector<16xf32>,
        %get3A_204 = arith.index_cast %add3A_177 : i32 to index
        %get3A_205 = arith.constant 48 : index
        %get3A_206 = tpu.vector_load %arg7[%get3A_204, %get3A_205] {strides = array<i32>} : memref<128x128xf32, #tpu.memory_space<vmem>>, vector<16xf32>,
        %mul3A_207 = arith.mulf %get3A_203, %get3A_206 : vector<16xf32>
        %add3A_208 = arith.addf %add3A_200, %mul3A_207 : vector<16xf32>
        %eq3A_209 = arith.constant 2 : i32
        %eq3A_210 = vector.broadcast %eq3A_209 : i32 to vector<16xi32>
        %eq3A_211 = arith.cmpi eq, %iota3A, %eq3A_210 : vector<16xi32>
        %reduce_sum3A_212 = arith.constant true
        %reduce_sum3A_213 = vector.broadcast %reduce_sum3A_212 : i1 to vector<16xi1>
        %reduce_sum3A_214 = tpu.scan <sum>, %add3A_208 masked %reduce_sum3A_213 : vector<16xf32>, vector<16xi1> -> vector<16xf32>
        %reduce_sum3A_215 = vector.extract %reduce_sum3A_214[15] : f32 from vector<16xf32>
        %broadcast_in_dim3A_216 = vector.broadcast %reduce_sum3A_215 : f32 to vector<16xf32>
        %select_n3A_217 = arith.select %eq3A_211, %broadcast_in_dim3A_216, %select_n3A_170 : vector<16xi1>, vector<16xf32>
        %mul3A_218 = arith.constant 64 : i32
        %mul3A_219 = arith.muli %rem3A_41, %mul3A_218 : i32
        %mul3A_220 = arith.constant 16 : i32
        %mul3A_221 = arith.muli %scan3A_77, %mul3A_220 : i32
        %add3A_222 = arith.addi %mul3A_219, %mul3A_221 : i32
        %add3A_223 = arith.constant 3 : i32
        %add3A_224 = arith.addi %add3A_222, %add3A_223 : i32
        %get3A_225 = arith.index_cast %add3A_224 : i32 to index
        %get3A_226 = arith.constant 0 : index
        %get3A_227 = tpu.vector_load %arg6[%get3A_225, %get3A_226] {strides = array<i32>} : memref<128x128xf32, #tpu.memory_space<vmem>>, vector<16xf32>,
        %get3A_228 = arith.index_cast %add3A_224 : i32 to index
        %get3A_229 = arith.constant 0 : index
        %get3A_230 = tpu.vector_load %arg7[%get3A_228, %get3A_229] {strides = array<i32>} : memref<128x128xf32, #tpu.memory_space<vmem>>, vector<16xf32>,
        %mul3A_231 = arith.mulf %get3A_227, %get3A_230 : vector<16xf32>
        %get3A_232 = arith.index_cast %add3A_224 : i32 to index
        %get3A_233 = arith.constant 16 : index
        %get3A_234 = tpu.vector_load %arg6[%get3A_232, %get3A_233] {strides = array<i32>} : memref<128x128xf32, #tpu.memory_space<vmem>>, vector<16xf32>,
        %get3A_235 = arith.index_cast %add3A_224 : i32 to index
        %get3A_236 = arith.constant 16 : index
        %get3A_237 = tpu.vector_load %arg7[%get3A_235, %get3A_236] {strides = array<i32>} : memref<128x128xf32, #tpu.memory_space<vmem>>, vector<16xf32>,
        %mul3A_238 = arith.mulf %get3A_234, %get3A_237 : vector<16xf32>
        %add3A_239 = arith.addf %mul3A_231, %mul3A_238 : vector<16xf32>
        %get3A_240 = arith.index_cast %add3A_224 : i32 to index
        %get3A_241 = arith.constant 32 : index
        %get3A_242 = tpu.vector_load %arg6[%get3A_240, %get3A_241] {strides = array<i32>} : memref<128x128xf32, #tpu.memory_space<vmem>>, vector<16xf32>,
        %get3A_243 = arith.index_cast %add3A_224 : i32 to index
        %get3A_244 = arith.constant 32 : index
        %get3A_245 = tpu.vector_load %arg7[%get3A_243, %get3A_244] {strides = array<i32>} : memref<128x128xf32, #tpu.memory_space<vmem>>, vector<16xf32>,
        %mul3A_246 = arith.mulf %get3A_242, %get3A_245 : vector<16xf32>
        %add3A_247 = arith.addf %add3A_239, %mul3A_246 : vector<16xf32>
        %get3A_248 = arith.index_cast %add3A_224 : i32 to index
        %get3A_249 = arith.constant 48 : index
        %get3A_250 = tpu.vector_load %arg6[%get3A_248, %get3A_249] {strides = array<i32>} : memref<128x128xf32, #tpu.memory_space<vmem>>, vector<16xf32>,
        %get3A_251 = arith.index_cast %add3A_224 : i32 to index
        %get3A_252 = arith.constant 48 : index
        %get3A_253 = tpu.vector_load %arg7[%get3A_251, %get3A_252] {strides = array<i32>} : memref<128x128xf32, #tpu.memory_space<vmem>>, vector<16xf32>,
        %mul3A_254 = arith.mulf %get3A_250, %get3A_253 : vector<16xf32>
        %add3A_255 = arith.addf %add3A_247, %mul3A_254 : vector<16xf32>
        %eq3A_256 = arith.constant 3 : i32
        %eq3A_257 = vector.broadcast %eq3A_256 : i32 to vector<16xi32>
        %eq3A_258 = arith.cmpi eq, %iota3A, %eq3A_257 : vector<16xi32>
        %reduce_sum3A_259 = arith.constant true
        %reduce_sum3A_260 = vector.broadcast %reduce_sum3A_259 : i1 to vector<16xi1>
        %reduce_sum3A_261 = tpu.scan <sum>, %add3A_255 masked %reduce_sum3A_260 : vector<16xf32>, vector<16xi1> -> vector<16xf32>
        %reduce_sum3A_262 = vector.extract %reduce_sum3A_261[15] : f32 from vector<16xf32>
        %broadcast_in_dim3A_263 = vector.broadcast %reduce_sum3A_262 : f32 to vector<16xf32>
        %select_n3A_264 = arith.select %eq3A_258, %broadcast_in_dim3A_263, %select_n3A_217 : vector<16xi1>, vector<16xf32>
        %mul3A_265 = arith.constant 64 : i32
        %mul3A_266 = arith.muli %rem3A_41, %mul3A_265 : i32
        %mul3A_267 = arith.constant 16 : i32
        %mul3A_268 = arith.muli %scan3A_77, %mul3A_267 : i32
        %add3A_269 = arith.addi %mul3A_266, %mul3A_268 : i32
        %add3A_270 = arith.constant 4 : i32
        %add3A_271 = arith.addi %add3A_269, %add3A_270 : i32
        %get3A_272 = arith.index_cast %add3A_271 : i32 to index
        %get3A_273 = arith.constant 0 : index
        %get3A_274 = tpu.vector_load %arg6[%get3A_272, %get3A_273] {strides = array<i32>} : memref<128x128xf32, #tpu.memory_space<vmem>>, vector<16xf32>,
        %get3A_275 = arith.index_cast %add3A_271 : i32 to index
        %get3A_276 = arith.constant 0 : index
        %get3A_277 = tpu.vector_load %arg7[%get3A_275, %get3A_276] {strides = array<i32>} : memref<128x128xf32, #tpu.memory_space<vmem>>, vector<16xf32>,
        %mul3A_278 = arith.mulf %get3A_274, %get3A_277 : vector<16xf32>
        %get3A_279 = arith.index_cast %add3A_271 : i32 to index
        %get3A_280 = arith.constant 16 : index
        %get3A_281 = tpu.vector_load %arg6[%get3A_279, %get3A_280] {strides = array<i32>} : memref<128x128xf32, #tpu.memory_space<vmem>>, vector<16xf32>,
        %get3A_282 = arith.index_cast %add3A_271 : i32 to index
        %get3A_283 = arith.constant 16 : index
        %get3A_284 = tpu.vector_load %arg7[%get3A_282, %get3A_283] {strides = array<i32>} : memref<128x128xf32, #tpu.memory_space<vmem>>, vector<16xf32>,
        %mul3A_285 = arith.mulf %get3A_281, %get3A_284 : vector<16xf32>
        %add3A_286 = arith.addf %mul3A_278, %mul3A_285 : vector<16xf32>
        %get3A_287 = arith.index_cast %add3A_271 : i32 to index
        %get3A_288 = arith.constant 32 : index
        %get3A_289 = tpu.vector_load %arg6[%get3A_287, %get3A_288] {strides = array<i32>} : memref<128x128xf32, #tpu.memory_space<vmem>>, vector<16xf32>,
        %get3A_290 = arith.index_cast %add3A_271 : i32 to index
        %get3A_291 = arith.constant 32 : index
        %get3A_292 = tpu.vector_load %arg7[%get3A_290, %get3A_291] {strides = array<i32>} : memref<128x128xf32, #tpu.memory_space<vmem>>, vector<16xf32>,
        %mul3A_293 = arith.mulf %get3A_289, %get3A_292 : vector<16xf32>
        %add3A_294 = arith.addf %add3A_286, %mul3A_293 : vector<16xf32>
        %get3A_295 = arith.index_cast %add3A_271 : i32 to index
        %get3A_296 = arith.constant 48 : index
        %get3A_297 = tpu.vector_load %arg6[%get3A_295, %get3A_296] {strides = array<i32>} : memref<128x128xf32, #tpu.memory_space<vmem>>, vector<16xf32>,
        %get3A_298 = arith.index_cast %add3A_271 : i32 to index
        %get3A_299 = arith.constant 48 : index
        %get3A_300 = tpu.vector_load %arg7[%get3A_298, %get3A_299] {strides = array<i32>} : memref<128x128xf32, #tpu.memory_space<vmem>>, vector<16xf32>,
        %mul3A_301 = arith.mulf %get3A_297, %get3A_300 : vector<16xf32>
        %add3A_302 = arith.addf %add3A_294, %mul3A_301 : vector<16xf32>
        %eq3A_303 = arith.constant 4 : i32
        %eq3A_304 = vector.broadcast %eq3A_303 : i32 to vector<16xi32>
        %eq3A_305 = arith.cmpi eq, %iota3A, %eq3A_304 : vector<16xi32>
        %reduce_sum3A_306 = arith.constant true
        %reduce_sum3A_307 = vector.broadcast %reduce_sum3A_306 : i1 to vector<16xi1>
        %reduce_sum3A_308 = tpu.scan <sum>, %add3A_302 masked %reduce_sum3A_307 : vector<16xf32>, vector<16xi1> -> vector<16xf32>
        %reduce_sum3A_309 = vector.extract %reduce_sum3A_308[15] : f32 from vector<16xf32>
        %broadcast_in_dim3A_310 = vector.broadcast %reduce_sum3A_309 : f32 to vector<16xf32>
        %select_n3A_311 = arith.select %eq3A_305, %broadcast_in_dim3A_310, %select_n3A_264 : vector<16xi1>, vector<16xf32>
        %mul3A_312 = arith.constant 64 : i32
        %mul3A_313 = arith.muli %rem3A_41, %mul3A_312 : i32
        %mul3A_314 = arith.constant 16 : i32
        %mul3A_315 = arith.muli %scan3A_77, %mul3A_314 : i32
        %add3A_316 = arith.addi %mul3A_313, %mul3A_315 : i32
        %add3A_317 = arith.constant 5 : i32
        %add3A_318 = arith.addi %add3A_316, %add3A_317 : i32
        %get3A_319 = arith.index_cast %add3A_318 : i32 to index
        %get3A_320 = arith.constant 0 : index
        %get3A_321 = tpu.vector_load %arg6[%get3A_319, %get3A_320] {strides = array<i32>} : memref<128x128xf32, #tpu.memory_space<vmem>>, vector<16xf32>,
        %get3A_322 = arith.index_cast %add3A_318 : i32 to index
        %get3A_323 = arith.constant 0 : index
        %get3A_324 = tpu.vector_load %arg7[%get3A_322, %get3A_323] {strides = array<i32>} : memref<128x128xf32, #tpu.memory_space<vmem>>, vector<16xf32>,
        %mul3A_325 = arith.mulf %get3A_321, %get3A_324 : vector<16xf32>
        %get3A_326 = arith.index_cast %add3A_318 : i32 to index
        %get3A_327 = arith.constant 16 : index
        %get3A_328 = tpu.vector_load %arg6[%get3A_326, %get3A_327] {strides = array<i32>} : memref<128x128xf32, #tpu.memory_space<vmem>>, vector<16xf32>,
        %get3A_329 = arith.index_cast %add3A_318 : i32 to index
        %get3A_330 = arith.constant 16 : index
        %get3A_331 = tpu.vector_load %arg7[%get3A_329, %get3A_330] {strides = array<i32>} : memref<128x128xf32, #tpu.memory_space<vmem>>, vector<16xf32>,
        %mul3A_332 = arith.mulf %get3A_328, %get3A_331 : vector<16xf32>
        %add3A_333 = arith.addf %mul3A_325, %mul3A_332 : vector<16xf32>
        %get3A_334 = arith.index_cast %add3A_318 : i32 to index
        %get3A_335 = arith.constant 32 : index
        %get3A_336 = tpu.vector_load %arg6[%get3A_334, %get3A_335] {strides = array<i32>} : memref<128x128xf32, #tpu.memory_space<vmem>>, vector<16xf32>,
        %get3A_337 = arith.index_cast %add3A_318 : i32 to index
        %get3A_338 = arith.constant 32 : index
        %get3A_339 = tpu.vector_load %arg7[%get3A_337, %get3A_338] {strides = array<i32>} : memref<128x128xf32, #tpu.memory_space<vmem>>, vector<16xf32>,
        %mul3A_340 = arith.mulf %get3A_336, %get3A_339 : vector<16xf32>
        %add3A_341 = arith.addf %add3A_333, %mul3A_340 : vector<16xf32>
        %get3A_342 = arith.index_cast %add3A_318 : i32 to index
        %get3A_343 = arith.constant 48 : index
        %get3A_344 = tpu.vector_load %arg6[%get3A_342, %get3A_343] {strides = array<i32>} : memref<128x128xf32, #tpu.memory_space<vmem>>, vector<16xf32>,
        %get3A_345 = arith.index_cast %add3A_318 : i32 to index
        %get3A_346 = arith.constant 48 : index
        %get3A_347 = tpu.vector_load %arg7[%get3A_345, %get3A_346] {strides = array<i32>} : memref<128x128xf32, #tpu.memory_space<vmem>>, vector<16xf32>,
        %mul3A_348 = arith.mulf %get3A_344, %get3A_347 : vector<16xf32>
        %add3A_349 = arith.addf %add3A_341, %mul3A_348 : vector<16xf32>
        %eq3A_350 = arith.constant 5 : i32
        %eq3A_351 = vector.broadcast %eq3A_350 : i32 to vector<16xi32>
        %eq3A_352 = arith.cmpi eq, %iota3A, %eq3A_351 : vector<16xi32>
        %reduce_sum3A_353 = arith.constant true
        %reduce_sum3A_354 = vector.broadcast %reduce_sum3A_353 : i1 to vector<16xi1>
        %reduce_sum3A_355 = tpu.scan <sum>, %add3A_349 masked %reduce_sum3A_354 : vector<16xf32>, vector<16xi1> -> vector<16xf32>
        %reduce_sum3A_356 = vector.extract %reduce_sum3A_355[15] : f32 from vector<16xf32>
        %broadcast_in_dim3A_357 = vector.broadcast %reduce_sum3A_356 : f32 to vector<16xf32>
        %select_n3A_358 = arith.select %eq3A_352, %broadcast_in_dim3A_357, %select_n3A_311 : vector<16xi1>, vector<16xf32>
        %mul3A_359 = arith.constant 64 : i32
        %mul3A_360 = arith.muli %rem3A_41, %mul3A_359 : i32
        %mul3A_361 = arith.constant 16 : i32
        %mul3A_362 = arith.muli %scan3A_77, %mul3A_361 : i32
        %add3A_363 = arith.addi %mul3A_360, %mul3A_362 : i32
        %add3A_364 = arith.constant 6 : i32
        %add3A_365 = arith.addi %add3A_363, %add3A_364 : i32
        %get3A_366 = arith.index_cast %add3A_365 : i32 to index
        %get3A_367 = arith.constant 0 : index
        %get3A_368 = tpu.vector_load %arg6[%get3A_366, %get3A_367] {strides = array<i32>} : memref<128x128xf32, #tpu.memory_space<vmem>>, vector<16xf32>,
        %get3A_369 = arith.index_cast %add3A_365 : i32 to index
        %get3A_370 = arith.constant 0 : index
        %get3A_371 = tpu.vector_load %arg7[%get3A_369, %get3A_370] {strides = array<i32>} : memref<128x128xf32, #tpu.memory_space<vmem>>, vector<16xf32>,
        %mul3A_372 = arith.mulf %get3A_368, %get3A_371 : vector<16xf32>
        %get3A_373 = arith.index_cast %add3A_365 : i32 to index
        %get3A_374 = arith.constant 16 : index
        %get3A_375 = tpu.vector_load %arg6[%get3A_373, %get3A_374] {strides = array<i32>} : memref<128x128xf32, #tpu.memory_space<vmem>>, vector<16xf32>,
        %get3A_376 = arith.index_cast %add3A_365 : i32 to index
        %get3A_377 = arith.constant 16 : index
        %get3A_378 = tpu.vector_load %arg7[%get3A_376, %get3A_377] {strides = array<i32>} : memref<128x128xf32, #tpu.memory_space<vmem>>, vector<16xf32>,
        %mul3A_379 = arith.mulf %get3A_375, %get3A_378 : vector<16xf32>
        %add3A_380 = arith.addf %mul3A_372, %mul3A_379 : vector<16xf32>
        %get3A_381 = arith.index_cast %add3A_365 : i32 to index
        %get3A_382 = arith.constant 32 : index
        %get3A_383 = tpu.vector_load %arg6[%get3A_381, %get3A_382] {strides = array<i32>} : memref<128x128xf32, #tpu.memory_space<vmem>>, vector<16xf32>,
        %get3A_384 = arith.index_cast %add3A_365 : i32 to index
        %get3A_385 = arith.constant 32 : index
        %get3A_386 = tpu.vector_load %arg7[%get3A_384, %get3A_385] {strides = array<i32>} : memref<128x128xf32, #tpu.memory_space<vmem>>, vector<16xf32>,
        %mul3A_387 = arith.mulf %get3A_383, %get3A_386 : vector<16xf32>
        %add3A_388 = arith.addf %add3A_380, %mul3A_387 : vector<16xf32>
        %get3A_389 = arith.index_cast %add3A_365 : i32 to index
        %get3A_390 = arith.constant 48 : index
        %get3A_391 = tpu.vector_load %arg6[%get3A_389, %get3A_390] {strides = array<i32>} : memref<128x128xf32, #tpu.memory_space<vmem>>, vector<16xf32>,
        %get3A_392 = arith.index_cast %add3A_365 : i32 to index
        %get3A_393 = arith.constant 48 : index
        %get3A_394 = tpu.vector_load %arg7[%get3A_392, %get3A_393] {strides = array<i32>} : memref<128x128xf32, #tpu.memory_space<vmem>>, vector<16xf32>,
        %mul3A_395 = arith.mulf %get3A_391, %get3A_394 : vector<16xf32>
        %add3A_396 = arith.addf %add3A_388, %mul3A_395 : vector<16xf32>
        %eq3A_397 = arith.constant 6 : i32
        %eq3A_398 = vector.broadcast %eq3A_397 : i32 to vector<16xi32>
        %eq3A_399 = arith.cmpi eq, %iota3A, %eq3A_398 : vector<16xi32>
        %reduce_sum3A_400 = arith.constant true
        %reduce_sum3A_401 = vector.broadcast %reduce_sum3A_400 : i1 to vector<16xi1>
        %reduce_sum3A_402 = tpu.scan <sum>, %add3A_396 masked %reduce_sum3A_401 : vector<16xf32>, vector<16xi1> -> vector<16xf32>
        %reduce_sum3A_403 = vector.extract %reduce_sum3A_402[15] : f32 from vector<16xf32>
        %broadcast_in_dim3A_404 = vector.broadcast %reduce_sum3A_403 : f32 to vector<16xf32>
        %select_n3A_405 = arith.select %eq3A_399, %broadcast_in_dim3A_404, %select_n3A_358 : vector<16xi1>, vector<16xf32>
        %mul3A_406 = arith.constant 64 : i32
        %mul3A_407 = arith.muli %rem3A_41, %mul3A_406 : i32
        %mul3A_408 = arith.constant 16 : i32
        %mul3A_409 = arith.muli %scan3A_77, %mul3A_408 : i32
        %add3A_410 = arith.addi %mul3A_407, %mul3A_409 : i32
        %add3A_411 = arith.constant 7 : i32
        %add3A_412 = arith.addi %add3A_410, %add3A_411 : i32
        %get3A_413 = arith.index_cast %add3A_412 : i32 to index
        %get3A_414 = arith.constant 0 : index
        %get3A_415 = tpu.vector_load %arg6[%get3A_413, %get3A_414] {strides = array<i32>} : memref<128x128xf32, #tpu.memory_space<vmem>>, vector<16xf32>,
        %get3A_416 = arith.index_cast %add3A_412 : i32 to index
        %get3A_417 = arith.constant 0 : index
        %get3A_418 = tpu.vector_load %arg7[%get3A_416, %get3A_417] {strides = array<i32>} : memref<128x128xf32, #tpu.memory_space<vmem>>, vector<16xf32>,
        %mul3A_419 = arith.mulf %get3A_415, %get3A_418 : vector<16xf32>
        %get3A_420 = arith.index_cast %add3A_412 : i32 to index
        %get3A_421 = arith.constant 16 : index
        %get3A_422 = tpu.vector_load %arg6[%get3A_420, %get3A_421] {strides = array<i32>} : memref<128x128xf32, #tpu.memory_space<vmem>>, vector<16xf32>,
        %get3A_423 = arith.index_cast %add3A_412 : i32 to index
        %get3A_424 = arith.constant 16 : index
        %get3A_425 = tpu.vector_load %arg7[%get3A_423, %get3A_424] {strides = array<i32>} : memref<128x128xf32, #tpu.memory_space<vmem>>, vector<16xf32>,
        %mul3A_426 = arith.mulf %get3A_422, %get3A_425 : vector<16xf32>
        %add3A_427 = arith.addf %mul3A_419, %mul3A_426 : vector<16xf32>
        %get3A_428 = arith.index_cast %add3A_412 : i32 to index
        %get3A_429 = arith.constant 32 : index
        %get3A_430 = tpu.vector_load %arg6[%get3A_428, %get3A_429] {strides = array<i32>} : memref<128x128xf32, #tpu.memory_space<vmem>>, vector<16xf32>,
        %get3A_431 = arith.index_cast %add3A_412 : i32 to index
        %get3A_432 = arith.constant 32 : index
        %get3A_433 = tpu.vector_load %arg7[%get3A_431, %get3A_432] {strides = array<i32>} : memref<128x128xf32, #tpu.memory_space<vmem>>, vector<16xf32>,
        %mul3A_434 = arith.mulf %get3A_430, %get3A_433 : vector<16xf32>
        %add3A_435 = arith.addf %add3A_427, %mul3A_434 : vector<16xf32>
        %get3A_436 = arith.index_cast %add3A_412 : i32 to index
        %get3A_437 = arith.constant 48 : index
        %get3A_438 = tpu.vector_load %arg6[%get3A_436, %get3A_437] {strides = array<i32>} : memref<128x128xf32, #tpu.memory_space<vmem>>, vector<16xf32>,
        %get3A_439 = arith.index_cast %add3A_412 : i32 to index
        %get3A_440 = arith.constant 48 : index
        %get3A_441 = tpu.vector_load %arg7[%get3A_439, %get3A_440] {strides = array<i32>} : memref<128x128xf32, #tpu.memory_space<vmem>>, vector<16xf32>,
        %mul3A_442 = arith.mulf %get3A_438, %get3A_441 : vector<16xf32>
        %add3A_443 = arith.addf %add3A_435, %mul3A_442 : vector<16xf32>
        %eq3A_444 = arith.constant 7 : i32
        %eq3A_445 = vector.broadcast %eq3A_444 : i32 to vector<16xi32>
        %eq3A_446 = arith.cmpi eq, %iota3A, %eq3A_445 : vector<16xi32>
        %reduce_sum3A_447 = arith.constant true
        %reduce_sum3A_448 = vector.broadcast %reduce_sum3A_447 : i1 to vector<16xi1>
        %reduce_sum3A_449 = tpu.scan <sum>, %add3A_443 masked %reduce_sum3A_448 : vector<16xf32>, vector<16xi1> -> vector<16xf32>
        %reduce_sum3A_450 = vector.extract %reduce_sum3A_449[15] : f32 from vector<16xf32>
        %broadcast_in_dim3A_451 = vector.broadcast %reduce_sum3A_450 : f32 to vector<16xf32>
        %select_n3A_452 = arith.select %eq3A_446, %broadcast_in_dim3A_451, %select_n3A_405 : vector<16xi1>, vector<16xf32>
        %mul3A_453 = arith.constant 64 : i32
        %mul3A_454 = arith.muli %rem3A_41, %mul3A_453 : i32
        %mul3A_455 = arith.constant 16 : i32
        %mul3A_456 = arith.muli %scan3A_77, %mul3A_455 : i32
        %add3A_457 = arith.addi %mul3A_454, %mul3A_456 : i32
        %add3A_458 = arith.constant 8 : i32
        %add3A_459 = arith.addi %add3A_457, %add3A_458 : i32
        %get3A_460 = arith.index_cast %add3A_459 : i32 to index
        %get3A_461 = arith.constant 0 : index
        %get3A_462 = tpu.vector_load %arg6[%get3A_460, %get3A_461] {strides = array<i32>} : memref<128x128xf32, #tpu.memory_space<vmem>>, vector<16xf32>,
        %get3A_463 = arith.index_cast %add3A_459 : i32 to index
        %get3A_464 = arith.constant 0 : index
        %get3A_465 = tpu.vector_load %arg7[%get3A_463, %get3A_464] {strides = array<i32>} : memref<128x128xf32, #tpu.memory_space<vmem>>, vector<16xf32>,
        %mul3A_466 = arith.mulf %get3A_462, %get3A_465 : vector<16xf32>
        %get3A_467 = arith.index_cast %add3A_459 : i32 to index
        %get3A_468 = arith.constant 16 : index
        %get3A_469 = tpu.vector_load %arg6[%get3A_467, %get3A_468] {strides = array<i32>} : memref<128x128xf32, #tpu.memory_space<vmem>>, vector<16xf32>,
        %get3A_470 = arith.index_cast %add3A_459 : i32 to index
        %get3A_471 = arith.constant 16 : index
        %get3A_472 = tpu.vector_load %arg7[%get3A_470, %get3A_471] {strides = array<i32>} : memref<128x128xf32, #tpu.memory_space<vmem>>, vector<16xf32>,
        %mul3A_473 = arith.mulf %get3A_469, %get3A_472 : vector<16xf32>
        %add3A_474 = arith.addf %mul3A_466, %mul3A_473 : vector<16xf32>
        %get3A_475 = arith.index_cast %add3A_459 : i32 to index
        %get3A_476 = arith.constant 32 : index
        %get3A_477 = tpu.vector_load %arg6[%get3A_475, %get3A_476] {strides = array<i32>} : memref<128x128xf32, #tpu.memory_space<vmem>>, vector<16xf32>,
        %get3A_478 = arith.index_cast %add3A_459 : i32 to index
        %get3A_479 = arith.constant 32 : index
        %get3A_480 = tpu.vector_load %arg7[%get3A_478, %get3A_479] {strides = array<i32>} : memref<128x128xf32, #tpu.memory_space<vmem>>, vector<16xf32>,
        %mul3A_481 = arith.mulf %get3A_477, %get3A_480 : vector<16xf32>
        %add3A_482 = arith.addf %add3A_474, %mul3A_481 : vector<16xf32>
        %get3A_483 = arith.index_cast %add3A_459 : i32 to index
        %get3A_484 = arith.constant 48 : index
        %get3A_485 = tpu.vector_load %arg6[%get3A_483, %get3A_484] {strides = array<i32>} : memref<128x128xf32, #tpu.memory_space<vmem>>, vector<16xf32>,
        %get3A_486 = arith.index_cast %add3A_459 : i32 to index
        %get3A_487 = arith.constant 48 : index
        %get3A_488 = tpu.vector_load %arg7[%get3A_486, %get3A_487] {strides = array<i32>} : memref<128x128xf32, #tpu.memory_space<vmem>>, vector<16xf32>,
        %mul3A_489 = arith.mulf %get3A_485, %get3A_488 : vector<16xf32>
        %add3A_490 = arith.addf %add3A_482, %mul3A_489 : vector<16xf32>
        %eq3A_491 = arith.constant 8 : i32
        %eq3A_492 = vector.broadcast %eq3A_491 : i32 to vector<16xi32>
        %eq3A_493 = arith.cmpi eq, %iota3A, %eq3A_492 : vector<16xi32>
        %reduce_sum3A_494 = arith.constant true
        %reduce_sum3A_495 = vector.broadcast %reduce_sum3A_494 : i1 to vector<16xi1>
        %reduce_sum3A_496 = tpu.scan <sum>, %add3A_490 masked %reduce_sum3A_495 : vector<16xf32>, vector<16xi1> -> vector<16xf32>
        %reduce_sum3A_497 = vector.extract %reduce_sum3A_496[15] : f32 from vector<16xf32>
        %broadcast_in_dim3A_498 = vector.broadcast %reduce_sum3A_497 : f32 to vector<16xf32>
        %select_n3A_499 = arith.select %eq3A_493, %broadcast_in_dim3A_498, %select_n3A_452 : vector<16xi1>, vector<16xf32>
        %mul3A_500 = arith.constant 64 : i32
        %mul3A_501 = arith.muli %rem3A_41, %mul3A_500 : i32
        %mul3A_502 = arith.constant 16 : i32
        %mul3A_503 = arith.muli %scan3A_77, %mul3A_502 : i32
        %add3A_504 = arith.addi %mul3A_501, %mul3A_503 : i32
        %add3A_505 = arith.constant 9 : i32
        %add3A_506 = arith.addi %add3A_504, %add3A_505 : i32
        %get3A_507 = arith.index_cast %add3A_506 : i32 to index
        %get3A_508 = arith.constant 0 : index
        %get3A_509 = tpu.vector_load %arg6[%get3A_507, %get3A_508] {strides = array<i32>} : memref<128x128xf32, #tpu.memory_space<vmem>>, vector<16xf32>,
        %get3A_510 = arith.index_cast %add3A_506 : i32 to index
        %get3A_511 = arith.constant 0 : index
        %get3A_512 = tpu.vector_load %arg7[%get3A_510, %get3A_511] {strides = array<i32>} : memref<128x128xf32, #tpu.memory_space<vmem>>, vector<16xf32>,
        %mul3A_513 = arith.mulf %get3A_509, %get3A_512 : vector<16xf32>
        %get3A_514 = arith.index_cast %add3A_506 : i32 to index
        %get3A_515 = arith.constant 16 : index
        %get3A_516 = tpu.vector_load %arg6[%get3A_514, %get3A_515] {strides = array<i32>} : memref<128x128xf32, #tpu.memory_space<vmem>>, vector<16xf32>,
        %get3A_517 = arith.index_cast %add3A_506 : i32 to index
        %get3A_518 = arith.constant 16 : index
        %get3A_519 = tpu.vector_load %arg7[%get3A_517, %get3A_518] {strides = array<i32>} : memref<128x128xf32, #tpu.memory_space<vmem>>, vector<16xf32>,
        %mul3A_520 = arith.mulf %get3A_516, %get3A_519 : vector<16xf32>
        %add3A_521 = arith.addf %mul3A_513, %mul3A_520 : vector<16xf32>
        %get3A_522 = arith.index_cast %add3A_506 : i32 to index
        %get3A_523 = arith.constant 32 : index
        %get3A_524 = tpu.vector_load %arg6[%get3A_522, %get3A_523] {strides = array<i32>} : memref<128x128xf32, #tpu.memory_space<vmem>>, vector<16xf32>,
        %get3A_525 = arith.index_cast %add3A_506 : i32 to index
        %get3A_526 = arith.constant 32 : index
        %get3A_527 = tpu.vector_load %arg7[%get3A_525, %get3A_526] {strides = array<i32>} : memref<128x128xf32, #tpu.memory_space<vmem>>, vector<16xf32>,
        %mul3A_528 = arith.mulf %get3A_524, %get3A_527 : vector<16xf32>
        %add3A_529 = arith.addf %add3A_521, %mul3A_528 : vector<16xf32>
        %get3A_530 = arith.index_cast %add3A_506 : i32 to index
        %get3A_531 = arith.constant 48 : index
        %get3A_532 = tpu.vector_load %arg6[%get3A_530, %get3A_531] {strides = array<i32>} : memref<128x128xf32, #tpu.memory_space<vmem>>, vector<16xf32>,
        %get3A_533 = arith.index_cast %add3A_506 : i32 to index
        %get3A_534 = arith.constant 48 : index
        %get3A_535 = tpu.vector_load %arg7[%get3A_533, %get3A_534] {strides = array<i32>} : memref<128x128xf32, #tpu.memory_space<vmem>>, vector<16xf32>,
        %mul3A_536 = arith.mulf %get3A_532, %get3A_535 : vector<16xf32>
        %add3A_537 = arith.addf %add3A_529, %mul3A_536 : vector<16xf32>
        %eq3A_538 = arith.constant 9 : i32
        %eq3A_539 = vector.broadcast %eq3A_538 : i32 to vector<16xi32>
        %eq3A_540 = arith.cmpi eq, %iota3A, %eq3A_539 : vector<16xi32>
        %reduce_sum3A_541 = arith.constant true
        %reduce_sum3A_542 = vector.broadcast %reduce_sum3A_541 : i1 to vector<16xi1>
        %reduce_sum3A_543 = tpu.scan <sum>, %add3A_537 masked %reduce_sum3A_542 : vector<16xf32>, vector<16xi1> -> vector<16xf32>
        %reduce_sum3A_544 = vector.extract %reduce_sum3A_543[15] : f32 from vector<16xf32>
        %broadcast_in_dim3A_545 = vector.broadcast %reduce_sum3A_544 : f32 to vector<16xf32>
        %select_n3A_546 = arith.select %eq3A_540, %broadcast_in_dim3A_545, %select_n3A_499 : vector<16xi1>, vector<16xf32>
        %mul3A_547 = arith.constant 64 : i32
        %mul3A_548 = arith.muli %rem3A_41, %mul3A_547 : i32
        %mul3A_549 = arith.constant 16 : i32
        %mul3A_550 = arith.muli %scan3A_77, %mul3A_549 : i32
        %add3A_551 = arith.addi %mul3A_548, %mul3A_550 : i32
        %add3A_552 = arith.constant 10 : i32
        %add3A_553 = arith.addi %add3A_551, %add3A_552 : i32
        %get3A_554 = arith.index_cast %add3A_553 : i32 to index
        %get3A_555 = arith.constant 0 : index
        %get3A_556 = tpu.vector_load %arg6[%get3A_554, %get3A_555] {strides = array<i32>} : memref<128x128xf32, #tpu.memory_space<vmem>>, vector<16xf32>,
        %get3A_557 = arith.index_cast %add3A_553 : i32 to index
        %get3A_558 = arith.constant 0 : index
        %get3A_559 = tpu.vector_load %arg7[%get3A_557, %get3A_558] {strides = array<i32>} : memref<128x128xf32, #tpu.memory_space<vmem>>, vector<16xf32>,
        %mul3A_560 = arith.mulf %get3A_556, %get3A_559 : vector<16xf32>
        %get3A_561 = arith.index_cast %add3A_553 : i32 to index
        %get3A_562 = arith.constant 16 : index
        %get3A_563 = tpu.vector_load %arg6[%get3A_561, %get3A_562] {strides = array<i32>} : memref<128x128xf32, #tpu.memory_space<vmem>>, vector<16xf32>,
        %get3A_564 = arith.index_cast %add3A_553 : i32 to index
        %get3A_565 = arith.constant 16 : index
        %get3A_566 = tpu.vector_load %arg7[%get3A_564, %get3A_565] {strides = array<i32>} : memref<128x128xf32, #tpu.memory_space<vmem>>, vector<16xf32>,
        %mul3A_567 = arith.mulf %get3A_563, %get3A_566 : vector<16xf32>
        %add3A_568 = arith.addf %mul3A_560, %mul3A_567 : vector<16xf32>
        %get3A_569 = arith.index_cast %add3A_553 : i32 to index
        %get3A_570 = arith.constant 32 : index
        %get3A_571 = tpu.vector_load %arg6[%get3A_569, %get3A_570] {strides = array<i32>} : memref<128x128xf32, #tpu.memory_space<vmem>>, vector<16xf32>,
        %get3A_572 = arith.index_cast %add3A_553 : i32 to index
        %get3A_573 = arith.constant 32 : index
        %get3A_574 = tpu.vector_load %arg7[%get3A_572, %get3A_573] {strides = array<i32>} : memref<128x128xf32, #tpu.memory_space<vmem>>, vector<16xf32>,
        %mul3A_575 = arith.mulf %get3A_571, %get3A_574 : vector<16xf32>
        %add3A_576 = arith.addf %add3A_568, %mul3A_575 : vector<16xf32>
        %get3A_577 = arith.index_cast %add3A_553 : i32 to index
        %get3A_578 = arith.constant 48 : index
        %get3A_579 = tpu.vector_load %arg6[%get3A_577, %get3A_578] {strides = array<i32>} : memref<128x128xf32, #tpu.memory_space<vmem>>, vector<16xf32>,
        %get3A_580 = arith.index_cast %add3A_553 : i32 to index
        %get3A_581 = arith.constant 48 : index
        %get3A_582 = tpu.vector_load %arg7[%get3A_580, %get3A_581] {strides = array<i32>} : memref<128x128xf32, #tpu.memory_space<vmem>>, vector<16xf32>,
        %mul3A_583 = arith.mulf %get3A_579, %get3A_582 : vector<16xf32>
        %add3A_584 = arith.addf %add3A_576, %mul3A_583 : vector<16xf32>
        %eq3A_585 = arith.constant 10 : i32
        %eq3A_586 = vector.broadcast %eq3A_585 : i32 to vector<16xi32>
        %eq3A_587 = arith.cmpi eq, %iota3A, %eq3A_586 : vector<16xi32>
        %reduce_sum3A_588 = arith.constant true
        %reduce_sum3A_589 = vector.broadcast %reduce_sum3A_588 : i1 to vector<16xi1>
        %reduce_sum3A_590 = tpu.scan <sum>, %add3A_584 masked %reduce_sum3A_589 : vector<16xf32>, vector<16xi1> -> vector<16xf32>
        %reduce_sum3A_591 = vector.extract %reduce_sum3A_590[15] : f32 from vector<16xf32>
        %broadcast_in_dim3A_592 = vector.broadcast %reduce_sum3A_591 : f32 to vector<16xf32>
        %select_n3A_593 = arith.select %eq3A_587, %broadcast_in_dim3A_592, %select_n3A_546 : vector<16xi1>, vector<16xf32>
        %mul3A_594 = arith.constant 64 : i32
        %mul3A_595 = arith.muli %rem3A_41, %mul3A_594 : i32
        %mul3A_596 = arith.constant 16 : i32
        %mul3A_597 = arith.muli %scan3A_77, %mul3A_596 : i32
        %add3A_598 = arith.addi %mul3A_595, %mul3A_597 : i32
        %add3A_599 = arith.constant 11 : i32
        %add3A_600 = arith.addi %add3A_598, %add3A_599 : i32
        %get3A_601 = arith.index_cast %add3A_600 : i32 to index
        %get3A_602 = arith.constant 0 : index
        %get3A_603 = tpu.vector_load %arg6[%get3A_601, %get3A_602] {strides = array<i32>} : memref<128x128xf32, #tpu.memory_space<vmem>>, vector<16xf32>,
        %get3A_604 = arith.index_cast %add3A_600 : i32 to index
        %get3A_605 = arith.constant 0 : index
        %get3A_606 = tpu.vector_load %arg7[%get3A_604, %get3A_605] {strides = array<i32>} : memref<128x128xf32, #tpu.memory_space<vmem>>, vector<16xf32>,
        %mul3A_607 = arith.mulf %get3A_603, %get3A_606 : vector<16xf32>
        %get3A_608 = arith.index_cast %add3A_600 : i32 to index
        %get3A_609 = arith.constant 16 : index
        %get3A_610 = tpu.vector_load %arg6[%get3A_608, %get3A_609] {strides = array<i32>} : memref<128x128xf32, #tpu.memory_space<vmem>>, vector<16xf32>,
        %get3A_611 = arith.index_cast %add3A_600 : i32 to index
        %get3A_612 = arith.constant 16 : index
        %get3A_613 = tpu.vector_load %arg7[%get3A_611, %get3A_612] {strides = array<i32>} : memref<128x128xf32, #tpu.memory_space<vmem>>, vector<16xf32>,
        %mul3A_614 = arith.mulf %get3A_610, %get3A_613 : vector<16xf32>
        %add3A_615 = arith.addf %mul3A_607, %mul3A_614 : vector<16xf32>
        %get3A_616 = arith.index_cast %add3A_600 : i32 to index
        %get3A_617 = arith.constant 32 : index
        %get3A_618 = tpu.vector_load %arg6[%get3A_616, %get3A_617] {strides = array<i32>} : memref<128x128xf32, #tpu.memory_space<vmem>>, vector<16xf32>,
        %get3A_619 = arith.index_cast %add3A_600 : i32 to index
        %get3A_620 = arith.constant 32 : index
        %get3A_621 = tpu.vector_load %arg7[%get3A_619, %get3A_620] {strides = array<i32>} : memref<128x128xf32, #tpu.memory_space<vmem>>, vector<16xf32>,
        %mul3A_622 = arith.mulf %get3A_618, %get3A_621 : vector<16xf32>
        %add3A_623 = arith.addf %add3A_615, %mul3A_622 : vector<16xf32>
        %get3A_624 = arith.index_cast %add3A_600 : i32 to index
        %get3A_625 = arith.constant 48 : index
        %get3A_626 = tpu.vector_load %arg6[%get3A_624, %get3A_625] {strides = array<i32>} : memref<128x128xf32, #tpu.memory_space<vmem>>, vector<16xf32>,
        %get3A_627 = arith.index_cast %add3A_600 : i32 to index
        %get3A_628 = arith.constant 48 : index
        %get3A_629 = tpu.vector_load %arg7[%get3A_627, %get3A_628] {strides = array<i32>} : memref<128x128xf32, #tpu.memory_space<vmem>>, vector<16xf32>,
        %mul3A_630 = arith.mulf %get3A_626, %get3A_629 : vector<16xf32>
        %add3A_631 = arith.addf %add3A_623, %mul3A_630 : vector<16xf32>
        %eq3A_632 = arith.constant 11 : i32
        %eq3A_633 = vector.broadcast %eq3A_632 : i32 to vector<16xi32>
        %eq3A_634 = arith.cmpi eq, %iota3A, %eq3A_633 : vector<16xi32>
        %reduce_sum3A_635 = arith.constant true
        %reduce_sum3A_636 = vector.broadcast %reduce_sum3A_635 : i1 to vector<16xi1>
        %reduce_sum3A_637 = tpu.scan <sum>, %add3A_631 masked %reduce_sum3A_636 : vector<16xf32>, vector<16xi1> -> vector<16xf32>
        %reduce_sum3A_638 = vector.extract %reduce_sum3A_637[15] : f32 from vector<16xf32>
        %broadcast_in_dim3A_639 = vector.broadcast %reduce_sum3A_638 : f32 to vector<16xf32>
        %select_n3A_640 = arith.select %eq3A_634, %broadcast_in_dim3A_639, %select_n3A_593 : vector<16xi1>, vector<16xf32>
        %mul3A_641 = arith.constant 64 : i32
        %mul3A_642 = arith.muli %rem3A_41, %mul3A_641 : i32
        %mul3A_643 = arith.constant 16 : i32
        %mul3A_644 = arith.muli %scan3A_77, %mul3A_643 : i32
        %add3A_645 = arith.addi %mul3A_642, %mul3A_644 : i32
        %add3A_646 = arith.constant 12 : i32
        %add3A_647 = arith.addi %add3A_645, %add3A_646 : i32
        %get3A_648 = arith.index_cast %add3A_647 : i32 to index
        %get3A_649 = arith.constant 0 : index
        %get3A_650 = tpu.vector_load %arg6[%get3A_648, %get3A_649] {strides = array<i32>} : memref<128x128xf32, #tpu.memory_space<vmem>>, vector<16xf32>,
        %get3A_651 = arith.index_cast %add3A_647 : i32 to index
        %get3A_652 = arith.constant 0 : index
        %get3A_653 = tpu.vector_load %arg7[%get3A_651, %get3A_652] {strides = array<i32>} : memref<128x128xf32, #tpu.memory_space<vmem>>, vector<16xf32>,
        %mul3A_654 = arith.mulf %get3A_650, %get3A_653 : vector<16xf32>
        %get3A_655 = arith.index_cast %add3A_647 : i32 to index
        %get3A_656 = arith.constant 16 : index
        %get3A_657 = tpu.vector_load %arg6[%get3A_655, %get3A_656] {strides = array<i32>} : memref<128x128xf32, #tpu.memory_space<vmem>>, vector<16xf32>,
        %get3A_658 = arith.index_cast %add3A_647 : i32 to index
        %get3A_659 = arith.constant 16 : index
        %get3A_660 = tpu.vector_load %arg7[%get3A_658, %get3A_659] {strides = array<i32>} : memref<128x128xf32, #tpu.memory_space<vmem>>, vector<16xf32>,
        %mul3A_661 = arith.mulf %get3A_657, %get3A_660 : vector<16xf32>
        %add3A_662 = arith.addf %mul3A_654, %mul3A_661 : vector<16xf32>
        %get3A_663 = arith.index_cast %add3A_647 : i32 to index
        %get3A_664 = arith.constant 32 : index
        %get3A_665 = tpu.vector_load %arg6[%get3A_663, %get3A_664] {strides = array<i32>} : memref<128x128xf32, #tpu.memory_space<vmem>>, vector<16xf32>,
        %get3A_666 = arith.index_cast %add3A_647 : i32 to index
        %get3A_667 = arith.constant 32 : index
        %get3A_668 = tpu.vector_load %arg7[%get3A_666, %get3A_667] {strides = array<i32>} : memref<128x128xf32, #tpu.memory_space<vmem>>, vector<16xf32>,
        %mul3A_669 = arith.mulf %get3A_665, %get3A_668 : vector<16xf32>
        %add3A_670 = arith.addf %add3A_662, %mul3A_669 : vector<16xf32>
        %get3A_671 = arith.index_cast %add3A_647 : i32 to index
        %get3A_672 = arith.constant 48 : index
        %get3A_673 = tpu.vector_load %arg6[%get3A_671, %get3A_672] {strides = array<i32>} : memref<128x128xf32, #tpu.memory_space<vmem>>, vector<16xf32>,
        %get3A_674 = arith.index_cast %add3A_647 : i32 to index
        %get3A_675 = arith.constant 48 : index
        %get3A_676 = tpu.vector_load %arg7[%get3A_674, %get3A_675] {strides = array<i32>} : memref<128x128xf32, #tpu.memory_space<vmem>>, vector<16xf32>,
        %mul3A_677 = arith.mulf %get3A_673, %get3A_676 : vector<16xf32>
        %add3A_678 = arith.addf %add3A_670, %mul3A_677 : vector<16xf32>
        %eq3A_679 = arith.constant 12 : i32
        %eq3A_680 = vector.broadcast %eq3A_679 : i32 to vector<16xi32>
        %eq3A_681 = arith.cmpi eq, %iota3A, %eq3A_680 : vector<16xi32>
        %reduce_sum3A_682 = arith.constant true
        %reduce_sum3A_683 = vector.broadcast %reduce_sum3A_682 : i1 to vector<16xi1>
        %reduce_sum3A_684 = tpu.scan <sum>, %add3A_678 masked %reduce_sum3A_683 : vector<16xf32>, vector<16xi1> -> vector<16xf32>
        %reduce_sum3A_685 = vector.extract %reduce_sum3A_684[15] : f32 from vector<16xf32>
        %broadcast_in_dim3A_686 = vector.broadcast %reduce_sum3A_685 : f32 to vector<16xf32>
        %select_n3A_687 = arith.select %eq3A_681, %broadcast_in_dim3A_686, %select_n3A_640 : vector<16xi1>, vector<16xf32>
        %mul3A_688 = arith.constant 64 : i32
        %mul3A_689 = arith.muli %rem3A_41, %mul3A_688 : i32
        %mul3A_690 = arith.constant 16 : i32
        %mul3A_691 = arith.muli %scan3A_77, %mul3A_690 : i32
        %add3A_692 = arith.addi %mul3A_689, %mul3A_691 : i32
        %add3A_693 = arith.constant 13 : i32
        %add3A_694 = arith.addi %add3A_692, %add3A_693 : i32
        %get3A_695 = arith.index_cast %add3A_694 : i32 to index
        %get3A_696 = arith.constant 0 : index
        %get3A_697 = tpu.vector_load %arg6[%get3A_695, %get3A_696] {strides = array<i32>} : memref<128x128xf32, #tpu.memory_space<vmem>>, vector<16xf32>,
        %get3A_698 = arith.index_cast %add3A_694 : i32 to index
        %get3A_699 = arith.constant 0 : index
        %get3A_700 = tpu.vector_load %arg7[%get3A_698, %get3A_699] {strides = array<i32>} : memref<128x128xf32, #tpu.memory_space<vmem>>, vector<16xf32>,
        %mul3A_701 = arith.mulf %get3A_697, %get3A_700 : vector<16xf32>
        %get3A_702 = arith.index_cast %add3A_694 : i32 to index
        %get3A_703 = arith.constant 16 : index
        %get3A_704 = tpu.vector_load %arg6[%get3A_702, %get3A_703] {strides = array<i32>} : memref<128x128xf32, #tpu.memory_space<vmem>>, vector<16xf32>,
        %get3A_705 = arith.index_cast %add3A_694 : i32 to index
        %get3A_706 = arith.constant 16 : index
        %get3A_707 = tpu.vector_load %arg7[%get3A_705, %get3A_706] {strides = array<i32>} : memref<128x128xf32, #tpu.memory_space<vmem>>, vector<16xf32>,
        %mul3A_708 = arith.mulf %get3A_704, %get3A_707 : vector<16xf32>
        %add3A_709 = arith.addf %mul3A_701, %mul3A_708 : vector<16xf32>
        %get3A_710 = arith.index_cast %add3A_694 : i32 to index
        %get3A_711 = arith.constant 32 : index
        %get3A_712 = tpu.vector_load %arg6[%get3A_710, %get3A_711] {strides = array<i32>} : memref<128x128xf32, #tpu.memory_space<vmem>>, vector<16xf32>,
        %get3A_713 = arith.index_cast %add3A_694 : i32 to index
        %get3A_714 = arith.constant 32 : index
        %get3A_715 = tpu.vector_load %arg7[%get3A_713, %get3A_714] {strides = array<i32>} : memref<128x128xf32, #tpu.memory_space<vmem>>, vector<16xf32>,
        %mul3A_716 = arith.mulf %get3A_712, %get3A_715 : vector<16xf32>
        %add3A_717 = arith.addf %add3A_709, %mul3A_716 : vector<16xf32>
        %get3A_718 = arith.index_cast %add3A_694 : i32 to index
        %get3A_719 = arith.constant 48 : index
        %get3A_720 = tpu.vector_load %arg6[%get3A_718, %get3A_719] {strides = array<i32>} : memref<128x128xf32, #tpu.memory_space<vmem>>, vector<16xf32>,
        %get3A_721 = arith.index_cast %add3A_694 : i32 to index
        %get3A_722 = arith.constant 48 : index
        %get3A_723 = tpu.vector_load %arg7[%get3A_721, %get3A_722] {strides = array<i32>} : memref<128x128xf32, #tpu.memory_space<vmem>>, vector<16xf32>,
        %mul3A_724 = arith.mulf %get3A_720, %get3A_723 : vector<16xf32>
        %add3A_725 = arith.addf %add3A_717, %mul3A_724 : vector<16xf32>
        %eq3A_726 = arith.constant 13 : i32
        %eq3A_727 = vector.broadcast %eq3A_726 : i32 to vector<16xi32>
        %eq3A_728 = arith.cmpi eq, %iota3A, %eq3A_727 : vector<16xi32>
        %reduce_sum3A_729 = arith.constant true
        %reduce_sum3A_730 = vector.broadcast %reduce_sum3A_729 : i1 to vector<16xi1>
        %reduce_sum3A_731 = tpu.scan <sum>, %add3A_725 masked %reduce_sum3A_730 : vector<16xf32>, vector<16xi1> -> vector<16xf32>
        %reduce_sum3A_732 = vector.extract %reduce_sum3A_731[15] : f32 from vector<16xf32>
        %broadcast_in_dim3A_733 = vector.broadcast %reduce_sum3A_732 : f32 to vector<16xf32>
        %select_n3A_734 = arith.select %eq3A_728, %broadcast_in_dim3A_733, %select_n3A_687 : vector<16xi1>, vector<16xf32>
        %mul3A_735 = arith.constant 64 : i32
        %mul3A_736 = arith.muli %rem3A_41, %mul3A_735 : i32
        %mul3A_737 = arith.constant 16 : i32
        %mul3A_738 = arith.muli %scan3A_77, %mul3A_737 : i32
        %add3A_739 = arith.addi %mul3A_736, %mul3A_738 : i32
        %add3A_740 = arith.constant 14 : i32
        %add3A_741 = arith.addi %add3A_739, %add3A_740 : i32
        %get3A_742 = arith.index_cast %add3A_741 : i32 to index
        %get3A_743 = arith.constant 0 : index
        %get3A_744 = tpu.vector_load %arg6[%get3A_742, %get3A_743] {strides = array<i32>} : memref<128x128xf32, #tpu.memory_space<vmem>>, vector<16xf32>,
        %get3A_745 = arith.index_cast %add3A_741 : i32 to index
        %get3A_746 = arith.constant 0 : index
        %get3A_747 = tpu.vector_load %arg7[%get3A_745, %get3A_746] {strides = array<i32>} : memref<128x128xf32, #tpu.memory_space<vmem>>, vector<16xf32>,
        %mul3A_748 = arith.mulf %get3A_744, %get3A_747 : vector<16xf32>
        %get3A_749 = arith.index_cast %add3A_741 : i32 to index
        %get3A_750 = arith.constant 16 : index
        %get3A_751 = tpu.vector_load %arg6[%get3A_749, %get3A_750] {strides = array<i32>} : memref<128x128xf32, #tpu.memory_space<vmem>>, vector<16xf32>,
        %get3A_752 = arith.index_cast %add3A_741 : i32 to index
        %get3A_753 = arith.constant 16 : index
        %get3A_754 = tpu.vector_load %arg7[%get3A_752, %get3A_753] {strides = array<i32>} : memref<128x128xf32, #tpu.memory_space<vmem>>, vector<16xf32>,
        %mul3A_755 = arith.mulf %get3A_751, %get3A_754 : vector<16xf32>
        %add3A_756 = arith.addf %mul3A_748, %mul3A_755 : vector<16xf32>
        %get3A_757 = arith.index_cast %add3A_741 : i32 to index
        %get3A_758 = arith.constant 32 : index
        %get3A_759 = tpu.vector_load %arg6[%get3A_757, %get3A_758] {strides = array<i32>} : memref<128x128xf32, #tpu.memory_space<vmem>>, vector<16xf32>,
        %get3A_760 = arith.index_cast %add3A_741 : i32 to index
        %get3A_761 = arith.constant 32 : index
        %get3A_762 = tpu.vector_load %arg7[%get3A_760, %get3A_761] {strides = array<i32>} : memref<128x128xf32, #tpu.memory_space<vmem>>, vector<16xf32>,
        %mul3A_763 = arith.mulf %get3A_759, %get3A_762 : vector<16xf32>
        %add3A_764 = arith.addf %add3A_756, %mul3A_763 : vector<16xf32>
        %get3A_765 = arith.index_cast %add3A_741 : i32 to index
        %get3A_766 = arith.constant 48 : index
        %get3A_767 = tpu.vector_load %arg6[%get3A_765, %get3A_766] {strides = array<i32>} : memref<128x128xf32, #tpu.memory_space<vmem>>, vector<16xf32>,
        %get3A_768 = arith.index_cast %add3A_741 : i32 to index
        %get3A_769 = arith.constant 48 : index
        %get3A_770 = tpu.vector_load %arg7[%get3A_768, %get3A_769] {strides = array<i32>} : memref<128x128xf32, #tpu.memory_space<vmem>>, vector<16xf32>,
        %mul3A_771 = arith.mulf %get3A_767, %get3A_770 : vector<16xf32>
        %add3A_772 = arith.addf %add3A_764, %mul3A_771 : vector<16xf32>
        %eq3A_773 = arith.constant 14 : i32
        %eq3A_774 = vector.broadcast %eq3A_773 : i32 to vector<16xi32>
        %eq3A_775 = arith.cmpi eq, %iota3A, %eq3A_774 : vector<16xi32>
        %reduce_sum3A_776 = arith.constant true
        %reduce_sum3A_777 = vector.broadcast %reduce_sum3A_776 : i1 to vector<16xi1>
        %reduce_sum3A_778 = tpu.scan <sum>, %add3A_772 masked %reduce_sum3A_777 : vector<16xf32>, vector<16xi1> -> vector<16xf32>
        %reduce_sum3A_779 = vector.extract %reduce_sum3A_778[15] : f32 from vector<16xf32>
        %broadcast_in_dim3A_780 = vector.broadcast %reduce_sum3A_779 : f32 to vector<16xf32>
        %select_n3A_781 = arith.select %eq3A_775, %broadcast_in_dim3A_780, %select_n3A_734 : vector<16xi1>, vector<16xf32>
        %mul3A_782 = arith.constant 64 : i32
        %mul3A_783 = arith.muli %rem3A_41, %mul3A_782 : i32
        %mul3A_784 = arith.constant 16 : i32
        %mul3A_785 = arith.muli %scan3A_77, %mul3A_784 : i32
        %add3A_786 = arith.addi %mul3A_783, %mul3A_785 : i32
        %add3A_787 = arith.constant 15 : i32
        %add3A_788 = arith.addi %add3A_786, %add3A_787 : i32
        %get3A_789 = arith.index_cast %add3A_788 : i32 to index
        %get3A_790 = arith.constant 0 : index
        %get3A_791 = tpu.vector_load %arg6[%get3A_789, %get3A_790] {strides = array<i32>} : memref<128x128xf32, #tpu.memory_space<vmem>>, vector<16xf32>,
        %get3A_792 = arith.index_cast %add3A_788 : i32 to index
        %get3A_793 = arith.constant 0 : index
        %get3A_794 = tpu.vector_load %arg7[%get3A_792, %get3A_793] {strides = array<i32>} : memref<128x128xf32, #tpu.memory_space<vmem>>, vector<16xf32>,
        %mul3A_795 = arith.mulf %get3A_791, %get3A_794 : vector<16xf32>
        %get3A_796 = arith.index_cast %add3A_788 : i32 to index
        %get3A_797 = arith.constant 16 : index
        %get3A_798 = tpu.vector_load %arg6[%get3A_796, %get3A_797] {strides = array<i32>} : memref<128x128xf32, #tpu.memory_space<vmem>>, vector<16xf32>,
        %get3A_799 = arith.index_cast %add3A_788 : i32 to index
        %get3A_800 = arith.constant 16 : index
        %get3A_801 = tpu.vector_load %arg7[%get3A_799, %get3A_800] {strides = array<i32>} : memref<128x128xf32, #tpu.memory_space<vmem>>, vector<16xf32>,
        %mul3A_802 = arith.mulf %get3A_798, %get3A_801 : vector<16xf32>
        %add3A_803 = arith.addf %mul3A_795, %mul3A_802 : vector<16xf32>
        %get3A_804 = arith.index_cast %add3A_788 : i32 to index
        %get3A_805 = arith.constant 32 : index
        %get3A_806 = tpu.vector_load %arg6[%get3A_804, %get3A_805] {strides = array<i32>} : memref<128x128xf32, #tpu.memory_space<vmem>>, vector<16xf32>,
        %get3A_807 = arith.index_cast %add3A_788 : i32 to index
        %get3A_808 = arith.constant 32 : index
        %get3A_809 = tpu.vector_load %arg7[%get3A_807, %get3A_808] {strides = array<i32>} : memref<128x128xf32, #tpu.memory_space<vmem>>, vector<16xf32>,
        %mul3A_810 = arith.mulf %get3A_806, %get3A_809 : vector<16xf32>
        %add3A_811 = arith.addf %add3A_803, %mul3A_810 : vector<16xf32>
        %get3A_812 = arith.index_cast %add3A_788 : i32 to index
        %get3A_813 = arith.constant 48 : index
        %get3A_814 = tpu.vector_load %arg6[%get3A_812, %get3A_813] {strides = array<i32>} : memref<128x128xf32, #tpu.memory_space<vmem>>, vector<16xf32>,
        %get3A_815 = arith.index_cast %add3A_788 : i32 to index
        %get3A_816 = arith.constant 48 : index
        %get3A_817 = tpu.vector_load %arg7[%get3A_815, %get3A_816] {strides = array<i32>} : memref<128x128xf32, #tpu.memory_space<vmem>>, vector<16xf32>,
        %mul3A_818 = arith.mulf %get3A_814, %get3A_817 : vector<16xf32>
        %add3A_819 = arith.addf %add3A_811, %mul3A_818 : vector<16xf32>
        %eq3A_820 = arith.constant 15 : i32
        %eq3A_821 = vector.broadcast %eq3A_820 : i32 to vector<16xi32>
        %eq3A_822 = arith.cmpi eq, %iota3A, %eq3A_821 : vector<16xi32>
        %reduce_sum3A_823 = arith.constant true
        %reduce_sum3A_824 = vector.broadcast %reduce_sum3A_823 : i1 to vector<16xi1>
        %reduce_sum3A_825 = tpu.scan <sum>, %add3A_819 masked %reduce_sum3A_824 : vector<16xf32>, vector<16xi1> -> vector<16xf32>
        %reduce_sum3A_826 = vector.extract %reduce_sum3A_825[15] : f32 from vector<16xf32>
        %broadcast_in_dim3A_827 = vector.broadcast %reduce_sum3A_826 : f32 to vector<16xf32>
        %select_n3A_828 = arith.select %eq3A_822, %broadcast_in_dim3A_827, %select_n3A_781 : vector<16xi1>, vector<16xf32>
        %mul3A_829 = arith.constant 64 : i32
        %mul3A_830 = arith.muli %scan3A_39, %mul3A_829 : i32
        %mul3A_831 = arith.constant 16 : i32
        %mul3A_832 = arith.muli %scan3A_77, %mul3A_831 : i32
        %add3A_833 = arith.addi %mul3A_830, %mul3A_832 : i32
        %get3A_834 = arith.index_cast %add3A_833 : i32 to index
        %get3A_835 = tpu.vector_load %arg8[%get3A_834] {strides = array<i32>} : memref<512xf32, #tpu.memory_space<vmem>>, vector<16xf32>,
        %abs3A = math.absf %select_n3A_828 : vector<16xf32>
        %neg3A = arith.constant 0.000000e+00 : f32
        %neg3A_836 = vector.broadcast %neg3A : f32 to vector<16xf32>
        %neg3A_837 = arith.subf %neg3A_836, %abs3A : vector<16xf32>
        %exp3A = math.exp %neg3A_837 : vector<16xf32>
        %max3A = arith.constant 0.000000e+00 : f32
        %max3A_838 = vector.broadcast %max3A : f32 to vector<16xf32>
        %max3A_839 = arith.maximumf %select_n3A_828, %max3A_838 : vector<16xf32>
        %mul3A_840 = arith.mulf %select_n3A_828, %get3A_835 : vector<16xf32>
        %sub3A = arith.subf %max3A_839, %mul3A_840 : vector<16xf32>
        %add3A_841 = arith.constant 2.000000e+00 : f32
        %add3A_842 = vector.broadcast %add3A_841 : f32 to vector<16xf32>
        %add3A_843 = arith.addf %add3A_842, %exp3A : vector<16xf32>
        %div3A = arith.divf %exp3A, %add3A_843 : vector<16xf32>
        %mul3A_844 = arith.mulf %div3A, %div3A : vector<16xf32>
        %mul3A_845 = arith.constant 0.111111112 : f32
        %mul3A_846 = vector.broadcast %mul3A_845 : f32 to vector<16xf32>
        %mul3A_847 = arith.mulf %mul3A_844, %mul3A_846 : vector<16xf32>
        %add3A_848 = arith.constant 0.142857149 : f32
        %add3A_849 = vector.broadcast %add3A_848 : f32 to vector<16xf32>
        %add3A_850 = arith.addf %add3A_849, %mul3A_847 : vector<16xf32>
        %mul3A_851 = arith.mulf %mul3A_844, %add3A_850 : vector<16xf32>
        %add3A_852 = arith.constant 2.000000e-01 : f32
        %add3A_853 = vector.broadcast %add3A_852 : f32 to vector<16xf32>
        %add3A_854 = arith.addf %add3A_853, %mul3A_851 : vector<16xf32>
        %mul3A_855 = arith.mulf %mul3A_844, %add3A_854 : vector<16xf32>
        %add3A_856 = arith.constant 0.333333343 : f32
        %add3A_857 = vector.broadcast %add3A_856 : f32 to vector<16xf32>
        %add3A_858 = arith.addf %add3A_857, %mul3A_855 : vector<16xf32>
        %mul3A_859 = arith.mulf %mul3A_844, %add3A_858 : vector<16xf32>
        %add3A_860 = arith.constant 1.000000e+00 : f32
        %add3A_861 = vector.broadcast %add3A_860 : f32 to vector<16xf32>
        %add3A_862 = arith.addf %add3A_861, %mul3A_859 : vector<16xf32>
        %mul3A_863 = arith.constant 2.000000e+00 : f32
        %mul3A_864 = vector.broadcast %mul3A_863 : f32 to vector<16xf32>
        %mul3A_865 = arith.mulf %mul3A_864, %div3A : vector<16xf32>
        %mul3A_866 = arith.mulf %mul3A_865, %add3A_862 : vector<16xf32>
        %add3A_867 = arith.addf %sub3A, %mul3A_866 : vector<16xf32>
        %add3A_868 = arith.addf %scan3A_78, %add3A_867 : vector<16xf32>
        scf.yield %add3A_868 : vector<16xf32>
      }
      %scan3A_76 = arith.constant 4 : i32
      scf.yield %scan3A_75 : vector<16xf32>
    }
    %scan3A_37 = arith.constant 8 : i32
    %swap3A = arith.constant 0 : index
    %swap3A_38 = tpu.vector_load %arg9[%swap3A] {strides = array<i32>} : memref<16xf32, #tpu.memory_space<vmem>>, vector<16xf32>,
    tpu.vector_store %arg9[%swap3A], %scan3A_36 {strides = array<i32>} : memref<16xf32, #tpu.memory_space<vmem>>, vector<16xf32>,
    "tpu.region"() ({
      %run_scoped3A = tpu.sem_alloc : memref<!tpu.dma_semaphore, #tpu.memory_space<semaphore_mem>>
      %dma_start3A_39 = arith.constant 0 : i32
      %dma_start3A_40 = tpu.memref_slice %arg5[%add3A, %dma_start3A_39] : memref<32x16xf32, #tpu.memory_space<hbm>> -> memref<1x16xf32, #tpu.memory_space<hbm>>
      %dma_start3A_41 = tpu.memref_squeeze %dma_start3A_40 : memref<1x16xf32, #tpu.memory_space<hbm>> -> memref<16xf32, #tpu.memory_space<hbm>>
      %dma_start3A_42 = arith.constant 0 : i32
      %dma_start3A_43 = tpu.memref_slice %arg5[%add3A, %dma_start3A_42] : memref<32x16xf32, #tpu.memory_space<hbm>> -> memref<1x16xf32, #tpu.memory_space<hbm>>
      %dma_start3A_44 = tpu.memref_squeeze %dma_start3A_43 : memref<1x16xf32, #tpu.memory_space<hbm>> -> memref<16xf32, #tpu.memory_space<hbm>>
      tpu.enqueue_dma source(%arg9 : memref<16xf32, #tpu.memory_space<vmem>>) target(%dma_start3A_44 : memref<16xf32, #tpu.memory_space<hbm>>) target_semaphore(%run_scoped3A : memref<!tpu.dma_semaphore, #tpu.memory_space<semaphore_mem>>)
      %dma_wait3A = arith.constant 0 : i32
      %dma_wait3A_45 = tpu.memref_slice %arg5[%add3A, %dma_wait3A] : memref<32x16xf32, #tpu.memory_space<hbm>> -> memref<1x16xf32, #tpu.memory_space<hbm>>
      %dma_wait3A_46 = tpu.memref_squeeze %dma_wait3A_45 : memref<1x16xf32, #tpu.memory_space<hbm>> -> memref<16xf32, #tpu.memory_space<hbm>>
      %dma_wait3A_47 = arith.constant 0 : i32
      %dma_wait3A_48 = tpu.memref_slice %arg5[%add3A, %dma_wait3A_47] : memref<32x16xf32, #tpu.memory_space<hbm>> -> memref<1x16xf32, #tpu.memory_space<hbm>>
      %dma_wait3A_49 = tpu.memref_squeeze %dma_wait3A_48 : memref<1x16xf32, #tpu.memory_space<hbm>> -> memref<16xf32, #tpu.memory_space<hbm>>
      tpu.wait_dma2 semaphore(%run_scoped3A : memref<!tpu.dma_semaphore, #tpu.memory_space<semaphore_mem>>) src(%arg9 : memref<16xf32, #tpu.memory_space<vmem>>) dst(%dma_wait3A_49 : memref<16xf32, #tpu.memory_space<hbm>>)
      tpu.yield
    }) : () -> ()
    return
  }
}

#map = affine_map<(d0, d1) -> (0)>
#map1 = affine_map<(d0, d1) -> (0, 0)>
module attributes {stable_mosaic.version = 14 : i64} {
  func.func @_extract_body(%arg0: i32, %arg1: i32, %arg2: memref<16384xi32, #tpu.memory_space<hbm>>, %arg3: memref<16384xi32, #tpu.memory_space<hbm>>, %arg4: memref<64x1000000xf32, #tpu.memory_space<hbm>>, %arg5: memref<64x1000000xf32, #tpu.memory_space<hbm>>, %arg6: memref<16448x128xf32, #tpu.memory_space<hbm>>, %arg7: memref<16448x128xf32, #tpu.memory_space<hbm>>, %arg8: memref<4096xi32, #tpu.memory_space<vmem>>, %arg9: memref<16400xi32, #tpu.memory_space<vmem>>, %arg10: memref<16400xi32, #tpu.memory_space<vmem>>, %arg11: memref<128x512xf32, #tpu.memory_space<vmem>>, %arg12: memref<32x128xf32, #tpu.memory_space<vmem>>, %arg13: memref<32x128xf32, #tpu.memory_space<vmem>>, %arg14: memref<32xi32, #tpu.memory_space<vmem>>, %arg15: memref<32xi32, #tpu.memory_space<vmem>>, %arg16: memref<16xi32, #tpu.memory_space<vmem>>, %arg17: memref<!tpu.dma_semaphore, #tpu.memory_space<semaphore_mem>>, %arg18: memref<!tpu.dma_semaphore, #tpu.memory_space<semaphore_mem>>, %arg19: memref<!tpu.dma_semaphore, #tpu.memory_space<semaphore_mem>>, %arg20: memref<!tpu.dma_semaphore, #tpu.memory_space<semaphore_mem>>) attributes {dimension_semantics = [#tpu.dimension_semantics<core_parallel>, #tpu.dimension_semantics<subcore_parallel>], iteration_bounds = array<i64: 2, 16>, scalar_prefetch = 0 : i64, scratch_operands = 13 : i64, tpu.core_type = #tpu.core_type<sc_vector_subcore>, window_params = [{transform_indices = #map}, {transform_indices = #map}, {transform_indices = #map1}, {transform_indices = #map1}, {transform_indices = #map1}, {transform_indices = #map1}]} {
    %mul3A = arith.constant 2 : i32
    %mul3A_0 = arith.muli %arg1, %mul3A : i32
    %add3A = arith.addi %mul3A_0, %arg0 : i32
    %mul3A_1 = arith.constant 62 : i32
    %mul3A_2 = arith.muli %add3A, %mul3A_1 : i32
    %add3A_3 = arith.constant 62 : i32
    %add3A_4 = arith.addi %mul3A_2, %add3A_3 : i32
    %min3A = arith.constant 1954 : i32
    %min3A_5 = arith.minsi %add3A_4, %min3A : i32
    %mul3A_6 = arith.constant 512 : i32
    %mul3A_7 = arith.muli %mul3A_2, %mul3A_6 : i32
    %mul3A_8 = arith.constant 512 : i32
    %mul3A_9 = arith.muli %min3A_5, %mul3A_8 : i32
    %min3A_10 = arith.constant 1000000 : i32
    %min3A_11 = arith.minsi %mul3A_9, %min3A_10 : i32
    %iota3A = tpu.iota {dimensions = array<i32: 0>} : vector<16xi32>
    %mul3A_12 = arith.constant 2 : i32
    %mul3A_13 = arith.muli %mul3A_12, %add3A : i32
    %add3A_14 = arith.constant 16384 : i32
    %add3A_15 = arith.addi %add3A_14, %mul3A_13 : i32
    %mul3A_16 = arith.constant 512 : i32
    %mul3A_17 = arith.muli %mul3A_2, %mul3A_16 : i32
    %min3A_18 = arith.constant 999552 : i32
    %min3A_19 = arith.minsi %mul3A_17, %min3A_18 : i32
    %dma_start3A = arith.constant 0 : i32
    %dma_start3A_20 = arith.constant 0 : i32
    %dma_start3A_21 = tpu.memref_slice %arg11[%dma_start3A, %dma_start3A_20] : memref<128x512xf32, #tpu.memory_space<vmem>> -> memref<64x512xf32, #tpu.memory_space<vmem>>
    %dma_start3A_22 = arith.constant 0 : i32
    %dma_start3A_23 = tpu.memref_slice %arg4[%dma_start3A_22, %min3A_19] : memref<64x1000000xf32, #tpu.memory_space<hbm>> -> memref<64x512xf32, #tpu.memory_space<hbm>>
    %dma_start3A_24 = arith.constant 0 : i32
    %dma_start3A_25 = arith.constant 0 : i32
    %dma_start3A_26 = tpu.memref_slice %arg11[%dma_start3A_24, %dma_start3A_25] : memref<128x512xf32, #tpu.memory_space<vmem>> -> memref<64x512xf32, #tpu.memory_space<vmem>>
    %dma_start3A_27 = arith.constant 0 : i32
    %dma_start3A_28 = tpu.memref_slice %arg4[%dma_start3A_27, %min3A_19] : memref<64x1000000xf32, #tpu.memory_space<hbm>> -> memref<64x512xf32, #tpu.memory_space<hbm>>
    tpu.enqueue_dma source(%dma_start3A_28 : memref<64x512xf32, #tpu.memory_space<hbm>>) target(%dma_start3A_26 : memref<64x512xf32, #tpu.memory_space<vmem>>) target_semaphore(%arg17 : memref<!tpu.dma_semaphore, #tpu.memory_space<semaphore_mem>>)
    %scan3A = arith.constant 0 : i32
    %scan3A_29 = arith.constant 0 : i32
    %scan3A_30 = arith.constant 0 : i32
    %scan3A_31 = arith.constant 8 : i32
    %scan3A_32 = arith.addi %scan3A_30, %scan3A_31 : i32
    %scan3A_33 = arith.constant 1 : i32
    %scan3A_34:2 = scf.for %scan3A_119 = %scan3A_30 to %scan3A_32 step %scan3A_33 iter_args(%scan3A_120 = %scan3A, %scan3A_121 = %scan3A_29) -> (i32, i32)  : i32 {
      %mul3A_122 = arith.constant 2048 : i32
      %mul3A_123 = arith.muli %scan3A_119, %mul3A_122 : i32
      "tpu.region"() ({
        %run_scoped3A = tpu.sem_alloc : memref<!tpu.dma_semaphore, #tpu.memory_space<semaphore_mem>>
        %dma_start3A_132 = arith.constant 0 : i32
        %dma_start3A_133 = tpu.memref_slice %arg8[%dma_start3A_132] : memref<4096xi32, #tpu.memory_space<vmem>> -> memref<2048xi32, #tpu.memory_space<vmem>>
        %dma_start3A_134 = tpu.memref_slice %arg2[%mul3A_123] : memref<16384xi32, #tpu.memory_space<hbm>> -> memref<2048xi32, #tpu.memory_space<hbm>>
        %dma_start3A_135 = arith.constant 0 : i32
        %dma_start3A_136 = tpu.memref_slice %arg8[%dma_start3A_135] : memref<4096xi32, #tpu.memory_space<vmem>> -> memref<2048xi32, #tpu.memory_space<vmem>>
        %dma_start3A_137 = tpu.memref_slice %arg2[%mul3A_123] : memref<16384xi32, #tpu.memory_space<hbm>> -> memref<2048xi32, #tpu.memory_space<hbm>>
        tpu.enqueue_dma source(%dma_start3A_137 : memref<2048xi32, #tpu.memory_space<hbm>>) target(%dma_start3A_136 : memref<2048xi32, #tpu.memory_space<vmem>>) target_semaphore(%run_scoped3A : memref<!tpu.dma_semaphore, #tpu.memory_space<semaphore_mem>>)
        %dma_wait3A = arith.constant 0 : i32
        %dma_wait3A_138 = tpu.memref_slice %arg8[%dma_wait3A] : memref<4096xi32, #tpu.memory_space<vmem>> -> memref<2048xi32, #tpu.memory_space<vmem>>
        %dma_wait3A_139 = tpu.memref_slice %arg2[%mul3A_123] : memref<16384xi32, #tpu.memory_space<hbm>> -> memref<2048xi32, #tpu.memory_space<hbm>>
        %dma_wait3A_140 = arith.constant 0 : i32
        %dma_wait3A_141 = tpu.memref_slice %arg8[%dma_wait3A_140] : memref<4096xi32, #tpu.memory_space<vmem>> -> memref<2048xi32, #tpu.memory_space<vmem>>
        %dma_wait3A_142 = tpu.memref_slice %arg2[%mul3A_123] : memref<16384xi32, #tpu.memory_space<hbm>> -> memref<2048xi32, #tpu.memory_space<hbm>>
        tpu.wait_dma2 semaphore(%run_scoped3A : memref<!tpu.dma_semaphore, #tpu.memory_space<semaphore_mem>>) src(%dma_wait3A_142 : memref<2048xi32, #tpu.memory_space<hbm>>) dst(%dma_wait3A_141 : memref<2048xi32, #tpu.memory_space<vmem>>)
        tpu.yield
      }) : () -> ()
      %mul3A_124 = arith.constant 2048 : i32
      %mul3A_125 = arith.muli %scan3A_119, %mul3A_124 : i32
      "tpu.region"() ({
        %run_scoped3A = tpu.sem_alloc : memref<!tpu.dma_semaphore, #tpu.memory_space<semaphore_mem>>
        %dma_start3A_132 = arith.constant 2048 : i32
        %dma_start3A_133 = tpu.memref_slice %arg8[%dma_start3A_132] : memref<4096xi32, #tpu.memory_space<vmem>> -> memref<2048xi32, #tpu.memory_space<vmem>>
        %dma_start3A_134 = tpu.memref_slice %arg3[%mul3A_125] : memref<16384xi32, #tpu.memory_space<hbm>> -> memref<2048xi32, #tpu.memory_space<hbm>>
        %dma_start3A_135 = arith.constant 2048 : i32
        %dma_start3A_136 = tpu.memref_slice %arg8[%dma_start3A_135] : memref<4096xi32, #tpu.memory_space<vmem>> -> memref<2048xi32, #tpu.memory_space<vmem>>
        %dma_start3A_137 = tpu.memref_slice %arg3[%mul3A_125] : memref<16384xi32, #tpu.memory_space<hbm>> -> memref<2048xi32, #tpu.memory_space<hbm>>
        tpu.enqueue_dma source(%dma_start3A_137 : memref<2048xi32, #tpu.memory_space<hbm>>) target(%dma_start3A_136 : memref<2048xi32, #tpu.memory_space<vmem>>) target_semaphore(%run_scoped3A : memref<!tpu.dma_semaphore, #tpu.memory_space<semaphore_mem>>)
        %dma_wait3A = arith.constant 2048 : i32
        %dma_wait3A_138 = tpu.memref_slice %arg8[%dma_wait3A] : memref<4096xi32, #tpu.memory_space<vmem>> -> memref<2048xi32, #tpu.memory_space<vmem>>
        %dma_wait3A_139 = tpu.memref_slice %arg3[%mul3A_125] : memref<16384xi32, #tpu.memory_space<hbm>> -> memref<2048xi32, #tpu.memory_space<hbm>>
        %dma_wait3A_140 = arith.constant 2048 : i32
        %dma_wait3A_141 = tpu.memref_slice %arg8[%dma_wait3A_140] : memref<4096xi32, #tpu.memory_space<vmem>> -> memref<2048xi32, #tpu.memory_space<vmem>>
        %dma_wait3A_142 = tpu.memref_slice %arg3[%mul3A_125] : memref<16384xi32, #tpu.memory_space<hbm>> -> memref<2048xi32, #tpu.memory_space<hbm>>
        tpu.wait_dma2 semaphore(%run_scoped3A : memref<!tpu.dma_semaphore, #tpu.memory_space<semaphore_mem>>) src(%dma_wait3A_142 : memref<2048xi32, #tpu.memory_space<hbm>>) dst(%dma_wait3A_141 : memref<2048xi32, #tpu.memory_space<vmem>>)
        tpu.yield
      }) : () -> ()
      %scan3A_126 = arith.constant 0 : i32
      %scan3A_127 = arith.constant 128 : i32
      %scan3A_128 = arith.addi %scan3A_126, %scan3A_127 : i32
      %scan3A_129 = arith.constant 1 : i32
      %scan3A_130:2 = scf.for %scan3A_132 = %scan3A_126 to %scan3A_128 step %scan3A_129 iter_args(%scan3A_133 = %scan3A_120, %scan3A_134 = %scan3A_121) -> (i32, i32)  : i32 {
        %mul3A_135 = arith.constant 2048 : i32
        %mul3A_136 = arith.muli %scan3A_119, %mul3A_135 : i32
        %mul3A_137 = arith.constant 16 : i32
        %mul3A_138 = arith.muli %scan3A_132, %mul3A_137 : i32
        %add3A_139 = arith.addi %mul3A_136, %mul3A_138 : i32
        %add3A_140 = vector.broadcast %add3A_139 : i32 to vector<16xi32>
        %add3A_141 = arith.addi %add3A_140, %iota3A : vector<16xi32>
        %mul3A_142 = arith.constant 16 : i32
        %mul3A_143 = arith.muli %scan3A_132, %mul3A_142 : i32
        %get3A = arith.index_cast %mul3A_143 : i32 to index
        %get3A_144 = tpu.vector_load %arg8[%get3A] {strides = array<i32>} : memref<4096xi32, #tpu.memory_space<vmem>>, vector<16xi32>,
        %mul3A_145 = arith.constant 16 : i32
        %mul3A_146 = arith.muli %scan3A_132, %mul3A_145 : i32
        %add3A_147 = arith.constant 2048 : i32
        %add3A_148 = arith.addi %add3A_147, %mul3A_146 : i32
        %get3A_149 = arith.index_cast %add3A_148 : i32 to index
        %get3A_150 = tpu.vector_load %arg8[%get3A_149] {strides = array<i32>} : memref<4096xi32, #tpu.memory_space<vmem>>, vector<16xi32>,
        %ge3A_151 = vector.broadcast %mul3A_7 : i32 to vector<16xi32>
        %ge3A_152 = arith.cmpi sge, %get3A_144, %ge3A_151 : vector<16xi32>
        %lt3A = vector.broadcast %min3A_11 : i32 to vector<16xi32>
        %lt3A_153 = arith.cmpi slt, %get3A_144, %lt3A : vector<16xi32>
        %and3A_154 = arith.andi %ge3A_152, %lt3A_153 : vector<16xi1>
        %ge3A_155 = vector.broadcast %mul3A_7 : i32 to vector<16xi32>
        %ge3A_156 = arith.cmpi sge, %get3A_150, %ge3A_155 : vector<16xi32>
        %lt3A_157 = vector.broadcast %min3A_11 : i32 to vector<16xi32>
        %lt3A_158 = arith.cmpi slt, %get3A_150, %lt3A_157 : vector<16xi32>
        %and3A_159 = arith.andi %ge3A_156, %lt3A_158 : vector<16xi1>
        %shift_right_arithmetic3A_160 = arith.constant 9 : i32
        %shift_right_arithmetic3A_161 = vector.broadcast %shift_right_arithmetic3A_160 : i32 to vector<16xi32>
        %shift_right_arithmetic3A_162 = arith.shrsi %get3A_144, %shift_right_arithmetic3A_161 : vector<16xi32>
        %sub3A_163 = vector.broadcast %mul3A_2 : i32 to vector<16xi32>
        %sub3A_164 = arith.subi %shift_right_arithmetic3A_162, %sub3A_163 : vector<16xi32>
        %shift_left3A = arith.constant 23 : i32
        %shift_left3A_165 = vector.broadcast %shift_left3A : i32 to vector<16xi32>
        %shift_left3A_166 = arith.shli %sub3A_164, %shift_left3A_165 : vector<16xi32>
        %and3A_167 = arith.constant 511 : i32
        %and3A_168 = vector.broadcast %and3A_167 : i32 to vector<16xi32>
        %and3A_169 = arith.andi %get3A_144, %and3A_168 : vector<16xi32>
        %shift_left3A_170 = arith.constant 14 : i32
        %shift_left3A_171 = vector.broadcast %shift_left3A_170 : i32 to vector<16xi32>
        %shift_left3A_172 = arith.shli %and3A_169, %shift_left3A_171 : vector<16xi32>
        %or3A = arith.ori %shift_left3A_166, %shift_left3A_172 : vector<16xi32>
        %or3A_173 = arith.ori %or3A, %add3A_141 : vector<16xi32>
        %swap3A_174 = arith.index_cast %scan3A_133 : i32 to index
        %swap3A_175 = tpu.vector_load %arg9[%swap3A_174] masked %and3A_154 {strides = array<i32>} : memref<16400xi32, #tpu.memory_space<vmem>>, vector<16xi32>, vector<16xi1>
        tpu.vector_store %arg9[%swap3A_174], %or3A_173 masked %and3A_154 {strides = array<i32>} : memref<16400xi32, #tpu.memory_space<vmem>>, vector<16xi32>, vector<16xi1>
        %shift_right_arithmetic3A_176 = arith.constant 9 : i32
        %shift_right_arithmetic3A_177 = vector.broadcast %shift_right_arithmetic3A_176 : i32 to vector<16xi32>
        %shift_right_arithmetic3A_178 = arith.shrsi %get3A_150, %shift_right_arithmetic3A_177 : vector<16xi32>
        %sub3A_179 = vector.broadcast %mul3A_2 : i32 to vector<16xi32>
        %sub3A_180 = arith.subi %shift_right_arithmetic3A_178, %sub3A_179 : vector<16xi32>
        %shift_left3A_181 = arith.constant 23 : i32
        %shift_left3A_182 = vector.broadcast %shift_left3A_181 : i32 to vector<16xi32>
        %shift_left3A_183 = arith.shli %sub3A_180, %shift_left3A_182 : vector<16xi32>
        %and3A_184 = arith.constant 511 : i32
        %and3A_185 = vector.broadcast %and3A_184 : i32 to vector<16xi32>
        %and3A_186 = arith.andi %get3A_150, %and3A_185 : vector<16xi32>
        %shift_left3A_187 = arith.constant 14 : i32
        %shift_left3A_188 = vector.broadcast %shift_left3A_187 : i32 to vector<16xi32>
        %shift_left3A_189 = arith.shli %and3A_186, %shift_left3A_188 : vector<16xi32>
        %or3A_190 = arith.ori %shift_left3A_183, %shift_left3A_189 : vector<16xi32>
        %or3A_191 = arith.ori %or3A_190, %add3A_141 : vector<16xi32>
        %swap3A_192 = arith.index_cast %scan3A_134 : i32 to index
        %swap3A_193 = tpu.vector_load %arg10[%swap3A_192] masked %and3A_159 {strides = array<i32>} : memref<16400xi32, #tpu.memory_space<vmem>>, vector<16xi32>, vector<16xi1>
        tpu.vector_store %arg10[%swap3A_192], %or3A_191 masked %and3A_159 {strides = array<i32>} : memref<16400xi32, #tpu.memory_space<vmem>>, vector<16xi32>, vector<16xi1>
        %all_reduce_population_count3A = tpu.all_reduce %and3A_154 {dim = 0 : i64, kind = #tpu.reduction_kind<sum>} : vector<16xi1> -> vector<16xi32>
        %slice3A = vector.extract_strided_slice %all_reduce_population_count3A {offsets = [0], sizes = [1], strides = [1]} : vector<16xi32> to vector<1xi32>
        %squeeze3A = vector.extract %slice3A[0] : i32 from vector<1xi32>
        %add3A_194 = arith.addi %scan3A_133, %squeeze3A : i32
        %all_reduce_population_count3A_195 = tpu.all_reduce %and3A_159 {dim = 0 : i64, kind = #tpu.reduction_kind<sum>} : vector<16xi1> -> vector<16xi32>
        %slice3A_196 = vector.extract_strided_slice %all_reduce_population_count3A_195 {offsets = [0], sizes = [1], strides = [1]} : vector<16xi32> to vector<1xi32>
        %squeeze3A_197 = vector.extract %slice3A_196[0] : i32 from vector<1xi32>
        %add3A_198 = arith.addi %scan3A_134, %squeeze3A_197 : i32
        scf.yield %add3A_194, %add3A_198 : i32, i32
      }
      %scan3A_131 = arith.constant 128 : i32
      scf.yield %scan3A_130#0, %scan3A_130#1 : i32, i32
    }
    %scan3A_35 = arith.constant 8 : i32
    %broadcast_in_dim3A = arith.constant -1 : i32
    %broadcast_in_dim3A_36 = vector.broadcast %broadcast_in_dim3A : i32 to vector<16xi32>
    %swap3A = arith.index_cast %scan3A_34#0 : i32 to index
    %swap3A_37 = tpu.vector_load %arg9[%swap3A] {strides = array<i32>} : memref<16400xi32, #tpu.memory_space<vmem>>, vector<16xi32>,
    tpu.vector_store %arg9[%swap3A], %broadcast_in_dim3A_36 {strides = array<i32>} : memref<16400xi32, #tpu.memory_space<vmem>>, vector<16xi32>,
    %swap3A_38 = arith.index_cast %scan3A_34#1 : i32 to index
    %swap3A_39 = tpu.vector_load %arg10[%swap3A_38] {strides = array<i32>} : memref<16400xi32, #tpu.memory_space<vmem>>, vector<16xi32>,
    tpu.vector_store %arg10[%swap3A_38], %broadcast_in_dim3A_36 {strides = array<i32>} : memref<16400xi32, #tpu.memory_space<vmem>>, vector<16xi32>,
    %while3A = arith.constant 0 : i32
    %while3A_40 = arith.subi %min3A_5, %mul3A_2 : i32
    %while3A_41 = arith.addi %mul3A_2, %while3A_40 : i32
    %while3A_42 = arith.constant 1 : i32
    %while3A_43 = arith.divsi %while3A_40, %while3A_42 : i32
    %while3A_44 = arith.muli %while3A_43, %while3A_42 : i32
    %while3A_45 = arith.addi %mul3A_2, %while3A_44 : i32
    %while3A_46 = arith.constant 1 : i32
    %while3A_47 = scf.for %while3A_119 = %mul3A_2 to %while3A_45 step %while3A_46 iter_args(%while3A_120 = %while3A) -> (i32)  : i32 {
      %sub3A_121 = arith.subi %while3A_119, %mul3A_2 : i32
      %rem3A = arith.constant 2 : i32
      %rem3A_122 = arith.remsi %sub3A_121, %rem3A : i32
      %sub3A_123 = arith.subi %while3A_119, %mul3A_2 : i32
      %mul3A_124 = arith.constant 512 : i32
      %mul3A_125 = arith.muli %while3A_119, %mul3A_124 : i32
      %mul3A_126 = arith.constant 512 : i32
      %mul3A_127 = arith.muli %while3A_119, %mul3A_126 : i32
      %min3A_128 = arith.constant 999552 : i32
      %min3A_129 = arith.minsi %mul3A_127, %min3A_128 : i32
      %sub3A_130 = arith.subi %mul3A_125, %min3A_129 : i32
      %add3A_131 = arith.constant 1 : i32
      %add3A_132 = arith.addi %while3A_119, %add3A_131 : i32
      %lt3A = arith.cmpi slt, %add3A_132, %min3A_5 : i32
      %convert_element_type3A_133 = arith.extui %lt3A : i1 to i32
      %cond3A_134 = arith.constant 0 : i32
      %cond3A_135 = arith.cmpi ne, %convert_element_type3A_133, %cond3A_134 : i32
      scf.if %cond3A_135 {
        %sub3A_184 = arith.constant 1 : i32
        %sub3A_185 = arith.subi %sub3A_184, %rem3A_122 : i32
        %mul3A_186 = arith.constant 512 : i32
        %mul3A_187 = arith.muli %add3A_132, %mul3A_186 : i32
        %min3A_188 = arith.constant 999552 : i32
        %min3A_189 = arith.minsi %mul3A_187, %min3A_188 : i32
        %mul3A_190 = arith.constant 64 : i32
        %mul3A_191 = arith.muli %sub3A_185, %mul3A_190 : i32
        %dma_start3A_192 = arith.constant 0 : i32
        %dma_start3A_193 = tpu.memref_slice %arg11[%mul3A_191, %dma_start3A_192] : memref<128x512xf32, #tpu.memory_space<vmem>> -> memref<64x512xf32, #tpu.memory_space<vmem>>
        %dma_start3A_194 = arith.constant 0 : i32
        %dma_start3A_195 = tpu.memref_slice %arg4[%dma_start3A_194, %min3A_189] : memref<64x1000000xf32, #tpu.memory_space<hbm>> -> memref<64x512xf32, #tpu.memory_space<hbm>>
        %dma_start3A_196 = arith.constant 0 : i32
        %dma_start3A_197 = tpu.memref_slice %arg11[%mul3A_191, %dma_start3A_196] : memref<128x512xf32, #tpu.memory_space<vmem>> -> memref<64x512xf32, #tpu.memory_space<vmem>>
        %dma_start3A_198 = arith.constant 0 : i32
        %dma_start3A_199 = tpu.memref_slice %arg4[%dma_start3A_198, %min3A_189] : memref<64x1000000xf32, #tpu.memory_space<hbm>> -> memref<64x512xf32, #tpu.memory_space<hbm>>
        tpu.enqueue_dma source(%dma_start3A_199 : memref<64x512xf32, #tpu.memory_space<hbm>>) target(%dma_start3A_197 : memref<64x512xf32, #tpu.memory_space<vmem>>) target_semaphore(%arg17 : memref<!tpu.dma_semaphore, #tpu.memory_space<semaphore_mem>>)
      } else {
      }
      %mul3A_136 = arith.constant 512 : i32
      %mul3A_137 = arith.muli %while3A_119, %mul3A_136 : i32
      %min3A_138 = arith.constant 999552 : i32
      %min3A_139 = arith.minsi %mul3A_137, %min3A_138 : i32
      %mul3A_140 = arith.constant 64 : i32
      %mul3A_141 = arith.muli %rem3A_122, %mul3A_140 : i32
      %dma_wait3A = arith.constant 0 : i32
      %dma_wait3A_142 = tpu.memref_slice %arg11[%mul3A_141, %dma_wait3A] : memref<128x512xf32, #tpu.memory_space<vmem>> -> memref<64x512xf32, #tpu.memory_space<vmem>>
      %dma_wait3A_143 = arith.constant 0 : i32
      %dma_wait3A_144 = tpu.memref_slice %arg4[%dma_wait3A_143, %min3A_139] : memref<64x1000000xf32, #tpu.memory_space<hbm>> -> memref<64x512xf32, #tpu.memory_space<hbm>>
      %dma_wait3A_145 = arith.constant 0 : i32
      %dma_wait3A_146 = tpu.memref_slice %arg11[%mul3A_141, %dma_wait3A_145] : memref<128x512xf32, #tpu.memory_space<vmem>> -> memref<64x512xf32, #tpu.memory_space<vmem>>
      %dma_wait3A_147 = arith.constant 0 : i32
      %dma_wait3A_148 = tpu.memref_slice %arg4[%dma_wait3A_147, %min3A_139] : memref<64x1000000xf32, #tpu.memory_space<hbm>> -> memref<64x512xf32, #tpu.memory_space<hbm>>
      tpu.wait_dma2 semaphore(%arg17 : memref<!tpu.dma_semaphore, #tpu.memory_space<semaphore_mem>>) src(%dma_wait3A_148 : memref<64x512xf32, #tpu.memory_space<hbm>>) dst(%dma_wait3A_146 : memref<64x512xf32, #tpu.memory_space<vmem>>)
      %add3A_149 = arith.constant 16 : i32
      %add3A_150 = arith.addi %scan3A_34#0, %add3A_149 : i32
      %sub3A_151 = arith.constant 1 : i32
      %sub3A_152 = arith.subi %add3A_150, %sub3A_151 : i32
      %jit3A = arith.constant 16 : i32
      %div3A = arith.divsi %sub3A_152, %jit3A : i32
      %sign3A = arith.constant 0 : i32
      %sign3A_153 = arith.cmpi sgt, %sub3A_152, %sign3A : i32
      %sign3A_154 = arith.extui %sign3A_153 : i1 to i32
      %sign3A_155 = arith.constant 0 : i32
      %sign3A_156 = arith.cmpi slt, %sub3A_152, %sign3A_155 : i32
      %sign3A_157 = arith.extui %sign3A_156 : i1 to i32
      %sign3A_158 = arith.subi %sign3A_154, %sign3A_157 : i32
      %sign3A_159 = arith.constant 0 : i32
      %sign3A_160 = arith.cmpi sgt, %jit3A, %sign3A_159 : i32
      %sign3A_161 = arith.extui %sign3A_160 : i1 to i32
      %sign3A_162 = arith.constant 0 : i32
      %sign3A_163 = arith.cmpi slt, %jit3A, %sign3A_162 : i32
      %sign3A_164 = arith.extui %sign3A_163 : i1 to i32
      %sign3A_165 = arith.subi %sign3A_161, %sign3A_164 : i32
      %ne3A_166 = arith.cmpi ne, %sign3A_158, %sign3A_165 : i32
      %rem3A_167 = arith.remsi %sub3A_152, %jit3A : i32
      %ne3A_168 = arith.constant 0 : i32
      %ne3A_169 = arith.cmpi ne, %rem3A_167, %ne3A_168 : i32
      %and3A_170 = arith.andi %ne3A_166, %ne3A_169 : i1
      %sub3A_171 = arith.constant 1 : i32
      %sub3A_172 = arith.subi %div3A, %sub3A_171 : i32
      %select_n3A = arith.select %and3A_170, %sub3A_172, %div3A : i32
      %while3A_173 = arith.constant 0 : i32
      %while3A_174 = arith.subi %select_n3A, %while3A_173 : i32
      %while3A_175 = arith.addi %while3A_173, %while3A_174 : i32
      %while3A_176 = arith.constant 1 : i32
      %while3A_177 = arith.divsi %while3A_174, %while3A_176 : i32
      %while3A_178 = arith.muli %while3A_177, %while3A_176 : i32
      %while3A_179 = arith.addi %while3A_173, %while3A_178 : i32
      %while3A_180 = arith.constant 1 : i32
      %while3A_181 = scf.for %while3A_184 = %while3A_173 to %while3A_179 step %while3A_180 iter_args(%while3A_185 = %while3A_120) -> (i32)  : i32 {
        %mul3A_186 = arith.constant 16 : i32
        %mul3A_187 = arith.muli %while3A_184, %mul3A_186 : i32
        %get3A = arith.index_cast %mul3A_187 : i32 to index
        %get3A_188 = tpu.vector_load %arg9[%get3A] {strides = array<i32>} : memref<16400xi32, #tpu.memory_space<vmem>>, vector<16xi32>,
        %shift_right_arithmetic3A_189 = arith.constant 23 : i32
        %shift_right_arithmetic3A_190 = vector.broadcast %shift_right_arithmetic3A_189 : i32 to vector<16xi32>
        %shift_right_arithmetic3A_191 = arith.shrsi %get3A_188, %shift_right_arithmetic3A_190 : vector<16xi32>
        %eq3A = vector.broadcast %sub3A_123 : i32 to vector<16xi32>
        %eq3A_192 = arith.cmpi eq, %shift_right_arithmetic3A_191, %eq3A : vector<16xi32>
        %swap3A_193 = arith.constant 0 : index
        %swap3A_194 = tpu.vector_load %arg16[%swap3A_193] masked %eq3A_192 {strides = array<i32>} : memref<16xi32, #tpu.memory_space<vmem>>, vector<16xi32>, vector<16xi1>
        tpu.vector_store %arg16[%swap3A_193], %get3A_188 masked %eq3A_192 {strides = array<i32>} : memref<16xi32, #tpu.memory_space<vmem>>, vector<16xi32>, vector<16xi1>
        %all_reduce_population_count3A = tpu.all_reduce %eq3A_192 {dim = 0 : i64, kind = #tpu.reduction_kind<sum>} : vector<16xi1> -> vector<16xi32>
        %slice3A = vector.extract_strided_slice %all_reduce_population_count3A {offsets = [0], sizes = [1], strides = [1]} : vector<16xi32> to vector<1xi32>
        %squeeze3A = vector.extract %slice3A[0] : i32 from vector<1xi32>
        %while3A_195 = arith.constant 0 : i32
        %while3A_196 = arith.subi %squeeze3A, %while3A_195 : i32
        %while3A_197 = arith.addi %while3A_195, %while3A_196 : i32
        %while3A_198 = arith.constant 1 : i32
        %while3A_199 = arith.divsi %while3A_196, %while3A_198 : i32
        %while3A_200 = arith.muli %while3A_199, %while3A_198 : i32
        %while3A_201 = arith.addi %while3A_195, %while3A_200 : i32
        %while3A_202 = arith.constant 1 : i32
        %while3A_203 = scf.for %while3A_206 = %while3A_195 to %while3A_201 step %while3A_202 iter_args(%while3A_207 = %while3A_185) -> (i32)  : i32 {
          %and3A_208 = arith.constant 15 : i32
          %and3A_209 = arith.andi %while3A_207, %and3A_208 : i32
          %shift_right_arithmetic3A_210 = arith.constant 4 : i32
          %shift_right_arithmetic3A_211 = arith.shrsi %while3A_207, %shift_right_arithmetic3A_210 : i32
          %and3A_212 = arith.constant 1 : i32
          %and3A_213 = arith.andi %shift_right_arithmetic3A_211, %and3A_212 : i32
          %eq3A_214 = arith.constant 0 : i32
          %eq3A_215 = arith.cmpi eq, %and3A_209, %eq3A_214 : i32
          %ge3A_216 = arith.constant 32 : i32
          %ge3A_217 = arith.cmpi sge, %while3A_207, %ge3A_216 : i32
          %and3A_218 = arith.andi %eq3A_215, %ge3A_217 : i1
          %convert_element_type3A_219 = arith.extui %and3A_218 : i1 to i32
          %cond3A_220 = arith.constant 0 : i32
          %cond3A_221 = arith.cmpi ne, %convert_element_type3A_219, %cond3A_220 : i32
          scf.if %cond3A_221 {
            %mul3A_304 = arith.constant 16 : i32
            %mul3A_305 = arith.muli %and3A_213, %mul3A_304 : i32
            %get3A_306 = arith.index_cast %mul3A_305 : i32 to index
            %get3A_307 = tpu.vector_load %arg14[%get3A_306] {strides = array<i32>} : memref<32xi32, #tpu.memory_space<vmem>>, vector<16xi32>,
            %mul3A_308 = arith.constant 16 : i32
            %mul3A_309 = arith.muli %and3A_213, %mul3A_308 : i32
            %dma_wait3A_310 = arith.constant 0 : i32
            %dma_wait3A_311 = tpu.memref_slice %arg12[%mul3A_309, %dma_wait3A_310] : memref<32x128xf32, #tpu.memory_space<vmem>> -> memref<16x128xf32, #tpu.memory_space<vmem>>
            %dma_wait3A_312 = arith.constant 0 : i32
            %dma_wait3A_313 = arith.constant 0 : i32
            %dma_wait3A_314 = tpu.memref_slice %arg6[%dma_wait3A_312, %dma_wait3A_313] : memref<16448x128xf32, #tpu.memory_space<hbm>> -> memref<16448x128xf32, #tpu.memory_space<hbm>>
            tpu.wait_indirect_dma semaphore(%arg19 : memref<!tpu.dma_semaphore, #tpu.memory_space<semaphore_mem>>) src(%dma_wait3A_311 : memref<16x128xf32, #tpu.memory_space<vmem>>) dst(%dma_wait3A_314 : memref<16448x128xf32, #tpu.memory_space<hbm>>)
          } else {
          }
          %broadcast_in_dim3A_222 = vector.broadcast %while3A_206 : i32 to vector<16xi32>
          %gather3A = arith.constant 0 : i32
          %gather3A_223 = tpu.memref_slice %arg16[%gather3A] : memref<16xi32, #tpu.memory_space<vmem>> -> memref<16xi32, #tpu.memory_space<vmem>>
          %gather3A_224 = tpu.vector_load_idx %gather3A_223[%broadcast_in_dim3A_222] : memref<16xi32, #tpu.memory_space<vmem>>[vector<16xi32>], vector<16xi32>,
          %slice3A_225 = vector.extract_strided_slice %gather3A_224 {offsets = [0], sizes = [1], strides = [1]} : vector<16xi32> to vector<1xi32>
          %squeeze3A_226 = vector.extract %slice3A_225[0] : i32 from vector<1xi32>
          %shift_right_arithmetic3A_227 = arith.constant 14 : i32
          %shift_right_arithmetic3A_228 = arith.shrsi %squeeze3A_226, %shift_right_arithmetic3A_227 : i32
          %and3A_229 = arith.constant 511 : i32
          %and3A_230 = arith.andi %shift_right_arithmetic3A_228, %and3A_229 : i32
          %add3A_231 = arith.addi %and3A_230, %sub3A_130 : i32
          %broadcast_in_dim3A_232 = vector.broadcast %add3A_231 : i32 to vector<16xi32>
          %and3A_233 = arith.constant 16383 : i32
          %and3A_234 = arith.andi %squeeze3A_226, %and3A_233 : i32
          %mul3A_235 = arith.constant 64 : i32
          %mul3A_236 = arith.muli %rem3A_122, %mul3A_235 : i32
          %add3A_237 = arith.constant 0 : i32
          %add3A_238 = arith.addi %mul3A_236, %add3A_237 : i32
          %add3A_239 = vector.broadcast %add3A_238 : i32 to vector<16xi32>
          %add3A_240 = arith.addi %add3A_239, %iota3A : vector<16xi32>
          %gather3A_241 = tpu.vector_load_idx %arg11[%add3A_240, %broadcast_in_dim3A_232] : memref<128x512xf32, #tpu.memory_space<vmem>>[vector<16xi32>, vector<16xi32>], vector<16xf32>,
          %and3A_242 = arith.constant 31 : i32
          %and3A_243 = arith.andi %while3A_207, %and3A_242 : i32
          %swap3A_244 = arith.index_cast %and3A_243 : i32 to index
          %swap3A_245 = arith.constant 0 : index
          %swap3A_246 = tpu.vector_load %arg12[%swap3A_244, %swap3A_245] {strides = array<i32>} : memref<32x128xf32, #tpu.memory_space<vmem>>, vector<16xf32>,
          tpu.vector_store %arg12[%swap3A_244, %swap3A_245], %gather3A_241 {strides = array<i32>} : memref<32x128xf32, #tpu.memory_space<vmem>>, vector<16xf32>,
          %mul3A_247 = arith.constant 64 : i32
          %mul3A_248 = arith.muli %rem3A_122, %mul3A_247 : i32
          %add3A_249 = arith.constant 16 : i32
          %add3A_250 = arith.addi %mul3A_248, %add3A_249 : i32
          %add3A_251 = vector.broadcast %add3A_250 : i32 to vector<16xi32>
          %add3A_252 = arith.addi %add3A_251, %iota3A : vector<16xi32>
          %gather3A_253 = tpu.vector_load_idx %arg11[%add3A_252, %broadcast_in_dim3A_232] : memref<128x512xf32, #tpu.memory_space<vmem>>[vector<16xi32>, vector<16xi32>], vector<16xf32>,
          %and3A_254 = arith.constant 31 : i32
          %and3A_255 = arith.andi %while3A_207, %and3A_254 : i32
          %swap3A_256 = arith.index_cast %and3A_255 : i32 to index
          %swap3A_257 = arith.constant 16 : index
          %swap3A_258 = tpu.vector_load %arg12[%swap3A_256, %swap3A_257] {strides = array<i32>} : memref<32x128xf32, #tpu.memory_space<vmem>>, vector<16xf32>,
          tpu.vector_store %arg12[%swap3A_256, %swap3A_257], %gather3A_253 {strides = array<i32>} : memref<32x128xf32, #tpu.memory_space<vmem>>, vector<16xf32>,
          %mul3A_259 = arith.constant 64 : i32
          %mul3A_260 = arith.muli %rem3A_122, %mul3A_259 : i32
          %add3A_261 = arith.constant 32 : i32
          %add3A_262 = arith.addi %mul3A_260, %add3A_261 : i32
          %add3A_263 = vector.broadcast %add3A_262 : i32 to vector<16xi32>
          %add3A_264 = arith.addi %add3A_263, %iota3A : vector<16xi32>
          %gather3A_265 = tpu.vector_load_idx %arg11[%add3A_264, %broadcast_in_dim3A_232] : memref<128x512xf32, #tpu.memory_space<vmem>>[vector<16xi32>, vector<16xi32>], vector<16xf32>,
          %and3A_266 = arith.constant 31 : i32
          %and3A_267 = arith.andi %while3A_207, %and3A_266 : i32
          %swap3A_268 = arith.index_cast %and3A_267 : i32 to index
          %swap3A_269 = arith.constant 32 : index
          %swap3A_270 = tpu.vector_load %arg12[%swap3A_268, %swap3A_269] {strides = array<i32>} : memref<32x128xf32, #tpu.memory_space<vmem>>, vector<16xf32>,
          tpu.vector_store %arg12[%swap3A_268, %swap3A_269], %gather3A_265 {strides = array<i32>} : memref<32x128xf32, #tpu.memory_space<vmem>>, vector<16xf32>,
          %mul3A_271 = arith.constant 64 : i32
          %mul3A_272 = arith.muli %rem3A_122, %mul3A_271 : i32
          %add3A_273 = arith.constant 48 : i32
          %add3A_274 = arith.addi %mul3A_272, %add3A_273 : i32
          %add3A_275 = vector.broadcast %add3A_274 : i32 to vector<16xi32>
          %add3A_276 = arith.addi %add3A_275, %iota3A : vector<16xi32>
          %gather3A_277 = tpu.vector_load_idx %arg11[%add3A_276, %broadcast_in_dim3A_232] : memref<128x512xf32, #tpu.memory_space<vmem>>[vector<16xi32>, vector<16xi32>], vector<16xf32>,
          %and3A_278 = arith.constant 31 : i32
          %and3A_279 = arith.andi %while3A_207, %and3A_278 : i32
          %swap3A_280 = arith.index_cast %and3A_279 : i32 to index
          %swap3A_281 = arith.constant 48 : index
          %swap3A_282 = tpu.vector_load %arg12[%swap3A_280, %swap3A_281] {strides = array<i32>} : memref<32x128xf32, #tpu.memory_space<vmem>>, vector<16xf32>,
          tpu.vector_store %arg12[%swap3A_280, %swap3A_281], %gather3A_277 {strides = array<i32>} : memref<32x128xf32, #tpu.memory_space<vmem>>, vector<16xf32>,
          %eq3A_283 = vector.broadcast %and3A_209 : i32 to vector<16xi32>
          %eq3A_284 = arith.cmpi eq, %iota3A, %eq3A_283 : vector<16xi32>
          %mul3A_285 = arith.constant 16 : i32
          %mul3A_286 = arith.muli %and3A_213, %mul3A_285 : i32
          %get3A_287 = arith.index_cast %mul3A_286 : i32 to index
          %get3A_288 = tpu.vector_load %arg14[%get3A_287] {strides = array<i32>} : memref<32xi32, #tpu.memory_space<vmem>>, vector<16xi32>,
          %broadcast_in_dim3A_289 = vector.broadcast %and3A_234 : i32 to vector<16xi32>
          %select_n3A_290 = arith.select %eq3A_284, %broadcast_in_dim3A_289, %get3A_288 : vector<16xi1>, vector<16xi32>
          %mul3A_291 = arith.constant 16 : i32
          %mul3A_292 = arith.muli %and3A_213, %mul3A_291 : i32
          %swap3A_293 = arith.index_cast %mul3A_292 : i32 to index
          %swap3A_294 = tpu.vector_load %arg14[%swap3A_293] {strides = array<i32>} : memref<32xi32, #tpu.memory_space<vmem>>, vector<16xi32>,
          tpu.vector_store %arg14[%swap3A_293], %select_n3A_290 {strides = array<i32>} : memref<32xi32, #tpu.memory_space<vmem>>, vector<16xi32>,
          %add3A_295 = arith.constant 1 : i32
          %add3A_296 = arith.addi %while3A_207, %add3A_295 : i32
          %and3A_297 = arith.constant 15 : i32
          %and3A_298 = arith.andi %add3A_296, %and3A_297 : i32
          %eq3A_299 = arith.constant 0 : i32
          %eq3A_300 = arith.cmpi eq, %and3A_298, %eq3A_299 : i32
          %convert_element_type3A_301 = arith.extui %eq3A_300 : i1 to i32
          %cond3A_302 = arith.constant 0 : i32
          %cond3A_303 = arith.cmpi ne, %convert_element_type3A_301, %cond3A_302 : i32
          scf.if %cond3A_303 {
            %mul3A_304 = arith.constant 16 : i32
            %mul3A_305 = arith.muli %and3A_213, %mul3A_304 : i32
            %dma_start3A_306 = arith.constant 0 : i32
            %dma_start3A_307 = tpu.memref_slice %arg12[%mul3A_305, %dma_start3A_306] : memref<32x128xf32, #tpu.memory_space<vmem>> -> memref<16x128xf32, #tpu.memory_space<vmem>>
            %dma_start3A_308 = arith.constant 0 : i32
            %dma_start3A_309 = arith.constant 0 : i32
            %dma_start3A_310 = tpu.memref_slice %arg6[%dma_start3A_308, %dma_start3A_309] : memref<16448x128xf32, #tpu.memory_space<hbm>> -> memref<16448x128xf32, #tpu.memory_space<hbm>>
            tpu.enqueue_indirect_dma source(%dma_start3A_307 : memref<16x128xf32, #tpu.memory_space<vmem>>) target(%dma_start3A_310 : memref<16448x128xf32, #tpu.memory_space<hbm>>) offsets(%select_n3A_290 : vector<16xi32>) semaphore(%arg19 : memref<!tpu.dma_semaphore, #tpu.memory_space<semaphore_mem>>)
          } else {
          }
          scf.yield %add3A_296 : i32
        }
        %while3A_204 = arith.constant 1 : i32
        %while3A_205 = scf.for %while3A_206 = %while3A_201 to %while3A_197 step %while3A_204 iter_args(%while3A_207 = %while3A_203) -> (i32)  : i32 {
          %and3A_208 = arith.constant 15 : i32
          %and3A_209 = arith.andi %while3A_207, %and3A_208 : i32
          %shift_right_arithmetic3A_210 = arith.constant 4 : i32
          %shift_right_arithmetic3A_211 = arith.shrsi %while3A_207, %shift_right_arithmetic3A_210 : i32
          %and3A_212 = arith.constant 1 : i32
          %and3A_213 = arith.andi %shift_right_arithmetic3A_211, %and3A_212 : i32
          %eq3A_214 = arith.constant 0 : i32
          %eq3A_215 = arith.cmpi eq, %and3A_209, %eq3A_214 : i32
          %ge3A_216 = arith.constant 32 : i32
          %ge3A_217 = arith.cmpi sge, %while3A_207, %ge3A_216 : i32
          %and3A_218 = arith.andi %eq3A_215, %ge3A_217 : i1
          %convert_element_type3A_219 = arith.extui %and3A_218 : i1 to i32
          %cond3A_220 = arith.constant 0 : i32
          %cond3A_221 = arith.cmpi ne, %convert_element_type3A_219, %cond3A_220 : i32
          scf.if %cond3A_221 {
            %mul3A_304 = arith.constant 16 : i32
            %mul3A_305 = arith.muli %and3A_213, %mul3A_304 : i32
            %get3A_306 = arith.index_cast %mul3A_305 : i32 to index
            %get3A_307 = tpu.vector_load %arg14[%get3A_306] {strides = array<i32>} : memref<32xi32, #tpu.memory_space<vmem>>, vector<16xi32>,
            %mul3A_308 = arith.constant 16 : i32
            %mul3A_309 = arith.muli %and3A_213, %mul3A_308 : i32
            %dma_wait3A_310 = arith.constant 0 : i32
            %dma_wait3A_311 = tpu.memref_slice %arg12[%mul3A_309, %dma_wait3A_310] : memref<32x128xf32, #tpu.memory_space<vmem>> -> memref<16x128xf32, #tpu.memory_space<vmem>>
            %dma_wait3A_312 = arith.constant 0 : i32
            %dma_wait3A_313 = arith.constant 0 : i32
            %dma_wait3A_314 = tpu.memref_slice %arg6[%dma_wait3A_312, %dma_wait3A_313] : memref<16448x128xf32, #tpu.memory_space<hbm>> -> memref<16448x128xf32, #tpu.memory_space<hbm>>
            tpu.wait_indirect_dma semaphore(%arg19 : memref<!tpu.dma_semaphore, #tpu.memory_space<semaphore_mem>>) src(%dma_wait3A_311 : memref<16x128xf32, #tpu.memory_space<vmem>>) dst(%dma_wait3A_314 : memref<16448x128xf32, #tpu.memory_space<hbm>>)
          } else {
          }
          %broadcast_in_dim3A_222 = vector.broadcast %while3A_206 : i32 to vector<16xi32>
          %gather3A = arith.constant 0 : i32
          %gather3A_223 = tpu.memref_slice %arg16[%gather3A] : memref<16xi32, #tpu.memory_space<vmem>> -> memref<16xi32, #tpu.memory_space<vmem>>
          %gather3A_224 = tpu.vector_load_idx %gather3A_223[%broadcast_in_dim3A_222] : memref<16xi32, #tpu.memory_space<vmem>>[vector<16xi32>], vector<16xi32>,
          %slice3A_225 = vector.extract_strided_slice %gather3A_224 {offsets = [0], sizes = [1], strides = [1]} : vector<16xi32> to vector<1xi32>
          %squeeze3A_226 = vector.extract %slice3A_225[0] : i32 from vector<1xi32>
          %shift_right_arithmetic3A_227 = arith.constant 14 : i32
          %shift_right_arithmetic3A_228 = arith.shrsi %squeeze3A_226, %shift_right_arithmetic3A_227 : i32
          %and3A_229 = arith.constant 511 : i32
          %and3A_230 = arith.andi %shift_right_arithmetic3A_228, %and3A_229 : i32
          %add3A_231 = arith.addi %and3A_230, %sub3A_130 : i32
          %broadcast_in_dim3A_232 = vector.broadcast %add3A_231 : i32 to vector<16xi32>
          %and3A_233 = arith.constant 16383 : i32
          %and3A_234 = arith.andi %squeeze3A_226, %and3A_233 : i32
          %mul3A_235 = arith.constant 64 : i32
          %mul3A_236 = arith.muli %rem3A_122, %mul3A_235 : i32
          %add3A_237 = arith.constant 0 : i32
          %add3A_238 = arith.addi %mul3A_236, %add3A_237 : i32
          %add3A_239 = vector.broadcast %add3A_238 : i32 to vector<16xi32>
          %add3A_240 = arith.addi %add3A_239, %iota3A : vector<16xi32>
          %gather3A_241 = tpu.vector_load_idx %arg11[%add3A_240, %broadcast_in_dim3A_232] : memref<128x512xf32, #tpu.memory_space<vmem>>[vector<16xi32>, vector<16xi32>], vector<16xf32>,
          %and3A_242 = arith.constant 31 : i32
          %and3A_243 = arith.andi %while3A_207, %and3A_242 : i32
          %swap3A_244 = arith.index_cast %and3A_243 : i32 to index
          %swap3A_245 = arith.constant 0 : index
          %swap3A_246 = tpu.vector_load %arg12[%swap3A_244, %swap3A_245] {strides = array<i32>} : memref<32x128xf32, #tpu.memory_space<vmem>>, vector<16xf32>,
          tpu.vector_store %arg12[%swap3A_244, %swap3A_245], %gather3A_241 {strides = array<i32>} : memref<32x128xf32, #tpu.memory_space<vmem>>, vector<16xf32>,
          %mul3A_247 = arith.constant 64 : i32
          %mul3A_248 = arith.muli %rem3A_122, %mul3A_247 : i32
          %add3A_249 = arith.constant 16 : i32
          %add3A_250 = arith.addi %mul3A_248, %add3A_249 : i32
          %add3A_251 = vector.broadcast %add3A_250 : i32 to vector<16xi32>
          %add3A_252 = arith.addi %add3A_251, %iota3A : vector<16xi32>
          %gather3A_253 = tpu.vector_load_idx %arg11[%add3A_252, %broadcast_in_dim3A_232] : memref<128x512xf32, #tpu.memory_space<vmem>>[vector<16xi32>, vector<16xi32>], vector<16xf32>,
          %and3A_254 = arith.constant 31 : i32
          %and3A_255 = arith.andi %while3A_207, %and3A_254 : i32
          %swap3A_256 = arith.index_cast %and3A_255 : i32 to index
          %swap3A_257 = arith.constant 16 : index
          %swap3A_258 = tpu.vector_load %arg12[%swap3A_256, %swap3A_257] {strides = array<i32>} : memref<32x128xf32, #tpu.memory_space<vmem>>, vector<16xf32>,
          tpu.vector_store %arg12[%swap3A_256, %swap3A_257], %gather3A_253 {strides = array<i32>} : memref<32x128xf32, #tpu.memory_space<vmem>>, vector<16xf32>,
          %mul3A_259 = arith.constant 64 : i32
          %mul3A_260 = arith.muli %rem3A_122, %mul3A_259 : i32
          %add3A_261 = arith.constant 32 : i32
          %add3A_262 = arith.addi %mul3A_260, %add3A_261 : i32
          %add3A_263 = vector.broadcast %add3A_262 : i32 to vector<16xi32>
          %add3A_264 = arith.addi %add3A_263, %iota3A : vector<16xi32>
          %gather3A_265 = tpu.vector_load_idx %arg11[%add3A_264, %broadcast_in_dim3A_232] : memref<128x512xf32, #tpu.memory_space<vmem>>[vector<16xi32>, vector<16xi32>], vector<16xf32>,
          %and3A_266 = arith.constant 31 : i32
          %and3A_267 = arith.andi %while3A_207, %and3A_266 : i32
          %swap3A_268 = arith.index_cast %and3A_267 : i32 to index
          %swap3A_269 = arith.constant 32 : index
          %swap3A_270 = tpu.vector_load %arg12[%swap3A_268, %swap3A_269] {strides = array<i32>} : memref<32x128xf32, #tpu.memory_space<vmem>>, vector<16xf32>,
          tpu.vector_store %arg12[%swap3A_268, %swap3A_269], %gather3A_265 {strides = array<i32>} : memref<32x128xf32, #tpu.memory_space<vmem>>, vector<16xf32>,
          %mul3A_271 = arith.constant 64 : i32
          %mul3A_272 = arith.muli %rem3A_122, %mul3A_271 : i32
          %add3A_273 = arith.constant 48 : i32
          %add3A_274 = arith.addi %mul3A_272, %add3A_273 : i32
          %add3A_275 = vector.broadcast %add3A_274 : i32 to vector<16xi32>
          %add3A_276 = arith.addi %add3A_275, %iota3A : vector<16xi32>
          %gather3A_277 = tpu.vector_load_idx %arg11[%add3A_276, %broadcast_in_dim3A_232] : memref<128x512xf32, #tpu.memory_space<vmem>>[vector<16xi32>, vector<16xi32>], vector<16xf32>,
          %and3A_278 = arith.constant 31 : i32
          %and3A_279 = arith.andi %while3A_207, %and3A_278 : i32
          %swap3A_280 = arith.index_cast %and3A_279 : i32 to index
          %swap3A_281 = arith.constant 48 : index
          %swap3A_282 = tpu.vector_load %arg12[%swap3A_280, %swap3A_281] {strides = array<i32>} : memref<32x128xf32, #tpu.memory_space<vmem>>, vector<16xf32>,
          tpu.vector_store %arg12[%swap3A_280, %swap3A_281], %gather3A_277 {strides = array<i32>} : memref<32x128xf32, #tpu.memory_space<vmem>>, vector<16xf32>,
          %eq3A_283 = vector.broadcast %and3A_209 : i32 to vector<16xi32>
          %eq3A_284 = arith.cmpi eq, %iota3A, %eq3A_283 : vector<16xi32>
          %mul3A_285 = arith.constant 16 : i32
          %mul3A_286 = arith.muli %and3A_213, %mul3A_285 : i32
          %get3A_287 = arith.index_cast %mul3A_286 : i32 to index
          %get3A_288 = tpu.vector_load %arg14[%get3A_287] {strides = array<i32>} : memref<32xi32, #tpu.memory_space<vmem>>, vector<16xi32>,
          %broadcast_in_dim3A_289 = vector.broadcast %and3A_234 : i32 to vector<16xi32>
          %select_n3A_290 = arith.select %eq3A_284, %broadcast_in_dim3A_289, %get3A_288 : vector<16xi1>, vector<16xi32>
          %mul3A_291 = arith.constant 16 : i32
          %mul3A_292 = arith.muli %and3A_213, %mul3A_291 : i32
          %swap3A_293 = arith.index_cast %mul3A_292 : i32 to index
          %swap3A_294 = tpu.vector_load %arg14[%swap3A_293] {strides = array<i32>} : memref<32xi32, #tpu.memory_space<vmem>>, vector<16xi32>,
          tpu.vector_store %arg14[%swap3A_293], %select_n3A_290 {strides = array<i32>} : memref<32xi32, #tpu.memory_space<vmem>>, vector<16xi32>,
          %add3A_295 = arith.constant 1 : i32
          %add3A_296 = arith.addi %while3A_207, %add3A_295 : i32
          %and3A_297 = arith.constant 15 : i32
          %and3A_298 = arith.andi %add3A_296, %and3A_297 : i32
          %eq3A_299 = arith.constant 0 : i32
          %eq3A_300 = arith.cmpi eq, %and3A_298, %eq3A_299 : i32
          %convert_element_type3A_301 = arith.extui %eq3A_300 : i1 to i32
          %cond3A_302 = arith.constant 0 : i32
          %cond3A_303 = arith.cmpi ne, %convert_element_type3A_301, %cond3A_302 : i32
          scf.if %cond3A_303 {
            %mul3A_304 = arith.constant 16 : i32
            %mul3A_305 = arith.muli %and3A_213, %mul3A_304 : i32
            %dma_start3A_306 = arith.constant 0 : i32
            %dma_start3A_307 = tpu.memref_slice %arg12[%mul3A_305, %dma_start3A_306] : memref<32x128xf32, #tpu.memory_space<vmem>> -> memref<16x128xf32, #tpu.memory_space<vmem>>
            %dma_start3A_308 = arith.constant 0 : i32
            %dma_start3A_309 = arith.constant 0 : i32
            %dma_start3A_310 = tpu.memref_slice %arg6[%dma_start3A_308, %dma_start3A_309] : memref<16448x128xf32, #tpu.memory_space<hbm>> -> memref<16448x128xf32, #tpu.memory_space<hbm>>
            tpu.enqueue_indirect_dma source(%dma_start3A_307 : memref<16x128xf32, #tpu.memory_space<vmem>>) target(%dma_start3A_310 : memref<16448x128xf32, #tpu.memory_space<hbm>>) offsets(%select_n3A_290 : vector<16xi32>) semaphore(%arg19 : memref<!tpu.dma_semaphore, #tpu.memory_space<semaphore_mem>>)
          } else {
          }
          scf.yield %add3A_296 : i32
        }
        scf.yield %while3A_205 : i32
      }
      %while3A_182 = arith.constant 1 : i32
      %while3A_183 = scf.for %while3A_184 = %while3A_179 to %while3A_175 step %while3A_182 iter_args(%while3A_185 = %while3A_181) -> (i32)  : i32 {
        %mul3A_186 = arith.constant 16 : i32
        %mul3A_187 = arith.muli %while3A_184, %mul3A_186 : i32
        %get3A = arith.index_cast %mul3A_187 : i32 to index
        %get3A_188 = tpu.vector_load %arg9[%get3A] {strides = array<i32>} : memref<16400xi32, #tpu.memory_space<vmem>>, vector<16xi32>,
        %shift_right_arithmetic3A_189 = arith.constant 23 : i32
        %shift_right_arithmetic3A_190 = vector.broadcast %shift_right_arithmetic3A_189 : i32 to vector<16xi32>
        %shift_right_arithmetic3A_191 = arith.shrsi %get3A_188, %shift_right_arithmetic3A_190 : vector<16xi32>
        %eq3A = vector.broadcast %sub3A_123 : i32 to vector<16xi32>
        %eq3A_192 = arith.cmpi eq, %shift_right_arithmetic3A_191, %eq3A : vector<16xi32>
        %swap3A_193 = arith.constant 0 : index
        %swap3A_194 = tpu.vector_load %arg16[%swap3A_193] masked %eq3A_192 {strides = array<i32>} : memref<16xi32, #tpu.memory_space<vmem>>, vector<16xi32>, vector<16xi1>
        tpu.vector_store %arg16[%swap3A_193], %get3A_188 masked %eq3A_192 {strides = array<i32>} : memref<16xi32, #tpu.memory_space<vmem>>, vector<16xi32>, vector<16xi1>
        %all_reduce_population_count3A = tpu.all_reduce %eq3A_192 {dim = 0 : i64, kind = #tpu.reduction_kind<sum>} : vector<16xi1> -> vector<16xi32>
        %slice3A = vector.extract_strided_slice %all_reduce_population_count3A {offsets = [0], sizes = [1], strides = [1]} : vector<16xi32> to vector<1xi32>
        %squeeze3A = vector.extract %slice3A[0] : i32 from vector<1xi32>
        %while3A_195 = arith.constant 0 : i32
        %while3A_196 = arith.subi %squeeze3A, %while3A_195 : i32
        %while3A_197 = arith.addi %while3A_195, %while3A_196 : i32
        %while3A_198 = arith.constant 1 : i32
        %while3A_199 = arith.divsi %while3A_196, %while3A_198 : i32
        %while3A_200 = arith.muli %while3A_199, %while3A_198 : i32
        %while3A_201 = arith.addi %while3A_195, %while3A_200 : i32
        %while3A_202 = arith.constant 1 : i32
        %while3A_203 = scf.for %while3A_206 = %while3A_195 to %while3A_201 step %while3A_202 iter_args(%while3A_207 = %while3A_185) -> (i32)  : i32 {
          %and3A_208 = arith.constant 15 : i32
          %and3A_209 = arith.andi %while3A_207, %and3A_208 : i32
          %shift_right_arithmetic3A_210 = arith.constant 4 : i32
          %shift_right_arithmetic3A_211 = arith.shrsi %while3A_207, %shift_right_arithmetic3A_210 : i32
          %and3A_212 = arith.constant 1 : i32
          %and3A_213 = arith.andi %shift_right_arithmetic3A_211, %and3A_212 : i32
          %eq3A_214 = arith.constant 0 : i32
          %eq3A_215 = arith.cmpi eq, %and3A_209, %eq3A_214 : i32
          %ge3A_216 = arith.constant 32 : i32
          %ge3A_217 = arith.cmpi sge, %while3A_207, %ge3A_216 : i32
          %and3A_218 = arith.andi %eq3A_215, %ge3A_217 : i1
          %convert_element_type3A_219 = arith.extui %and3A_218 : i1 to i32
          %cond3A_220 = arith.constant 0 : i32
          %cond3A_221 = arith.cmpi ne, %convert_element_type3A_219, %cond3A_220 : i32
          scf.if %cond3A_221 {
            %mul3A_304 = arith.constant 16 : i32
            %mul3A_305 = arith.muli %and3A_213, %mul3A_304 : i32
            %get3A_306 = arith.index_cast %mul3A_305 : i32 to index
            %get3A_307 = tpu.vector_load %arg14[%get3A_306] {strides = array<i32>} : memref<32xi32, #tpu.memory_space<vmem>>, vector<16xi32>,
            %mul3A_308 = arith.constant 16 : i32
            %mul3A_309 = arith.muli %and3A_213, %mul3A_308 : i32
            %dma_wait3A_310 = arith.constant 0 : i32
            %dma_wait3A_311 = tpu.memref_slice %arg12[%mul3A_309, %dma_wait3A_310] : memref<32x128xf32, #tpu.memory_space<vmem>> -> memref<16x128xf32, #tpu.memory_space<vmem>>
            %dma_wait3A_312 = arith.constant 0 : i32
            %dma_wait3A_313 = arith.constant 0 : i32
            %dma_wait3A_314 = tpu.memref_slice %arg6[%dma_wait3A_312, %dma_wait3A_313] : memref<16448x128xf32, #tpu.memory_space<hbm>> -> memref<16448x128xf32, #tpu.memory_space<hbm>>
            tpu.wait_indirect_dma semaphore(%arg19 : memref<!tpu.dma_semaphore, #tpu.memory_space<semaphore_mem>>) src(%dma_wait3A_311 : memref<16x128xf32, #tpu.memory_space<vmem>>) dst(%dma_wait3A_314 : memref<16448x128xf32, #tpu.memory_space<hbm>>)
          } else {
          }
          %broadcast_in_dim3A_222 = vector.broadcast %while3A_206 : i32 to vector<16xi32>
          %gather3A = arith.constant 0 : i32
          %gather3A_223 = tpu.memref_slice %arg16[%gather3A] : memref<16xi32, #tpu.memory_space<vmem>> -> memref<16xi32, #tpu.memory_space<vmem>>
          %gather3A_224 = tpu.vector_load_idx %gather3A_223[%broadcast_in_dim3A_222] : memref<16xi32, #tpu.memory_space<vmem>>[vector<16xi32>], vector<16xi32>,
          %slice3A_225 = vector.extract_strided_slice %gather3A_224 {offsets = [0], sizes = [1], strides = [1]} : vector<16xi32> to vector<1xi32>
          %squeeze3A_226 = vector.extract %slice3A_225[0] : i32 from vector<1xi32>
          %shift_right_arithmetic3A_227 = arith.constant 14 : i32
          %shift_right_arithmetic3A_228 = arith.shrsi %squeeze3A_226, %shift_right_arithmetic3A_227 : i32
          %and3A_229 = arith.constant 511 : i32
          %and3A_230 = arith.andi %shift_right_arithmetic3A_228, %and3A_229 : i32
          %add3A_231 = arith.addi %and3A_230, %sub3A_130 : i32
          %broadcast_in_dim3A_232 = vector.broadcast %add3A_231 : i32 to vector<16xi32>
          %and3A_233 = arith.constant 16383 : i32
          %and3A_234 = arith.andi %squeeze3A_226, %and3A_233 : i32
          %mul3A_235 = arith.constant 64 : i32
          %mul3A_236 = arith.muli %rem3A_122, %mul3A_235 : i32
          %add3A_237 = arith.constant 0 : i32
          %add3A_238 = arith.addi %mul3A_236, %add3A_237 : i32
          %add3A_239 = vector.broadcast %add3A_238 : i32 to vector<16xi32>
          %add3A_240 = arith.addi %add3A_239, %iota3A : vector<16xi32>
          %gather3A_241 = tpu.vector_load_idx %arg11[%add3A_240, %broadcast_in_dim3A_232] : memref<128x512xf32, #tpu.memory_space<vmem>>[vector<16xi32>, vector<16xi32>], vector<16xf32>,
          %and3A_242 = arith.constant 31 : i32
          %and3A_243 = arith.andi %while3A_207, %and3A_242 : i32
          %swap3A_244 = arith.index_cast %and3A_243 : i32 to index
          %swap3A_245 = arith.constant 0 : index
          %swap3A_246 = tpu.vector_load %arg12[%swap3A_244, %swap3A_245] {strides = array<i32>} : memref<32x128xf32, #tpu.memory_space<vmem>>, vector<16xf32>,
          tpu.vector_store %arg12[%swap3A_244, %swap3A_245], %gather3A_241 {strides = array<i32>} : memref<32x128xf32, #tpu.memory_space<vmem>>, vector<16xf32>,
          %mul3A_247 = arith.constant 64 : i32
          %mul3A_248 = arith.muli %rem3A_122, %mul3A_247 : i32
          %add3A_249 = arith.constant 16 : i32
          %add3A_250 = arith.addi %mul3A_248, %add3A_249 : i32
          %add3A_251 = vector.broadcast %add3A_250 : i32 to vector<16xi32>
          %add3A_252 = arith.addi %add3A_251, %iota3A : vector<16xi32>
          %gather3A_253 = tpu.vector_load_idx %arg11[%add3A_252, %broadcast_in_dim3A_232] : memref<128x512xf32, #tpu.memory_space<vmem>>[vector<16xi32>, vector<16xi32>], vector<16xf32>,
          %and3A_254 = arith.constant 31 : i32
          %and3A_255 = arith.andi %while3A_207, %and3A_254 : i32
          %swap3A_256 = arith.index_cast %and3A_255 : i32 to index
          %swap3A_257 = arith.constant 16 : index
          %swap3A_258 = tpu.vector_load %arg12[%swap3A_256, %swap3A_257] {strides = array<i32>} : memref<32x128xf32, #tpu.memory_space<vmem>>, vector<16xf32>,
          tpu.vector_store %arg12[%swap3A_256, %swap3A_257], %gather3A_253 {strides = array<i32>} : memref<32x128xf32, #tpu.memory_space<vmem>>, vector<16xf32>,
          %mul3A_259 = arith.constant 64 : i32
          %mul3A_260 = arith.muli %rem3A_122, %mul3A_259 : i32
          %add3A_261 = arith.constant 32 : i32
          %add3A_262 = arith.addi %mul3A_260, %add3A_261 : i32
          %add3A_263 = vector.broadcast %add3A_262 : i32 to vector<16xi32>
          %add3A_264 = arith.addi %add3A_263, %iota3A : vector<16xi32>
          %gather3A_265 = tpu.vector_load_idx %arg11[%add3A_264, %broadcast_in_dim3A_232] : memref<128x512xf32, #tpu.memory_space<vmem>>[vector<16xi32>, vector<16xi32>], vector<16xf32>,
          %and3A_266 = arith.constant 31 : i32
          %and3A_267 = arith.andi %while3A_207, %and3A_266 : i32
          %swap3A_268 = arith.index_cast %and3A_267 : i32 to index
          %swap3A_269 = arith.constant 32 : index
          %swap3A_270 = tpu.vector_load %arg12[%swap3A_268, %swap3A_269] {strides = array<i32>} : memref<32x128xf32, #tpu.memory_space<vmem>>, vector<16xf32>,
          tpu.vector_store %arg12[%swap3A_268, %swap3A_269], %gather3A_265 {strides = array<i32>} : memref<32x128xf32, #tpu.memory_space<vmem>>, vector<16xf32>,
          %mul3A_271 = arith.constant 64 : i32
          %mul3A_272 = arith.muli %rem3A_122, %mul3A_271 : i32
          %add3A_273 = arith.constant 48 : i32
          %add3A_274 = arith.addi %mul3A_272, %add3A_273 : i32
          %add3A_275 = vector.broadcast %add3A_274 : i32 to vector<16xi32>
          %add3A_276 = arith.addi %add3A_275, %iota3A : vector<16xi32>
          %gather3A_277 = tpu.vector_load_idx %arg11[%add3A_276, %broadcast_in_dim3A_232] : memref<128x512xf32, #tpu.memory_space<vmem>>[vector<16xi32>, vector<16xi32>], vector<16xf32>,
          %and3A_278 = arith.constant 31 : i32
          %and3A_279 = arith.andi %while3A_207, %and3A_278 : i32
          %swap3A_280 = arith.index_cast %and3A_279 : i32 to index
          %swap3A_281 = arith.constant 48 : index
          %swap3A_282 = tpu.vector_load %arg12[%swap3A_280, %swap3A_281] {strides = array<i32>} : memref<32x128xf32, #tpu.memory_space<vmem>>, vector<16xf32>,
          tpu.vector_store %arg12[%swap3A_280, %swap3A_281], %gather3A_277 {strides = array<i32>} : memref<32x128xf32, #tpu.memory_space<vmem>>, vector<16xf32>,
          %eq3A_283 = vector.broadcast %and3A_209 : i32 to vector<16xi32>
          %eq3A_284 = arith.cmpi eq, %iota3A, %eq3A_283 : vector<16xi32>
          %mul3A_285 = arith.constant 16 : i32
          %mul3A_286 = arith.muli %and3A_213, %mul3A_285 : i32
          %get3A_287 = arith.index_cast %mul3A_286 : i32 to index
          %get3A_288 = tpu.vector_load %arg14[%get3A_287] {strides = array<i32>} : memref<32xi32, #tpu.memory_space<vmem>>, vector<16xi32>,
          %broadcast_in_dim3A_289 = vector.broadcast %and3A_234 : i32 to vector<16xi32>
          %select_n3A_290 = arith.select %eq3A_284, %broadcast_in_dim3A_289, %get3A_288 : vector<16xi1>, vector<16xi32>
          %mul3A_291 = arith.constant 16 : i32
          %mul3A_292 = arith.muli %and3A_213, %mul3A_291 : i32
          %swap3A_293 = arith.index_cast %mul3A_292 : i32 to index
          %swap3A_294 = tpu.vector_load %arg14[%swap3A_293] {strides = array<i32>} : memref<32xi32, #tpu.memory_space<vmem>>, vector<16xi32>,
          tpu.vector_store %arg14[%swap3A_293], %select_n3A_290 {strides = array<i32>} : memref<32xi32, #tpu.memory_space<vmem>>, vector<16xi32>,
          %add3A_295 = arith.constant 1 : i32
          %add3A_296 = arith.addi %while3A_207, %add3A_295 : i32
          %and3A_297 = arith.constant 15 : i32
          %and3A_298 = arith.andi %add3A_296, %and3A_297 : i32
          %eq3A_299 = arith.constant 0 : i32
          %eq3A_300 = arith.cmpi eq, %and3A_298, %eq3A_299 : i32
          %convert_element_type3A_301 = arith.extui %eq3A_300 : i1 to i32
          %cond3A_302 = arith.constant 0 : i32
          %cond3A_303 = arith.cmpi ne, %convert_element_type3A_301, %cond3A_302 : i32
          scf.if %cond3A_303 {
            %mul3A_304 = arith.constant 16 : i32
            %mul3A_305 = arith.muli %and3A_213, %mul3A_304 : i32
            %dma_start3A_306 = arith.constant 0 : i32
            %dma_start3A_307 = tpu.memref_slice %arg12[%mul3A_305, %dma_start3A_306] : memref<32x128xf32, #tpu.memory_space<vmem>> -> memref<16x128xf32, #tpu.memory_space<vmem>>
            %dma_start3A_308 = arith.constant 0 : i32
            %dma_start3A_309 = arith.constant 0 : i32
            %dma_start3A_310 = tpu.memref_slice %arg6[%dma_start3A_308, %dma_start3A_309] : memref<16448x128xf32, #tpu.memory_space<hbm>> -> memref<16448x128xf32, #tpu.memory_space<hbm>>
            tpu.enqueue_indirect_dma source(%dma_start3A_307 : memref<16x128xf32, #tpu.memory_space<vmem>>) target(%dma_start3A_310 : memref<16448x128xf32, #tpu.memory_space<hbm>>) offsets(%select_n3A_290 : vector<16xi32>) semaphore(%arg19 : memref<!tpu.dma_semaphore, #tpu.memory_space<semaphore_mem>>)
          } else {
          }
          scf.yield %add3A_296 : i32
        }
        %while3A_204 = arith.constant 1 : i32
        %while3A_205 = scf.for %while3A_206 = %while3A_201 to %while3A_197 step %while3A_204 iter_args(%while3A_207 = %while3A_203) -> (i32)  : i32 {
          %and3A_208 = arith.constant 15 : i32
          %and3A_209 = arith.andi %while3A_207, %and3A_208 : i32
          %shift_right_arithmetic3A_210 = arith.constant 4 : i32
          %shift_right_arithmetic3A_211 = arith.shrsi %while3A_207, %shift_right_arithmetic3A_210 : i32
          %and3A_212 = arith.constant 1 : i32
          %and3A_213 = arith.andi %shift_right_arithmetic3A_211, %and3A_212 : i32
          %eq3A_214 = arith.constant 0 : i32
          %eq3A_215 = arith.cmpi eq, %and3A_209, %eq3A_214 : i32
          %ge3A_216 = arith.constant 32 : i32
          %ge3A_217 = arith.cmpi sge, %while3A_207, %ge3A_216 : i32
          %and3A_218 = arith.andi %eq3A_215, %ge3A_217 : i1
          %convert_element_type3A_219 = arith.extui %and3A_218 : i1 to i32
          %cond3A_220 = arith.constant 0 : i32
          %cond3A_221 = arith.cmpi ne, %convert_element_type3A_219, %cond3A_220 : i32
          scf.if %cond3A_221 {
            %mul3A_304 = arith.constant 16 : i32
            %mul3A_305 = arith.muli %and3A_213, %mul3A_304 : i32
            %get3A_306 = arith.index_cast %mul3A_305 : i32 to index
            %get3A_307 = tpu.vector_load %arg14[%get3A_306] {strides = array<i32>} : memref<32xi32, #tpu.memory_space<vmem>>, vector<16xi32>,
            %mul3A_308 = arith.constant 16 : i32
            %mul3A_309 = arith.muli %and3A_213, %mul3A_308 : i32
            %dma_wait3A_310 = arith.constant 0 : i32
            %dma_wait3A_311 = tpu.memref_slice %arg12[%mul3A_309, %dma_wait3A_310] : memref<32x128xf32, #tpu.memory_space<vmem>> -> memref<16x128xf32, #tpu.memory_space<vmem>>
            %dma_wait3A_312 = arith.constant 0 : i32
            %dma_wait3A_313 = arith.constant 0 : i32
            %dma_wait3A_314 = tpu.memref_slice %arg6[%dma_wait3A_312, %dma_wait3A_313] : memref<16448x128xf32, #tpu.memory_space<hbm>> -> memref<16448x128xf32, #tpu.memory_space<hbm>>
            tpu.wait_indirect_dma semaphore(%arg19 : memref<!tpu.dma_semaphore, #tpu.memory_space<semaphore_mem>>) src(%dma_wait3A_311 : memref<16x128xf32, #tpu.memory_space<vmem>>) dst(%dma_wait3A_314 : memref<16448x128xf32, #tpu.memory_space<hbm>>)
          } else {
          }
          %broadcast_in_dim3A_222 = vector.broadcast %while3A_206 : i32 to vector<16xi32>
          %gather3A = arith.constant 0 : i32
          %gather3A_223 = tpu.memref_slice %arg16[%gather3A] : memref<16xi32, #tpu.memory_space<vmem>> -> memref<16xi32, #tpu.memory_space<vmem>>
          %gather3A_224 = tpu.vector_load_idx %gather3A_223[%broadcast_in_dim3A_222] : memref<16xi32, #tpu.memory_space<vmem>>[vector<16xi32>], vector<16xi32>,
          %slice3A_225 = vector.extract_strided_slice %gather3A_224 {offsets = [0], sizes = [1], strides = [1]} : vector<16xi32> to vector<1xi32>
          %squeeze3A_226 = vector.extract %slice3A_225[0] : i32 from vector<1xi32>
          %shift_right_arithmetic3A_227 = arith.constant 14 : i32
          %shift_right_arithmetic3A_228 = arith.shrsi %squeeze3A_226, %shift_right_arithmetic3A_227 : i32
          %and3A_229 = arith.constant 511 : i32
          %and3A_230 = arith.andi %shift_right_arithmetic3A_228, %and3A_229 : i32
          %add3A_231 = arith.addi %and3A_230, %sub3A_130 : i32
          %broadcast_in_dim3A_232 = vector.broadcast %add3A_231 : i32 to vector<16xi32>
          %and3A_233 = arith.constant 16383 : i32
          %and3A_234 = arith.andi %squeeze3A_226, %and3A_233 : i32
          %mul3A_235 = arith.constant 64 : i32
          %mul3A_236 = arith.muli %rem3A_122, %mul3A_235 : i32
          %add3A_237 = arith.constant 0 : i32
          %add3A_238 = arith.addi %mul3A_236, %add3A_237 : i32
          %add3A_239 = vector.broadcast %add3A_238 : i32 to vector<16xi32>
          %add3A_240 = arith.addi %add3A_239, %iota3A : vector<16xi32>
          %gather3A_241 = tpu.vector_load_idx %arg11[%add3A_240, %broadcast_in_dim3A_232] : memref<128x512xf32, #tpu.memory_space<vmem>>[vector<16xi32>, vector<16xi32>], vector<16xf32>,
          %and3A_242 = arith.constant 31 : i32
          %and3A_243 = arith.andi %while3A_207, %and3A_242 : i32
          %swap3A_244 = arith.index_cast %and3A_243 : i32 to index
          %swap3A_245 = arith.constant 0 : index
          %swap3A_246 = tpu.vector_load %arg12[%swap3A_244, %swap3A_245] {strides = array<i32>} : memref<32x128xf32, #tpu.memory_space<vmem>>, vector<16xf32>,
          tpu.vector_store %arg12[%swap3A_244, %swap3A_245], %gather3A_241 {strides = array<i32>} : memref<32x128xf32, #tpu.memory_space<vmem>>, vector<16xf32>,
          %mul3A_247 = arith.constant 64 : i32
          %mul3A_248 = arith.muli %rem3A_122, %mul3A_247 : i32
          %add3A_249 = arith.constant 16 : i32
          %add3A_250 = arith.addi %mul3A_248, %add3A_249 : i32
          %add3A_251 = vector.broadcast %add3A_250 : i32 to vector<16xi32>
          %add3A_252 = arith.addi %add3A_251, %iota3A : vector<16xi32>
          %gather3A_253 = tpu.vector_load_idx %arg11[%add3A_252, %broadcast_in_dim3A_232] : memref<128x512xf32, #tpu.memory_space<vmem>>[vector<16xi32>, vector<16xi32>], vector<16xf32>,
          %and3A_254 = arith.constant 31 : i32
          %and3A_255 = arith.andi %while3A_207, %and3A_254 : i32
          %swap3A_256 = arith.index_cast %and3A_255 : i32 to index
          %swap3A_257 = arith.constant 16 : index
          %swap3A_258 = tpu.vector_load %arg12[%swap3A_256, %swap3A_257] {strides = array<i32>} : memref<32x128xf32, #tpu.memory_space<vmem>>, vector<16xf32>,
          tpu.vector_store %arg12[%swap3A_256, %swap3A_257], %gather3A_253 {strides = array<i32>} : memref<32x128xf32, #tpu.memory_space<vmem>>, vector<16xf32>,
          %mul3A_259 = arith.constant 64 : i32
          %mul3A_260 = arith.muli %rem3A_122, %mul3A_259 : i32
          %add3A_261 = arith.constant 32 : i32
          %add3A_262 = arith.addi %mul3A_260, %add3A_261 : i32
          %add3A_263 = vector.broadcast %add3A_262 : i32 to vector<16xi32>
          %add3A_264 = arith.addi %add3A_263, %iota3A : vector<16xi32>
          %gather3A_265 = tpu.vector_load_idx %arg11[%add3A_264, %broadcast_in_dim3A_232] : memref<128x512xf32, #tpu.memory_space<vmem>>[vector<16xi32>, vector<16xi32>], vector<16xf32>,
          %and3A_266 = arith.constant 31 : i32
          %and3A_267 = arith.andi %while3A_207, %and3A_266 : i32
          %swap3A_268 = arith.index_cast %and3A_267 : i32 to index
          %swap3A_269 = arith.constant 32 : index
          %swap3A_270 = tpu.vector_load %arg12[%swap3A_268, %swap3A_269] {strides = array<i32>} : memref<32x128xf32, #tpu.memory_space<vmem>>, vector<16xf32>,
          tpu.vector_store %arg12[%swap3A_268, %swap3A_269], %gather3A_265 {strides = array<i32>} : memref<32x128xf32, #tpu.memory_space<vmem>>, vector<16xf32>,
          %mul3A_271 = arith.constant 64 : i32
          %mul3A_272 = arith.muli %rem3A_122, %mul3A_271 : i32
          %add3A_273 = arith.constant 48 : i32
          %add3A_274 = arith.addi %mul3A_272, %add3A_273 : i32
          %add3A_275 = vector.broadcast %add3A_274 : i32 to vector<16xi32>
          %add3A_276 = arith.addi %add3A_275, %iota3A : vector<16xi32>
          %gather3A_277 = tpu.vector_load_idx %arg11[%add3A_276, %broadcast_in_dim3A_232] : memref<128x512xf32, #tpu.memory_space<vmem>>[vector<16xi32>, vector<16xi32>], vector<16xf32>,
          %and3A_278 = arith.constant 31 : i32
          %and3A_279 = arith.andi %while3A_207, %and3A_278 : i32
          %swap3A_280 = arith.index_cast %and3A_279 : i32 to index
          %swap3A_281 = arith.constant 48 : index
          %swap3A_282 = tpu.vector_load %arg12[%swap3A_280, %swap3A_281] {strides = array<i32>} : memref<32x128xf32, #tpu.memory_space<vmem>>, vector<16xf32>,
          tpu.vector_store %arg12[%swap3A_280, %swap3A_281], %gather3A_277 {strides = array<i32>} : memref<32x128xf32, #tpu.memory_space<vmem>>, vector<16xf32>,
          %eq3A_283 = vector.broadcast %and3A_209 : i32 to vector<16xi32>
          %eq3A_284 = arith.cmpi eq, %iota3A, %eq3A_283 : vector<16xi32>
          %mul3A_285 = arith.constant 16 : i32
          %mul3A_286 = arith.muli %and3A_213, %mul3A_285 : i32
          %get3A_287 = arith.index_cast %mul3A_286 : i32 to index
          %get3A_288 = tpu.vector_load %arg14[%get3A_287] {strides = array<i32>} : memref<32xi32, #tpu.memory_space<vmem>>, vector<16xi32>,
          %broadcast_in_dim3A_289 = vector.broadcast %and3A_234 : i32 to vector<16xi32>
          %select_n3A_290 = arith.select %eq3A_284, %broadcast_in_dim3A_289, %get3A_288 : vector<16xi1>, vector<16xi32>
          %mul3A_291 = arith.constant 16 : i32
          %mul3A_292 = arith.muli %and3A_213, %mul3A_291 : i32
          %swap3A_293 = arith.index_cast %mul3A_292 : i32 to index
          %swap3A_294 = tpu.vector_load %arg14[%swap3A_293] {strides = array<i32>} : memref<32xi32, #tpu.memory_space<vmem>>, vector<16xi32>,
          tpu.vector_store %arg14[%swap3A_293], %select_n3A_290 {strides = array<i32>} : memref<32xi32, #tpu.memory_space<vmem>>, vector<16xi32>,
          %add3A_295 = arith.constant 1 : i32
          %add3A_296 = arith.addi %while3A_207, %add3A_295 : i32
          %and3A_297 = arith.constant 15 : i32
          %and3A_298 = arith.andi %add3A_296, %and3A_297 : i32
          %eq3A_299 = arith.constant 0 : i32
          %eq3A_300 = arith.cmpi eq, %and3A_298, %eq3A_299 : i32
          %convert_element_type3A_301 = arith.extui %eq3A_300 : i1 to i32
          %cond3A_302 = arith.constant 0 : i32
          %cond3A_303 = arith.cmpi ne, %convert_element_type3A_301, %cond3A_302 : i32
          scf.if %cond3A_303 {
            %mul3A_304 = arith.constant 16 : i32
            %mul3A_305 = arith.muli %and3A_213, %mul3A_304 : i32
            %dma_start3A_306 = arith.constant 0 : i32
            %dma_start3A_307 = tpu.memref_slice %arg12[%mul3A_305, %dma_start3A_306] : memref<32x128xf32, #tpu.memory_space<vmem>> -> memref<16x128xf32, #tpu.memory_space<vmem>>
            %dma_start3A_308 = arith.constant 0 : i32
            %dma_start3A_309 = arith.constant 0 : i32
            %dma_start3A_310 = tpu.memref_slice %arg6[%dma_start3A_308, %dma_start3A_309] : memref<16448x128xf32, #tpu.memory_space<hbm>> -> memref<16448x128xf32, #tpu.memory_space<hbm>>
            tpu.enqueue_indirect_dma source(%dma_start3A_307 : memref<16x128xf32, #tpu.memory_space<vmem>>) target(%dma_start3A_310 : memref<16448x128xf32, #tpu.memory_space<hbm>>) offsets(%select_n3A_290 : vector<16xi32>) semaphore(%arg19 : memref<!tpu.dma_semaphore, #tpu.memory_space<semaphore_mem>>)
          } else {
          }
          scf.yield %add3A_296 : i32
        }
        scf.yield %while3A_205 : i32
      }
      scf.yield %while3A_183 : i32
    }
    %while3A_48 = arith.constant 1 : i32
    %while3A_49 = scf.for %while3A_119 = %while3A_45 to %while3A_41 step %while3A_48 iter_args(%while3A_120 = %while3A_47) -> (i32)  : i32 {
      %sub3A_121 = arith.subi %while3A_119, %mul3A_2 : i32
      %rem3A = arith.constant 2 : i32
      %rem3A_122 = arith.remsi %sub3A_121, %rem3A : i32
      %sub3A_123 = arith.subi %while3A_119, %mul3A_2 : i32
      %mul3A_124 = arith.constant 512 : i32
      %mul3A_125 = arith.muli %while3A_119, %mul3A_124 : i32
      %mul3A_126 = arith.constant 512 : i32
      %mul3A_127 = arith.muli %while3A_119, %mul3A_126 : i32
      %min3A_128 = arith.constant 999552 : i32
      %min3A_129 = arith.minsi %mul3A_127, %min3A_128 : i32
      %sub3A_130 = arith.subi %mul3A_125, %min3A_129 : i32
      %add3A_131 = arith.constant 1 : i32
      %add3A_132 = arith.addi %while3A_119, %add3A_131 : i32
      %lt3A = arith.cmpi slt, %add3A_132, %min3A_5 : i32
      %convert_element_type3A_133 = arith.extui %lt3A : i1 to i32
      %cond3A_134 = arith.constant 0 : i32
      %cond3A_135 = arith.cmpi ne, %convert_element_type3A_133, %cond3A_134 : i32
      scf.if %cond3A_135 {
        %sub3A_184 = arith.constant 1 : i32
        %sub3A_185 = arith.subi %sub3A_184, %rem3A_122 : i32
        %mul3A_186 = arith.constant 512 : i32
        %mul3A_187 = arith.muli %add3A_132, %mul3A_186 : i32
        %min3A_188 = arith.constant 999552 : i32
        %min3A_189 = arith.minsi %mul3A_187, %min3A_188 : i32
        %mul3A_190 = arith.constant 64 : i32
        %mul3A_191 = arith.muli %sub3A_185, %mul3A_190 : i32
        %dma_start3A_192 = arith.constant 0 : i32
        %dma_start3A_193 = tpu.memref_slice %arg11[%mul3A_191, %dma_start3A_192] : memref<128x512xf32, #tpu.memory_space<vmem>> -> memref<64x512xf32, #tpu.memory_space<vmem>>
        %dma_start3A_194 = arith.constant 0 : i32
        %dma_start3A_195 = tpu.memref_slice %arg4[%dma_start3A_194, %min3A_189] : memref<64x1000000xf32, #tpu.memory_space<hbm>> -> memref<64x512xf32, #tpu.memory_space<hbm>>
        %dma_start3A_196 = arith.constant 0 : i32
        %dma_start3A_197 = tpu.memref_slice %arg11[%mul3A_191, %dma_start3A_196] : memref<128x512xf32, #tpu.memory_space<vmem>> -> memref<64x512xf32, #tpu.memory_space<vmem>>
        %dma_start3A_198 = arith.constant 0 : i32
        %dma_start3A_199 = tpu.memref_slice %arg4[%dma_start3A_198, %min3A_189] : memref<64x1000000xf32, #tpu.memory_space<hbm>> -> memref<64x512xf32, #tpu.memory_space<hbm>>
        tpu.enqueue_dma source(%dma_start3A_199 : memref<64x512xf32, #tpu.memory_space<hbm>>) target(%dma_start3A_197 : memref<64x512xf32, #tpu.memory_space<vmem>>) target_semaphore(%arg17 : memref<!tpu.dma_semaphore, #tpu.memory_space<semaphore_mem>>)
      } else {
      }
      %mul3A_136 = arith.constant 512 : i32
      %mul3A_137 = arith.muli %while3A_119, %mul3A_136 : i32
      %min3A_138 = arith.constant 999552 : i32
      %min3A_139 = arith.minsi %mul3A_137, %min3A_138 : i32
      %mul3A_140 = arith.constant 64 : i32
      %mul3A_141 = arith.muli %rem3A_122, %mul3A_140 : i32
      %dma_wait3A = arith.constant 0 : i32
      %dma_wait3A_142 = tpu.memref_slice %arg11[%mul3A_141, %dma_wait3A] : memref<128x512xf32, #tpu.memory_space<vmem>> -> memref<64x512xf32, #tpu.memory_space<vmem>>
      %dma_wait3A_143 = arith.constant 0 : i32
      %dma_wait3A_144 = tpu.memref_slice %arg4[%dma_wait3A_143, %min3A_139] : memref<64x1000000xf32, #tpu.memory_space<hbm>> -> memref<64x512xf32, #tpu.memory_space<hbm>>
      %dma_wait3A_145 = arith.constant 0 : i32
      %dma_wait3A_146 = tpu.memref_slice %arg11[%mul3A_141, %dma_wait3A_145] : memref<128x512xf32, #tpu.memory_space<vmem>> -> memref<64x512xf32, #tpu.memory_space<vmem>>
      %dma_wait3A_147 = arith.constant 0 : i32
      %dma_wait3A_148 = tpu.memref_slice %arg4[%dma_wait3A_147, %min3A_139] : memref<64x1000000xf32, #tpu.memory_space<hbm>> -> memref<64x512xf32, #tpu.memory_space<hbm>>
      tpu.wait_dma2 semaphore(%arg17 : memref<!tpu.dma_semaphore, #tpu.memory_space<semaphore_mem>>) src(%dma_wait3A_148 : memref<64x512xf32, #tpu.memory_space<hbm>>) dst(%dma_wait3A_146 : memref<64x512xf32, #tpu.memory_space<vmem>>)
      %add3A_149 = arith.constant 16 : i32
      %add3A_150 = arith.addi %scan3A_34#0, %add3A_149 : i32
      %sub3A_151 = arith.constant 1 : i32
      %sub3A_152 = arith.subi %add3A_150, %sub3A_151 : i32
      %jit3A = arith.constant 16 : i32
      %div3A = arith.divsi %sub3A_152, %jit3A : i32
      %sign3A = arith.constant 0 : i32
      %sign3A_153 = arith.cmpi sgt, %sub3A_152, %sign3A : i32
      %sign3A_154 = arith.extui %sign3A_153 : i1 to i32
      %sign3A_155 = arith.constant 0 : i32
      %sign3A_156 = arith.cmpi slt, %sub3A_152, %sign3A_155 : i32
      %sign3A_157 = arith.extui %sign3A_156 : i1 to i32
      %sign3A_158 = arith.subi %sign3A_154, %sign3A_157 : i32
      %sign3A_159 = arith.constant 0 : i32
      %sign3A_160 = arith.cmpi sgt, %jit3A, %sign3A_159 : i32
      %sign3A_161 = arith.extui %sign3A_160 : i1 to i32
      %sign3A_162 = arith.constant 0 : i32
      %sign3A_163 = arith.cmpi slt, %jit3A, %sign3A_162 : i32
      %sign3A_164 = arith.extui %sign3A_163 : i1 to i32
      %sign3A_165 = arith.subi %sign3A_161, %sign3A_164 : i32
      %ne3A_166 = arith.cmpi ne, %sign3A_158, %sign3A_165 : i32
      %rem3A_167 = arith.remsi %sub3A_152, %jit3A : i32
      %ne3A_168 = arith.constant 0 : i32
      %ne3A_169 = arith.cmpi ne, %rem3A_167, %ne3A_168 : i32
      %and3A_170 = arith.andi %ne3A_166, %ne3A_169 : i1
      %sub3A_171 = arith.constant 1 : i32
      %sub3A_172 = arith.subi %div3A, %sub3A_171 : i32
      %select_n3A = arith.select %and3A_170, %sub3A_172, %div3A : i32
      %while3A_173 = arith.constant 0 : i32
      %while3A_174 = arith.subi %select_n3A, %while3A_173 : i32
      %while3A_175 = arith.addi %while3A_173, %while3A_174 : i32
      %while3A_176 = arith.constant 1 : i32
      %while3A_177 = arith.divsi %while3A_174, %while3A_176 : i32
      %while3A_178 = arith.muli %while3A_177, %while3A_176 : i32
      %while3A_179 = arith.addi %while3A_173, %while3A_178 : i32
      %while3A_180 = arith.constant 1 : i32
      %while3A_181 = scf.for %while3A_184 = %while3A_173 to %while3A_179 step %while3A_180 iter_args(%while3A_185 = %while3A_120) -> (i32)  : i32 {
        %mul3A_186 = arith.constant 16 : i32
        %mul3A_187 = arith.muli %while3A_184, %mul3A_186 : i32
        %get3A = arith.index_cast %mul3A_187 : i32 to index
        %get3A_188 = tpu.vector_load %arg9[%get3A] {strides = array<i32>} : memref<16400xi32, #tpu.memory_space<vmem>>, vector<16xi32>,
        %shift_right_arithmetic3A_189 = arith.constant 23 : i32
        %shift_right_arithmetic3A_190 = vector.broadcast %shift_right_arithmetic3A_189 : i32 to vector<16xi32>
        %shift_right_arithmetic3A_191 = arith.shrsi %get3A_188, %shift_right_arithmetic3A_190 : vector<16xi32>
        %eq3A = vector.broadcast %sub3A_123 : i32 to vector<16xi32>
        %eq3A_192 = arith.cmpi eq, %shift_right_arithmetic3A_191, %eq3A : vector<16xi32>
        %swap3A_193 = arith.constant 0 : index
        %swap3A_194 = tpu.vector_load %arg16[%swap3A_193] masked %eq3A_192 {strides = array<i32>} : memref<16xi32, #tpu.memory_space<vmem>>, vector<16xi32>, vector<16xi1>
        tpu.vector_store %arg16[%swap3A_193], %get3A_188 masked %eq3A_192 {strides = array<i32>} : memref<16xi32, #tpu.memory_space<vmem>>, vector<16xi32>, vector<16xi1>
        %all_reduce_population_count3A = tpu.all_reduce %eq3A_192 {dim = 0 : i64, kind = #tpu.reduction_kind<sum>} : vector<16xi1> -> vector<16xi32>
        %slice3A = vector.extract_strided_slice %all_reduce_population_count3A {offsets = [0], sizes = [1], strides = [1]} : vector<16xi32> to vector<1xi32>
        %squeeze3A = vector.extract %slice3A[0] : i32 from vector<1xi32>
        %while3A_195 = arith.constant 0 : i32
        %while3A_196 = arith.subi %squeeze3A, %while3A_195 : i32
        %while3A_197 = arith.addi %while3A_195, %while3A_196 : i32
        %while3A_198 = arith.constant 1 : i32
        %while3A_199 = arith.divsi %while3A_196, %while3A_198 : i32
        %while3A_200 = arith.muli %while3A_199, %while3A_198 : i32
        %while3A_201 = arith.addi %while3A_195, %while3A_200 : i32
        %while3A_202 = arith.constant 1 : i32
        %while3A_203 = scf.for %while3A_206 = %while3A_195 to %while3A_201 step %while3A_202 iter_args(%while3A_207 = %while3A_185) -> (i32)  : i32 {
          %and3A_208 = arith.constant 15 : i32
          %and3A_209 = arith.andi %while3A_207, %and3A_208 : i32
          %shift_right_arithmetic3A_210 = arith.constant 4 : i32
          %shift_right_arithmetic3A_211 = arith.shrsi %while3A_207, %shift_right_arithmetic3A_210 : i32
          %and3A_212 = arith.constant 1 : i32
          %and3A_213 = arith.andi %shift_right_arithmetic3A_211, %and3A_212 : i32
          %eq3A_214 = arith.constant 0 : i32
          %eq3A_215 = arith.cmpi eq, %and3A_209, %eq3A_214 : i32
          %ge3A_216 = arith.constant 32 : i32
          %ge3A_217 = arith.cmpi sge, %while3A_207, %ge3A_216 : i32
          %and3A_218 = arith.andi %eq3A_215, %ge3A_217 : i1
          %convert_element_type3A_219 = arith.extui %and3A_218 : i1 to i32
          %cond3A_220 = arith.constant 0 : i32
          %cond3A_221 = arith.cmpi ne, %convert_element_type3A_219, %cond3A_220 : i32
          scf.if %cond3A_221 {
            %mul3A_304 = arith.constant 16 : i32
            %mul3A_305 = arith.muli %and3A_213, %mul3A_304 : i32
            %get3A_306 = arith.index_cast %mul3A_305 : i32 to index
            %get3A_307 = tpu.vector_load %arg14[%get3A_306] {strides = array<i32>} : memref<32xi32, #tpu.memory_space<vmem>>, vector<16xi32>,
            %mul3A_308 = arith.constant 16 : i32
            %mul3A_309 = arith.muli %and3A_213, %mul3A_308 : i32
            %dma_wait3A_310 = arith.constant 0 : i32
            %dma_wait3A_311 = tpu.memref_slice %arg12[%mul3A_309, %dma_wait3A_310] : memref<32x128xf32, #tpu.memory_space<vmem>> -> memref<16x128xf32, #tpu.memory_space<vmem>>
            %dma_wait3A_312 = arith.constant 0 : i32
            %dma_wait3A_313 = arith.constant 0 : i32
            %dma_wait3A_314 = tpu.memref_slice %arg6[%dma_wait3A_312, %dma_wait3A_313] : memref<16448x128xf32, #tpu.memory_space<hbm>> -> memref<16448x128xf32, #tpu.memory_space<hbm>>
            tpu.wait_indirect_dma semaphore(%arg19 : memref<!tpu.dma_semaphore, #tpu.memory_space<semaphore_mem>>) src(%dma_wait3A_311 : memref<16x128xf32, #tpu.memory_space<vmem>>) dst(%dma_wait3A_314 : memref<16448x128xf32, #tpu.memory_space<hbm>>)
          } else {
          }
          %broadcast_in_dim3A_222 = vector.broadcast %while3A_206 : i32 to vector<16xi32>
          %gather3A = arith.constant 0 : i32
          %gather3A_223 = tpu.memref_slice %arg16[%gather3A] : memref<16xi32, #tpu.memory_space<vmem>> -> memref<16xi32, #tpu.memory_space<vmem>>
          %gather3A_224 = tpu.vector_load_idx %gather3A_223[%broadcast_in_dim3A_222] : memref<16xi32, #tpu.memory_space<vmem>>[vector<16xi32>], vector<16xi32>,
          %slice3A_225 = vector.extract_strided_slice %gather3A_224 {offsets = [0], sizes = [1], strides = [1]} : vector<16xi32> to vector<1xi32>
          %squeeze3A_226 = vector.extract %slice3A_225[0] : i32 from vector<1xi32>
          %shift_right_arithmetic3A_227 = arith.constant 14 : i32
          %shift_right_arithmetic3A_228 = arith.shrsi %squeeze3A_226, %shift_right_arithmetic3A_227 : i32
          %and3A_229 = arith.constant 511 : i32
          %and3A_230 = arith.andi %shift_right_arithmetic3A_228, %and3A_229 : i32
          %add3A_231 = arith.addi %and3A_230, %sub3A_130 : i32
          %broadcast_in_dim3A_232 = vector.broadcast %add3A_231 : i32 to vector<16xi32>
          %and3A_233 = arith.constant 16383 : i32
          %and3A_234 = arith.andi %squeeze3A_226, %and3A_233 : i32
          %mul3A_235 = arith.constant 64 : i32
          %mul3A_236 = arith.muli %rem3A_122, %mul3A_235 : i32
          %add3A_237 = arith.constant 0 : i32
          %add3A_238 = arith.addi %mul3A_236, %add3A_237 : i32
          %add3A_239 = vector.broadcast %add3A_238 : i32 to vector<16xi32>
          %add3A_240 = arith.addi %add3A_239, %iota3A : vector<16xi32>
          %gather3A_241 = tpu.vector_load_idx %arg11[%add3A_240, %broadcast_in_dim3A_232] : memref<128x512xf32, #tpu.memory_space<vmem>>[vector<16xi32>, vector<16xi32>], vector<16xf32>,
          %and3A_242 = arith.constant 31 : i32
          %and3A_243 = arith.andi %while3A_207, %and3A_242 : i32
          %swap3A_244 = arith.index_cast %and3A_243 : i32 to index
          %swap3A_245 = arith.constant 0 : index
          %swap3A_246 = tpu.vector_load %arg12[%swap3A_244, %swap3A_245] {strides = array<i32>} : memref<32x128xf32, #tpu.memory_space<vmem>>, vector<16xf32>,
          tpu.vector_store %arg12[%swap3A_244, %swap3A_245], %gather3A_241 {strides = array<i32>} : memref<32x128xf32, #tpu.memory_space<vmem>>, vector<16xf32>,
          %mul3A_247 = arith.constant 64 : i32
          %mul3A_248 = arith.muli %rem3A_122, %mul3A_247 : i32
          %add3A_249 = arith.constant 16 : i32
          %add3A_250 = arith.addi %mul3A_248, %add3A_249 : i32
          %add3A_251 = vector.broadcast %add3A_250 : i32 to vector<16xi32>
          %add3A_252 = arith.addi %add3A_251, %iota3A : vector<16xi32>
          %gather3A_253 = tpu.vector_load_idx %arg11[%add3A_252, %broadcast_in_dim3A_232] : memref<128x512xf32, #tpu.memory_space<vmem>>[vector<16xi32>, vector<16xi32>], vector<16xf32>,
          %and3A_254 = arith.constant 31 : i32
          %and3A_255 = arith.andi %while3A_207, %and3A_254 : i32
          %swap3A_256 = arith.index_cast %and3A_255 : i32 to index
          %swap3A_257 = arith.constant 16 : index
          %swap3A_258 = tpu.vector_load %arg12[%swap3A_256, %swap3A_257] {strides = array<i32>} : memref<32x128xf32, #tpu.memory_space<vmem>>, vector<16xf32>,
          tpu.vector_store %arg12[%swap3A_256, %swap3A_257], %gather3A_253 {strides = array<i32>} : memref<32x128xf32, #tpu.memory_space<vmem>>, vector<16xf32>,
          %mul3A_259 = arith.constant 64 : i32
          %mul3A_260 = arith.muli %rem3A_122, %mul3A_259 : i32
          %add3A_261 = arith.constant 32 : i32
          %add3A_262 = arith.addi %mul3A_260, %add3A_261 : i32
          %add3A_263 = vector.broadcast %add3A_262 : i32 to vector<16xi32>
          %add3A_264 = arith.addi %add3A_263, %iota3A : vector<16xi32>
          %gather3A_265 = tpu.vector_load_idx %arg11[%add3A_264, %broadcast_in_dim3A_232] : memref<128x512xf32, #tpu.memory_space<vmem>>[vector<16xi32>, vector<16xi32>], vector<16xf32>,
          %and3A_266 = arith.constant 31 : i32
          %and3A_267 = arith.andi %while3A_207, %and3A_266 : i32
          %swap3A_268 = arith.index_cast %and3A_267 : i32 to index
          %swap3A_269 = arith.constant 32 : index
          %swap3A_270 = tpu.vector_load %arg12[%swap3A_268, %swap3A_269] {strides = array<i32>} : memref<32x128xf32, #tpu.memory_space<vmem>>, vector<16xf32>,
          tpu.vector_store %arg12[%swap3A_268, %swap3A_269], %gather3A_265 {strides = array<i32>} : memref<32x128xf32, #tpu.memory_space<vmem>>, vector<16xf32>,
          %mul3A_271 = arith.constant 64 : i32
          %mul3A_272 = arith.muli %rem3A_122, %mul3A_271 : i32
          %add3A_273 = arith.constant 48 : i32
          %add3A_274 = arith.addi %mul3A_272, %add3A_273 : i32
          %add3A_275 = vector.broadcast %add3A_274 : i32 to vector<16xi32>
          %add3A_276 = arith.addi %add3A_275, %iota3A : vector<16xi32>
          %gather3A_277 = tpu.vector_load_idx %arg11[%add3A_276, %broadcast_in_dim3A_232] : memref<128x512xf32, #tpu.memory_space<vmem>>[vector<16xi32>, vector<16xi32>], vector<16xf32>,
          %and3A_278 = arith.constant 31 : i32
          %and3A_279 = arith.andi %while3A_207, %and3A_278 : i32
          %swap3A_280 = arith.index_cast %and3A_279 : i32 to index
          %swap3A_281 = arith.constant 48 : index
          %swap3A_282 = tpu.vector_load %arg12[%swap3A_280, %swap3A_281] {strides = array<i32>} : memref<32x128xf32, #tpu.memory_space<vmem>>, vector<16xf32>,
          tpu.vector_store %arg12[%swap3A_280, %swap3A_281], %gather3A_277 {strides = array<i32>} : memref<32x128xf32, #tpu.memory_space<vmem>>, vector<16xf32>,
          %eq3A_283 = vector.broadcast %and3A_209 : i32 to vector<16xi32>
          %eq3A_284 = arith.cmpi eq, %iota3A, %eq3A_283 : vector<16xi32>
          %mul3A_285 = arith.constant 16 : i32
          %mul3A_286 = arith.muli %and3A_213, %mul3A_285 : i32
          %get3A_287 = arith.index_cast %mul3A_286 : i32 to index
          %get3A_288 = tpu.vector_load %arg14[%get3A_287] {strides = array<i32>} : memref<32xi32, #tpu.memory_space<vmem>>, vector<16xi32>,
          %broadcast_in_dim3A_289 = vector.broadcast %and3A_234 : i32 to vector<16xi32>
          %select_n3A_290 = arith.select %eq3A_284, %broadcast_in_dim3A_289, %get3A_288 : vector<16xi1>, vector<16xi32>
          %mul3A_291 = arith.constant 16 : i32
          %mul3A_292 = arith.muli %and3A_213, %mul3A_291 : i32
          %swap3A_293 = arith.index_cast %mul3A_292 : i32 to index
          %swap3A_294 = tpu.vector_load %arg14[%swap3A_293] {strides = array<i32>} : memref<32xi32, #tpu.memory_space<vmem>>, vector<16xi32>,
          tpu.vector_store %arg14[%swap3A_293], %select_n3A_290 {strides = array<i32>} : memref<32xi32, #tpu.memory_space<vmem>>, vector<16xi32>,
          %add3A_295 = arith.constant 1 : i32
          %add3A_296 = arith.addi %while3A_207, %add3A_295 : i32
          %and3A_297 = arith.constant 15 : i32
          %and3A_298 = arith.andi %add3A_296, %and3A_297 : i32
          %eq3A_299 = arith.constant 0 : i32
          %eq3A_300 = arith.cmpi eq, %and3A_298, %eq3A_299 : i32
          %convert_element_type3A_301 = arith.extui %eq3A_300 : i1 to i32
          %cond3A_302 = arith.constant 0 : i32
          %cond3A_303 = arith.cmpi ne, %convert_element_type3A_301, %cond3A_302 : i32
          scf.if %cond3A_303 {
            %mul3A_304 = arith.constant 16 : i32
            %mul3A_305 = arith.muli %and3A_213, %mul3A_304 : i32
            %dma_start3A_306 = arith.constant 0 : i32
            %dma_start3A_307 = tpu.memref_slice %arg12[%mul3A_305, %dma_start3A_306] : memref<32x128xf32, #tpu.memory_space<vmem>> -> memref<16x128xf32, #tpu.memory_space<vmem>>
            %dma_start3A_308 = arith.constant 0 : i32
            %dma_start3A_309 = arith.constant 0 : i32
            %dma_start3A_310 = tpu.memref_slice %arg6[%dma_start3A_308, %dma_start3A_309] : memref<16448x128xf32, #tpu.memory_space<hbm>> -> memref<16448x128xf32, #tpu.memory_space<hbm>>
            tpu.enqueue_indirect_dma source(%dma_start3A_307 : memref<16x128xf32, #tpu.memory_space<vmem>>) target(%dma_start3A_310 : memref<16448x128xf32, #tpu.memory_space<hbm>>) offsets(%select_n3A_290 : vector<16xi32>) semaphore(%arg19 : memref<!tpu.dma_semaphore, #tpu.memory_space<semaphore_mem>>)
          } else {
          }
          scf.yield %add3A_296 : i32
        }
        %while3A_204 = arith.constant 1 : i32
        %while3A_205 = scf.for %while3A_206 = %while3A_201 to %while3A_197 step %while3A_204 iter_args(%while3A_207 = %while3A_203) -> (i32)  : i32 {
          %and3A_208 = arith.constant 15 : i32
          %and3A_209 = arith.andi %while3A_207, %and3A_208 : i32
          %shift_right_arithmetic3A_210 = arith.constant 4 : i32
          %shift_right_arithmetic3A_211 = arith.shrsi %while3A_207, %shift_right_arithmetic3A_210 : i32
          %and3A_212 = arith.constant 1 : i32
          %and3A_213 = arith.andi %shift_right_arithmetic3A_211, %and3A_212 : i32
          %eq3A_214 = arith.constant 0 : i32
          %eq3A_215 = arith.cmpi eq, %and3A_209, %eq3A_214 : i32
          %ge3A_216 = arith.constant 32 : i32
          %ge3A_217 = arith.cmpi sge, %while3A_207, %ge3A_216 : i32
          %and3A_218 = arith.andi %eq3A_215, %ge3A_217 : i1
          %convert_element_type3A_219 = arith.extui %and3A_218 : i1 to i32
          %cond3A_220 = arith.constant 0 : i32
          %cond3A_221 = arith.cmpi ne, %convert_element_type3A_219, %cond3A_220 : i32
          scf.if %cond3A_221 {
            %mul3A_304 = arith.constant 16 : i32
            %mul3A_305 = arith.muli %and3A_213, %mul3A_304 : i32
            %get3A_306 = arith.index_cast %mul3A_305 : i32 to index
            %get3A_307 = tpu.vector_load %arg14[%get3A_306] {strides = array<i32>} : memref<32xi32, #tpu.memory_space<vmem>>, vector<16xi32>,
            %mul3A_308 = arith.constant 16 : i32
            %mul3A_309 = arith.muli %and3A_213, %mul3A_308 : i32
            %dma_wait3A_310 = arith.constant 0 : i32
            %dma_wait3A_311 = tpu.memref_slice %arg12[%mul3A_309, %dma_wait3A_310] : memref<32x128xf32, #tpu.memory_space<vmem>> -> memref<16x128xf32, #tpu.memory_space<vmem>>
            %dma_wait3A_312 = arith.constant 0 : i32
            %dma_wait3A_313 = arith.constant 0 : i32
            %dma_wait3A_314 = tpu.memref_slice %arg6[%dma_wait3A_312, %dma_wait3A_313] : memref<16448x128xf32, #tpu.memory_space<hbm>> -> memref<16448x128xf32, #tpu.memory_space<hbm>>
            tpu.wait_indirect_dma semaphore(%arg19 : memref<!tpu.dma_semaphore, #tpu.memory_space<semaphore_mem>>) src(%dma_wait3A_311 : memref<16x128xf32, #tpu.memory_space<vmem>>) dst(%dma_wait3A_314 : memref<16448x128xf32, #tpu.memory_space<hbm>>)
          } else {
          }
          %broadcast_in_dim3A_222 = vector.broadcast %while3A_206 : i32 to vector<16xi32>
          %gather3A = arith.constant 0 : i32
          %gather3A_223 = tpu.memref_slice %arg16[%gather3A] : memref<16xi32, #tpu.memory_space<vmem>> -> memref<16xi32, #tpu.memory_space<vmem>>
          %gather3A_224 = tpu.vector_load_idx %gather3A_223[%broadcast_in_dim3A_222] : memref<16xi32, #tpu.memory_space<vmem>>[vector<16xi32>], vector<16xi32>,
          %slice3A_225 = vector.extract_strided_slice %gather3A_224 {offsets = [0], sizes = [1], strides = [1]} : vector<16xi32> to vector<1xi32>
          %squeeze3A_226 = vector.extract %slice3A_225[0] : i32 from vector<1xi32>
          %shift_right_arithmetic3A_227 = arith.constant 14 : i32
          %shift_right_arithmetic3A_228 = arith.shrsi %squeeze3A_226, %shift_right_arithmetic3A_227 : i32
          %and3A_229 = arith.constant 511 : i32
          %and3A_230 = arith.andi %shift_right_arithmetic3A_228, %and3A_229 : i32
          %add3A_231 = arith.addi %and3A_230, %sub3A_130 : i32
          %broadcast_in_dim3A_232 = vector.broadcast %add3A_231 : i32 to vector<16xi32>
          %and3A_233 = arith.constant 16383 : i32
          %and3A_234 = arith.andi %squeeze3A_226, %and3A_233 : i32
          %mul3A_235 = arith.constant 64 : i32
          %mul3A_236 = arith.muli %rem3A_122, %mul3A_235 : i32
          %add3A_237 = arith.constant 0 : i32
          %add3A_238 = arith.addi %mul3A_236, %add3A_237 : i32
          %add3A_239 = vector.broadcast %add3A_238 : i32 to vector<16xi32>
          %add3A_240 = arith.addi %add3A_239, %iota3A : vector<16xi32>
          %gather3A_241 = tpu.vector_load_idx %arg11[%add3A_240, %broadcast_in_dim3A_232] : memref<128x512xf32, #tpu.memory_space<vmem>>[vector<16xi32>, vector<16xi32>], vector<16xf32>,
          %and3A_242 = arith.constant 31 : i32
          %and3A_243 = arith.andi %while3A_207, %and3A_242 : i32
          %swap3A_244 = arith.index_cast %and3A_243 : i32 to index
          %swap3A_245 = arith.constant 0 : index
          %swap3A_246 = tpu.vector_load %arg12[%swap3A_244, %swap3A_245] {strides = array<i32>} : memref<32x128xf32, #tpu.memory_space<vmem>>, vector<16xf32>,
          tpu.vector_store %arg12[%swap3A_244, %swap3A_245], %gather3A_241 {strides = array<i32>} : memref<32x128xf32, #tpu.memory_space<vmem>>, vector<16xf32>,
          %mul3A_247 = arith.constant 64 : i32
          %mul3A_248 = arith.muli %rem3A_122, %mul3A_247 : i32
          %add3A_249 = arith.constant 16 : i32
          %add3A_250 = arith.addi %mul3A_248, %add3A_249 : i32
          %add3A_251 = vector.broadcast %add3A_250 : i32 to vector<16xi32>
          %add3A_252 = arith.addi %add3A_251, %iota3A : vector<16xi32>
          %gather3A_253 = tpu.vector_load_idx %arg11[%add3A_252, %broadcast_in_dim3A_232] : memref<128x512xf32, #tpu.memory_space<vmem>>[vector<16xi32>, vector<16xi32>], vector<16xf32>,
          %and3A_254 = arith.constant 31 : i32
          %and3A_255 = arith.andi %while3A_207, %and3A_254 : i32
          %swap3A_256 = arith.index_cast %and3A_255 : i32 to index
          %swap3A_257 = arith.constant 16 : index
          %swap3A_258 = tpu.vector_load %arg12[%swap3A_256, %swap3A_257] {strides = array<i32>} : memref<32x128xf32, #tpu.memory_space<vmem>>, vector<16xf32>,
          tpu.vector_store %arg12[%swap3A_256, %swap3A_257], %gather3A_253 {strides = array<i32>} : memref<32x128xf32, #tpu.memory_space<vmem>>, vector<16xf32>,
          %mul3A_259 = arith.constant 64 : i32
          %mul3A_260 = arith.muli %rem3A_122, %mul3A_259 : i32
          %add3A_261 = arith.constant 32 : i32
          %add3A_262 = arith.addi %mul3A_260, %add3A_261 : i32
          %add3A_263 = vector.broadcast %add3A_262 : i32 to vector<16xi32>
          %add3A_264 = arith.addi %add3A_263, %iota3A : vector<16xi32>
          %gather3A_265 = tpu.vector_load_idx %arg11[%add3A_264, %broadcast_in_dim3A_232] : memref<128x512xf32, #tpu.memory_space<vmem>>[vector<16xi32>, vector<16xi32>], vector<16xf32>,
          %and3A_266 = arith.constant 31 : i32
          %and3A_267 = arith.andi %while3A_207, %and3A_266 : i32
          %swap3A_268 = arith.index_cast %and3A_267 : i32 to index
          %swap3A_269 = arith.constant 32 : index
          %swap3A_270 = tpu.vector_load %arg12[%swap3A_268, %swap3A_269] {strides = array<i32>} : memref<32x128xf32, #tpu.memory_space<vmem>>, vector<16xf32>,
          tpu.vector_store %arg12[%swap3A_268, %swap3A_269], %gather3A_265 {strides = array<i32>} : memref<32x128xf32, #tpu.memory_space<vmem>>, vector<16xf32>,
          %mul3A_271 = arith.constant 64 : i32
          %mul3A_272 = arith.muli %rem3A_122, %mul3A_271 : i32
          %add3A_273 = arith.constant 48 : i32
          %add3A_274 = arith.addi %mul3A_272, %add3A_273 : i32
          %add3A_275 = vector.broadcast %add3A_274 : i32 to vector<16xi32>
          %add3A_276 = arith.addi %add3A_275, %iota3A : vector<16xi32>
          %gather3A_277 = tpu.vector_load_idx %arg11[%add3A_276, %broadcast_in_dim3A_232] : memref<128x512xf32, #tpu.memory_space<vmem>>[vector<16xi32>, vector<16xi32>], vector<16xf32>,
          %and3A_278 = arith.constant 31 : i32
          %and3A_279 = arith.andi %while3A_207, %and3A_278 : i32
          %swap3A_280 = arith.index_cast %and3A_279 : i32 to index
          %swap3A_281 = arith.constant 48 : index
          %swap3A_282 = tpu.vector_load %arg12[%swap3A_280, %swap3A_281] {strides = array<i32>} : memref<32x128xf32, #tpu.memory_space<vmem>>, vector<16xf32>,
          tpu.vector_store %arg12[%swap3A_280, %swap3A_281], %gather3A_277 {strides = array<i32>} : memref<32x128xf32, #tpu.memory_space<vmem>>, vector<16xf32>,
          %eq3A_283 = vector.broadcast %and3A_209 : i32 to vector<16xi32>
          %eq3A_284 = arith.cmpi eq, %iota3A, %eq3A_283 : vector<16xi32>
          %mul3A_285 = arith.constant 16 : i32
          %mul3A_286 = arith.muli %and3A_213, %mul3A_285 : i32
          %get3A_287 = arith.index_cast %mul3A_286 : i32 to index
          %get3A_288 = tpu.vector_load %arg14[%get3A_287] {strides = array<i32>} : memref<32xi32, #tpu.memory_space<vmem>>, vector<16xi32>,
          %broadcast_in_dim3A_289 = vector.broadcast %and3A_234 : i32 to vector<16xi32>
          %select_n3A_290 = arith.select %eq3A_284, %broadcast_in_dim3A_289, %get3A_288 : vector<16xi1>, vector<16xi32>
          %mul3A_291 = arith.constant 16 : i32
          %mul3A_292 = arith.muli %and3A_213, %mul3A_291 : i32
          %swap3A_293 = arith.index_cast %mul3A_292 : i32 to index
          %swap3A_294 = tpu.vector_load %arg14[%swap3A_293] {strides = array<i32>} : memref<32xi32, #tpu.memory_space<vmem>>, vector<16xi32>,
          tpu.vector_store %arg14[%swap3A_293], %select_n3A_290 {strides = array<i32>} : memref<32xi32, #tpu.memory_space<vmem>>, vector<16xi32>,
          %add3A_295 = arith.constant 1 : i32
          %add3A_296 = arith.addi %while3A_207, %add3A_295 : i32
          %and3A_297 = arith.constant 15 : i32
          %and3A_298 = arith.andi %add3A_296, %and3A_297 : i32
          %eq3A_299 = arith.constant 0 : i32
          %eq3A_300 = arith.cmpi eq, %and3A_298, %eq3A_299 : i32
          %convert_element_type3A_301 = arith.extui %eq3A_300 : i1 to i32
          %cond3A_302 = arith.constant 0 : i32
          %cond3A_303 = arith.cmpi ne, %convert_element_type3A_301, %cond3A_302 : i32
          scf.if %cond3A_303 {
            %mul3A_304 = arith.constant 16 : i32
            %mul3A_305 = arith.muli %and3A_213, %mul3A_304 : i32
            %dma_start3A_306 = arith.constant 0 : i32
            %dma_start3A_307 = tpu.memref_slice %arg12[%mul3A_305, %dma_start3A_306] : memref<32x128xf32, #tpu.memory_space<vmem>> -> memref<16x128xf32, #tpu.memory_space<vmem>>
            %dma_start3A_308 = arith.constant 0 : i32
            %dma_start3A_309 = arith.constant 0 : i32
            %dma_start3A_310 = tpu.memref_slice %arg6[%dma_start3A_308, %dma_start3A_309] : memref<16448x128xf32, #tpu.memory_space<hbm>> -> memref<16448x128xf32, #tpu.memory_space<hbm>>
            tpu.enqueue_indirect_dma source(%dma_start3A_307 : memref<16x128xf32, #tpu.memory_space<vmem>>) target(%dma_start3A_310 : memref<16448x128xf32, #tpu.memory_space<hbm>>) offsets(%select_n3A_290 : vector<16xi32>) semaphore(%arg19 : memref<!tpu.dma_semaphore, #tpu.memory_space<semaphore_mem>>)
          } else {
          }
          scf.yield %add3A_296 : i32
        }
        scf.yield %while3A_205 : i32
      }
      %while3A_182 = arith.constant 1 : i32
      %while3A_183 = scf.for %while3A_184 = %while3A_179 to %while3A_175 step %while3A_182 iter_args(%while3A_185 = %while3A_181) -> (i32)  : i32 {
        %mul3A_186 = arith.constant 16 : i32
        %mul3A_187 = arith.muli %while3A_184, %mul3A_186 : i32
        %get3A = arith.index_cast %mul3A_187 : i32 to index
        %get3A_188 = tpu.vector_load %arg9[%get3A] {strides = array<i32>} : memref<16400xi32, #tpu.memory_space<vmem>>, vector<16xi32>,
        %shift_right_arithmetic3A_189 = arith.constant 23 : i32
        %shift_right_arithmetic3A_190 = vector.broadcast %shift_right_arithmetic3A_189 : i32 to vector<16xi32>
        %shift_right_arithmetic3A_191 = arith.shrsi %get3A_188, %shift_right_arithmetic3A_190 : vector<16xi32>
        %eq3A = vector.broadcast %sub3A_123 : i32 to vector<16xi32>
        %eq3A_192 = arith.cmpi eq, %shift_right_arithmetic3A_191, %eq3A : vector<16xi32>
        %swap3A_193 = arith.constant 0 : index
        %swap3A_194 = tpu.vector_load %arg16[%swap3A_193] masked %eq3A_192 {strides = array<i32>} : memref<16xi32, #tpu.memory_space<vmem>>, vector<16xi32>, vector<16xi1>
        tpu.vector_store %arg16[%swap3A_193], %get3A_188 masked %eq3A_192 {strides = array<i32>} : memref<16xi32, #tpu.memory_space<vmem>>, vector<16xi32>, vector<16xi1>
        %all_reduce_population_count3A = tpu.all_reduce %eq3A_192 {dim = 0 : i64, kind = #tpu.reduction_kind<sum>} : vector<16xi1> -> vector<16xi32>
        %slice3A = vector.extract_strided_slice %all_reduce_population_count3A {offsets = [0], sizes = [1], strides = [1]} : vector<16xi32> to vector<1xi32>
        %squeeze3A = vector.extract %slice3A[0] : i32 from vector<1xi32>
        %while3A_195 = arith.constant 0 : i32
        %while3A_196 = arith.subi %squeeze3A, %while3A_195 : i32
        %while3A_197 = arith.addi %while3A_195, %while3A_196 : i32
        %while3A_198 = arith.constant 1 : i32
        %while3A_199 = arith.divsi %while3A_196, %while3A_198 : i32
        %while3A_200 = arith.muli %while3A_199, %while3A_198 : i32
        %while3A_201 = arith.addi %while3A_195, %while3A_200 : i32
        %while3A_202 = arith.constant 1 : i32
        %while3A_203 = scf.for %while3A_206 = %while3A_195 to %while3A_201 step %while3A_202 iter_args(%while3A_207 = %while3A_185) -> (i32)  : i32 {
          %and3A_208 = arith.constant 15 : i32
          %and3A_209 = arith.andi %while3A_207, %and3A_208 : i32
          %shift_right_arithmetic3A_210 = arith.constant 4 : i32
          %shift_right_arithmetic3A_211 = arith.shrsi %while3A_207, %shift_right_arithmetic3A_210 : i32
          %and3A_212 = arith.constant 1 : i32
          %and3A_213 = arith.andi %shift_right_arithmetic3A_211, %and3A_212 : i32
          %eq3A_214 = arith.constant 0 : i32
          %eq3A_215 = arith.cmpi eq, %and3A_209, %eq3A_214 : i32
          %ge3A_216 = arith.constant 32 : i32
          %ge3A_217 = arith.cmpi sge, %while3A_207, %ge3A_216 : i32
          %and3A_218 = arith.andi %eq3A_215, %ge3A_217 : i1
          %convert_element_type3A_219 = arith.extui %and3A_218 : i1 to i32
          %cond3A_220 = arith.constant 0 : i32
          %cond3A_221 = arith.cmpi ne, %convert_element_type3A_219, %cond3A_220 : i32
          scf.if %cond3A_221 {
            %mul3A_304 = arith.constant 16 : i32
            %mul3A_305 = arith.muli %and3A_213, %mul3A_304 : i32
            %get3A_306 = arith.index_cast %mul3A_305 : i32 to index
            %get3A_307 = tpu.vector_load %arg14[%get3A_306] {strides = array<i32>} : memref<32xi32, #tpu.memory_space<vmem>>, vector<16xi32>,
            %mul3A_308 = arith.constant 16 : i32
            %mul3A_309 = arith.muli %and3A_213, %mul3A_308 : i32
            %dma_wait3A_310 = arith.constant 0 : i32
            %dma_wait3A_311 = tpu.memref_slice %arg12[%mul3A_309, %dma_wait3A_310] : memref<32x128xf32, #tpu.memory_space<vmem>> -> memref<16x128xf32, #tpu.memory_space<vmem>>
            %dma_wait3A_312 = arith.constant 0 : i32
            %dma_wait3A_313 = arith.constant 0 : i32
            %dma_wait3A_314 = tpu.memref_slice %arg6[%dma_wait3A_312, %dma_wait3A_313] : memref<16448x128xf32, #tpu.memory_space<hbm>> -> memref<16448x128xf32, #tpu.memory_space<hbm>>
            tpu.wait_indirect_dma semaphore(%arg19 : memref<!tpu.dma_semaphore, #tpu.memory_space<semaphore_mem>>) src(%dma_wait3A_311 : memref<16x128xf32, #tpu.memory_space<vmem>>) dst(%dma_wait3A_314 : memref<16448x128xf32, #tpu.memory_space<hbm>>)
          } else {
          }
          %broadcast_in_dim3A_222 = vector.broadcast %while3A_206 : i32 to vector<16xi32>
          %gather3A = arith.constant 0 : i32
          %gather3A_223 = tpu.memref_slice %arg16[%gather3A] : memref<16xi32, #tpu.memory_space<vmem>> -> memref<16xi32, #tpu.memory_space<vmem>>
          %gather3A_224 = tpu.vector_load_idx %gather3A_223[%broadcast_in_dim3A_222] : memref<16xi32, #tpu.memory_space<vmem>>[vector<16xi32>], vector<16xi32>,
          %slice3A_225 = vector.extract_strided_slice %gather3A_224 {offsets = [0], sizes = [1], strides = [1]} : vector<16xi32> to vector<1xi32>
          %squeeze3A_226 = vector.extract %slice3A_225[0] : i32 from vector<1xi32>
          %shift_right_arithmetic3A_227 = arith.constant 14 : i32
          %shift_right_arithmetic3A_228 = arith.shrsi %squeeze3A_226, %shift_right_arithmetic3A_227 : i32
          %and3A_229 = arith.constant 511 : i32
          %and3A_230 = arith.andi %shift_right_arithmetic3A_228, %and3A_229 : i32
          %add3A_231 = arith.addi %and3A_230, %sub3A_130 : i32
          %broadcast_in_dim3A_232 = vector.broadcast %add3A_231 : i32 to vector<16xi32>
          %and3A_233 = arith.constant 16383 : i32
          %and3A_234 = arith.andi %squeeze3A_226, %and3A_233 : i32
          %mul3A_235 = arith.constant 64 : i32
          %mul3A_236 = arith.muli %rem3A_122, %mul3A_235 : i32
          %add3A_237 = arith.constant 0 : i32
          %add3A_238 = arith.addi %mul3A_236, %add3A_237 : i32
          %add3A_239 = vector.broadcast %add3A_238 : i32 to vector<16xi32>
          %add3A_240 = arith.addi %add3A_239, %iota3A : vector<16xi32>
          %gather3A_241 = tpu.vector_load_idx %arg11[%add3A_240, %broadcast_in_dim3A_232] : memref<128x512xf32, #tpu.memory_space<vmem>>[vector<16xi32>, vector<16xi32>], vector<16xf32>,
          %and3A_242 = arith.constant 31 : i32
          %and3A_243 = arith.andi %while3A_207, %and3A_242 : i32
          %swap3A_244 = arith.index_cast %and3A_243 : i32 to index
          %swap3A_245 = arith.constant 0 : index
          %swap3A_246 = tpu.vector_load %arg12[%swap3A_244, %swap3A_245] {strides = array<i32>} : memref<32x128xf32, #tpu.memory_space<vmem>>, vector<16xf32>,
          tpu.vector_store %arg12[%swap3A_244, %swap3A_245], %gather3A_241 {strides = array<i32>} : memref<32x128xf32, #tpu.memory_space<vmem>>, vector<16xf32>,
          %mul3A_247 = arith.constant 64 : i32
          %mul3A_248 = arith.muli %rem3A_122, %mul3A_247 : i32
          %add3A_249 = arith.constant 16 : i32
          %add3A_250 = arith.addi %mul3A_248, %add3A_249 : i32
          %add3A_251 = vector.broadcast %add3A_250 : i32 to vector<16xi32>
          %add3A_252 = arith.addi %add3A_251, %iota3A : vector<16xi32>
          %gather3A_253 = tpu.vector_load_idx %arg11[%add3A_252, %broadcast_in_dim3A_232] : memref<128x512xf32, #tpu.memory_space<vmem>>[vector<16xi32>, vector<16xi32>], vector<16xf32>,
          %and3A_254 = arith.constant 31 : i32
          %and3A_255 = arith.andi %while3A_207, %and3A_254 : i32
          %swap3A_256 = arith.index_cast %and3A_255 : i32 to index
          %swap3A_257 = arith.constant 16 : index
          %swap3A_258 = tpu.vector_load %arg12[%swap3A_256, %swap3A_257] {strides = array<i32>} : memref<32x128xf32, #tpu.memory_space<vmem>>, vector<16xf32>,
          tpu.vector_store %arg12[%swap3A_256, %swap3A_257], %gather3A_253 {strides = array<i32>} : memref<32x128xf32, #tpu.memory_space<vmem>>, vector<16xf32>,
          %mul3A_259 = arith.constant 64 : i32
          %mul3A_260 = arith.muli %rem3A_122, %mul3A_259 : i32
          %add3A_261 = arith.constant 32 : i32
          %add3A_262 = arith.addi %mul3A_260, %add3A_261 : i32
          %add3A_263 = vector.broadcast %add3A_262 : i32 to vector<16xi32>
          %add3A_264 = arith.addi %add3A_263, %iota3A : vector<16xi32>
          %gather3A_265 = tpu.vector_load_idx %arg11[%add3A_264, %broadcast_in_dim3A_232] : memref<128x512xf32, #tpu.memory_space<vmem>>[vector<16xi32>, vector<16xi32>], vector<16xf32>,
          %and3A_266 = arith.constant 31 : i32
          %and3A_267 = arith.andi %while3A_207, %and3A_266 : i32
          %swap3A_268 = arith.index_cast %and3A_267 : i32 to index
          %swap3A_269 = arith.constant 32 : index
          %swap3A_270 = tpu.vector_load %arg12[%swap3A_268, %swap3A_269] {strides = array<i32>} : memref<32x128xf32, #tpu.memory_space<vmem>>, vector<16xf32>,
          tpu.vector_store %arg12[%swap3A_268, %swap3A_269], %gather3A_265 {strides = array<i32>} : memref<32x128xf32, #tpu.memory_space<vmem>>, vector<16xf32>,
          %mul3A_271 = arith.constant 64 : i32
          %mul3A_272 = arith.muli %rem3A_122, %mul3A_271 : i32
          %add3A_273 = arith.constant 48 : i32
          %add3A_274 = arith.addi %mul3A_272, %add3A_273 : i32
          %add3A_275 = vector.broadcast %add3A_274 : i32 to vector<16xi32>
          %add3A_276 = arith.addi %add3A_275, %iota3A : vector<16xi32>
          %gather3A_277 = tpu.vector_load_idx %arg11[%add3A_276, %broadcast_in_dim3A_232] : memref<128x512xf32, #tpu.memory_space<vmem>>[vector<16xi32>, vector<16xi32>], vector<16xf32>,
          %and3A_278 = arith.constant 31 : i32
          %and3A_279 = arith.andi %while3A_207, %and3A_278 : i32
          %swap3A_280 = arith.index_cast %and3A_279 : i32 to index
          %swap3A_281 = arith.constant 48 : index
          %swap3A_282 = tpu.vector_load %arg12[%swap3A_280, %swap3A_281] {strides = array<i32>} : memref<32x128xf32, #tpu.memory_space<vmem>>, vector<16xf32>,
          tpu.vector_store %arg12[%swap3A_280, %swap3A_281], %gather3A_277 {strides = array<i32>} : memref<32x128xf32, #tpu.memory_space<vmem>>, vector<16xf32>,
          %eq3A_283 = vector.broadcast %and3A_209 : i32 to vector<16xi32>
          %eq3A_284 = arith.cmpi eq, %iota3A, %eq3A_283 : vector<16xi32>
          %mul3A_285 = arith.constant 16 : i32
          %mul3A_286 = arith.muli %and3A_213, %mul3A_285 : i32
          %get3A_287 = arith.index_cast %mul3A_286 : i32 to index
          %get3A_288 = tpu.vector_load %arg14[%get3A_287] {strides = array<i32>} : memref<32xi32, #tpu.memory_space<vmem>>, vector<16xi32>,
          %broadcast_in_dim3A_289 = vector.broadcast %and3A_234 : i32 to vector<16xi32>
          %select_n3A_290 = arith.select %eq3A_284, %broadcast_in_dim3A_289, %get3A_288 : vector<16xi1>, vector<16xi32>
          %mul3A_291 = arith.constant 16 : i32
          %mul3A_292 = arith.muli %and3A_213, %mul3A_291 : i32
          %swap3A_293 = arith.index_cast %mul3A_292 : i32 to index
          %swap3A_294 = tpu.vector_load %arg14[%swap3A_293] {strides = array<i32>} : memref<32xi32, #tpu.memory_space<vmem>>, vector<16xi32>,
          tpu.vector_store %arg14[%swap3A_293], %select_n3A_290 {strides = array<i32>} : memref<32xi32, #tpu.memory_space<vmem>>, vector<16xi32>,
          %add3A_295 = arith.constant 1 : i32
          %add3A_296 = arith.addi %while3A_207, %add3A_295 : i32
          %and3A_297 = arith.constant 15 : i32
          %and3A_298 = arith.andi %add3A_296, %and3A_297 : i32
          %eq3A_299 = arith.constant 0 : i32
          %eq3A_300 = arith.cmpi eq, %and3A_298, %eq3A_299 : i32
          %convert_element_type3A_301 = arith.extui %eq3A_300 : i1 to i32
          %cond3A_302 = arith.constant 0 : i32
          %cond3A_303 = arith.cmpi ne, %convert_element_type3A_301, %cond3A_302 : i32
          scf.if %cond3A_303 {
            %mul3A_304 = arith.constant 16 : i32
            %mul3A_305 = arith.muli %and3A_213, %mul3A_304 : i32
            %dma_start3A_306 = arith.constant 0 : i32
            %dma_start3A_307 = tpu.memref_slice %arg12[%mul3A_305, %dma_start3A_306] : memref<32x128xf32, #tpu.memory_space<vmem>> -> memref<16x128xf32, #tpu.memory_space<vmem>>
            %dma_start3A_308 = arith.constant 0 : i32
            %dma_start3A_309 = arith.constant 0 : i32
            %dma_start3A_310 = tpu.memref_slice %arg6[%dma_start3A_308, %dma_start3A_309] : memref<16448x128xf32, #tpu.memory_space<hbm>> -> memref<16448x128xf32, #tpu.memory_space<hbm>>
            tpu.enqueue_indirect_dma source(%dma_start3A_307 : memref<16x128xf32, #tpu.memory_space<vmem>>) target(%dma_start3A_310 : memref<16448x128xf32, #tpu.memory_space<hbm>>) offsets(%select_n3A_290 : vector<16xi32>) semaphore(%arg19 : memref<!tpu.dma_semaphore, #tpu.memory_space<semaphore_mem>>)
          } else {
          }
          scf.yield %add3A_296 : i32
        }
        %while3A_204 = arith.constant 1 : i32
        %while3A_205 = scf.for %while3A_206 = %while3A_201 to %while3A_197 step %while3A_204 iter_args(%while3A_207 = %while3A_203) -> (i32)  : i32 {
          %and3A_208 = arith.constant 15 : i32
          %and3A_209 = arith.andi %while3A_207, %and3A_208 : i32
          %shift_right_arithmetic3A_210 = arith.constant 4 : i32
          %shift_right_arithmetic3A_211 = arith.shrsi %while3A_207, %shift_right_arithmetic3A_210 : i32
          %and3A_212 = arith.constant 1 : i32
          %and3A_213 = arith.andi %shift_right_arithmetic3A_211, %and3A_212 : i32
          %eq3A_214 = arith.constant 0 : i32
          %eq3A_215 = arith.cmpi eq, %and3A_209, %eq3A_214 : i32
          %ge3A_216 = arith.constant 32 : i32
          %ge3A_217 = arith.cmpi sge, %while3A_207, %ge3A_216 : i32
          %and3A_218 = arith.andi %eq3A_215, %ge3A_217 : i1
          %convert_element_type3A_219 = arith.extui %and3A_218 : i1 to i32
          %cond3A_220 = arith.constant 0 : i32
          %cond3A_221 = arith.cmpi ne, %convert_element_type3A_219, %cond3A_220 : i32
          scf.if %cond3A_221 {
            %mul3A_304 = arith.constant 16 : i32
            %mul3A_305 = arith.muli %and3A_213, %mul3A_304 : i32
            %get3A_306 = arith.index_cast %mul3A_305 : i32 to index
            %get3A_307 = tpu.vector_load %arg14[%get3A_306] {strides = array<i32>} : memref<32xi32, #tpu.memory_space<vmem>>, vector<16xi32>,
            %mul3A_308 = arith.constant 16 : i32
            %mul3A_309 = arith.muli %and3A_213, %mul3A_308 : i32
            %dma_wait3A_310 = arith.constant 0 : i32
            %dma_wait3A_311 = tpu.memref_slice %arg12[%mul3A_309, %dma_wait3A_310] : memref<32x128xf32, #tpu.memory_space<vmem>> -> memref<16x128xf32, #tpu.memory_space<vmem>>
            %dma_wait3A_312 = arith.constant 0 : i32
            %dma_wait3A_313 = arith.constant 0 : i32
            %dma_wait3A_314 = tpu.memref_slice %arg6[%dma_wait3A_312, %dma_wait3A_313] : memref<16448x128xf32, #tpu.memory_space<hbm>> -> memref<16448x128xf32, #tpu.memory_space<hbm>>
            tpu.wait_indirect_dma semaphore(%arg19 : memref<!tpu.dma_semaphore, #tpu.memory_space<semaphore_mem>>) src(%dma_wait3A_311 : memref<16x128xf32, #tpu.memory_space<vmem>>) dst(%dma_wait3A_314 : memref<16448x128xf32, #tpu.memory_space<hbm>>)
          } else {
          }
          %broadcast_in_dim3A_222 = vector.broadcast %while3A_206 : i32 to vector<16xi32>
          %gather3A = arith.constant 0 : i32
          %gather3A_223 = tpu.memref_slice %arg16[%gather3A] : memref<16xi32, #tpu.memory_space<vmem>> -> memref<16xi32, #tpu.memory_space<vmem>>
          %gather3A_224 = tpu.vector_load_idx %gather3A_223[%broadcast_in_dim3A_222] : memref<16xi32, #tpu.memory_space<vmem>>[vector<16xi32>], vector<16xi32>,
          %slice3A_225 = vector.extract_strided_slice %gather3A_224 {offsets = [0], sizes = [1], strides = [1]} : vector<16xi32> to vector<1xi32>
          %squeeze3A_226 = vector.extract %slice3A_225[0] : i32 from vector<1xi32>
          %shift_right_arithmetic3A_227 = arith.constant 14 : i32
          %shift_right_arithmetic3A_228 = arith.shrsi %squeeze3A_226, %shift_right_arithmetic3A_227 : i32
          %and3A_229 = arith.constant 511 : i32
          %and3A_230 = arith.andi %shift_right_arithmetic3A_228, %and3A_229 : i32
          %add3A_231 = arith.addi %and3A_230, %sub3A_130 : i32
          %broadcast_in_dim3A_232 = vector.broadcast %add3A_231 : i32 to vector<16xi32>
          %and3A_233 = arith.constant 16383 : i32
          %and3A_234 = arith.andi %squeeze3A_226, %and3A_233 : i32
          %mul3A_235 = arith.constant 64 : i32
          %mul3A_236 = arith.muli %rem3A_122, %mul3A_235 : i32
          %add3A_237 = arith.constant 0 : i32
          %add3A_238 = arith.addi %mul3A_236, %add3A_237 : i32
          %add3A_239 = vector.broadcast %add3A_238 : i32 to vector<16xi32>
          %add3A_240 = arith.addi %add3A_239, %iota3A : vector<16xi32>
          %gather3A_241 = tpu.vector_load_idx %arg11[%add3A_240, %broadcast_in_dim3A_232] : memref<128x512xf32, #tpu.memory_space<vmem>>[vector<16xi32>, vector<16xi32>], vector<16xf32>,
          %and3A_242 = arith.constant 31 : i32
          %and3A_243 = arith.andi %while3A_207, %and3A_242 : i32
          %swap3A_244 = arith.index_cast %and3A_243 : i32 to index
          %swap3A_245 = arith.constant 0 : index
          %swap3A_246 = tpu.vector_load %arg12[%swap3A_244, %swap3A_245] {strides = array<i32>} : memref<32x128xf32, #tpu.memory_space<vmem>>, vector<16xf32>,
          tpu.vector_store %arg12[%swap3A_244, %swap3A_245], %gather3A_241 {strides = array<i32>} : memref<32x128xf32, #tpu.memory_space<vmem>>, vector<16xf32>,
          %mul3A_247 = arith.constant 64 : i32
          %mul3A_248 = arith.muli %rem3A_122, %mul3A_247 : i32
          %add3A_249 = arith.constant 16 : i32
          %add3A_250 = arith.addi %mul3A_248, %add3A_249 : i32
          %add3A_251 = vector.broadcast %add3A_250 : i32 to vector<16xi32>
          %add3A_252 = arith.addi %add3A_251, %iota3A : vector<16xi32>
          %gather3A_253 = tpu.vector_load_idx %arg11[%add3A_252, %broadcast_in_dim3A_232] : memref<128x512xf32, #tpu.memory_space<vmem>>[vector<16xi32>, vector<16xi32>], vector<16xf32>,
          %and3A_254 = arith.constant 31 : i32
          %and3A_255 = arith.andi %while3A_207, %and3A_254 : i32
          %swap3A_256 = arith.index_cast %and3A_255 : i32 to index
          %swap3A_257 = arith.constant 16 : index
          %swap3A_258 = tpu.vector_load %arg12[%swap3A_256, %swap3A_257] {strides = array<i32>} : memref<32x128xf32, #tpu.memory_space<vmem>>, vector<16xf32>,
          tpu.vector_store %arg12[%swap3A_256, %swap3A_257], %gather3A_253 {strides = array<i32>} : memref<32x128xf32, #tpu.memory_space<vmem>>, vector<16xf32>,
          %mul3A_259 = arith.constant 64 : i32
          %mul3A_260 = arith.muli %rem3A_122, %mul3A_259 : i32
          %add3A_261 = arith.constant 32 : i32
          %add3A_262 = arith.addi %mul3A_260, %add3A_261 : i32
          %add3A_263 = vector.broadcast %add3A_262 : i32 to vector<16xi32>
          %add3A_264 = arith.addi %add3A_263, %iota3A : vector<16xi32>
          %gather3A_265 = tpu.vector_load_idx %arg11[%add3A_264, %broadcast_in_dim3A_232] : memref<128x512xf32, #tpu.memory_space<vmem>>[vector<16xi32>, vector<16xi32>], vector<16xf32>,
          %and3A_266 = arith.constant 31 : i32
          %and3A_267 = arith.andi %while3A_207, %and3A_266 : i32
          %swap3A_268 = arith.index_cast %and3A_267 : i32 to index
          %swap3A_269 = arith.constant 32 : index
          %swap3A_270 = tpu.vector_load %arg12[%swap3A_268, %swap3A_269] {strides = array<i32>} : memref<32x128xf32, #tpu.memory_space<vmem>>, vector<16xf32>,
          tpu.vector_store %arg12[%swap3A_268, %swap3A_269], %gather3A_265 {strides = array<i32>} : memref<32x128xf32, #tpu.memory_space<vmem>>, vector<16xf32>,
          %mul3A_271 = arith.constant 64 : i32
          %mul3A_272 = arith.muli %rem3A_122, %mul3A_271 : i32
          %add3A_273 = arith.constant 48 : i32
          %add3A_274 = arith.addi %mul3A_272, %add3A_273 : i32
          %add3A_275 = vector.broadcast %add3A_274 : i32 to vector<16xi32>
          %add3A_276 = arith.addi %add3A_275, %iota3A : vector<16xi32>
          %gather3A_277 = tpu.vector_load_idx %arg11[%add3A_276, %broadcast_in_dim3A_232] : memref<128x512xf32, #tpu.memory_space<vmem>>[vector<16xi32>, vector<16xi32>], vector<16xf32>,
          %and3A_278 = arith.constant 31 : i32
          %and3A_279 = arith.andi %while3A_207, %and3A_278 : i32
          %swap3A_280 = arith.index_cast %and3A_279 : i32 to index
          %swap3A_281 = arith.constant 48 : index
          %swap3A_282 = tpu.vector_load %arg12[%swap3A_280, %swap3A_281] {strides = array<i32>} : memref<32x128xf32, #tpu.memory_space<vmem>>, vector<16xf32>,
          tpu.vector_store %arg12[%swap3A_280, %swap3A_281], %gather3A_277 {strides = array<i32>} : memref<32x128xf32, #tpu.memory_space<vmem>>, vector<16xf32>,
          %eq3A_283 = vector.broadcast %and3A_209 : i32 to vector<16xi32>
          %eq3A_284 = arith.cmpi eq, %iota3A, %eq3A_283 : vector<16xi32>
          %mul3A_285 = arith.constant 16 : i32
          %mul3A_286 = arith.muli %and3A_213, %mul3A_285 : i32
          %get3A_287 = arith.index_cast %mul3A_286 : i32 to index
          %get3A_288 = tpu.vector_load %arg14[%get3A_287] {strides = array<i32>} : memref<32xi32, #tpu.memory_space<vmem>>, vector<16xi32>,
          %broadcast_in_dim3A_289 = vector.broadcast %and3A_234 : i32 to vector<16xi32>
          %select_n3A_290 = arith.select %eq3A_284, %broadcast_in_dim3A_289, %get3A_288 : vector<16xi1>, vector<16xi32>
          %mul3A_291 = arith.constant 16 : i32
          %mul3A_292 = arith.muli %and3A_213, %mul3A_291 : i32
          %swap3A_293 = arith.index_cast %mul3A_292 : i32 to index
          %swap3A_294 = tpu.vector_load %arg14[%swap3A_293] {strides = array<i32>} : memref<32xi32, #tpu.memory_space<vmem>>, vector<16xi32>,
          tpu.vector_store %arg14[%swap3A_293], %select_n3A_290 {strides = array<i32>} : memref<32xi32, #tpu.memory_space<vmem>>, vector<16xi32>,
          %add3A_295 = arith.constant 1 : i32
          %add3A_296 = arith.addi %while3A_207, %add3A_295 : i32
          %and3A_297 = arith.constant 15 : i32
          %and3A_298 = arith.andi %add3A_296, %and3A_297 : i32
          %eq3A_299 = arith.constant 0 : i32
          %eq3A_300 = arith.cmpi eq, %and3A_298, %eq3A_299 : i32
          %convert_element_type3A_301 = arith.extui %eq3A_300 : i1 to i32
          %cond3A_302 = arith.constant 0 : i32
          %cond3A_303 = arith.cmpi ne, %convert_element_type3A_301, %cond3A_302 : i32
          scf.if %cond3A_303 {
            %mul3A_304 = arith.constant 16 : i32
            %mul3A_305 = arith.muli %and3A_213, %mul3A_304 : i32
            %dma_start3A_306 = arith.constant 0 : i32
            %dma_start3A_307 = tpu.memref_slice %arg12[%mul3A_305, %dma_start3A_306] : memref<32x128xf32, #tpu.memory_space<vmem>> -> memref<16x128xf32, #tpu.memory_space<vmem>>
            %dma_start3A_308 = arith.constant 0 : i32
            %dma_start3A_309 = arith.constant 0 : i32
            %dma_start3A_310 = tpu.memref_slice %arg6[%dma_start3A_308, %dma_start3A_309] : memref<16448x128xf32, #tpu.memory_space<hbm>> -> memref<16448x128xf32, #tpu.memory_space<hbm>>
            tpu.enqueue_indirect_dma source(%dma_start3A_307 : memref<16x128xf32, #tpu.memory_space<vmem>>) target(%dma_start3A_310 : memref<16448x128xf32, #tpu.memory_space<hbm>>) offsets(%select_n3A_290 : vector<16xi32>) semaphore(%arg19 : memref<!tpu.dma_semaphore, #tpu.memory_space<semaphore_mem>>)
          } else {
          }
          scf.yield %add3A_296 : i32
        }
        scf.yield %while3A_205 : i32
      }
      scf.yield %while3A_183 : i32
    }
    %mul3A_50 = arith.constant 512 : i32
    %mul3A_51 = arith.muli %mul3A_2, %mul3A_50 : i32
    %min3A_52 = arith.constant 999552 : i32
    %min3A_53 = arith.minsi %mul3A_51, %min3A_52 : i32
    %mul3A_54 = arith.constant 0 : i32
    %mul3A_55 = arith.constant 64 : i32
    %mul3A_56 = arith.muli %mul3A_54, %mul3A_55 : i32
    %dma_start3A_57 = arith.constant 0 : i32
    %dma_start3A_58 = tpu.memref_slice %arg11[%mul3A_56, %dma_start3A_57] : memref<128x512xf32, #tpu.memory_space<vmem>> -> memref<64x512xf32, #tpu.memory_space<vmem>>
    %dma_start3A_59 = arith.constant 0 : i32
    %dma_start3A_60 = tpu.memref_slice %arg5[%dma_start3A_59, %min3A_53] : memref<64x1000000xf32, #tpu.memory_space<hbm>> -> memref<64x512xf32, #tpu.memory_space<hbm>>
    %dma_start3A_61 = arith.constant 0 : i32
    %dma_start3A_62 = tpu.memref_slice %arg11[%mul3A_56, %dma_start3A_61] : memref<128x512xf32, #tpu.memory_space<vmem>> -> memref<64x512xf32, #tpu.memory_space<vmem>>
    %dma_start3A_63 = arith.constant 0 : i32
    %dma_start3A_64 = tpu.memref_slice %arg5[%dma_start3A_63, %min3A_53] : memref<64x1000000xf32, #tpu.memory_space<hbm>> -> memref<64x512xf32, #tpu.memory_space<hbm>>
    tpu.enqueue_dma source(%dma_start3A_64 : memref<64x512xf32, #tpu.memory_space<hbm>>) target(%dma_start3A_62 : memref<64x512xf32, #tpu.memory_space<vmem>>) target_semaphore(%arg18 : memref<!tpu.dma_semaphore, #tpu.memory_space<semaphore_mem>>)
    %while3A_65 = arith.constant 0 : i32
    %while3A_66 = arith.subi %min3A_5, %mul3A_2 : i32
    %while3A_67 = arith.addi %mul3A_2, %while3A_66 : i32
    %while3A_68 = arith.constant 1 : i32
    %while3A_69 = arith.divsi %while3A_66, %while3A_68 : i32
    %while3A_70 = arith.muli %while3A_69, %while3A_68 : i32
    %while3A_71 = arith.addi %mul3A_2, %while3A_70 : i32
    %while3A_72 = arith.constant 1 : i32
    %while3A_73 = scf.for %while3A_119 = %mul3A_2 to %while3A_71 step %while3A_72 iter_args(%while3A_120 = %while3A_65) -> (i32)  : i32 {
      %sub3A_121 = arith.subi %while3A_119, %mul3A_2 : i32
      %rem3A = arith.constant 2 : i32
      %rem3A_122 = arith.remsi %sub3A_121, %rem3A : i32
      %sub3A_123 = arith.subi %while3A_119, %mul3A_2 : i32
      %mul3A_124 = arith.constant 512 : i32
      %mul3A_125 = arith.muli %while3A_119, %mul3A_124 : i32
      %mul3A_126 = arith.constant 512 : i32
      %mul3A_127 = arith.muli %while3A_119, %mul3A_126 : i32
      %min3A_128 = arith.constant 999552 : i32
      %min3A_129 = arith.minsi %mul3A_127, %min3A_128 : i32
      %sub3A_130 = arith.subi %mul3A_125, %min3A_129 : i32
      %add3A_131 = arith.constant 1 : i32
      %add3A_132 = arith.addi %while3A_119, %add3A_131 : i32
      %lt3A = arith.cmpi slt, %add3A_132, %min3A_5 : i32
      %convert_element_type3A_133 = arith.extui %lt3A : i1 to i32
      %cond3A_134 = arith.constant 0 : i32
      %cond3A_135 = arith.cmpi ne, %convert_element_type3A_133, %cond3A_134 : i32
      scf.if %cond3A_135 {
        %sub3A_184 = arith.constant 1 : i32
        %sub3A_185 = arith.subi %sub3A_184, %rem3A_122 : i32
        %mul3A_186 = arith.constant 512 : i32
        %mul3A_187 = arith.muli %add3A_132, %mul3A_186 : i32
        %min3A_188 = arith.constant 999552 : i32
        %min3A_189 = arith.minsi %mul3A_187, %min3A_188 : i32
        %mul3A_190 = arith.constant 64 : i32
        %mul3A_191 = arith.muli %sub3A_185, %mul3A_190 : i32
        %dma_start3A_192 = arith.constant 0 : i32
        %dma_start3A_193 = tpu.memref_slice %arg11[%mul3A_191, %dma_start3A_192] : memref<128x512xf32, #tpu.memory_space<vmem>> -> memref<64x512xf32, #tpu.memory_space<vmem>>
        %dma_start3A_194 = arith.constant 0 : i32
        %dma_start3A_195 = tpu.memref_slice %arg5[%dma_start3A_194, %min3A_189] : memref<64x1000000xf32, #tpu.memory_space<hbm>> -> memref<64x512xf32, #tpu.memory_space<hbm>>
        %dma_start3A_196 = arith.constant 0 : i32
        %dma_start3A_197 = tpu.memref_slice %arg11[%mul3A_191, %dma_start3A_196] : memref<128x512xf32, #tpu.memory_space<vmem>> -> memref<64x512xf32, #tpu.memory_space<vmem>>
        %dma_start3A_198 = arith.constant 0 : i32
        %dma_start3A_199 = tpu.memref_slice %arg5[%dma_start3A_198, %min3A_189] : memref<64x1000000xf32, #tpu.memory_space<hbm>> -> memref<64x512xf32, #tpu.memory_space<hbm>>
        tpu.enqueue_dma source(%dma_start3A_199 : memref<64x512xf32, #tpu.memory_space<hbm>>) target(%dma_start3A_197 : memref<64x512xf32, #tpu.memory_space<vmem>>) target_semaphore(%arg18 : memref<!tpu.dma_semaphore, #tpu.memory_space<semaphore_mem>>)
      } else {
      }
      %mul3A_136 = arith.constant 512 : i32
      %mul3A_137 = arith.muli %while3A_119, %mul3A_136 : i32
      %min3A_138 = arith.constant 999552 : i32
      %min3A_139 = arith.minsi %mul3A_137, %min3A_138 : i32
      %mul3A_140 = arith.constant 64 : i32
      %mul3A_141 = arith.muli %rem3A_122, %mul3A_140 : i32
      %dma_wait3A = arith.constant 0 : i32
      %dma_wait3A_142 = tpu.memref_slice %arg11[%mul3A_141, %dma_wait3A] : memref<128x512xf32, #tpu.memory_space<vmem>> -> memref<64x512xf32, #tpu.memory_space<vmem>>
      %dma_wait3A_143 = arith.constant 0 : i32
      %dma_wait3A_144 = tpu.memref_slice %arg5[%dma_wait3A_143, %min3A_139] : memref<64x1000000xf32, #tpu.memory_space<hbm>> -> memref<64x512xf32, #tpu.memory_space<hbm>>
      %dma_wait3A_145 = arith.constant 0 : i32
      %dma_wait3A_146 = tpu.memref_slice %arg11[%mul3A_141, %dma_wait3A_145] : memref<128x512xf32, #tpu.memory_space<vmem>> -> memref<64x512xf32, #tpu.memory_space<vmem>>
      %dma_wait3A_147 = arith.constant 0 : i32
      %dma_wait3A_148 = tpu.memref_slice %arg5[%dma_wait3A_147, %min3A_139] : memref<64x1000000xf32, #tpu.memory_space<hbm>> -> memref<64x512xf32, #tpu.memory_space<hbm>>
      tpu.wait_dma2 semaphore(%arg18 : memref<!tpu.dma_semaphore, #tpu.memory_space<semaphore_mem>>) src(%dma_wait3A_148 : memref<64x512xf32, #tpu.memory_space<hbm>>) dst(%dma_wait3A_146 : memref<64x512xf32, #tpu.memory_space<vmem>>)
      %add3A_149 = arith.constant 16 : i32
      %add3A_150 = arith.addi %scan3A_34#1, %add3A_149 : i32
      %sub3A_151 = arith.constant 1 : i32
      %sub3A_152 = arith.subi %add3A_150, %sub3A_151 : i32
      %jit3A = arith.constant 16 : i32
      %div3A = arith.divsi %sub3A_152, %jit3A : i32
      %sign3A = arith.constant 0 : i32
      %sign3A_153 = arith.cmpi sgt, %sub3A_152, %sign3A : i32
      %sign3A_154 = arith.extui %sign3A_153 : i1 to i32
      %sign3A_155 = arith.constant 0 : i32
      %sign3A_156 = arith.cmpi slt, %sub3A_152, %sign3A_155 : i32
      %sign3A_157 = arith.extui %sign3A_156 : i1 to i32
      %sign3A_158 = arith.subi %sign3A_154, %sign3A_157 : i32
      %sign3A_159 = arith.constant 0 : i32
      %sign3A_160 = arith.cmpi sgt, %jit3A, %sign3A_159 : i32
      %sign3A_161 = arith.extui %sign3A_160 : i1 to i32
      %sign3A_162 = arith.constant 0 : i32
      %sign3A_163 = arith.cmpi slt, %jit3A, %sign3A_162 : i32
      %sign3A_164 = arith.extui %sign3A_163 : i1 to i32
      %sign3A_165 = arith.subi %sign3A_161, %sign3A_164 : i32
      %ne3A_166 = arith.cmpi ne, %sign3A_158, %sign3A_165 : i32
      %rem3A_167 = arith.remsi %sub3A_152, %jit3A : i32
      %ne3A_168 = arith.constant 0 : i32
      %ne3A_169 = arith.cmpi ne, %rem3A_167, %ne3A_168 : i32
      %and3A_170 = arith.andi %ne3A_166, %ne3A_169 : i1
      %sub3A_171 = arith.constant 1 : i32
      %sub3A_172 = arith.subi %div3A, %sub3A_171 : i32
      %select_n3A = arith.select %and3A_170, %sub3A_172, %div3A : i32
      %while3A_173 = arith.constant 0 : i32
      %while3A_174 = arith.subi %select_n3A, %while3A_173 : i32
      %while3A_175 = arith.addi %while3A_173, %while3A_174 : i32
      %while3A_176 = arith.constant 1 : i32
      %while3A_177 = arith.divsi %while3A_174, %while3A_176 : i32
      %while3A_178 = arith.muli %while3A_177, %while3A_176 : i32
      %while3A_179 = arith.addi %while3A_173, %while3A_178 : i32
      %while3A_180 = arith.constant 1 : i32
      %while3A_181 = scf.for %while3A_184 = %while3A_173 to %while3A_179 step %while3A_180 iter_args(%while3A_185 = %while3A_120) -> (i32)  : i32 {
        %mul3A_186 = arith.constant 16 : i32
        %mul3A_187 = arith.muli %while3A_184, %mul3A_186 : i32
        %get3A = arith.index_cast %mul3A_187 : i32 to index
        %get3A_188 = tpu.vector_load %arg10[%get3A] {strides = array<i32>} : memref<16400xi32, #tpu.memory_space<vmem>>, vector<16xi32>,
        %shift_right_arithmetic3A_189 = arith.constant 23 : i32
        %shift_right_arithmetic3A_190 = vector.broadcast %shift_right_arithmetic3A_189 : i32 to vector<16xi32>
        %shift_right_arithmetic3A_191 = arith.shrsi %get3A_188, %shift_right_arithmetic3A_190 : vector<16xi32>
        %eq3A = vector.broadcast %sub3A_123 : i32 to vector<16xi32>
        %eq3A_192 = arith.cmpi eq, %shift_right_arithmetic3A_191, %eq3A : vector<16xi32>
        %swap3A_193 = arith.constant 0 : index
        %swap3A_194 = tpu.vector_load %arg16[%swap3A_193] masked %eq3A_192 {strides = array<i32>} : memref<16xi32, #tpu.memory_space<vmem>>, vector<16xi32>, vector<16xi1>
        tpu.vector_store %arg16[%swap3A_193], %get3A_188 masked %eq3A_192 {strides = array<i32>} : memref<16xi32, #tpu.memory_space<vmem>>, vector<16xi32>, vector<16xi1>
        %all_reduce_population_count3A = tpu.all_reduce %eq3A_192 {dim = 0 : i64, kind = #tpu.reduction_kind<sum>} : vector<16xi1> -> vector<16xi32>
        %slice3A = vector.extract_strided_slice %all_reduce_population_count3A {offsets = [0], sizes = [1], strides = [1]} : vector<16xi32> to vector<1xi32>
        %squeeze3A = vector.extract %slice3A[0] : i32 from vector<1xi32>
        %while3A_195 = arith.constant 0 : i32
        %while3A_196 = arith.subi %squeeze3A, %while3A_195 : i32
        %while3A_197 = arith.addi %while3A_195, %while3A_196 : i32
        %while3A_198 = arith.constant 1 : i32
        %while3A_199 = arith.divsi %while3A_196, %while3A_198 : i32
        %while3A_200 = arith.muli %while3A_199, %while3A_198 : i32
        %while3A_201 = arith.addi %while3A_195, %while3A_200 : i32
        %while3A_202 = arith.constant 1 : i32
        %while3A_203 = scf.for %while3A_206 = %while3A_195 to %while3A_201 step %while3A_202 iter_args(%while3A_207 = %while3A_185) -> (i32)  : i32 {
          %and3A_208 = arith.constant 15 : i32
          %and3A_209 = arith.andi %while3A_207, %and3A_208 : i32
          %shift_right_arithmetic3A_210 = arith.constant 4 : i32
          %shift_right_arithmetic3A_211 = arith.shrsi %while3A_207, %shift_right_arithmetic3A_210 : i32
          %and3A_212 = arith.constant 1 : i32
          %and3A_213 = arith.andi %shift_right_arithmetic3A_211, %and3A_212 : i32
          %eq3A_214 = arith.constant 0 : i32
          %eq3A_215 = arith.cmpi eq, %and3A_209, %eq3A_214 : i32
          %ge3A_216 = arith.constant 32 : i32
          %ge3A_217 = arith.cmpi sge, %while3A_207, %ge3A_216 : i32
          %and3A_218 = arith.andi %eq3A_215, %ge3A_217 : i1
          %convert_element_type3A_219 = arith.extui %and3A_218 : i1 to i32
          %cond3A_220 = arith.constant 0 : i32
          %cond3A_221 = arith.cmpi ne, %convert_element_type3A_219, %cond3A_220 : i32
          scf.if %cond3A_221 {
            %mul3A_304 = arith.constant 16 : i32
            %mul3A_305 = arith.muli %and3A_213, %mul3A_304 : i32
            %get3A_306 = arith.index_cast %mul3A_305 : i32 to index
            %get3A_307 = tpu.vector_load %arg15[%get3A_306] {strides = array<i32>} : memref<32xi32, #tpu.memory_space<vmem>>, vector<16xi32>,
            %mul3A_308 = arith.constant 16 : i32
            %mul3A_309 = arith.muli %and3A_213, %mul3A_308 : i32
            %dma_wait3A_310 = arith.constant 0 : i32
            %dma_wait3A_311 = tpu.memref_slice %arg13[%mul3A_309, %dma_wait3A_310] : memref<32x128xf32, #tpu.memory_space<vmem>> -> memref<16x128xf32, #tpu.memory_space<vmem>>
            %dma_wait3A_312 = arith.constant 0 : i32
            %dma_wait3A_313 = arith.constant 0 : i32
            %dma_wait3A_314 = tpu.memref_slice %arg7[%dma_wait3A_312, %dma_wait3A_313] : memref<16448x128xf32, #tpu.memory_space<hbm>> -> memref<16448x128xf32, #tpu.memory_space<hbm>>
            tpu.wait_indirect_dma semaphore(%arg20 : memref<!tpu.dma_semaphore, #tpu.memory_space<semaphore_mem>>) src(%dma_wait3A_311 : memref<16x128xf32, #tpu.memory_space<vmem>>) dst(%dma_wait3A_314 : memref<16448x128xf32, #tpu.memory_space<hbm>>)
          } else {
          }
          %broadcast_in_dim3A_222 = vector.broadcast %while3A_206 : i32 to vector<16xi32>
          %gather3A = arith.constant 0 : i32
          %gather3A_223 = tpu.memref_slice %arg16[%gather3A] : memref<16xi32, #tpu.memory_space<vmem>> -> memref<16xi32, #tpu.memory_space<vmem>>
          %gather3A_224 = tpu.vector_load_idx %gather3A_223[%broadcast_in_dim3A_222] : memref<16xi32, #tpu.memory_space<vmem>>[vector<16xi32>], vector<16xi32>,
          %slice3A_225 = vector.extract_strided_slice %gather3A_224 {offsets = [0], sizes = [1], strides = [1]} : vector<16xi32> to vector<1xi32>
          %squeeze3A_226 = vector.extract %slice3A_225[0] : i32 from vector<1xi32>
          %shift_right_arithmetic3A_227 = arith.constant 14 : i32
          %shift_right_arithmetic3A_228 = arith.shrsi %squeeze3A_226, %shift_right_arithmetic3A_227 : i32
          %and3A_229 = arith.constant 511 : i32
          %and3A_230 = arith.andi %shift_right_arithmetic3A_228, %and3A_229 : i32
          %add3A_231 = arith.addi %and3A_230, %sub3A_130 : i32
          %broadcast_in_dim3A_232 = vector.broadcast %add3A_231 : i32 to vector<16xi32>
          %and3A_233 = arith.constant 16383 : i32
          %and3A_234 = arith.andi %squeeze3A_226, %and3A_233 : i32
          %mul3A_235 = arith.constant 64 : i32
          %mul3A_236 = arith.muli %rem3A_122, %mul3A_235 : i32
          %add3A_237 = arith.constant 0 : i32
          %add3A_238 = arith.addi %mul3A_236, %add3A_237 : i32
          %add3A_239 = vector.broadcast %add3A_238 : i32 to vector<16xi32>
          %add3A_240 = arith.addi %add3A_239, %iota3A : vector<16xi32>
          %gather3A_241 = tpu.vector_load_idx %arg11[%add3A_240, %broadcast_in_dim3A_232] : memref<128x512xf32, #tpu.memory_space<vmem>>[vector<16xi32>, vector<16xi32>], vector<16xf32>,
          %and3A_242 = arith.constant 31 : i32
          %and3A_243 = arith.andi %while3A_207, %and3A_242 : i32
          %swap3A_244 = arith.index_cast %and3A_243 : i32 to index
          %swap3A_245 = arith.constant 0 : index
          %swap3A_246 = tpu.vector_load %arg13[%swap3A_244, %swap3A_245] {strides = array<i32>} : memref<32x128xf32, #tpu.memory_space<vmem>>, vector<16xf32>,
          tpu.vector_store %arg13[%swap3A_244, %swap3A_245], %gather3A_241 {strides = array<i32>} : memref<32x128xf32, #tpu.memory_space<vmem>>, vector<16xf32>,
          %mul3A_247 = arith.constant 64 : i32
          %mul3A_248 = arith.muli %rem3A_122, %mul3A_247 : i32
          %add3A_249 = arith.constant 16 : i32
          %add3A_250 = arith.addi %mul3A_248, %add3A_249 : i32
          %add3A_251 = vector.broadcast %add3A_250 : i32 to vector<16xi32>
          %add3A_252 = arith.addi %add3A_251, %iota3A : vector<16xi32>
          %gather3A_253 = tpu.vector_load_idx %arg11[%add3A_252, %broadcast_in_dim3A_232] : memref<128x512xf32, #tpu.memory_space<vmem>>[vector<16xi32>, vector<16xi32>], vector<16xf32>,
          %and3A_254 = arith.constant 31 : i32
          %and3A_255 = arith.andi %while3A_207, %and3A_254 : i32
          %swap3A_256 = arith.index_cast %and3A_255 : i32 to index
          %swap3A_257 = arith.constant 16 : index
          %swap3A_258 = tpu.vector_load %arg13[%swap3A_256, %swap3A_257] {strides = array<i32>} : memref<32x128xf32, #tpu.memory_space<vmem>>, vector<16xf32>,
          tpu.vector_store %arg13[%swap3A_256, %swap3A_257], %gather3A_253 {strides = array<i32>} : memref<32x128xf32, #tpu.memory_space<vmem>>, vector<16xf32>,
          %mul3A_259 = arith.constant 64 : i32
          %mul3A_260 = arith.muli %rem3A_122, %mul3A_259 : i32
          %add3A_261 = arith.constant 32 : i32
          %add3A_262 = arith.addi %mul3A_260, %add3A_261 : i32
          %add3A_263 = vector.broadcast %add3A_262 : i32 to vector<16xi32>
          %add3A_264 = arith.addi %add3A_263, %iota3A : vector<16xi32>
          %gather3A_265 = tpu.vector_load_idx %arg11[%add3A_264, %broadcast_in_dim3A_232] : memref<128x512xf32, #tpu.memory_space<vmem>>[vector<16xi32>, vector<16xi32>], vector<16xf32>,
          %and3A_266 = arith.constant 31 : i32
          %and3A_267 = arith.andi %while3A_207, %and3A_266 : i32
          %swap3A_268 = arith.index_cast %and3A_267 : i32 to index
          %swap3A_269 = arith.constant 32 : index
          %swap3A_270 = tpu.vector_load %arg13[%swap3A_268, %swap3A_269] {strides = array<i32>} : memref<32x128xf32, #tpu.memory_space<vmem>>, vector<16xf32>,
          tpu.vector_store %arg13[%swap3A_268, %swap3A_269], %gather3A_265 {strides = array<i32>} : memref<32x128xf32, #tpu.memory_space<vmem>>, vector<16xf32>,
          %mul3A_271 = arith.constant 64 : i32
          %mul3A_272 = arith.muli %rem3A_122, %mul3A_271 : i32
          %add3A_273 = arith.constant 48 : i32
          %add3A_274 = arith.addi %mul3A_272, %add3A_273 : i32
          %add3A_275 = vector.broadcast %add3A_274 : i32 to vector<16xi32>
          %add3A_276 = arith.addi %add3A_275, %iota3A : vector<16xi32>
          %gather3A_277 = tpu.vector_load_idx %arg11[%add3A_276, %broadcast_in_dim3A_232] : memref<128x512xf32, #tpu.memory_space<vmem>>[vector<16xi32>, vector<16xi32>], vector<16xf32>,
          %and3A_278 = arith.constant 31 : i32
          %and3A_279 = arith.andi %while3A_207, %and3A_278 : i32
          %swap3A_280 = arith.index_cast %and3A_279 : i32 to index
          %swap3A_281 = arith.constant 48 : index
          %swap3A_282 = tpu.vector_load %arg13[%swap3A_280, %swap3A_281] {strides = array<i32>} : memref<32x128xf32, #tpu.memory_space<vmem>>, vector<16xf32>,
          tpu.vector_store %arg13[%swap3A_280, %swap3A_281], %gather3A_277 {strides = array<i32>} : memref<32x128xf32, #tpu.memory_space<vmem>>, vector<16xf32>,
          %eq3A_283 = vector.broadcast %and3A_209 : i32 to vector<16xi32>
          %eq3A_284 = arith.cmpi eq, %iota3A, %eq3A_283 : vector<16xi32>
          %mul3A_285 = arith.constant 16 : i32
          %mul3A_286 = arith.muli %and3A_213, %mul3A_285 : i32
          %get3A_287 = arith.index_cast %mul3A_286 : i32 to index
          %get3A_288 = tpu.vector_load %arg15[%get3A_287] {strides = array<i32>} : memref<32xi32, #tpu.memory_space<vmem>>, vector<16xi32>,
          %broadcast_in_dim3A_289 = vector.broadcast %and3A_234 : i32 to vector<16xi32>
          %select_n3A_290 = arith.select %eq3A_284, %broadcast_in_dim3A_289, %get3A_288 : vector<16xi1>, vector<16xi32>
          %mul3A_291 = arith.constant 16 : i32
          %mul3A_292 = arith.muli %and3A_213, %mul3A_291 : i32
          %swap3A_293 = arith.index_cast %mul3A_292 : i32 to index
          %swap3A_294 = tpu.vector_load %arg15[%swap3A_293] {strides = array<i32>} : memref<32xi32, #tpu.memory_space<vmem>>, vector<16xi32>,
          tpu.vector_store %arg15[%swap3A_293], %select_n3A_290 {strides = array<i32>} : memref<32xi32, #tpu.memory_space<vmem>>, vector<16xi32>,
          %add3A_295 = arith.constant 1 : i32
          %add3A_296 = arith.addi %while3A_207, %add3A_295 : i32
          %and3A_297 = arith.constant 15 : i32
          %and3A_298 = arith.andi %add3A_296, %and3A_297 : i32
          %eq3A_299 = arith.constant 0 : i32
          %eq3A_300 = arith.cmpi eq, %and3A_298, %eq3A_299 : i32
          %convert_element_type3A_301 = arith.extui %eq3A_300 : i1 to i32
          %cond3A_302 = arith.constant 0 : i32
          %cond3A_303 = arith.cmpi ne, %convert_element_type3A_301, %cond3A_302 : i32
          scf.if %cond3A_303 {
            %mul3A_304 = arith.constant 16 : i32
            %mul3A_305 = arith.muli %and3A_213, %mul3A_304 : i32
            %dma_start3A_306 = arith.constant 0 : i32
            %dma_start3A_307 = tpu.memref_slice %arg13[%mul3A_305, %dma_start3A_306] : memref<32x128xf32, #tpu.memory_space<vmem>> -> memref<16x128xf32, #tpu.memory_space<vmem>>
            %dma_start3A_308 = arith.constant 0 : i32
            %dma_start3A_309 = arith.constant 0 : i32
            %dma_start3A_310 = tpu.memref_slice %arg7[%dma_start3A_308, %dma_start3A_309] : memref<16448x128xf32, #tpu.memory_space<hbm>> -> memref<16448x128xf32, #tpu.memory_space<hbm>>
            tpu.enqueue_indirect_dma source(%dma_start3A_307 : memref<16x128xf32, #tpu.memory_space<vmem>>) target(%dma_start3A_310 : memref<16448x128xf32, #tpu.memory_space<hbm>>) offsets(%select_n3A_290 : vector<16xi32>) semaphore(%arg20 : memref<!tpu.dma_semaphore, #tpu.memory_space<semaphore_mem>>)
          } else {
          }
          scf.yield %add3A_296 : i32
        }
        %while3A_204 = arith.constant 1 : i32
        %while3A_205 = scf.for %while3A_206 = %while3A_201 to %while3A_197 step %while3A_204 iter_args(%while3A_207 = %while3A_203) -> (i32)  : i32 {
          %and3A_208 = arith.constant 15 : i32
          %and3A_209 = arith.andi %while3A_207, %and3A_208 : i32
          %shift_right_arithmetic3A_210 = arith.constant 4 : i32
          %shift_right_arithmetic3A_211 = arith.shrsi %while3A_207, %shift_right_arithmetic3A_210 : i32
          %and3A_212 = arith.constant 1 : i32
          %and3A_213 = arith.andi %shift_right_arithmetic3A_211, %and3A_212 : i32
          %eq3A_214 = arith.constant 0 : i32
          %eq3A_215 = arith.cmpi eq, %and3A_209, %eq3A_214 : i32
          %ge3A_216 = arith.constant 32 : i32
          %ge3A_217 = arith.cmpi sge, %while3A_207, %ge3A_216 : i32
          %and3A_218 = arith.andi %eq3A_215, %ge3A_217 : i1
          %convert_element_type3A_219 = arith.extui %and3A_218 : i1 to i32
          %cond3A_220 = arith.constant 0 : i32
          %cond3A_221 = arith.cmpi ne, %convert_element_type3A_219, %cond3A_220 : i32
          scf.if %cond3A_221 {
            %mul3A_304 = arith.constant 16 : i32
            %mul3A_305 = arith.muli %and3A_213, %mul3A_304 : i32
            %get3A_306 = arith.index_cast %mul3A_305 : i32 to index
            %get3A_307 = tpu.vector_load %arg15[%get3A_306] {strides = array<i32>} : memref<32xi32, #tpu.memory_space<vmem>>, vector<16xi32>,
            %mul3A_308 = arith.constant 16 : i32
            %mul3A_309 = arith.muli %and3A_213, %mul3A_308 : i32
            %dma_wait3A_310 = arith.constant 0 : i32
            %dma_wait3A_311 = tpu.memref_slice %arg13[%mul3A_309, %dma_wait3A_310] : memref<32x128xf32, #tpu.memory_space<vmem>> -> memref<16x128xf32, #tpu.memory_space<vmem>>
            %dma_wait3A_312 = arith.constant 0 : i32
            %dma_wait3A_313 = arith.constant 0 : i32
            %dma_wait3A_314 = tpu.memref_slice %arg7[%dma_wait3A_312, %dma_wait3A_313] : memref<16448x128xf32, #tpu.memory_space<hbm>> -> memref<16448x128xf32, #tpu.memory_space<hbm>>
            tpu.wait_indirect_dma semaphore(%arg20 : memref<!tpu.dma_semaphore, #tpu.memory_space<semaphore_mem>>) src(%dma_wait3A_311 : memref<16x128xf32, #tpu.memory_space<vmem>>) dst(%dma_wait3A_314 : memref<16448x128xf32, #tpu.memory_space<hbm>>)
          } else {
          }
          %broadcast_in_dim3A_222 = vector.broadcast %while3A_206 : i32 to vector<16xi32>
          %gather3A = arith.constant 0 : i32
          %gather3A_223 = tpu.memref_slice %arg16[%gather3A] : memref<16xi32, #tpu.memory_space<vmem>> -> memref<16xi32, #tpu.memory_space<vmem>>
          %gather3A_224 = tpu.vector_load_idx %gather3A_223[%broadcast_in_dim3A_222] : memref<16xi32, #tpu.memory_space<vmem>>[vector<16xi32>], vector<16xi32>,
          %slice3A_225 = vector.extract_strided_slice %gather3A_224 {offsets = [0], sizes = [1], strides = [1]} : vector<16xi32> to vector<1xi32>
          %squeeze3A_226 = vector.extract %slice3A_225[0] : i32 from vector<1xi32>
          %shift_right_arithmetic3A_227 = arith.constant 14 : i32
          %shift_right_arithmetic3A_228 = arith.shrsi %squeeze3A_226, %shift_right_arithmetic3A_227 : i32
          %and3A_229 = arith.constant 511 : i32
          %and3A_230 = arith.andi %shift_right_arithmetic3A_228, %and3A_229 : i32
          %add3A_231 = arith.addi %and3A_230, %sub3A_130 : i32
          %broadcast_in_dim3A_232 = vector.broadcast %add3A_231 : i32 to vector<16xi32>
          %and3A_233 = arith.constant 16383 : i32
          %and3A_234 = arith.andi %squeeze3A_226, %and3A_233 : i32
          %mul3A_235 = arith.constant 64 : i32
          %mul3A_236 = arith.muli %rem3A_122, %mul3A_235 : i32
          %add3A_237 = arith.constant 0 : i32
          %add3A_238 = arith.addi %mul3A_236, %add3A_237 : i32
          %add3A_239 = vector.broadcast %add3A_238 : i32 to vector<16xi32>
          %add3A_240 = arith.addi %add3A_239, %iota3A : vector<16xi32>
          %gather3A_241 = tpu.vector_load_idx %arg11[%add3A_240, %broadcast_in_dim3A_232] : memref<128x512xf32, #tpu.memory_space<vmem>>[vector<16xi32>, vector<16xi32>], vector<16xf32>,
          %and3A_242 = arith.constant 31 : i32
          %and3A_243 = arith.andi %while3A_207, %and3A_242 : i32
          %swap3A_244 = arith.index_cast %and3A_243 : i32 to index
          %swap3A_245 = arith.constant 0 : index
          %swap3A_246 = tpu.vector_load %arg13[%swap3A_244, %swap3A_245] {strides = array<i32>} : memref<32x128xf32, #tpu.memory_space<vmem>>, vector<16xf32>,
          tpu.vector_store %arg13[%swap3A_244, %swap3A_245], %gather3A_241 {strides = array<i32>} : memref<32x128xf32, #tpu.memory_space<vmem>>, vector<16xf32>,
          %mul3A_247 = arith.constant 64 : i32
          %mul3A_248 = arith.muli %rem3A_122, %mul3A_247 : i32
          %add3A_249 = arith.constant 16 : i32
          %add3A_250 = arith.addi %mul3A_248, %add3A_249 : i32
          %add3A_251 = vector.broadcast %add3A_250 : i32 to vector<16xi32>
          %add3A_252 = arith.addi %add3A_251, %iota3A : vector<16xi32>
          %gather3A_253 = tpu.vector_load_idx %arg11[%add3A_252, %broadcast_in_dim3A_232] : memref<128x512xf32, #tpu.memory_space<vmem>>[vector<16xi32>, vector<16xi32>], vector<16xf32>,
          %and3A_254 = arith.constant 31 : i32
          %and3A_255 = arith.andi %while3A_207, %and3A_254 : i32
          %swap3A_256 = arith.index_cast %and3A_255 : i32 to index
          %swap3A_257 = arith.constant 16 : index
          %swap3A_258 = tpu.vector_load %arg13[%swap3A_256, %swap3A_257] {strides = array<i32>} : memref<32x128xf32, #tpu.memory_space<vmem>>, vector<16xf32>,
          tpu.vector_store %arg13[%swap3A_256, %swap3A_257], %gather3A_253 {strides = array<i32>} : memref<32x128xf32, #tpu.memory_space<vmem>>, vector<16xf32>,
          %mul3A_259 = arith.constant 64 : i32
          %mul3A_260 = arith.muli %rem3A_122, %mul3A_259 : i32
          %add3A_261 = arith.constant 32 : i32
          %add3A_262 = arith.addi %mul3A_260, %add3A_261 : i32
          %add3A_263 = vector.broadcast %add3A_262 : i32 to vector<16xi32>
          %add3A_264 = arith.addi %add3A_263, %iota3A : vector<16xi32>
          %gather3A_265 = tpu.vector_load_idx %arg11[%add3A_264, %broadcast_in_dim3A_232] : memref<128x512xf32, #tpu.memory_space<vmem>>[vector<16xi32>, vector<16xi32>], vector<16xf32>,
          %and3A_266 = arith.constant 31 : i32
          %and3A_267 = arith.andi %while3A_207, %and3A_266 : i32
          %swap3A_268 = arith.index_cast %and3A_267 : i32 to index
          %swap3A_269 = arith.constant 32 : index
          %swap3A_270 = tpu.vector_load %arg13[%swap3A_268, %swap3A_269] {strides = array<i32>} : memref<32x128xf32, #tpu.memory_space<vmem>>, vector<16xf32>,
          tpu.vector_store %arg13[%swap3A_268, %swap3A_269], %gather3A_265 {strides = array<i32>} : memref<32x128xf32, #tpu.memory_space<vmem>>, vector<16xf32>,
          %mul3A_271 = arith.constant 64 : i32
          %mul3A_272 = arith.muli %rem3A_122, %mul3A_271 : i32
          %add3A_273 = arith.constant 48 : i32
          %add3A_274 = arith.addi %mul3A_272, %add3A_273 : i32
          %add3A_275 = vector.broadcast %add3A_274 : i32 to vector<16xi32>
          %add3A_276 = arith.addi %add3A_275, %iota3A : vector<16xi32>
          %gather3A_277 = tpu.vector_load_idx %arg11[%add3A_276, %broadcast_in_dim3A_232] : memref<128x512xf32, #tpu.memory_space<vmem>>[vector<16xi32>, vector<16xi32>], vector<16xf32>,
          %and3A_278 = arith.constant 31 : i32
          %and3A_279 = arith.andi %while3A_207, %and3A_278 : i32
          %swap3A_280 = arith.index_cast %and3A_279 : i32 to index
          %swap3A_281 = arith.constant 48 : index
          %swap3A_282 = tpu.vector_load %arg13[%swap3A_280, %swap3A_281] {strides = array<i32>} : memref<32x128xf32, #tpu.memory_space<vmem>>, vector<16xf32>,
          tpu.vector_store %arg13[%swap3A_280, %swap3A_281], %gather3A_277 {strides = array<i32>} : memref<32x128xf32, #tpu.memory_space<vmem>>, vector<16xf32>,
          %eq3A_283 = vector.broadcast %and3A_209 : i32 to vector<16xi32>
          %eq3A_284 = arith.cmpi eq, %iota3A, %eq3A_283 : vector<16xi32>
          %mul3A_285 = arith.constant 16 : i32
          %mul3A_286 = arith.muli %and3A_213, %mul3A_285 : i32
          %get3A_287 = arith.index_cast %mul3A_286 : i32 to index
          %get3A_288 = tpu.vector_load %arg15[%get3A_287] {strides = array<i32>} : memref<32xi32, #tpu.memory_space<vmem>>, vector<16xi32>,
          %broadcast_in_dim3A_289 = vector.broadcast %and3A_234 : i32 to vector<16xi32>
          %select_n3A_290 = arith.select %eq3A_284, %broadcast_in_dim3A_289, %get3A_288 : vector<16xi1>, vector<16xi32>
          %mul3A_291 = arith.constant 16 : i32
          %mul3A_292 = arith.muli %and3A_213, %mul3A_291 : i32
          %swap3A_293 = arith.index_cast %mul3A_292 : i32 to index
          %swap3A_294 = tpu.vector_load %arg15[%swap3A_293] {strides = array<i32>} : memref<32xi32, #tpu.memory_space<vmem>>, vector<16xi32>,
          tpu.vector_store %arg15[%swap3A_293], %select_n3A_290 {strides = array<i32>} : memref<32xi32, #tpu.memory_space<vmem>>, vector<16xi32>,
          %add3A_295 = arith.constant 1 : i32
          %add3A_296 = arith.addi %while3A_207, %add3A_295 : i32
          %and3A_297 = arith.constant 15 : i32
          %and3A_298 = arith.andi %add3A_296, %and3A_297 : i32
          %eq3A_299 = arith.constant 0 : i32
          %eq3A_300 = arith.cmpi eq, %and3A_298, %eq3A_299 : i32
          %convert_element_type3A_301 = arith.extui %eq3A_300 : i1 to i32
          %cond3A_302 = arith.constant 0 : i32
          %cond3A_303 = arith.cmpi ne, %convert_element_type3A_301, %cond3A_302 : i32
          scf.if %cond3A_303 {
            %mul3A_304 = arith.constant 16 : i32
            %mul3A_305 = arith.muli %and3A_213, %mul3A_304 : i32
            %dma_start3A_306 = arith.constant 0 : i32
            %dma_start3A_307 = tpu.memref_slice %arg13[%mul3A_305, %dma_start3A_306] : memref<32x128xf32, #tpu.memory_space<vmem>> -> memref<16x128xf32, #tpu.memory_space<vmem>>
            %dma_start3A_308 = arith.constant 0 : i32
            %dma_start3A_309 = arith.constant 0 : i32
            %dma_start3A_310 = tpu.memref_slice %arg7[%dma_start3A_308, %dma_start3A_309] : memref<16448x128xf32, #tpu.memory_space<hbm>> -> memref<16448x128xf32, #tpu.memory_space<hbm>>
            tpu.enqueue_indirect_dma source(%dma_start3A_307 : memref<16x128xf32, #tpu.memory_space<vmem>>) target(%dma_start3A_310 : memref<16448x128xf32, #tpu.memory_space<hbm>>) offsets(%select_n3A_290 : vector<16xi32>) semaphore(%arg20 : memref<!tpu.dma_semaphore, #tpu.memory_space<semaphore_mem>>)
          } else {
          }
          scf.yield %add3A_296 : i32
        }
        scf.yield %while3A_205 : i32
      }
      %while3A_182 = arith.constant 1 : i32
      %while3A_183 = scf.for %while3A_184 = %while3A_179 to %while3A_175 step %while3A_182 iter_args(%while3A_185 = %while3A_181) -> (i32)  : i32 {
        %mul3A_186 = arith.constant 16 : i32
        %mul3A_187 = arith.muli %while3A_184, %mul3A_186 : i32
        %get3A = arith.index_cast %mul3A_187 : i32 to index
        %get3A_188 = tpu.vector_load %arg10[%get3A] {strides = array<i32>} : memref<16400xi32, #tpu.memory_space<vmem>>, vector<16xi32>,
        %shift_right_arithmetic3A_189 = arith.constant 23 : i32
        %shift_right_arithmetic3A_190 = vector.broadcast %shift_right_arithmetic3A_189 : i32 to vector<16xi32>
        %shift_right_arithmetic3A_191 = arith.shrsi %get3A_188, %shift_right_arithmetic3A_190 : vector<16xi32>
        %eq3A = vector.broadcast %sub3A_123 : i32 to vector<16xi32>
        %eq3A_192 = arith.cmpi eq, %shift_right_arithmetic3A_191, %eq3A : vector<16xi32>
        %swap3A_193 = arith.constant 0 : index
        %swap3A_194 = tpu.vector_load %arg16[%swap3A_193] masked %eq3A_192 {strides = array<i32>} : memref<16xi32, #tpu.memory_space<vmem>>, vector<16xi32>, vector<16xi1>
        tpu.vector_store %arg16[%swap3A_193], %get3A_188 masked %eq3A_192 {strides = array<i32>} : memref<16xi32, #tpu.memory_space<vmem>>, vector<16xi32>, vector<16xi1>
        %all_reduce_population_count3A = tpu.all_reduce %eq3A_192 {dim = 0 : i64, kind = #tpu.reduction_kind<sum>} : vector<16xi1> -> vector<16xi32>
        %slice3A = vector.extract_strided_slice %all_reduce_population_count3A {offsets = [0], sizes = [1], strides = [1]} : vector<16xi32> to vector<1xi32>
        %squeeze3A = vector.extract %slice3A[0] : i32 from vector<1xi32>
        %while3A_195 = arith.constant 0 : i32
        %while3A_196 = arith.subi %squeeze3A, %while3A_195 : i32
        %while3A_197 = arith.addi %while3A_195, %while3A_196 : i32
        %while3A_198 = arith.constant 1 : i32
        %while3A_199 = arith.divsi %while3A_196, %while3A_198 : i32
        %while3A_200 = arith.muli %while3A_199, %while3A_198 : i32
        %while3A_201 = arith.addi %while3A_195, %while3A_200 : i32
        %while3A_202 = arith.constant 1 : i32
        %while3A_203 = scf.for %while3A_206 = %while3A_195 to %while3A_201 step %while3A_202 iter_args(%while3A_207 = %while3A_185) -> (i32)  : i32 {
          %and3A_208 = arith.constant 15 : i32
          %and3A_209 = arith.andi %while3A_207, %and3A_208 : i32
          %shift_right_arithmetic3A_210 = arith.constant 4 : i32
          %shift_right_arithmetic3A_211 = arith.shrsi %while3A_207, %shift_right_arithmetic3A_210 : i32
          %and3A_212 = arith.constant 1 : i32
          %and3A_213 = arith.andi %shift_right_arithmetic3A_211, %and3A_212 : i32
          %eq3A_214 = arith.constant 0 : i32
          %eq3A_215 = arith.cmpi eq, %and3A_209, %eq3A_214 : i32
          %ge3A_216 = arith.constant 32 : i32
          %ge3A_217 = arith.cmpi sge, %while3A_207, %ge3A_216 : i32
          %and3A_218 = arith.andi %eq3A_215, %ge3A_217 : i1
          %convert_element_type3A_219 = arith.extui %and3A_218 : i1 to i32
          %cond3A_220 = arith.constant 0 : i32
          %cond3A_221 = arith.cmpi ne, %convert_element_type3A_219, %cond3A_220 : i32
          scf.if %cond3A_221 {
            %mul3A_304 = arith.constant 16 : i32
            %mul3A_305 = arith.muli %and3A_213, %mul3A_304 : i32
            %get3A_306 = arith.index_cast %mul3A_305 : i32 to index
            %get3A_307 = tpu.vector_load %arg15[%get3A_306] {strides = array<i32>} : memref<32xi32, #tpu.memory_space<vmem>>, vector<16xi32>,
            %mul3A_308 = arith.constant 16 : i32
            %mul3A_309 = arith.muli %and3A_213, %mul3A_308 : i32
            %dma_wait3A_310 = arith.constant 0 : i32
            %dma_wait3A_311 = tpu.memref_slice %arg13[%mul3A_309, %dma_wait3A_310] : memref<32x128xf32, #tpu.memory_space<vmem>> -> memref<16x128xf32, #tpu.memory_space<vmem>>
            %dma_wait3A_312 = arith.constant 0 : i32
            %dma_wait3A_313 = arith.constant 0 : i32
            %dma_wait3A_314 = tpu.memref_slice %arg7[%dma_wait3A_312, %dma_wait3A_313] : memref<16448x128xf32, #tpu.memory_space<hbm>> -> memref<16448x128xf32, #tpu.memory_space<hbm>>
            tpu.wait_indirect_dma semaphore(%arg20 : memref<!tpu.dma_semaphore, #tpu.memory_space<semaphore_mem>>) src(%dma_wait3A_311 : memref<16x128xf32, #tpu.memory_space<vmem>>) dst(%dma_wait3A_314 : memref<16448x128xf32, #tpu.memory_space<hbm>>)
          } else {
          }
          %broadcast_in_dim3A_222 = vector.broadcast %while3A_206 : i32 to vector<16xi32>
          %gather3A = arith.constant 0 : i32
          %gather3A_223 = tpu.memref_slice %arg16[%gather3A] : memref<16xi32, #tpu.memory_space<vmem>> -> memref<16xi32, #tpu.memory_space<vmem>>
          %gather3A_224 = tpu.vector_load_idx %gather3A_223[%broadcast_in_dim3A_222] : memref<16xi32, #tpu.memory_space<vmem>>[vector<16xi32>], vector<16xi32>,
          %slice3A_225 = vector.extract_strided_slice %gather3A_224 {offsets = [0], sizes = [1], strides = [1]} : vector<16xi32> to vector<1xi32>
          %squeeze3A_226 = vector.extract %slice3A_225[0] : i32 from vector<1xi32>
          %shift_right_arithmetic3A_227 = arith.constant 14 : i32
          %shift_right_arithmetic3A_228 = arith.shrsi %squeeze3A_226, %shift_right_arithmetic3A_227 : i32
          %and3A_229 = arith.constant 511 : i32
          %and3A_230 = arith.andi %shift_right_arithmetic3A_228, %and3A_229 : i32
          %add3A_231 = arith.addi %and3A_230, %sub3A_130 : i32
          %broadcast_in_dim3A_232 = vector.broadcast %add3A_231 : i32 to vector<16xi32>
          %and3A_233 = arith.constant 16383 : i32
          %and3A_234 = arith.andi %squeeze3A_226, %and3A_233 : i32
          %mul3A_235 = arith.constant 64 : i32
          %mul3A_236 = arith.muli %rem3A_122, %mul3A_235 : i32
          %add3A_237 = arith.constant 0 : i32
          %add3A_238 = arith.addi %mul3A_236, %add3A_237 : i32
          %add3A_239 = vector.broadcast %add3A_238 : i32 to vector<16xi32>
          %add3A_240 = arith.addi %add3A_239, %iota3A : vector<16xi32>
          %gather3A_241 = tpu.vector_load_idx %arg11[%add3A_240, %broadcast_in_dim3A_232] : memref<128x512xf32, #tpu.memory_space<vmem>>[vector<16xi32>, vector<16xi32>], vector<16xf32>,
          %and3A_242 = arith.constant 31 : i32
          %and3A_243 = arith.andi %while3A_207, %and3A_242 : i32
          %swap3A_244 = arith.index_cast %and3A_243 : i32 to index
          %swap3A_245 = arith.constant 0 : index
          %swap3A_246 = tpu.vector_load %arg13[%swap3A_244, %swap3A_245] {strides = array<i32>} : memref<32x128xf32, #tpu.memory_space<vmem>>, vector<16xf32>,
          tpu.vector_store %arg13[%swap3A_244, %swap3A_245], %gather3A_241 {strides = array<i32>} : memref<32x128xf32, #tpu.memory_space<vmem>>, vector<16xf32>,
          %mul3A_247 = arith.constant 64 : i32
          %mul3A_248 = arith.muli %rem3A_122, %mul3A_247 : i32
          %add3A_249 = arith.constant 16 : i32
          %add3A_250 = arith.addi %mul3A_248, %add3A_249 : i32
          %add3A_251 = vector.broadcast %add3A_250 : i32 to vector<16xi32>
          %add3A_252 = arith.addi %add3A_251, %iota3A : vector<16xi32>
          %gather3A_253 = tpu.vector_load_idx %arg11[%add3A_252, %broadcast_in_dim3A_232] : memref<128x512xf32, #tpu.memory_space<vmem>>[vector<16xi32>, vector<16xi32>], vector<16xf32>,
          %and3A_254 = arith.constant 31 : i32
          %and3A_255 = arith.andi %while3A_207, %and3A_254 : i32
          %swap3A_256 = arith.index_cast %and3A_255 : i32 to index
          %swap3A_257 = arith.constant 16 : index
          %swap3A_258 = tpu.vector_load %arg13[%swap3A_256, %swap3A_257] {strides = array<i32>} : memref<32x128xf32, #tpu.memory_space<vmem>>, vector<16xf32>,
          tpu.vector_store %arg13[%swap3A_256, %swap3A_257], %gather3A_253 {strides = array<i32>} : memref<32x128xf32, #tpu.memory_space<vmem>>, vector<16xf32>,
          %mul3A_259 = arith.constant 64 : i32
          %mul3A_260 = arith.muli %rem3A_122, %mul3A_259 : i32
          %add3A_261 = arith.constant 32 : i32
          %add3A_262 = arith.addi %mul3A_260, %add3A_261 : i32
          %add3A_263 = vector.broadcast %add3A_262 : i32 to vector<16xi32>
          %add3A_264 = arith.addi %add3A_263, %iota3A : vector<16xi32>
          %gather3A_265 = tpu.vector_load_idx %arg11[%add3A_264, %broadcast_in_dim3A_232] : memref<128x512xf32, #tpu.memory_space<vmem>>[vector<16xi32>, vector<16xi32>], vector<16xf32>,
          %and3A_266 = arith.constant 31 : i32
          %and3A_267 = arith.andi %while3A_207, %and3A_266 : i32
          %swap3A_268 = arith.index_cast %and3A_267 : i32 to index
          %swap3A_269 = arith.constant 32 : index
          %swap3A_270 = tpu.vector_load %arg13[%swap3A_268, %swap3A_269] {strides = array<i32>} : memref<32x128xf32, #tpu.memory_space<vmem>>, vector<16xf32>,
          tpu.vector_store %arg13[%swap3A_268, %swap3A_269], %gather3A_265 {strides = array<i32>} : memref<32x128xf32, #tpu.memory_space<vmem>>, vector<16xf32>,
          %mul3A_271 = arith.constant 64 : i32
          %mul3A_272 = arith.muli %rem3A_122, %mul3A_271 : i32
          %add3A_273 = arith.constant 48 : i32
          %add3A_274 = arith.addi %mul3A_272, %add3A_273 : i32
          %add3A_275 = vector.broadcast %add3A_274 : i32 to vector<16xi32>
          %add3A_276 = arith.addi %add3A_275, %iota3A : vector<16xi32>
          %gather3A_277 = tpu.vector_load_idx %arg11[%add3A_276, %broadcast_in_dim3A_232] : memref<128x512xf32, #tpu.memory_space<vmem>>[vector<16xi32>, vector<16xi32>], vector<16xf32>,
          %and3A_278 = arith.constant 31 : i32
          %and3A_279 = arith.andi %while3A_207, %and3A_278 : i32
          %swap3A_280 = arith.index_cast %and3A_279 : i32 to index
          %swap3A_281 = arith.constant 48 : index
          %swap3A_282 = tpu.vector_load %arg13[%swap3A_280, %swap3A_281] {strides = array<i32>} : memref<32x128xf32, #tpu.memory_space<vmem>>, vector<16xf32>,
          tpu.vector_store %arg13[%swap3A_280, %swap3A_281], %gather3A_277 {strides = array<i32>} : memref<32x128xf32, #tpu.memory_space<vmem>>, vector<16xf32>,
          %eq3A_283 = vector.broadcast %and3A_209 : i32 to vector<16xi32>
          %eq3A_284 = arith.cmpi eq, %iota3A, %eq3A_283 : vector<16xi32>
          %mul3A_285 = arith.constant 16 : i32
          %mul3A_286 = arith.muli %and3A_213, %mul3A_285 : i32
          %get3A_287 = arith.index_cast %mul3A_286 : i32 to index
          %get3A_288 = tpu.vector_load %arg15[%get3A_287] {strides = array<i32>} : memref<32xi32, #tpu.memory_space<vmem>>, vector<16xi32>,
          %broadcast_in_dim3A_289 = vector.broadcast %and3A_234 : i32 to vector<16xi32>
          %select_n3A_290 = arith.select %eq3A_284, %broadcast_in_dim3A_289, %get3A_288 : vector<16xi1>, vector<16xi32>
          %mul3A_291 = arith.constant 16 : i32
          %mul3A_292 = arith.muli %and3A_213, %mul3A_291 : i32
          %swap3A_293 = arith.index_cast %mul3A_292 : i32 to index
          %swap3A_294 = tpu.vector_load %arg15[%swap3A_293] {strides = array<i32>} : memref<32xi32, #tpu.memory_space<vmem>>, vector<16xi32>,
          tpu.vector_store %arg15[%swap3A_293], %select_n3A_290 {strides = array<i32>} : memref<32xi32, #tpu.memory_space<vmem>>, vector<16xi32>,
          %add3A_295 = arith.constant 1 : i32
          %add3A_296 = arith.addi %while3A_207, %add3A_295 : i32
          %and3A_297 = arith.constant 15 : i32
          %and3A_298 = arith.andi %add3A_296, %and3A_297 : i32
          %eq3A_299 = arith.constant 0 : i32
          %eq3A_300 = arith.cmpi eq, %and3A_298, %eq3A_299 : i32
          %convert_element_type3A_301 = arith.extui %eq3A_300 : i1 to i32
          %cond3A_302 = arith.constant 0 : i32
          %cond3A_303 = arith.cmpi ne, %convert_element_type3A_301, %cond3A_302 : i32
          scf.if %cond3A_303 {
            %mul3A_304 = arith.constant 16 : i32
            %mul3A_305 = arith.muli %and3A_213, %mul3A_304 : i32
            %dma_start3A_306 = arith.constant 0 : i32
            %dma_start3A_307 = tpu.memref_slice %arg13[%mul3A_305, %dma_start3A_306] : memref<32x128xf32, #tpu.memory_space<vmem>> -> memref<16x128xf32, #tpu.memory_space<vmem>>
            %dma_start3A_308 = arith.constant 0 : i32
            %dma_start3A_309 = arith.constant 0 : i32
            %dma_start3A_310 = tpu.memref_slice %arg7[%dma_start3A_308, %dma_start3A_309] : memref<16448x128xf32, #tpu.memory_space<hbm>> -> memref<16448x128xf32, #tpu.memory_space<hbm>>
            tpu.enqueue_indirect_dma source(%dma_start3A_307 : memref<16x128xf32, #tpu.memory_space<vmem>>) target(%dma_start3A_310 : memref<16448x128xf32, #tpu.memory_space<hbm>>) offsets(%select_n3A_290 : vector<16xi32>) semaphore(%arg20 : memref<!tpu.dma_semaphore, #tpu.memory_space<semaphore_mem>>)
          } else {
          }
          scf.yield %add3A_296 : i32
        }
        %while3A_204 = arith.constant 1 : i32
        %while3A_205 = scf.for %while3A_206 = %while3A_201 to %while3A_197 step %while3A_204 iter_args(%while3A_207 = %while3A_203) -> (i32)  : i32 {
          %and3A_208 = arith.constant 15 : i32
          %and3A_209 = arith.andi %while3A_207, %and3A_208 : i32
          %shift_right_arithmetic3A_210 = arith.constant 4 : i32
          %shift_right_arithmetic3A_211 = arith.shrsi %while3A_207, %shift_right_arithmetic3A_210 : i32
          %and3A_212 = arith.constant 1 : i32
          %and3A_213 = arith.andi %shift_right_arithmetic3A_211, %and3A_212 : i32
          %eq3A_214 = arith.constant 0 : i32
          %eq3A_215 = arith.cmpi eq, %and3A_209, %eq3A_214 : i32
          %ge3A_216 = arith.constant 32 : i32
          %ge3A_217 = arith.cmpi sge, %while3A_207, %ge3A_216 : i32
          %and3A_218 = arith.andi %eq3A_215, %ge3A_217 : i1
          %convert_element_type3A_219 = arith.extui %and3A_218 : i1 to i32
          %cond3A_220 = arith.constant 0 : i32
          %cond3A_221 = arith.cmpi ne, %convert_element_type3A_219, %cond3A_220 : i32
          scf.if %cond3A_221 {
            %mul3A_304 = arith.constant 16 : i32
            %mul3A_305 = arith.muli %and3A_213, %mul3A_304 : i32
            %get3A_306 = arith.index_cast %mul3A_305 : i32 to index
            %get3A_307 = tpu.vector_load %arg15[%get3A_306] {strides = array<i32>} : memref<32xi32, #tpu.memory_space<vmem>>, vector<16xi32>,
            %mul3A_308 = arith.constant 16 : i32
            %mul3A_309 = arith.muli %and3A_213, %mul3A_308 : i32
            %dma_wait3A_310 = arith.constant 0 : i32
            %dma_wait3A_311 = tpu.memref_slice %arg13[%mul3A_309, %dma_wait3A_310] : memref<32x128xf32, #tpu.memory_space<vmem>> -> memref<16x128xf32, #tpu.memory_space<vmem>>
            %dma_wait3A_312 = arith.constant 0 : i32
            %dma_wait3A_313 = arith.constant 0 : i32
            %dma_wait3A_314 = tpu.memref_slice %arg7[%dma_wait3A_312, %dma_wait3A_313] : memref<16448x128xf32, #tpu.memory_space<hbm>> -> memref<16448x128xf32, #tpu.memory_space<hbm>>
            tpu.wait_indirect_dma semaphore(%arg20 : memref<!tpu.dma_semaphore, #tpu.memory_space<semaphore_mem>>) src(%dma_wait3A_311 : memref<16x128xf32, #tpu.memory_space<vmem>>) dst(%dma_wait3A_314 : memref<16448x128xf32, #tpu.memory_space<hbm>>)
          } else {
          }
          %broadcast_in_dim3A_222 = vector.broadcast %while3A_206 : i32 to vector<16xi32>
          %gather3A = arith.constant 0 : i32
          %gather3A_223 = tpu.memref_slice %arg16[%gather3A] : memref<16xi32, #tpu.memory_space<vmem>> -> memref<16xi32, #tpu.memory_space<vmem>>
          %gather3A_224 = tpu.vector_load_idx %gather3A_223[%broadcast_in_dim3A_222] : memref<16xi32, #tpu.memory_space<vmem>>[vector<16xi32>], vector<16xi32>,
          %slice3A_225 = vector.extract_strided_slice %gather3A_224 {offsets = [0], sizes = [1], strides = [1]} : vector<16xi32> to vector<1xi32>
          %squeeze3A_226 = vector.extract %slice3A_225[0] : i32 from vector<1xi32>
          %shift_right_arithmetic3A_227 = arith.constant 14 : i32
          %shift_right_arithmetic3A_228 = arith.shrsi %squeeze3A_226, %shift_right_arithmetic3A_227 : i32
          %and3A_229 = arith.constant 511 : i32
          %and3A_230 = arith.andi %shift_right_arithmetic3A_228, %and3A_229 : i32
          %add3A_231 = arith.addi %and3A_230, %sub3A_130 : i32
          %broadcast_in_dim3A_232 = vector.broadcast %add3A_231 : i32 to vector<16xi32>
          %and3A_233 = arith.constant 16383 : i32
          %and3A_234 = arith.andi %squeeze3A_226, %and3A_233 : i32
          %mul3A_235 = arith.constant 64 : i32
          %mul3A_236 = arith.muli %rem3A_122, %mul3A_235 : i32
          %add3A_237 = arith.constant 0 : i32
          %add3A_238 = arith.addi %mul3A_236, %add3A_237 : i32
          %add3A_239 = vector.broadcast %add3A_238 : i32 to vector<16xi32>
          %add3A_240 = arith.addi %add3A_239, %iota3A : vector<16xi32>
          %gather3A_241 = tpu.vector_load_idx %arg11[%add3A_240, %broadcast_in_dim3A_232] : memref<128x512xf32, #tpu.memory_space<vmem>>[vector<16xi32>, vector<16xi32>], vector<16xf32>,
          %and3A_242 = arith.constant 31 : i32
          %and3A_243 = arith.andi %while3A_207, %and3A_242 : i32
          %swap3A_244 = arith.index_cast %and3A_243 : i32 to index
          %swap3A_245 = arith.constant 0 : index
          %swap3A_246 = tpu.vector_load %arg13[%swap3A_244, %swap3A_245] {strides = array<i32>} : memref<32x128xf32, #tpu.memory_space<vmem>>, vector<16xf32>,
          tpu.vector_store %arg13[%swap3A_244, %swap3A_245], %gather3A_241 {strides = array<i32>} : memref<32x128xf32, #tpu.memory_space<vmem>>, vector<16xf32>,
          %mul3A_247 = arith.constant 64 : i32
          %mul3A_248 = arith.muli %rem3A_122, %mul3A_247 : i32
          %add3A_249 = arith.constant 16 : i32
          %add3A_250 = arith.addi %mul3A_248, %add3A_249 : i32
          %add3A_251 = vector.broadcast %add3A_250 : i32 to vector<16xi32>
          %add3A_252 = arith.addi %add3A_251, %iota3A : vector<16xi32>
          %gather3A_253 = tpu.vector_load_idx %arg11[%add3A_252, %broadcast_in_dim3A_232] : memref<128x512xf32, #tpu.memory_space<vmem>>[vector<16xi32>, vector<16xi32>], vector<16xf32>,
          %and3A_254 = arith.constant 31 : i32
          %and3A_255 = arith.andi %while3A_207, %and3A_254 : i32
          %swap3A_256 = arith.index_cast %and3A_255 : i32 to index
          %swap3A_257 = arith.constant 16 : index
          %swap3A_258 = tpu.vector_load %arg13[%swap3A_256, %swap3A_257] {strides = array<i32>} : memref<32x128xf32, #tpu.memory_space<vmem>>, vector<16xf32>,
          tpu.vector_store %arg13[%swap3A_256, %swap3A_257], %gather3A_253 {strides = array<i32>} : memref<32x128xf32, #tpu.memory_space<vmem>>, vector<16xf32>,
          %mul3A_259 = arith.constant 64 : i32
          %mul3A_260 = arith.muli %rem3A_122, %mul3A_259 : i32
          %add3A_261 = arith.constant 32 : i32
          %add3A_262 = arith.addi %mul3A_260, %add3A_261 : i32
          %add3A_263 = vector.broadcast %add3A_262 : i32 to vector<16xi32>
          %add3A_264 = arith.addi %add3A_263, %iota3A : vector<16xi32>
          %gather3A_265 = tpu.vector_load_idx %arg11[%add3A_264, %broadcast_in_dim3A_232] : memref<128x512xf32, #tpu.memory_space<vmem>>[vector<16xi32>, vector<16xi32>], vector<16xf32>,
          %and3A_266 = arith.constant 31 : i32
          %and3A_267 = arith.andi %while3A_207, %and3A_266 : i32
          %swap3A_268 = arith.index_cast %and3A_267 : i32 to index
          %swap3A_269 = arith.constant 32 : index
          %swap3A_270 = tpu.vector_load %arg13[%swap3A_268, %swap3A_269] {strides = array<i32>} : memref<32x128xf32, #tpu.memory_space<vmem>>, vector<16xf32>,
          tpu.vector_store %arg13[%swap3A_268, %swap3A_269], %gather3A_265 {strides = array<i32>} : memref<32x128xf32, #tpu.memory_space<vmem>>, vector<16xf32>,
          %mul3A_271 = arith.constant 64 : i32
          %mul3A_272 = arith.muli %rem3A_122, %mul3A_271 : i32
          %add3A_273 = arith.constant 48 : i32
          %add3A_274 = arith.addi %mul3A_272, %add3A_273 : i32
          %add3A_275 = vector.broadcast %add3A_274 : i32 to vector<16xi32>
          %add3A_276 = arith.addi %add3A_275, %iota3A : vector<16xi32>
          %gather3A_277 = tpu.vector_load_idx %arg11[%add3A_276, %broadcast_in_dim3A_232] : memref<128x512xf32, #tpu.memory_space<vmem>>[vector<16xi32>, vector<16xi32>], vector<16xf32>,
          %and3A_278 = arith.constant 31 : i32
          %and3A_279 = arith.andi %while3A_207, %and3A_278 : i32
          %swap3A_280 = arith.index_cast %and3A_279 : i32 to index
          %swap3A_281 = arith.constant 48 : index
          %swap3A_282 = tpu.vector_load %arg13[%swap3A_280, %swap3A_281] {strides = array<i32>} : memref<32x128xf32, #tpu.memory_space<vmem>>, vector<16xf32>,
          tpu.vector_store %arg13[%swap3A_280, %swap3A_281], %gather3A_277 {strides = array<i32>} : memref<32x128xf32, #tpu.memory_space<vmem>>, vector<16xf32>,
          %eq3A_283 = vector.broadcast %and3A_209 : i32 to vector<16xi32>
          %eq3A_284 = arith.cmpi eq, %iota3A, %eq3A_283 : vector<16xi32>
          %mul3A_285 = arith.constant 16 : i32
          %mul3A_286 = arith.muli %and3A_213, %mul3A_285 : i32
          %get3A_287 = arith.index_cast %mul3A_286 : i32 to index
          %get3A_288 = tpu.vector_load %arg15[%get3A_287] {strides = array<i32>} : memref<32xi32, #tpu.memory_space<vmem>>, vector<16xi32>,
          %broadcast_in_dim3A_289 = vector.broadcast %and3A_234 : i32 to vector<16xi32>
          %select_n3A_290 = arith.select %eq3A_284, %broadcast_in_dim3A_289, %get3A_288 : vector<16xi1>, vector<16xi32>
          %mul3A_291 = arith.constant 16 : i32
          %mul3A_292 = arith.muli %and3A_213, %mul3A_291 : i32
          %swap3A_293 = arith.index_cast %mul3A_292 : i32 to index
          %swap3A_294 = tpu.vector_load %arg15[%swap3A_293] {strides = array<i32>} : memref<32xi32, #tpu.memory_space<vmem>>, vector<16xi32>,
          tpu.vector_store %arg15[%swap3A_293], %select_n3A_290 {strides = array<i32>} : memref<32xi32, #tpu.memory_space<vmem>>, vector<16xi32>,
          %add3A_295 = arith.constant 1 : i32
          %add3A_296 = arith.addi %while3A_207, %add3A_295 : i32
          %and3A_297 = arith.constant 15 : i32
          %and3A_298 = arith.andi %add3A_296, %and3A_297 : i32
          %eq3A_299 = arith.constant 0 : i32
          %eq3A_300 = arith.cmpi eq, %and3A_298, %eq3A_299 : i32
          %convert_element_type3A_301 = arith.extui %eq3A_300 : i1 to i32
          %cond3A_302 = arith.constant 0 : i32
          %cond3A_303 = arith.cmpi ne, %convert_element_type3A_301, %cond3A_302 : i32
          scf.if %cond3A_303 {
            %mul3A_304 = arith.constant 16 : i32
            %mul3A_305 = arith.muli %and3A_213, %mul3A_304 : i32
            %dma_start3A_306 = arith.constant 0 : i32
            %dma_start3A_307 = tpu.memref_slice %arg13[%mul3A_305, %dma_start3A_306] : memref<32x128xf32, #tpu.memory_space<vmem>> -> memref<16x128xf32, #tpu.memory_space<vmem>>
            %dma_start3A_308 = arith.constant 0 : i32
            %dma_start3A_309 = arith.constant 0 : i32
            %dma_start3A_310 = tpu.memref_slice %arg7[%dma_start3A_308, %dma_start3A_309] : memref<16448x128xf32, #tpu.memory_space<hbm>> -> memref<16448x128xf32, #tpu.memory_space<hbm>>
            tpu.enqueue_indirect_dma source(%dma_start3A_307 : memref<16x128xf32, #tpu.memory_space<vmem>>) target(%dma_start3A_310 : memref<16448x128xf32, #tpu.memory_space<hbm>>) offsets(%select_n3A_290 : vector<16xi32>) semaphore(%arg20 : memref<!tpu.dma_semaphore, #tpu.memory_space<semaphore_mem>>)
          } else {
          }
          scf.yield %add3A_296 : i32
        }
        scf.yield %while3A_205 : i32
      }
      scf.yield %while3A_183 : i32
    }
    %while3A_74 = arith.constant 1 : i32
    %while3A_75 = scf.for %while3A_119 = %while3A_71 to %while3A_67 step %while3A_74 iter_args(%while3A_120 = %while3A_73) -> (i32)  : i32 {
      %sub3A_121 = arith.subi %while3A_119, %mul3A_2 : i32
      %rem3A = arith.constant 2 : i32
      %rem3A_122 = arith.remsi %sub3A_121, %rem3A : i32
      %sub3A_123 = arith.subi %while3A_119, %mul3A_2 : i32
      %mul3A_124 = arith.constant 512 : i32
      %mul3A_125 = arith.muli %while3A_119, %mul3A_124 : i32
      %mul3A_126 = arith.constant 512 : i32
      %mul3A_127 = arith.muli %while3A_119, %mul3A_126 : i32
      %min3A_128 = arith.constant 999552 : i32
      %min3A_129 = arith.minsi %mul3A_127, %min3A_128 : i32
      %sub3A_130 = arith.subi %mul3A_125, %min3A_129 : i32
      %add3A_131 = arith.constant 1 : i32
      %add3A_132 = arith.addi %while3A_119, %add3A_131 : i32
      %lt3A = arith.cmpi slt, %add3A_132, %min3A_5 : i32
      %convert_element_type3A_133 = arith.extui %lt3A : i1 to i32
      %cond3A_134 = arith.constant 0 : i32
      %cond3A_135 = arith.cmpi ne, %convert_element_type3A_133, %cond3A_134 : i32
      scf.if %cond3A_135 {
        %sub3A_184 = arith.constant 1 : i32
        %sub3A_185 = arith.subi %sub3A_184, %rem3A_122 : i32
        %mul3A_186 = arith.constant 512 : i32
        %mul3A_187 = arith.muli %add3A_132, %mul3A_186 : i32
        %min3A_188 = arith.constant 999552 : i32
        %min3A_189 = arith.minsi %mul3A_187, %min3A_188 : i32
        %mul3A_190 = arith.constant 64 : i32
        %mul3A_191 = arith.muli %sub3A_185, %mul3A_190 : i32
        %dma_start3A_192 = arith.constant 0 : i32
        %dma_start3A_193 = tpu.memref_slice %arg11[%mul3A_191, %dma_start3A_192] : memref<128x512xf32, #tpu.memory_space<vmem>> -> memref<64x512xf32, #tpu.memory_space<vmem>>
        %dma_start3A_194 = arith.constant 0 : i32
        %dma_start3A_195 = tpu.memref_slice %arg5[%dma_start3A_194, %min3A_189] : memref<64x1000000xf32, #tpu.memory_space<hbm>> -> memref<64x512xf32, #tpu.memory_space<hbm>>
        %dma_start3A_196 = arith.constant 0 : i32
        %dma_start3A_197 = tpu.memref_slice %arg11[%mul3A_191, %dma_start3A_196] : memref<128x512xf32, #tpu.memory_space<vmem>> -> memref<64x512xf32, #tpu.memory_space<vmem>>
        %dma_start3A_198 = arith.constant 0 : i32
        %dma_start3A_199 = tpu.memref_slice %arg5[%dma_start3A_198, %min3A_189] : memref<64x1000000xf32, #tpu.memory_space<hbm>> -> memref<64x512xf32, #tpu.memory_space<hbm>>
        tpu.enqueue_dma source(%dma_start3A_199 : memref<64x512xf32, #tpu.memory_space<hbm>>) target(%dma_start3A_197 : memref<64x512xf32, #tpu.memory_space<vmem>>) target_semaphore(%arg18 : memref<!tpu.dma_semaphore, #tpu.memory_space<semaphore_mem>>)
      } else {
      }
      %mul3A_136 = arith.constant 512 : i32
      %mul3A_137 = arith.muli %while3A_119, %mul3A_136 : i32
      %min3A_138 = arith.constant 999552 : i32
      %min3A_139 = arith.minsi %mul3A_137, %min3A_138 : i32
      %mul3A_140 = arith.constant 64 : i32
      %mul3A_141 = arith.muli %rem3A_122, %mul3A_140 : i32
      %dma_wait3A = arith.constant 0 : i32
      %dma_wait3A_142 = tpu.memref_slice %arg11[%mul3A_141, %dma_wait3A] : memref<128x512xf32, #tpu.memory_space<vmem>> -> memref<64x512xf32, #tpu.memory_space<vmem>>
      %dma_wait3A_143 = arith.constant 0 : i32
      %dma_wait3A_144 = tpu.memref_slice %arg5[%dma_wait3A_143, %min3A_139] : memref<64x1000000xf32, #tpu.memory_space<hbm>> -> memref<64x512xf32, #tpu.memory_space<hbm>>
      %dma_wait3A_145 = arith.constant 0 : i32
      %dma_wait3A_146 = tpu.memref_slice %arg11[%mul3A_141, %dma_wait3A_145] : memref<128x512xf32, #tpu.memory_space<vmem>> -> memref<64x512xf32, #tpu.memory_space<vmem>>
      %dma_wait3A_147 = arith.constant 0 : i32
      %dma_wait3A_148 = tpu.memref_slice %arg5[%dma_wait3A_147, %min3A_139] : memref<64x1000000xf32, #tpu.memory_space<hbm>> -> memref<64x512xf32, #tpu.memory_space<hbm>>
      tpu.wait_dma2 semaphore(%arg18 : memref<!tpu.dma_semaphore, #tpu.memory_space<semaphore_mem>>) src(%dma_wait3A_148 : memref<64x512xf32, #tpu.memory_space<hbm>>) dst(%dma_wait3A_146 : memref<64x512xf32, #tpu.memory_space<vmem>>)
      %add3A_149 = arith.constant 16 : i32
      %add3A_150 = arith.addi %scan3A_34#1, %add3A_149 : i32
      %sub3A_151 = arith.constant 1 : i32
      %sub3A_152 = arith.subi %add3A_150, %sub3A_151 : i32
      %jit3A = arith.constant 16 : i32
      %div3A = arith.divsi %sub3A_152, %jit3A : i32
      %sign3A = arith.constant 0 : i32
      %sign3A_153 = arith.cmpi sgt, %sub3A_152, %sign3A : i32
      %sign3A_154 = arith.extui %sign3A_153 : i1 to i32
      %sign3A_155 = arith.constant 0 : i32
      %sign3A_156 = arith.cmpi slt, %sub3A_152, %sign3A_155 : i32
      %sign3A_157 = arith.extui %sign3A_156 : i1 to i32
      %sign3A_158 = arith.subi %sign3A_154, %sign3A_157 : i32
      %sign3A_159 = arith.constant 0 : i32
      %sign3A_160 = arith.cmpi sgt, %jit3A, %sign3A_159 : i32
      %sign3A_161 = arith.extui %sign3A_160 : i1 to i32
      %sign3A_162 = arith.constant 0 : i32
      %sign3A_163 = arith.cmpi slt, %jit3A, %sign3A_162 : i32
      %sign3A_164 = arith.extui %sign3A_163 : i1 to i32
      %sign3A_165 = arith.subi %sign3A_161, %sign3A_164 : i32
      %ne3A_166 = arith.cmpi ne, %sign3A_158, %sign3A_165 : i32
      %rem3A_167 = arith.remsi %sub3A_152, %jit3A : i32
      %ne3A_168 = arith.constant 0 : i32
      %ne3A_169 = arith.cmpi ne, %rem3A_167, %ne3A_168 : i32
      %and3A_170 = arith.andi %ne3A_166, %ne3A_169 : i1
      %sub3A_171 = arith.constant 1 : i32
      %sub3A_172 = arith.subi %div3A, %sub3A_171 : i32
      %select_n3A = arith.select %and3A_170, %sub3A_172, %div3A : i32
      %while3A_173 = arith.constant 0 : i32
      %while3A_174 = arith.subi %select_n3A, %while3A_173 : i32
      %while3A_175 = arith.addi %while3A_173, %while3A_174 : i32
      %while3A_176 = arith.constant 1 : i32
      %while3A_177 = arith.divsi %while3A_174, %while3A_176 : i32
      %while3A_178 = arith.muli %while3A_177, %while3A_176 : i32
      %while3A_179 = arith.addi %while3A_173, %while3A_178 : i32
      %while3A_180 = arith.constant 1 : i32
      %while3A_181 = scf.for %while3A_184 = %while3A_173 to %while3A_179 step %while3A_180 iter_args(%while3A_185 = %while3A_120) -> (i32)  : i32 {
        %mul3A_186 = arith.constant 16 : i32
        %mul3A_187 = arith.muli %while3A_184, %mul3A_186 : i32
        %get3A = arith.index_cast %mul3A_187 : i32 to index
        %get3A_188 = tpu.vector_load %arg10[%get3A] {strides = array<i32>} : memref<16400xi32, #tpu.memory_space<vmem>>, vector<16xi32>,
        %shift_right_arithmetic3A_189 = arith.constant 23 : i32
        %shift_right_arithmetic3A_190 = vector.broadcast %shift_right_arithmetic3A_189 : i32 to vector<16xi32>
        %shift_right_arithmetic3A_191 = arith.shrsi %get3A_188, %shift_right_arithmetic3A_190 : vector<16xi32>
        %eq3A = vector.broadcast %sub3A_123 : i32 to vector<16xi32>
        %eq3A_192 = arith.cmpi eq, %shift_right_arithmetic3A_191, %eq3A : vector<16xi32>
        %swap3A_193 = arith.constant 0 : index
        %swap3A_194 = tpu.vector_load %arg16[%swap3A_193] masked %eq3A_192 {strides = array<i32>} : memref<16xi32, #tpu.memory_space<vmem>>, vector<16xi32>, vector<16xi1>
        tpu.vector_store %arg16[%swap3A_193], %get3A_188 masked %eq3A_192 {strides = array<i32>} : memref<16xi32, #tpu.memory_space<vmem>>, vector<16xi32>, vector<16xi1>
        %all_reduce_population_count3A = tpu.all_reduce %eq3A_192 {dim = 0 : i64, kind = #tpu.reduction_kind<sum>} : vector<16xi1> -> vector<16xi32>
        %slice3A = vector.extract_strided_slice %all_reduce_population_count3A {offsets = [0], sizes = [1], strides = [1]} : vector<16xi32> to vector<1xi32>
        %squeeze3A = vector.extract %slice3A[0] : i32 from vector<1xi32>
        %while3A_195 = arith.constant 0 : i32
        %while3A_196 = arith.subi %squeeze3A, %while3A_195 : i32
        %while3A_197 = arith.addi %while3A_195, %while3A_196 : i32
        %while3A_198 = arith.constant 1 : i32
        %while3A_199 = arith.divsi %while3A_196, %while3A_198 : i32
        %while3A_200 = arith.muli %while3A_199, %while3A_198 : i32
        %while3A_201 = arith.addi %while3A_195, %while3A_200 : i32
        %while3A_202 = arith.constant 1 : i32
        %while3A_203 = scf.for %while3A_206 = %while3A_195 to %while3A_201 step %while3A_202 iter_args(%while3A_207 = %while3A_185) -> (i32)  : i32 {
          %and3A_208 = arith.constant 15 : i32
          %and3A_209 = arith.andi %while3A_207, %and3A_208 : i32
          %shift_right_arithmetic3A_210 = arith.constant 4 : i32
          %shift_right_arithmetic3A_211 = arith.shrsi %while3A_207, %shift_right_arithmetic3A_210 : i32
          %and3A_212 = arith.constant 1 : i32
          %and3A_213 = arith.andi %shift_right_arithmetic3A_211, %and3A_212 : i32
          %eq3A_214 = arith.constant 0 : i32
          %eq3A_215 = arith.cmpi eq, %and3A_209, %eq3A_214 : i32
          %ge3A_216 = arith.constant 32 : i32
          %ge3A_217 = arith.cmpi sge, %while3A_207, %ge3A_216 : i32
          %and3A_218 = arith.andi %eq3A_215, %ge3A_217 : i1
          %convert_element_type3A_219 = arith.extui %and3A_218 : i1 to i32
          %cond3A_220 = arith.constant 0 : i32
          %cond3A_221 = arith.cmpi ne, %convert_element_type3A_219, %cond3A_220 : i32
          scf.if %cond3A_221 {
            %mul3A_304 = arith.constant 16 : i32
            %mul3A_305 = arith.muli %and3A_213, %mul3A_304 : i32
            %get3A_306 = arith.index_cast %mul3A_305 : i32 to index
            %get3A_307 = tpu.vector_load %arg15[%get3A_306] {strides = array<i32>} : memref<32xi32, #tpu.memory_space<vmem>>, vector<16xi32>,
            %mul3A_308 = arith.constant 16 : i32
            %mul3A_309 = arith.muli %and3A_213, %mul3A_308 : i32
            %dma_wait3A_310 = arith.constant 0 : i32
            %dma_wait3A_311 = tpu.memref_slice %arg13[%mul3A_309, %dma_wait3A_310] : memref<32x128xf32, #tpu.memory_space<vmem>> -> memref<16x128xf32, #tpu.memory_space<vmem>>
            %dma_wait3A_312 = arith.constant 0 : i32
            %dma_wait3A_313 = arith.constant 0 : i32
            %dma_wait3A_314 = tpu.memref_slice %arg7[%dma_wait3A_312, %dma_wait3A_313] : memref<16448x128xf32, #tpu.memory_space<hbm>> -> memref<16448x128xf32, #tpu.memory_space<hbm>>
            tpu.wait_indirect_dma semaphore(%arg20 : memref<!tpu.dma_semaphore, #tpu.memory_space<semaphore_mem>>) src(%dma_wait3A_311 : memref<16x128xf32, #tpu.memory_space<vmem>>) dst(%dma_wait3A_314 : memref<16448x128xf32, #tpu.memory_space<hbm>>)
          } else {
          }
          %broadcast_in_dim3A_222 = vector.broadcast %while3A_206 : i32 to vector<16xi32>
          %gather3A = arith.constant 0 : i32
          %gather3A_223 = tpu.memref_slice %arg16[%gather3A] : memref<16xi32, #tpu.memory_space<vmem>> -> memref<16xi32, #tpu.memory_space<vmem>>
          %gather3A_224 = tpu.vector_load_idx %gather3A_223[%broadcast_in_dim3A_222] : memref<16xi32, #tpu.memory_space<vmem>>[vector<16xi32>], vector<16xi32>,
          %slice3A_225 = vector.extract_strided_slice %gather3A_224 {offsets = [0], sizes = [1], strides = [1]} : vector<16xi32> to vector<1xi32>
          %squeeze3A_226 = vector.extract %slice3A_225[0] : i32 from vector<1xi32>
          %shift_right_arithmetic3A_227 = arith.constant 14 : i32
          %shift_right_arithmetic3A_228 = arith.shrsi %squeeze3A_226, %shift_right_arithmetic3A_227 : i32
          %and3A_229 = arith.constant 511 : i32
          %and3A_230 = arith.andi %shift_right_arithmetic3A_228, %and3A_229 : i32
          %add3A_231 = arith.addi %and3A_230, %sub3A_130 : i32
          %broadcast_in_dim3A_232 = vector.broadcast %add3A_231 : i32 to vector<16xi32>
          %and3A_233 = arith.constant 16383 : i32
          %and3A_234 = arith.andi %squeeze3A_226, %and3A_233 : i32
          %mul3A_235 = arith.constant 64 : i32
          %mul3A_236 = arith.muli %rem3A_122, %mul3A_235 : i32
          %add3A_237 = arith.constant 0 : i32
          %add3A_238 = arith.addi %mul3A_236, %add3A_237 : i32
          %add3A_239 = vector.broadcast %add3A_238 : i32 to vector<16xi32>
          %add3A_240 = arith.addi %add3A_239, %iota3A : vector<16xi32>
          %gather3A_241 = tpu.vector_load_idx %arg11[%add3A_240, %broadcast_in_dim3A_232] : memref<128x512xf32, #tpu.memory_space<vmem>>[vector<16xi32>, vector<16xi32>], vector<16xf32>,
          %and3A_242 = arith.constant 31 : i32
          %and3A_243 = arith.andi %while3A_207, %and3A_242 : i32
          %swap3A_244 = arith.index_cast %and3A_243 : i32 to index
          %swap3A_245 = arith.constant 0 : index
          %swap3A_246 = tpu.vector_load %arg13[%swap3A_244, %swap3A_245] {strides = array<i32>} : memref<32x128xf32, #tpu.memory_space<vmem>>, vector<16xf32>,
          tpu.vector_store %arg13[%swap3A_244, %swap3A_245], %gather3A_241 {strides = array<i32>} : memref<32x128xf32, #tpu.memory_space<vmem>>, vector<16xf32>,
          %mul3A_247 = arith.constant 64 : i32
          %mul3A_248 = arith.muli %rem3A_122, %mul3A_247 : i32
          %add3A_249 = arith.constant 16 : i32
          %add3A_250 = arith.addi %mul3A_248, %add3A_249 : i32
          %add3A_251 = vector.broadcast %add3A_250 : i32 to vector<16xi32>
          %add3A_252 = arith.addi %add3A_251, %iota3A : vector<16xi32>
          %gather3A_253 = tpu.vector_load_idx %arg11[%add3A_252, %broadcast_in_dim3A_232] : memref<128x512xf32, #tpu.memory_space<vmem>>[vector<16xi32>, vector<16xi32>], vector<16xf32>,
          %and3A_254 = arith.constant 31 : i32
          %and3A_255 = arith.andi %while3A_207, %and3A_254 : i32
          %swap3A_256 = arith.index_cast %and3A_255 : i32 to index
          %swap3A_257 = arith.constant 16 : index
          %swap3A_258 = tpu.vector_load %arg13[%swap3A_256, %swap3A_257] {strides = array<i32>} : memref<32x128xf32, #tpu.memory_space<vmem>>, vector<16xf32>,
          tpu.vector_store %arg13[%swap3A_256, %swap3A_257], %gather3A_253 {strides = array<i32>} : memref<32x128xf32, #tpu.memory_space<vmem>>, vector<16xf32>,
          %mul3A_259 = arith.constant 64 : i32
          %mul3A_260 = arith.muli %rem3A_122, %mul3A_259 : i32
          %add3A_261 = arith.constant 32 : i32
          %add3A_262 = arith.addi %mul3A_260, %add3A_261 : i32
          %add3A_263 = vector.broadcast %add3A_262 : i32 to vector<16xi32>
          %add3A_264 = arith.addi %add3A_263, %iota3A : vector<16xi32>
          %gather3A_265 = tpu.vector_load_idx %arg11[%add3A_264, %broadcast_in_dim3A_232] : memref<128x512xf32, #tpu.memory_space<vmem>>[vector<16xi32>, vector<16xi32>], vector<16xf32>,
          %and3A_266 = arith.constant 31 : i32
          %and3A_267 = arith.andi %while3A_207, %and3A_266 : i32
          %swap3A_268 = arith.index_cast %and3A_267 : i32 to index
          %swap3A_269 = arith.constant 32 : index
          %swap3A_270 = tpu.vector_load %arg13[%swap3A_268, %swap3A_269] {strides = array<i32>} : memref<32x128xf32, #tpu.memory_space<vmem>>, vector<16xf32>,
          tpu.vector_store %arg13[%swap3A_268, %swap3A_269], %gather3A_265 {strides = array<i32>} : memref<32x128xf32, #tpu.memory_space<vmem>>, vector<16xf32>,
          %mul3A_271 = arith.constant 64 : i32
          %mul3A_272 = arith.muli %rem3A_122, %mul3A_271 : i32
          %add3A_273 = arith.constant 48 : i32
          %add3A_274 = arith.addi %mul3A_272, %add3A_273 : i32
          %add3A_275 = vector.broadcast %add3A_274 : i32 to vector<16xi32>
          %add3A_276 = arith.addi %add3A_275, %iota3A : vector<16xi32>
          %gather3A_277 = tpu.vector_load_idx %arg11[%add3A_276, %broadcast_in_dim3A_232] : memref<128x512xf32, #tpu.memory_space<vmem>>[vector<16xi32>, vector<16xi32>], vector<16xf32>,
          %and3A_278 = arith.constant 31 : i32
          %and3A_279 = arith.andi %while3A_207, %and3A_278 : i32
          %swap3A_280 = arith.index_cast %and3A_279 : i32 to index
          %swap3A_281 = arith.constant 48 : index
          %swap3A_282 = tpu.vector_load %arg13[%swap3A_280, %swap3A_281] {strides = array<i32>} : memref<32x128xf32, #tpu.memory_space<vmem>>, vector<16xf32>,
          tpu.vector_store %arg13[%swap3A_280, %swap3A_281], %gather3A_277 {strides = array<i32>} : memref<32x128xf32, #tpu.memory_space<vmem>>, vector<16xf32>,
          %eq3A_283 = vector.broadcast %and3A_209 : i32 to vector<16xi32>
          %eq3A_284 = arith.cmpi eq, %iota3A, %eq3A_283 : vector<16xi32>
          %mul3A_285 = arith.constant 16 : i32
          %mul3A_286 = arith.muli %and3A_213, %mul3A_285 : i32
          %get3A_287 = arith.index_cast %mul3A_286 : i32 to index
          %get3A_288 = tpu.vector_load %arg15[%get3A_287] {strides = array<i32>} : memref<32xi32, #tpu.memory_space<vmem>>, vector<16xi32>,
          %broadcast_in_dim3A_289 = vector.broadcast %and3A_234 : i32 to vector<16xi32>
          %select_n3A_290 = arith.select %eq3A_284, %broadcast_in_dim3A_289, %get3A_288 : vector<16xi1>, vector<16xi32>
          %mul3A_291 = arith.constant 16 : i32
          %mul3A_292 = arith.muli %and3A_213, %mul3A_291 : i32
          %swap3A_293 = arith.index_cast %mul3A_292 : i32 to index
          %swap3A_294 = tpu.vector_load %arg15[%swap3A_293] {strides = array<i32>} : memref<32xi32, #tpu.memory_space<vmem>>, vector<16xi32>,
          tpu.vector_store %arg15[%swap3A_293], %select_n3A_290 {strides = array<i32>} : memref<32xi32, #tpu.memory_space<vmem>>, vector<16xi32>,
          %add3A_295 = arith.constant 1 : i32
          %add3A_296 = arith.addi %while3A_207, %add3A_295 : i32
          %and3A_297 = arith.constant 15 : i32
          %and3A_298 = arith.andi %add3A_296, %and3A_297 : i32
          %eq3A_299 = arith.constant 0 : i32
          %eq3A_300 = arith.cmpi eq, %and3A_298, %eq3A_299 : i32
          %convert_element_type3A_301 = arith.extui %eq3A_300 : i1 to i32
          %cond3A_302 = arith.constant 0 : i32
          %cond3A_303 = arith.cmpi ne, %convert_element_type3A_301, %cond3A_302 : i32
          scf.if %cond3A_303 {
            %mul3A_304 = arith.constant 16 : i32
            %mul3A_305 = arith.muli %and3A_213, %mul3A_304 : i32
            %dma_start3A_306 = arith.constant 0 : i32
            %dma_start3A_307 = tpu.memref_slice %arg13[%mul3A_305, %dma_start3A_306] : memref<32x128xf32, #tpu.memory_space<vmem>> -> memref<16x128xf32, #tpu.memory_space<vmem>>
            %dma_start3A_308 = arith.constant 0 : i32
            %dma_start3A_309 = arith.constant 0 : i32
            %dma_start3A_310 = tpu.memref_slice %arg7[%dma_start3A_308, %dma_start3A_309] : memref<16448x128xf32, #tpu.memory_space<hbm>> -> memref<16448x128xf32, #tpu.memory_space<hbm>>
            tpu.enqueue_indirect_dma source(%dma_start3A_307 : memref<16x128xf32, #tpu.memory_space<vmem>>) target(%dma_start3A_310 : memref<16448x128xf32, #tpu.memory_space<hbm>>) offsets(%select_n3A_290 : vector<16xi32>) semaphore(%arg20 : memref<!tpu.dma_semaphore, #tpu.memory_space<semaphore_mem>>)
          } else {
          }
          scf.yield %add3A_296 : i32
        }
        %while3A_204 = arith.constant 1 : i32
        %while3A_205 = scf.for %while3A_206 = %while3A_201 to %while3A_197 step %while3A_204 iter_args(%while3A_207 = %while3A_203) -> (i32)  : i32 {
          %and3A_208 = arith.constant 15 : i32
          %and3A_209 = arith.andi %while3A_207, %and3A_208 : i32
          %shift_right_arithmetic3A_210 = arith.constant 4 : i32
          %shift_right_arithmetic3A_211 = arith.shrsi %while3A_207, %shift_right_arithmetic3A_210 : i32
          %and3A_212 = arith.constant 1 : i32
          %and3A_213 = arith.andi %shift_right_arithmetic3A_211, %and3A_212 : i32
          %eq3A_214 = arith.constant 0 : i32
          %eq3A_215 = arith.cmpi eq, %and3A_209, %eq3A_214 : i32
          %ge3A_216 = arith.constant 32 : i32
          %ge3A_217 = arith.cmpi sge, %while3A_207, %ge3A_216 : i32
          %and3A_218 = arith.andi %eq3A_215, %ge3A_217 : i1
          %convert_element_type3A_219 = arith.extui %and3A_218 : i1 to i32
          %cond3A_220 = arith.constant 0 : i32
          %cond3A_221 = arith.cmpi ne, %convert_element_type3A_219, %cond3A_220 : i32
          scf.if %cond3A_221 {
            %mul3A_304 = arith.constant 16 : i32
            %mul3A_305 = arith.muli %and3A_213, %mul3A_304 : i32
            %get3A_306 = arith.index_cast %mul3A_305 : i32 to index
            %get3A_307 = tpu.vector_load %arg15[%get3A_306] {strides = array<i32>} : memref<32xi32, #tpu.memory_space<vmem>>, vector<16xi32>,
            %mul3A_308 = arith.constant 16 : i32
            %mul3A_309 = arith.muli %and3A_213, %mul3A_308 : i32
            %dma_wait3A_310 = arith.constant 0 : i32
            %dma_wait3A_311 = tpu.memref_slice %arg13[%mul3A_309, %dma_wait3A_310] : memref<32x128xf32, #tpu.memory_space<vmem>> -> memref<16x128xf32, #tpu.memory_space<vmem>>
            %dma_wait3A_312 = arith.constant 0 : i32
            %dma_wait3A_313 = arith.constant 0 : i32
            %dma_wait3A_314 = tpu.memref_slice %arg7[%dma_wait3A_312, %dma_wait3A_313] : memref<16448x128xf32, #tpu.memory_space<hbm>> -> memref<16448x128xf32, #tpu.memory_space<hbm>>
            tpu.wait_indirect_dma semaphore(%arg20 : memref<!tpu.dma_semaphore, #tpu.memory_space<semaphore_mem>>) src(%dma_wait3A_311 : memref<16x128xf32, #tpu.memory_space<vmem>>) dst(%dma_wait3A_314 : memref<16448x128xf32, #tpu.memory_space<hbm>>)
          } else {
          }
          %broadcast_in_dim3A_222 = vector.broadcast %while3A_206 : i32 to vector<16xi32>
          %gather3A = arith.constant 0 : i32
          %gather3A_223 = tpu.memref_slice %arg16[%gather3A] : memref<16xi32, #tpu.memory_space<vmem>> -> memref<16xi32, #tpu.memory_space<vmem>>
          %gather3A_224 = tpu.vector_load_idx %gather3A_223[%broadcast_in_dim3A_222] : memref<16xi32, #tpu.memory_space<vmem>>[vector<16xi32>], vector<16xi32>,
          %slice3A_225 = vector.extract_strided_slice %gather3A_224 {offsets = [0], sizes = [1], strides = [1]} : vector<16xi32> to vector<1xi32>
          %squeeze3A_226 = vector.extract %slice3A_225[0] : i32 from vector<1xi32>
          %shift_right_arithmetic3A_227 = arith.constant 14 : i32
          %shift_right_arithmetic3A_228 = arith.shrsi %squeeze3A_226, %shift_right_arithmetic3A_227 : i32
          %and3A_229 = arith.constant 511 : i32
          %and3A_230 = arith.andi %shift_right_arithmetic3A_228, %and3A_229 : i32
          %add3A_231 = arith.addi %and3A_230, %sub3A_130 : i32
          %broadcast_in_dim3A_232 = vector.broadcast %add3A_231 : i32 to vector<16xi32>
          %and3A_233 = arith.constant 16383 : i32
          %and3A_234 = arith.andi %squeeze3A_226, %and3A_233 : i32
          %mul3A_235 = arith.constant 64 : i32
          %mul3A_236 = arith.muli %rem3A_122, %mul3A_235 : i32
          %add3A_237 = arith.constant 0 : i32
          %add3A_238 = arith.addi %mul3A_236, %add3A_237 : i32
          %add3A_239 = vector.broadcast %add3A_238 : i32 to vector<16xi32>
          %add3A_240 = arith.addi %add3A_239, %iota3A : vector<16xi32>
          %gather3A_241 = tpu.vector_load_idx %arg11[%add3A_240, %broadcast_in_dim3A_232] : memref<128x512xf32, #tpu.memory_space<vmem>>[vector<16xi32>, vector<16xi32>], vector<16xf32>,
          %and3A_242 = arith.constant 31 : i32
          %and3A_243 = arith.andi %while3A_207, %and3A_242 : i32
          %swap3A_244 = arith.index_cast %and3A_243 : i32 to index
          %swap3A_245 = arith.constant 0 : index
          %swap3A_246 = tpu.vector_load %arg13[%swap3A_244, %swap3A_245] {strides = array<i32>} : memref<32x128xf32, #tpu.memory_space<vmem>>, vector<16xf32>,
          tpu.vector_store %arg13[%swap3A_244, %swap3A_245], %gather3A_241 {strides = array<i32>} : memref<32x128xf32, #tpu.memory_space<vmem>>, vector<16xf32>,
          %mul3A_247 = arith.constant 64 : i32
          %mul3A_248 = arith.muli %rem3A_122, %mul3A_247 : i32
          %add3A_249 = arith.constant 16 : i32
          %add3A_250 = arith.addi %mul3A_248, %add3A_249 : i32
          %add3A_251 = vector.broadcast %add3A_250 : i32 to vector<16xi32>
          %add3A_252 = arith.addi %add3A_251, %iota3A : vector<16xi32>
          %gather3A_253 = tpu.vector_load_idx %arg11[%add3A_252, %broadcast_in_dim3A_232] : memref<128x512xf32, #tpu.memory_space<vmem>>[vector<16xi32>, vector<16xi32>], vector<16xf32>,
          %and3A_254 = arith.constant 31 : i32
          %and3A_255 = arith.andi %while3A_207, %and3A_254 : i32
          %swap3A_256 = arith.index_cast %and3A_255 : i32 to index
          %swap3A_257 = arith.constant 16 : index
          %swap3A_258 = tpu.vector_load %arg13[%swap3A_256, %swap3A_257] {strides = array<i32>} : memref<32x128xf32, #tpu.memory_space<vmem>>, vector<16xf32>,
          tpu.vector_store %arg13[%swap3A_256, %swap3A_257], %gather3A_253 {strides = array<i32>} : memref<32x128xf32, #tpu.memory_space<vmem>>, vector<16xf32>,
          %mul3A_259 = arith.constant 64 : i32
          %mul3A_260 = arith.muli %rem3A_122, %mul3A_259 : i32
          %add3A_261 = arith.constant 32 : i32
          %add3A_262 = arith.addi %mul3A_260, %add3A_261 : i32
          %add3A_263 = vector.broadcast %add3A_262 : i32 to vector<16xi32>
          %add3A_264 = arith.addi %add3A_263, %iota3A : vector<16xi32>
          %gather3A_265 = tpu.vector_load_idx %arg11[%add3A_264, %broadcast_in_dim3A_232] : memref<128x512xf32, #tpu.memory_space<vmem>>[vector<16xi32>, vector<16xi32>], vector<16xf32>,
          %and3A_266 = arith.constant 31 : i32
          %and3A_267 = arith.andi %while3A_207, %and3A_266 : i32
          %swap3A_268 = arith.index_cast %and3A_267 : i32 to index
          %swap3A_269 = arith.constant 32 : index
          %swap3A_270 = tpu.vector_load %arg13[%swap3A_268, %swap3A_269] {strides = array<i32>} : memref<32x128xf32, #tpu.memory_space<vmem>>, vector<16xf32>,
          tpu.vector_store %arg13[%swap3A_268, %swap3A_269], %gather3A_265 {strides = array<i32>} : memref<32x128xf32, #tpu.memory_space<vmem>>, vector<16xf32>,
          %mul3A_271 = arith.constant 64 : i32
          %mul3A_272 = arith.muli %rem3A_122, %mul3A_271 : i32
          %add3A_273 = arith.constant 48 : i32
          %add3A_274 = arith.addi %mul3A_272, %add3A_273 : i32
          %add3A_275 = vector.broadcast %add3A_274 : i32 to vector<16xi32>
          %add3A_276 = arith.addi %add3A_275, %iota3A : vector<16xi32>
          %gather3A_277 = tpu.vector_load_idx %arg11[%add3A_276, %broadcast_in_dim3A_232] : memref<128x512xf32, #tpu.memory_space<vmem>>[vector<16xi32>, vector<16xi32>], vector<16xf32>,
          %and3A_278 = arith.constant 31 : i32
          %and3A_279 = arith.andi %while3A_207, %and3A_278 : i32
          %swap3A_280 = arith.index_cast %and3A_279 : i32 to index
          %swap3A_281 = arith.constant 48 : index
          %swap3A_282 = tpu.vector_load %arg13[%swap3A_280, %swap3A_281] {strides = array<i32>} : memref<32x128xf32, #tpu.memory_space<vmem>>, vector<16xf32>,
          tpu.vector_store %arg13[%swap3A_280, %swap3A_281], %gather3A_277 {strides = array<i32>} : memref<32x128xf32, #tpu.memory_space<vmem>>, vector<16xf32>,
          %eq3A_283 = vector.broadcast %and3A_209 : i32 to vector<16xi32>
          %eq3A_284 = arith.cmpi eq, %iota3A, %eq3A_283 : vector<16xi32>
          %mul3A_285 = arith.constant 16 : i32
          %mul3A_286 = arith.muli %and3A_213, %mul3A_285 : i32
          %get3A_287 = arith.index_cast %mul3A_286 : i32 to index
          %get3A_288 = tpu.vector_load %arg15[%get3A_287] {strides = array<i32>} : memref<32xi32, #tpu.memory_space<vmem>>, vector<16xi32>,
          %broadcast_in_dim3A_289 = vector.broadcast %and3A_234 : i32 to vector<16xi32>
          %select_n3A_290 = arith.select %eq3A_284, %broadcast_in_dim3A_289, %get3A_288 : vector<16xi1>, vector<16xi32>
          %mul3A_291 = arith.constant 16 : i32
          %mul3A_292 = arith.muli %and3A_213, %mul3A_291 : i32
          %swap3A_293 = arith.index_cast %mul3A_292 : i32 to index
          %swap3A_294 = tpu.vector_load %arg15[%swap3A_293] {strides = array<i32>} : memref<32xi32, #tpu.memory_space<vmem>>, vector<16xi32>,
          tpu.vector_store %arg15[%swap3A_293], %select_n3A_290 {strides = array<i32>} : memref<32xi32, #tpu.memory_space<vmem>>, vector<16xi32>,
          %add3A_295 = arith.constant 1 : i32
          %add3A_296 = arith.addi %while3A_207, %add3A_295 : i32
          %and3A_297 = arith.constant 15 : i32
          %and3A_298 = arith.andi %add3A_296, %and3A_297 : i32
          %eq3A_299 = arith.constant 0 : i32
          %eq3A_300 = arith.cmpi eq, %and3A_298, %eq3A_299 : i32
          %convert_element_type3A_301 = arith.extui %eq3A_300 : i1 to i32
          %cond3A_302 = arith.constant 0 : i32
          %cond3A_303 = arith.cmpi ne, %convert_element_type3A_301, %cond3A_302 : i32
          scf.if %cond3A_303 {
            %mul3A_304 = arith.constant 16 : i32
            %mul3A_305 = arith.muli %and3A_213, %mul3A_304 : i32
            %dma_start3A_306 = arith.constant 0 : i32
            %dma_start3A_307 = tpu.memref_slice %arg13[%mul3A_305, %dma_start3A_306] : memref<32x128xf32, #tpu.memory_space<vmem>> -> memref<16x128xf32, #tpu.memory_space<vmem>>
            %dma_start3A_308 = arith.constant 0 : i32
            %dma_start3A_309 = arith.constant 0 : i32
            %dma_start3A_310 = tpu.memref_slice %arg7[%dma_start3A_308, %dma_start3A_309] : memref<16448x128xf32, #tpu.memory_space<hbm>> -> memref<16448x128xf32, #tpu.memory_space<hbm>>
            tpu.enqueue_indirect_dma source(%dma_start3A_307 : memref<16x128xf32, #tpu.memory_space<vmem>>) target(%dma_start3A_310 : memref<16448x128xf32, #tpu.memory_space<hbm>>) offsets(%select_n3A_290 : vector<16xi32>) semaphore(%arg20 : memref<!tpu.dma_semaphore, #tpu.memory_space<semaphore_mem>>)
          } else {
          }
          scf.yield %add3A_296 : i32
        }
        scf.yield %while3A_205 : i32
      }
      %while3A_182 = arith.constant 1 : i32
      %while3A_183 = scf.for %while3A_184 = %while3A_179 to %while3A_175 step %while3A_182 iter_args(%while3A_185 = %while3A_181) -> (i32)  : i32 {
        %mul3A_186 = arith.constant 16 : i32
        %mul3A_187 = arith.muli %while3A_184, %mul3A_186 : i32
        %get3A = arith.index_cast %mul3A_187 : i32 to index
        %get3A_188 = tpu.vector_load %arg10[%get3A] {strides = array<i32>} : memref<16400xi32, #tpu.memory_space<vmem>>, vector<16xi32>,
        %shift_right_arithmetic3A_189 = arith.constant 23 : i32
        %shift_right_arithmetic3A_190 = vector.broadcast %shift_right_arithmetic3A_189 : i32 to vector<16xi32>
        %shift_right_arithmetic3A_191 = arith.shrsi %get3A_188, %shift_right_arithmetic3A_190 : vector<16xi32>
        %eq3A = vector.broadcast %sub3A_123 : i32 to vector<16xi32>
        %eq3A_192 = arith.cmpi eq, %shift_right_arithmetic3A_191, %eq3A : vector<16xi32>
        %swap3A_193 = arith.constant 0 : index
        %swap3A_194 = tpu.vector_load %arg16[%swap3A_193] masked %eq3A_192 {strides = array<i32>} : memref<16xi32, #tpu.memory_space<vmem>>, vector<16xi32>, vector<16xi1>
        tpu.vector_store %arg16[%swap3A_193], %get3A_188 masked %eq3A_192 {strides = array<i32>} : memref<16xi32, #tpu.memory_space<vmem>>, vector<16xi32>, vector<16xi1>
        %all_reduce_population_count3A = tpu.all_reduce %eq3A_192 {dim = 0 : i64, kind = #tpu.reduction_kind<sum>} : vector<16xi1> -> vector<16xi32>
        %slice3A = vector.extract_strided_slice %all_reduce_population_count3A {offsets = [0], sizes = [1], strides = [1]} : vector<16xi32> to vector<1xi32>
        %squeeze3A = vector.extract %slice3A[0] : i32 from vector<1xi32>
        %while3A_195 = arith.constant 0 : i32
        %while3A_196 = arith.subi %squeeze3A, %while3A_195 : i32
        %while3A_197 = arith.addi %while3A_195, %while3A_196 : i32
        %while3A_198 = arith.constant 1 : i32
        %while3A_199 = arith.divsi %while3A_196, %while3A_198 : i32
        %while3A_200 = arith.muli %while3A_199, %while3A_198 : i32
        %while3A_201 = arith.addi %while3A_195, %while3A_200 : i32
        %while3A_202 = arith.constant 1 : i32
        %while3A_203 = scf.for %while3A_206 = %while3A_195 to %while3A_201 step %while3A_202 iter_args(%while3A_207 = %while3A_185) -> (i32)  : i32 {
          %and3A_208 = arith.constant 15 : i32
          %and3A_209 = arith.andi %while3A_207, %and3A_208 : i32
          %shift_right_arithmetic3A_210 = arith.constant 4 : i32
          %shift_right_arithmetic3A_211 = arith.shrsi %while3A_207, %shift_right_arithmetic3A_210 : i32
          %and3A_212 = arith.constant 1 : i32
          %and3A_213 = arith.andi %shift_right_arithmetic3A_211, %and3A_212 : i32
          %eq3A_214 = arith.constant 0 : i32
          %eq3A_215 = arith.cmpi eq, %and3A_209, %eq3A_214 : i32
          %ge3A_216 = arith.constant 32 : i32
          %ge3A_217 = arith.cmpi sge, %while3A_207, %ge3A_216 : i32
          %and3A_218 = arith.andi %eq3A_215, %ge3A_217 : i1
          %convert_element_type3A_219 = arith.extui %and3A_218 : i1 to i32
          %cond3A_220 = arith.constant 0 : i32
          %cond3A_221 = arith.cmpi ne, %convert_element_type3A_219, %cond3A_220 : i32
          scf.if %cond3A_221 {
            %mul3A_304 = arith.constant 16 : i32
            %mul3A_305 = arith.muli %and3A_213, %mul3A_304 : i32
            %get3A_306 = arith.index_cast %mul3A_305 : i32 to index
            %get3A_307 = tpu.vector_load %arg15[%get3A_306] {strides = array<i32>} : memref<32xi32, #tpu.memory_space<vmem>>, vector<16xi32>,
            %mul3A_308 = arith.constant 16 : i32
            %mul3A_309 = arith.muli %and3A_213, %mul3A_308 : i32
            %dma_wait3A_310 = arith.constant 0 : i32
            %dma_wait3A_311 = tpu.memref_slice %arg13[%mul3A_309, %dma_wait3A_310] : memref<32x128xf32, #tpu.memory_space<vmem>> -> memref<16x128xf32, #tpu.memory_space<vmem>>
            %dma_wait3A_312 = arith.constant 0 : i32
            %dma_wait3A_313 = arith.constant 0 : i32
            %dma_wait3A_314 = tpu.memref_slice %arg7[%dma_wait3A_312, %dma_wait3A_313] : memref<16448x128xf32, #tpu.memory_space<hbm>> -> memref<16448x128xf32, #tpu.memory_space<hbm>>
            tpu.wait_indirect_dma semaphore(%arg20 : memref<!tpu.dma_semaphore, #tpu.memory_space<semaphore_mem>>) src(%dma_wait3A_311 : memref<16x128xf32, #tpu.memory_space<vmem>>) dst(%dma_wait3A_314 : memref<16448x128xf32, #tpu.memory_space<hbm>>)
          } else {
          }
          %broadcast_in_dim3A_222 = vector.broadcast %while3A_206 : i32 to vector<16xi32>
          %gather3A = arith.constant 0 : i32
          %gather3A_223 = tpu.memref_slice %arg16[%gather3A] : memref<16xi32, #tpu.memory_space<vmem>> -> memref<16xi32, #tpu.memory_space<vmem>>
          %gather3A_224 = tpu.vector_load_idx %gather3A_223[%broadcast_in_dim3A_222] : memref<16xi32, #tpu.memory_space<vmem>>[vector<16xi32>], vector<16xi32>,
          %slice3A_225 = vector.extract_strided_slice %gather3A_224 {offsets = [0], sizes = [1], strides = [1]} : vector<16xi32> to vector<1xi32>
          %squeeze3A_226 = vector.extract %slice3A_225[0] : i32 from vector<1xi32>
          %shift_right_arithmetic3A_227 = arith.constant 14 : i32
          %shift_right_arithmetic3A_228 = arith.shrsi %squeeze3A_226, %shift_right_arithmetic3A_227 : i32
          %and3A_229 = arith.constant 511 : i32
          %and3A_230 = arith.andi %shift_right_arithmetic3A_228, %and3A_229 : i32
          %add3A_231 = arith.addi %and3A_230, %sub3A_130 : i32
          %broadcast_in_dim3A_232 = vector.broadcast %add3A_231 : i32 to vector<16xi32>
          %and3A_233 = arith.constant 16383 : i32
          %and3A_234 = arith.andi %squeeze3A_226, %and3A_233 : i32
          %mul3A_235 = arith.constant 64 : i32
          %mul3A_236 = arith.muli %rem3A_122, %mul3A_235 : i32
          %add3A_237 = arith.constant 0 : i32
          %add3A_238 = arith.addi %mul3A_236, %add3A_237 : i32
          %add3A_239 = vector.broadcast %add3A_238 : i32 to vector<16xi32>
          %add3A_240 = arith.addi %add3A_239, %iota3A : vector<16xi32>
          %gather3A_241 = tpu.vector_load_idx %arg11[%add3A_240, %broadcast_in_dim3A_232] : memref<128x512xf32, #tpu.memory_space<vmem>>[vector<16xi32>, vector<16xi32>], vector<16xf32>,
          %and3A_242 = arith.constant 31 : i32
          %and3A_243 = arith.andi %while3A_207, %and3A_242 : i32
          %swap3A_244 = arith.index_cast %and3A_243 : i32 to index
          %swap3A_245 = arith.constant 0 : index
          %swap3A_246 = tpu.vector_load %arg13[%swap3A_244, %swap3A_245] {strides = array<i32>} : memref<32x128xf32, #tpu.memory_space<vmem>>, vector<16xf32>,
          tpu.vector_store %arg13[%swap3A_244, %swap3A_245], %gather3A_241 {strides = array<i32>} : memref<32x128xf32, #tpu.memory_space<vmem>>, vector<16xf32>,
          %mul3A_247 = arith.constant 64 : i32
          %mul3A_248 = arith.muli %rem3A_122, %mul3A_247 : i32
          %add3A_249 = arith.constant 16 : i32
          %add3A_250 = arith.addi %mul3A_248, %add3A_249 : i32
          %add3A_251 = vector.broadcast %add3A_250 : i32 to vector<16xi32>
          %add3A_252 = arith.addi %add3A_251, %iota3A : vector<16xi32>
          %gather3A_253 = tpu.vector_load_idx %arg11[%add3A_252, %broadcast_in_dim3A_232] : memref<128x512xf32, #tpu.memory_space<vmem>>[vector<16xi32>, vector<16xi32>], vector<16xf32>,
          %and3A_254 = arith.constant 31 : i32
          %and3A_255 = arith.andi %while3A_207, %and3A_254 : i32
          %swap3A_256 = arith.index_cast %and3A_255 : i32 to index
          %swap3A_257 = arith.constant 16 : index
          %swap3A_258 = tpu.vector_load %arg13[%swap3A_256, %swap3A_257] {strides = array<i32>} : memref<32x128xf32, #tpu.memory_space<vmem>>, vector<16xf32>,
          tpu.vector_store %arg13[%swap3A_256, %swap3A_257], %gather3A_253 {strides = array<i32>} : memref<32x128xf32, #tpu.memory_space<vmem>>, vector<16xf32>,
          %mul3A_259 = arith.constant 64 : i32
          %mul3A_260 = arith.muli %rem3A_122, %mul3A_259 : i32
          %add3A_261 = arith.constant 32 : i32
          %add3A_262 = arith.addi %mul3A_260, %add3A_261 : i32
          %add3A_263 = vector.broadcast %add3A_262 : i32 to vector<16xi32>
          %add3A_264 = arith.addi %add3A_263, %iota3A : vector<16xi32>
          %gather3A_265 = tpu.vector_load_idx %arg11[%add3A_264, %broadcast_in_dim3A_232] : memref<128x512xf32, #tpu.memory_space<vmem>>[vector<16xi32>, vector<16xi32>], vector<16xf32>,
          %and3A_266 = arith.constant 31 : i32
          %and3A_267 = arith.andi %while3A_207, %and3A_266 : i32
          %swap3A_268 = arith.index_cast %and3A_267 : i32 to index
          %swap3A_269 = arith.constant 32 : index
          %swap3A_270 = tpu.vector_load %arg13[%swap3A_268, %swap3A_269] {strides = array<i32>} : memref<32x128xf32, #tpu.memory_space<vmem>>, vector<16xf32>,
          tpu.vector_store %arg13[%swap3A_268, %swap3A_269], %gather3A_265 {strides = array<i32>} : memref<32x128xf32, #tpu.memory_space<vmem>>, vector<16xf32>,
          %mul3A_271 = arith.constant 64 : i32
          %mul3A_272 = arith.muli %rem3A_122, %mul3A_271 : i32
          %add3A_273 = arith.constant 48 : i32
          %add3A_274 = arith.addi %mul3A_272, %add3A_273 : i32
          %add3A_275 = vector.broadcast %add3A_274 : i32 to vector<16xi32>
          %add3A_276 = arith.addi %add3A_275, %iota3A : vector<16xi32>
          %gather3A_277 = tpu.vector_load_idx %arg11[%add3A_276, %broadcast_in_dim3A_232] : memref<128x512xf32, #tpu.memory_space<vmem>>[vector<16xi32>, vector<16xi32>], vector<16xf32>,
          %and3A_278 = arith.constant 31 : i32
          %and3A_279 = arith.andi %while3A_207, %and3A_278 : i32
          %swap3A_280 = arith.index_cast %and3A_279 : i32 to index
          %swap3A_281 = arith.constant 48 : index
          %swap3A_282 = tpu.vector_load %arg13[%swap3A_280, %swap3A_281] {strides = array<i32>} : memref<32x128xf32, #tpu.memory_space<vmem>>, vector<16xf32>,
          tpu.vector_store %arg13[%swap3A_280, %swap3A_281], %gather3A_277 {strides = array<i32>} : memref<32x128xf32, #tpu.memory_space<vmem>>, vector<16xf32>,
          %eq3A_283 = vector.broadcast %and3A_209 : i32 to vector<16xi32>
          %eq3A_284 = arith.cmpi eq, %iota3A, %eq3A_283 : vector<16xi32>
          %mul3A_285 = arith.constant 16 : i32
          %mul3A_286 = arith.muli %and3A_213, %mul3A_285 : i32
          %get3A_287 = arith.index_cast %mul3A_286 : i32 to index
          %get3A_288 = tpu.vector_load %arg15[%get3A_287] {strides = array<i32>} : memref<32xi32, #tpu.memory_space<vmem>>, vector<16xi32>,
          %broadcast_in_dim3A_289 = vector.broadcast %and3A_234 : i32 to vector<16xi32>
          %select_n3A_290 = arith.select %eq3A_284, %broadcast_in_dim3A_289, %get3A_288 : vector<16xi1>, vector<16xi32>
          %mul3A_291 = arith.constant 16 : i32
          %mul3A_292 = arith.muli %and3A_213, %mul3A_291 : i32
          %swap3A_293 = arith.index_cast %mul3A_292 : i32 to index
          %swap3A_294 = tpu.vector_load %arg15[%swap3A_293] {strides = array<i32>} : memref<32xi32, #tpu.memory_space<vmem>>, vector<16xi32>,
          tpu.vector_store %arg15[%swap3A_293], %select_n3A_290 {strides = array<i32>} : memref<32xi32, #tpu.memory_space<vmem>>, vector<16xi32>,
          %add3A_295 = arith.constant 1 : i32
          %add3A_296 = arith.addi %while3A_207, %add3A_295 : i32
          %and3A_297 = arith.constant 15 : i32
          %and3A_298 = arith.andi %add3A_296, %and3A_297 : i32
          %eq3A_299 = arith.constant 0 : i32
          %eq3A_300 = arith.cmpi eq, %and3A_298, %eq3A_299 : i32
          %convert_element_type3A_301 = arith.extui %eq3A_300 : i1 to i32
          %cond3A_302 = arith.constant 0 : i32
          %cond3A_303 = arith.cmpi ne, %convert_element_type3A_301, %cond3A_302 : i32
          scf.if %cond3A_303 {
            %mul3A_304 = arith.constant 16 : i32
            %mul3A_305 = arith.muli %and3A_213, %mul3A_304 : i32
            %dma_start3A_306 = arith.constant 0 : i32
            %dma_start3A_307 = tpu.memref_slice %arg13[%mul3A_305, %dma_start3A_306] : memref<32x128xf32, #tpu.memory_space<vmem>> -> memref<16x128xf32, #tpu.memory_space<vmem>>
            %dma_start3A_308 = arith.constant 0 : i32
            %dma_start3A_309 = arith.constant 0 : i32
            %dma_start3A_310 = tpu.memref_slice %arg7[%dma_start3A_308, %dma_start3A_309] : memref<16448x128xf32, #tpu.memory_space<hbm>> -> memref<16448x128xf32, #tpu.memory_space<hbm>>
            tpu.enqueue_indirect_dma source(%dma_start3A_307 : memref<16x128xf32, #tpu.memory_space<vmem>>) target(%dma_start3A_310 : memref<16448x128xf32, #tpu.memory_space<hbm>>) offsets(%select_n3A_290 : vector<16xi32>) semaphore(%arg20 : memref<!tpu.dma_semaphore, #tpu.memory_space<semaphore_mem>>)
          } else {
          }
          scf.yield %add3A_296 : i32
        }
        %while3A_204 = arith.constant 1 : i32
        %while3A_205 = scf.for %while3A_206 = %while3A_201 to %while3A_197 step %while3A_204 iter_args(%while3A_207 = %while3A_203) -> (i32)  : i32 {
          %and3A_208 = arith.constant 15 : i32
          %and3A_209 = arith.andi %while3A_207, %and3A_208 : i32
          %shift_right_arithmetic3A_210 = arith.constant 4 : i32
          %shift_right_arithmetic3A_211 = arith.shrsi %while3A_207, %shift_right_arithmetic3A_210 : i32
          %and3A_212 = arith.constant 1 : i32
          %and3A_213 = arith.andi %shift_right_arithmetic3A_211, %and3A_212 : i32
          %eq3A_214 = arith.constant 0 : i32
          %eq3A_215 = arith.cmpi eq, %and3A_209, %eq3A_214 : i32
          %ge3A_216 = arith.constant 32 : i32
          %ge3A_217 = arith.cmpi sge, %while3A_207, %ge3A_216 : i32
          %and3A_218 = arith.andi %eq3A_215, %ge3A_217 : i1
          %convert_element_type3A_219 = arith.extui %and3A_218 : i1 to i32
          %cond3A_220 = arith.constant 0 : i32
          %cond3A_221 = arith.cmpi ne, %convert_element_type3A_219, %cond3A_220 : i32
          scf.if %cond3A_221 {
            %mul3A_304 = arith.constant 16 : i32
            %mul3A_305 = arith.muli %and3A_213, %mul3A_304 : i32
            %get3A_306 = arith.index_cast %mul3A_305 : i32 to index
            %get3A_307 = tpu.vector_load %arg15[%get3A_306] {strides = array<i32>} : memref<32xi32, #tpu.memory_space<vmem>>, vector<16xi32>,
            %mul3A_308 = arith.constant 16 : i32
            %mul3A_309 = arith.muli %and3A_213, %mul3A_308 : i32
            %dma_wait3A_310 = arith.constant 0 : i32
            %dma_wait3A_311 = tpu.memref_slice %arg13[%mul3A_309, %dma_wait3A_310] : memref<32x128xf32, #tpu.memory_space<vmem>> -> memref<16x128xf32, #tpu.memory_space<vmem>>
            %dma_wait3A_312 = arith.constant 0 : i32
            %dma_wait3A_313 = arith.constant 0 : i32
            %dma_wait3A_314 = tpu.memref_slice %arg7[%dma_wait3A_312, %dma_wait3A_313] : memref<16448x128xf32, #tpu.memory_space<hbm>> -> memref<16448x128xf32, #tpu.memory_space<hbm>>
            tpu.wait_indirect_dma semaphore(%arg20 : memref<!tpu.dma_semaphore, #tpu.memory_space<semaphore_mem>>) src(%dma_wait3A_311 : memref<16x128xf32, #tpu.memory_space<vmem>>) dst(%dma_wait3A_314 : memref<16448x128xf32, #tpu.memory_space<hbm>>)
          } else {
          }
          %broadcast_in_dim3A_222 = vector.broadcast %while3A_206 : i32 to vector<16xi32>
          %gather3A = arith.constant 0 : i32
          %gather3A_223 = tpu.memref_slice %arg16[%gather3A] : memref<16xi32, #tpu.memory_space<vmem>> -> memref<16xi32, #tpu.memory_space<vmem>>
          %gather3A_224 = tpu.vector_load_idx %gather3A_223[%broadcast_in_dim3A_222] : memref<16xi32, #tpu.memory_space<vmem>>[vector<16xi32>], vector<16xi32>,
          %slice3A_225 = vector.extract_strided_slice %gather3A_224 {offsets = [0], sizes = [1], strides = [1]} : vector<16xi32> to vector<1xi32>
          %squeeze3A_226 = vector.extract %slice3A_225[0] : i32 from vector<1xi32>
          %shift_right_arithmetic3A_227 = arith.constant 14 : i32
          %shift_right_arithmetic3A_228 = arith.shrsi %squeeze3A_226, %shift_right_arithmetic3A_227 : i32
          %and3A_229 = arith.constant 511 : i32
          %and3A_230 = arith.andi %shift_right_arithmetic3A_228, %and3A_229 : i32
          %add3A_231 = arith.addi %and3A_230, %sub3A_130 : i32
          %broadcast_in_dim3A_232 = vector.broadcast %add3A_231 : i32 to vector<16xi32>
          %and3A_233 = arith.constant 16383 : i32
          %and3A_234 = arith.andi %squeeze3A_226, %and3A_233 : i32
          %mul3A_235 = arith.constant 64 : i32
          %mul3A_236 = arith.muli %rem3A_122, %mul3A_235 : i32
          %add3A_237 = arith.constant 0 : i32
          %add3A_238 = arith.addi %mul3A_236, %add3A_237 : i32
          %add3A_239 = vector.broadcast %add3A_238 : i32 to vector<16xi32>
          %add3A_240 = arith.addi %add3A_239, %iota3A : vector<16xi32>
          %gather3A_241 = tpu.vector_load_idx %arg11[%add3A_240, %broadcast_in_dim3A_232] : memref<128x512xf32, #tpu.memory_space<vmem>>[vector<16xi32>, vector<16xi32>], vector<16xf32>,
          %and3A_242 = arith.constant 31 : i32
          %and3A_243 = arith.andi %while3A_207, %and3A_242 : i32
          %swap3A_244 = arith.index_cast %and3A_243 : i32 to index
          %swap3A_245 = arith.constant 0 : index
          %swap3A_246 = tpu.vector_load %arg13[%swap3A_244, %swap3A_245] {strides = array<i32>} : memref<32x128xf32, #tpu.memory_space<vmem>>, vector<16xf32>,
          tpu.vector_store %arg13[%swap3A_244, %swap3A_245], %gather3A_241 {strides = array<i32>} : memref<32x128xf32, #tpu.memory_space<vmem>>, vector<16xf32>,
          %mul3A_247 = arith.constant 64 : i32
          %mul3A_248 = arith.muli %rem3A_122, %mul3A_247 : i32
          %add3A_249 = arith.constant 16 : i32
          %add3A_250 = arith.addi %mul3A_248, %add3A_249 : i32
          %add3A_251 = vector.broadcast %add3A_250 : i32 to vector<16xi32>
          %add3A_252 = arith.addi %add3A_251, %iota3A : vector<16xi32>
          %gather3A_253 = tpu.vector_load_idx %arg11[%add3A_252, %broadcast_in_dim3A_232] : memref<128x512xf32, #tpu.memory_space<vmem>>[vector<16xi32>, vector<16xi32>], vector<16xf32>,
          %and3A_254 = arith.constant 31 : i32
          %and3A_255 = arith.andi %while3A_207, %and3A_254 : i32
          %swap3A_256 = arith.index_cast %and3A_255 : i32 to index
          %swap3A_257 = arith.constant 16 : index
          %swap3A_258 = tpu.vector_load %arg13[%swap3A_256, %swap3A_257] {strides = array<i32>} : memref<32x128xf32, #tpu.memory_space<vmem>>, vector<16xf32>,
          tpu.vector_store %arg13[%swap3A_256, %swap3A_257], %gather3A_253 {strides = array<i32>} : memref<32x128xf32, #tpu.memory_space<vmem>>, vector<16xf32>,
          %mul3A_259 = arith.constant 64 : i32
          %mul3A_260 = arith.muli %rem3A_122, %mul3A_259 : i32
          %add3A_261 = arith.constant 32 : i32
          %add3A_262 = arith.addi %mul3A_260, %add3A_261 : i32
          %add3A_263 = vector.broadcast %add3A_262 : i32 to vector<16xi32>
          %add3A_264 = arith.addi %add3A_263, %iota3A : vector<16xi32>
          %gather3A_265 = tpu.vector_load_idx %arg11[%add3A_264, %broadcast_in_dim3A_232] : memref<128x512xf32, #tpu.memory_space<vmem>>[vector<16xi32>, vector<16xi32>], vector<16xf32>,
          %and3A_266 = arith.constant 31 : i32
          %and3A_267 = arith.andi %while3A_207, %and3A_266 : i32
          %swap3A_268 = arith.index_cast %and3A_267 : i32 to index
          %swap3A_269 = arith.constant 32 : index
          %swap3A_270 = tpu.vector_load %arg13[%swap3A_268, %swap3A_269] {strides = array<i32>} : memref<32x128xf32, #tpu.memory_space<vmem>>, vector<16xf32>,
          tpu.vector_store %arg13[%swap3A_268, %swap3A_269], %gather3A_265 {strides = array<i32>} : memref<32x128xf32, #tpu.memory_space<vmem>>, vector<16xf32>,
          %mul3A_271 = arith.constant 64 : i32
          %mul3A_272 = arith.muli %rem3A_122, %mul3A_271 : i32
          %add3A_273 = arith.constant 48 : i32
          %add3A_274 = arith.addi %mul3A_272, %add3A_273 : i32
          %add3A_275 = vector.broadcast %add3A_274 : i32 to vector<16xi32>
          %add3A_276 = arith.addi %add3A_275, %iota3A : vector<16xi32>
          %gather3A_277 = tpu.vector_load_idx %arg11[%add3A_276, %broadcast_in_dim3A_232] : memref<128x512xf32, #tpu.memory_space<vmem>>[vector<16xi32>, vector<16xi32>], vector<16xf32>,
          %and3A_278 = arith.constant 31 : i32
          %and3A_279 = arith.andi %while3A_207, %and3A_278 : i32
          %swap3A_280 = arith.index_cast %and3A_279 : i32 to index
          %swap3A_281 = arith.constant 48 : index
          %swap3A_282 = tpu.vector_load %arg13[%swap3A_280, %swap3A_281] {strides = array<i32>} : memref<32x128xf32, #tpu.memory_space<vmem>>, vector<16xf32>,
          tpu.vector_store %arg13[%swap3A_280, %swap3A_281], %gather3A_277 {strides = array<i32>} : memref<32x128xf32, #tpu.memory_space<vmem>>, vector<16xf32>,
          %eq3A_283 = vector.broadcast %and3A_209 : i32 to vector<16xi32>
          %eq3A_284 = arith.cmpi eq, %iota3A, %eq3A_283 : vector<16xi32>
          %mul3A_285 = arith.constant 16 : i32
          %mul3A_286 = arith.muli %and3A_213, %mul3A_285 : i32
          %get3A_287 = arith.index_cast %mul3A_286 : i32 to index
          %get3A_288 = tpu.vector_load %arg15[%get3A_287] {strides = array<i32>} : memref<32xi32, #tpu.memory_space<vmem>>, vector<16xi32>,
          %broadcast_in_dim3A_289 = vector.broadcast %and3A_234 : i32 to vector<16xi32>
          %select_n3A_290 = arith.select %eq3A_284, %broadcast_in_dim3A_289, %get3A_288 : vector<16xi1>, vector<16xi32>
          %mul3A_291 = arith.constant 16 : i32
          %mul3A_292 = arith.muli %and3A_213, %mul3A_291 : i32
          %swap3A_293 = arith.index_cast %mul3A_292 : i32 to index
          %swap3A_294 = tpu.vector_load %arg15[%swap3A_293] {strides = array<i32>} : memref<32xi32, #tpu.memory_space<vmem>>, vector<16xi32>,
          tpu.vector_store %arg15[%swap3A_293], %select_n3A_290 {strides = array<i32>} : memref<32xi32, #tpu.memory_space<vmem>>, vector<16xi32>,
          %add3A_295 = arith.constant 1 : i32
          %add3A_296 = arith.addi %while3A_207, %add3A_295 : i32
          %and3A_297 = arith.constant 15 : i32
          %and3A_298 = arith.andi %add3A_296, %and3A_297 : i32
          %eq3A_299 = arith.constant 0 : i32
          %eq3A_300 = arith.cmpi eq, %and3A_298, %eq3A_299 : i32
          %convert_element_type3A_301 = arith.extui %eq3A_300 : i1 to i32
          %cond3A_302 = arith.constant 0 : i32
          %cond3A_303 = arith.cmpi ne, %convert_element_type3A_301, %cond3A_302 : i32
          scf.if %cond3A_303 {
            %mul3A_304 = arith.constant 16 : i32
            %mul3A_305 = arith.muli %and3A_213, %mul3A_304 : i32
            %dma_start3A_306 = arith.constant 0 : i32
            %dma_start3A_307 = tpu.memref_slice %arg13[%mul3A_305, %dma_start3A_306] : memref<32x128xf32, #tpu.memory_space<vmem>> -> memref<16x128xf32, #tpu.memory_space<vmem>>
            %dma_start3A_308 = arith.constant 0 : i32
            %dma_start3A_309 = arith.constant 0 : i32
            %dma_start3A_310 = tpu.memref_slice %arg7[%dma_start3A_308, %dma_start3A_309] : memref<16448x128xf32, #tpu.memory_space<hbm>> -> memref<16448x128xf32, #tpu.memory_space<hbm>>
            tpu.enqueue_indirect_dma source(%dma_start3A_307 : memref<16x128xf32, #tpu.memory_space<vmem>>) target(%dma_start3A_310 : memref<16448x128xf32, #tpu.memory_space<hbm>>) offsets(%select_n3A_290 : vector<16xi32>) semaphore(%arg20 : memref<!tpu.dma_semaphore, #tpu.memory_space<semaphore_mem>>)
          } else {
          }
          scf.yield %add3A_296 : i32
        }
        scf.yield %while3A_205 : i32
      }
      scf.yield %while3A_183 : i32
    }
    %and3A = arith.constant 15 : i32
    %and3A_76 = arith.andi %while3A_49, %and3A : i32
    %shift_right_arithmetic3A = arith.constant 4 : i32
    %shift_right_arithmetic3A_77 = arith.shrsi %while3A_49, %shift_right_arithmetic3A : i32
    %and3A_78 = arith.constant 1 : i32
    %and3A_79 = arith.andi %shift_right_arithmetic3A_77, %and3A_78 : i32
    %sub3A = arith.constant 1 : i32
    %sub3A_80 = arith.subi %shift_right_arithmetic3A_77, %sub3A : i32
    %and3A_81 = arith.constant 1 : i32
    %and3A_82 = arith.andi %sub3A_80, %and3A_81 : i32
    %ne3A = arith.constant 0 : i32
    %ne3A_83 = arith.cmpi ne, %and3A_76, %ne3A : i32
    %convert_element_type3A = arith.extui %ne3A_83 : i1 to i32
    %cond3A = arith.constant 0 : i32
    %cond3A_84 = arith.cmpi ne, %convert_element_type3A, %cond3A : i32
    scf.if %cond3A_84 {
      %lt3A = vector.broadcast %and3A_76 : i32 to vector<16xi32>
      %lt3A_119 = arith.cmpi slt, %iota3A, %lt3A : vector<16xi32>
      %mul3A_120 = arith.constant 16 : i32
      %mul3A_121 = arith.muli %and3A_79, %mul3A_120 : i32
      %get3A = arith.index_cast %mul3A_121 : i32 to index
      %get3A_122 = tpu.vector_load %arg14[%get3A] {strides = array<i32>} : memref<32xi32, #tpu.memory_space<vmem>>, vector<16xi32>,
      %add3A_123 = arith.constant 0 : i32
      %add3A_124 = arith.addi %add3A_15, %add3A_123 : i32
      %broadcast_in_dim3A_125 = vector.broadcast %add3A_124 : i32 to vector<16xi32>
      %select_n3A = arith.select %lt3A_119, %get3A_122, %broadcast_in_dim3A_125 : vector<16xi1>, vector<16xi32>
      %mul3A_126 = arith.constant 16 : i32
      %mul3A_127 = arith.muli %and3A_79, %mul3A_126 : i32
      %swap3A_128 = arith.index_cast %mul3A_127 : i32 to index
      %swap3A_129 = tpu.vector_load %arg14[%swap3A_128] {strides = array<i32>} : memref<32xi32, #tpu.memory_space<vmem>>, vector<16xi32>,
      tpu.vector_store %arg14[%swap3A_128], %select_n3A {strides = array<i32>} : memref<32xi32, #tpu.memory_space<vmem>>, vector<16xi32>,
      %mul3A_130 = arith.constant 16 : i32
      %mul3A_131 = arith.muli %and3A_79, %mul3A_130 : i32
      %dma_start3A_132 = arith.constant 0 : i32
      %dma_start3A_133 = tpu.memref_slice %arg12[%mul3A_131, %dma_start3A_132] : memref<32x128xf32, #tpu.memory_space<vmem>> -> memref<16x128xf32, #tpu.memory_space<vmem>>
      %dma_start3A_134 = arith.constant 0 : i32
      %dma_start3A_135 = arith.constant 0 : i32
      %dma_start3A_136 = tpu.memref_slice %arg6[%dma_start3A_134, %dma_start3A_135] : memref<16448x128xf32, #tpu.memory_space<hbm>> -> memref<16448x128xf32, #tpu.memory_space<hbm>>
      tpu.enqueue_indirect_dma source(%dma_start3A_133 : memref<16x128xf32, #tpu.memory_space<vmem>>) target(%dma_start3A_136 : memref<16448x128xf32, #tpu.memory_space<hbm>>) offsets(%select_n3A : vector<16xi32>) semaphore(%arg19 : memref<!tpu.dma_semaphore, #tpu.memory_space<semaphore_mem>>)
    } else {
    }
    %ge3A = arith.constant 1 : i32
    %ge3A_85 = arith.cmpi sge, %shift_right_arithmetic3A_77, %ge3A : i32
    %convert_element_type3A_86 = arith.extui %ge3A_85 : i1 to i32
    %cond3A_87 = arith.constant 0 : i32
    %cond3A_88 = arith.cmpi ne, %convert_element_type3A_86, %cond3A_87 : i32
    scf.if %cond3A_88 {
      %mul3A_119 = arith.constant 16 : i32
      %mul3A_120 = arith.muli %and3A_82, %mul3A_119 : i32
      %mul3A_121 = arith.constant 16 : i32
      %mul3A_122 = arith.muli %and3A_82, %mul3A_121 : i32
      %get3A = arith.index_cast %mul3A_122 : i32 to index
      %get3A_123 = tpu.vector_load %arg14[%get3A] {strides = array<i32>} : memref<32xi32, #tpu.memory_space<vmem>>, vector<16xi32>,
      %dma_wait3A = arith.constant 0 : i32
      %dma_wait3A_124 = tpu.memref_slice %arg12[%mul3A_120, %dma_wait3A] : memref<32x128xf32, #tpu.memory_space<vmem>> -> memref<16x128xf32, #tpu.memory_space<vmem>>
      %dma_wait3A_125 = arith.constant 0 : i32
      %dma_wait3A_126 = arith.constant 0 : i32
      %dma_wait3A_127 = tpu.memref_slice %arg6[%dma_wait3A_125, %dma_wait3A_126] : memref<16448x128xf32, #tpu.memory_space<hbm>> -> memref<16448x128xf32, #tpu.memory_space<hbm>>
      tpu.wait_indirect_dma semaphore(%arg19 : memref<!tpu.dma_semaphore, #tpu.memory_space<semaphore_mem>>) src(%dma_wait3A_124 : memref<16x128xf32, #tpu.memory_space<vmem>>) dst(%dma_wait3A_127 : memref<16448x128xf32, #tpu.memory_space<hbm>>)
    } else {
    }
    %ne3A_89 = arith.constant 0 : i32
    %ne3A_90 = arith.cmpi ne, %and3A_76, %ne3A_89 : i32
    %convert_element_type3A_91 = arith.extui %ne3A_90 : i1 to i32
    %cond3A_92 = arith.constant 0 : i32
    %cond3A_93 = arith.cmpi ne, %convert_element_type3A_91, %cond3A_92 : i32
    scf.if %cond3A_93 {
      %mul3A_119 = arith.constant 16 : i32
      %mul3A_120 = arith.muli %and3A_79, %mul3A_119 : i32
      %mul3A_121 = arith.constant 16 : i32
      %mul3A_122 = arith.muli %and3A_79, %mul3A_121 : i32
      %get3A = arith.index_cast %mul3A_122 : i32 to index
      %get3A_123 = tpu.vector_load %arg14[%get3A] {strides = array<i32>} : memref<32xi32, #tpu.memory_space<vmem>>, vector<16xi32>,
      %dma_wait3A = arith.constant 0 : i32
      %dma_wait3A_124 = tpu.memref_slice %arg12[%mul3A_120, %dma_wait3A] : memref<32x128xf32, #tpu.memory_space<vmem>> -> memref<16x128xf32, #tpu.memory_space<vmem>>
      %dma_wait3A_125 = arith.constant 0 : i32
      %dma_wait3A_126 = arith.constant 0 : i32
      %dma_wait3A_127 = tpu.memref_slice %arg6[%dma_wait3A_125, %dma_wait3A_126] : memref<16448x128xf32, #tpu.memory_space<hbm>> -> memref<16448x128xf32, #tpu.memory_space<hbm>>
      tpu.wait_indirect_dma semaphore(%arg19 : memref<!tpu.dma_semaphore, #tpu.memory_space<semaphore_mem>>) src(%dma_wait3A_124 : memref<16x128xf32, #tpu.memory_space<vmem>>) dst(%dma_wait3A_127 : memref<16448x128xf32, #tpu.memory_space<hbm>>)
    } else {
    }
    %and3A_94 = arith.constant 15 : i32
    %and3A_95 = arith.andi %while3A_75, %and3A_94 : i32
    %shift_right_arithmetic3A_96 = arith.constant 4 : i32
    %shift_right_arithmetic3A_97 = arith.shrsi %while3A_75, %shift_right_arithmetic3A_96 : i32
    %and3A_98 = arith.constant 1 : i32
    %and3A_99 = arith.andi %shift_right_arithmetic3A_97, %and3A_98 : i32
    %sub3A_100 = arith.constant 1 : i32
    %sub3A_101 = arith.subi %shift_right_arithmetic3A_97, %sub3A_100 : i32
    %and3A_102 = arith.constant 1 : i32
    %and3A_103 = arith.andi %sub3A_101, %and3A_102 : i32
    %ne3A_104 = arith.constant 0 : i32
    %ne3A_105 = arith.cmpi ne, %and3A_95, %ne3A_104 : i32
    %convert_element_type3A_106 = arith.extui %ne3A_105 : i1 to i32
    %cond3A_107 = arith.constant 0 : i32
    %cond3A_108 = arith.cmpi ne, %convert_element_type3A_106, %cond3A_107 : i32
    scf.if %cond3A_108 {
      %lt3A = vector.broadcast %and3A_95 : i32 to vector<16xi32>
      %lt3A_119 = arith.cmpi slt, %iota3A, %lt3A : vector<16xi32>
      %mul3A_120 = arith.constant 16 : i32
      %mul3A_121 = arith.muli %and3A_99, %mul3A_120 : i32
      %get3A = arith.index_cast %mul3A_121 : i32 to index
      %get3A_122 = tpu.vector_load %arg15[%get3A] {strides = array<i32>} : memref<32xi32, #tpu.memory_space<vmem>>, vector<16xi32>,
      %add3A_123 = arith.constant 1 : i32
      %add3A_124 = arith.addi %add3A_15, %add3A_123 : i32
      %broadcast_in_dim3A_125 = vector.broadcast %add3A_124 : i32 to vector<16xi32>
      %select_n3A = arith.select %lt3A_119, %get3A_122, %broadcast_in_dim3A_125 : vector<16xi1>, vector<16xi32>
      %mul3A_126 = arith.constant 16 : i32
      %mul3A_127 = arith.muli %and3A_99, %mul3A_126 : i32
      %swap3A_128 = arith.index_cast %mul3A_127 : i32 to index
      %swap3A_129 = tpu.vector_load %arg15[%swap3A_128] {strides = array<i32>} : memref<32xi32, #tpu.memory_space<vmem>>, vector<16xi32>,
      tpu.vector_store %arg15[%swap3A_128], %select_n3A {strides = array<i32>} : memref<32xi32, #tpu.memory_space<vmem>>, vector<16xi32>,
      %mul3A_130 = arith.constant 16 : i32
      %mul3A_131 = arith.muli %and3A_99, %mul3A_130 : i32
      %dma_start3A_132 = arith.constant 0 : i32
      %dma_start3A_133 = tpu.memref_slice %arg13[%mul3A_131, %dma_start3A_132] : memref<32x128xf32, #tpu.memory_space<vmem>> -> memref<16x128xf32, #tpu.memory_space<vmem>>
      %dma_start3A_134 = arith.constant 0 : i32
      %dma_start3A_135 = arith.constant 0 : i32
      %dma_start3A_136 = tpu.memref_slice %arg7[%dma_start3A_134, %dma_start3A_135] : memref<16448x128xf32, #tpu.memory_space<hbm>> -> memref<16448x128xf32, #tpu.memory_space<hbm>>
      tpu.enqueue_indirect_dma source(%dma_start3A_133 : memref<16x128xf32, #tpu.memory_space<vmem>>) target(%dma_start3A_136 : memref<16448x128xf32, #tpu.memory_space<hbm>>) offsets(%select_n3A : vector<16xi32>) semaphore(%arg20 : memref<!tpu.dma_semaphore, #tpu.memory_space<semaphore_mem>>)
    } else {
    }
    %ge3A_109 = arith.constant 1 : i32
    %ge3A_110 = arith.cmpi sge, %shift_right_arithmetic3A_97, %ge3A_109 : i32
    %convert_element_type3A_111 = arith.extui %ge3A_110 : i1 to i32
    %cond3A_112 = arith.constant 0 : i32
    %cond3A_113 = arith.cmpi ne, %convert_element_type3A_111, %cond3A_112 : i32
    scf.if %cond3A_113 {
      %mul3A_119 = arith.constant 16 : i32
      %mul3A_120 = arith.muli %and3A_103, %mul3A_119 : i32
      %mul3A_121 = arith.constant 16 : i32
      %mul3A_122 = arith.muli %and3A_103, %mul3A_121 : i32
      %get3A = arith.index_cast %mul3A_122 : i32 to index
      %get3A_123 = tpu.vector_load %arg15[%get3A] {strides = array<i32>} : memref<32xi32, #tpu.memory_space<vmem>>, vector<16xi32>,
      %dma_wait3A = arith.constant 0 : i32
      %dma_wait3A_124 = tpu.memref_slice %arg13[%mul3A_120, %dma_wait3A] : memref<32x128xf32, #tpu.memory_space<vmem>> -> memref<16x128xf32, #tpu.memory_space<vmem>>
      %dma_wait3A_125 = arith.constant 0 : i32
      %dma_wait3A_126 = arith.constant 0 : i32
      %dma_wait3A_127 = tpu.memref_slice %arg7[%dma_wait3A_125, %dma_wait3A_126] : memref<16448x128xf32, #tpu.memory_space<hbm>> -> memref<16448x128xf32, #tpu.memory_space<hbm>>
      tpu.wait_indirect_dma semaphore(%arg20 : memref<!tpu.dma_semaphore, #tpu.memory_space<semaphore_mem>>) src(%dma_wait3A_124 : memref<16x128xf32, #tpu.memory_space<vmem>>) dst(%dma_wait3A_127 : memref<16448x128xf32, #tpu.memory_space<hbm>>)
    } else {
    }
    %ne3A_114 = arith.constant 0 : i32
    %ne3A_115 = arith.cmpi ne, %and3A_95, %ne3A_114 : i32
    %convert_element_type3A_116 = arith.extui %ne3A_115 : i1 to i32
    %cond3A_117 = arith.constant 0 : i32
    %cond3A_118 = arith.cmpi ne, %convert_element_type3A_116, %cond3A_117 : i32
    scf.if %cond3A_118 {
      %mul3A_119 = arith.constant 16 : i32
      %mul3A_120 = arith.muli %and3A_99, %mul3A_119 : i32
      %mul3A_121 = arith.constant 16 : i32
      %mul3A_122 = arith.muli %and3A_99, %mul3A_121 : i32
      %get3A = arith.index_cast %mul3A_122 : i32 to index
      %get3A_123 = tpu.vector_load %arg15[%get3A] {strides = array<i32>} : memref<32xi32, #tpu.memory_space<vmem>>, vector<16xi32>,
      %dma_wait3A = arith.constant 0 : i32
      %dma_wait3A_124 = tpu.memref_slice %arg13[%mul3A_120, %dma_wait3A] : memref<32x128xf32, #tpu.memory_space<vmem>> -> memref<16x128xf32, #tpu.memory_space<vmem>>
      %dma_wait3A_125 = arith.constant 0 : i32
      %dma_wait3A_126 = arith.constant 0 : i32
      %dma_wait3A_127 = tpu.memref_slice %arg7[%dma_wait3A_125, %dma_wait3A_126] : memref<16448x128xf32, #tpu.memory_space<hbm>> -> memref<16448x128xf32, #tpu.memory_space<hbm>>
      tpu.wait_indirect_dma semaphore(%arg20 : memref<!tpu.dma_semaphore, #tpu.memory_space<semaphore_mem>>) src(%dma_wait3A_124 : memref<16x128xf32, #tpu.memory_space<vmem>>) dst(%dma_wait3A_127 : memref<16448x128xf32, #tpu.memory_space<hbm>>)
    } else {
    }
    return
  }
}

</mosaic_0001>

<sc_bundles>
// kernel: _sc_call.4.cloned.1.call-start
scs
__scs_entry_jumppad:
0x0: {  	(pc) =	sbr.rel $0x88, $3  }
0x1: {  	(tag) =	ssettag $0x0;
	lr =	simm.s32 $0x1  }
0x2: {  	[smem:$0x3F9C] =	sst lr;
	_ =	strace $0xD0000000  }
0x3: {  	_ = 	snop  }
0x4: {  	_ = 	snop  }
0x5: {  	_ = 	snop  }
0x6: {  	_ = 	snop  }
0x7: {  	_ = 	snop  }
__scs_overlays_trampoline_lowered:
0x8: {  	[smem:$0x3FAB] =	sst s0  }
0x9: {  	[smem:$0x3FAC] =	sst s1  }
0xa: {  	[smem:$0x3FAD] =	sst s2  }
0xb: {  	[smem:$0x3FAE] =	sst s3  }
0xc: {  	[smem:$0x3FAF] =	sst s4  }
0xd: {  	[smem:$0x3FB0] =	sst s5  }
0xe: {  	[smem:$0x3FB1] =	sst s6  }
0xf: {  	[smem:$0x3FB2] =	sst s7  }
0x10: {  	[smem:$0x3FB3] =	sst s8  }
0x11: {  	[smem:$0x3FB4] =	sst s9;
	s0 =	simm.s32 @!p0 $0x0  }
0x12: {  	s1 =	sld [smem:$0x3F9A];
	s0 =	simm.s32 @p0 $0x1  }
0x13: {  	[smem:$0x3FB5] =	sst s0;
	s0 =	simm.s32 @!p1 $0x0  }
0x14: {  	s2 =	sld [smem:$0x3F99];
	s0 =	simm.s32 @p1 $0x1  }
0x15: {  	[smem:$0x3FB6] =	sst s0;
	s0 =	simm.s32 @!p2 $0x0  }
0x16: {  	s3 =	sld [smem:$0x3FDB];
	s0 =	simm.s32 @p2 $0x1  }
0x17: {  	s4 =	simm.s32 $0x1BF5;
	[smem:$0x3FB8] =	sst s0  }
0x18: {  	s0 =	sld [smem:$0x3F9B];
	_ =	swait.ge [sflag:s4], $0x0  }
0x19: {  	s7 =	sld [smem:$0x3F9C]  }
0x1a: {  	s8 =	sadd.s32 $0xFFFFE003, lr  }
0x1b: {  	s9 =	sadd.s32 $0xFFFFFEF7, lr;
	s5 =	simm.s32 $0xFFFFFFFF;
	p2 =	slt.u32 s8, $0xFFFFF086  }
0x1c: {  	p1 =	slt.u32 s9, $0xF7A;
	s5 =	simm.s32 @!p2 $0x0  }
0x1d: {  	s5 =	simm.s32 @p1 $0x1;
	p0 =	seq.s32 s7, s2  }
0x1e: {  	s7 =	smul.u32 @!p0 $0xF7A, s2;
	p2 =	seq.s32 @!p0 s5, $0x0  }
0x1f: {  	s9 =	smul.u32 $0xF7A, s1;
	s8 =	simm.s32 @!p0 $0x1BF5;
	p2 =	por !p2, p0  }
0x20: {  	[sflag:s8] =	ssyncset.s32 @!p0 $0xFFFFF086;
	s6 =	sadd.s32 @!p0 s3, s7;
	s7 =	simm.s32 @!p0 $0x108  }
0x21: {  	s3 =	sadd.s32 s3, s9;
	s6 =	sadd.s32 @!p0 $0x88, s6;
	s7 =	simm.s32 @p2 $0x1082  }
0x22: {  	[simem:s7], [sflag:s8] =	dma.local @!p0 [hbm:s6], $0xF7A  }
0x23: {  	s9 =	sor.u32 $0xD0000000, s2;
	s6 =	simm.s32 $0x108;
	_ =	swait.ge @!p0 [sflag:s8], $0x0  }
0x24: {  	s3 =	sadd.s32 $0x88, s3;
	s6 =	simm.s32 @!p1 $0x1082;
	[sflag:s4] =	ssyncset.s32 $0xFFFFF086  }
0x25: {  	[simem:s6], [sflag:s4] =	dma.local [hbm:s3], $0xF7A  }
0x26: {  	[smem:$0x3F9C] =	sst s1;
	(tag) =	ssettag s2;
	_ =	strace s9  }
0x27: {  	s1 =	sld [smem:$0x3FAC]  }
0x28: {  	s2 =	sld [smem:$0x3FAD]  }
0x29: {  	s4 =	sld [smem:$0x3FAF]  }
0x2a: {  	p0 =	seq.s32 s5, $0x0;
	s5 =	sld [smem:$0x3FB0]  }
0x2b: {  	s6 =	sld [smem:$0x3FB1]  }
0x2c: {  	s7 =	sld [smem:$0x3FB2]  }
0x2d: {  	s3 =	simm.s32 $0x108;
	s8 =	sld [smem:$0x3FB3]  }
0x2e: {  	s3 =	simm.s32 @!p0 $0x1082;
	s9 =	sld [smem:$0x3FB4]  }
0x2f: {  	lr =	sadd.s32 s0, s3;
	s0 =	sld [smem:$0x3FAB]  }
0x30: {  	s3 =	sld [smem:$0x3FAE]  }
0x31: {  	[smem:$0x3FB7] =	sst s10  }
0x32: {  	s10 =	sld [smem:$0x3FB5];
	_ =	sdelay $0x3  }
0x33: {  	p0 =	seq.s32 s10, $0x1;
	s10 =	sld [smem:$0x3FB7];
	_ =	sdelay $0x3  }
0x34: {  	[smem:$0x3FB7] =	sst s10  }
0x35: {  	s10 =	sld [smem:$0x3FB6];
	_ =	sdelay $0x3  }
0x36: {  	p1 =	seq.s32 s10, $0x1;
	s10 =	sld [smem:$0x3FB7];
	_ =	sdelay $0x3  }
0x37: {  	[smem:$0x3FB7] =	sst s10  }
0x38: {  	s10 =	sld [smem:$0x3FB8]  }
0x39: {  	_ = 	snop;
	(pc) =	sbr.ind lr, $3  }
0x3a: {  	_ = 	snop  }
0x3b: {  	_ = 	snop  }
0x3c: {  	p2 =	seq.s32 s10, $0x1;
	s10 =	sld [smem:$0x3FB7]  }
0x3d: {  	_ =	shalt  }
0x3e: {  	_ =	shalt  }
0x3f: {  	_ =	shalt  }
0x40: {  	_ =	shalt  }
0x41: {  	_ =	shalt  }
0x42: {  	_ =	shalt  }
0x43: {  	_ =	shalt  }
0x44: {  	_ =	shalt  }
0x45: {  	_ =	shalt  }
0x46: {  	_ =	shalt  }
0x47: {  	_ =	shalt  }
0x48: {  	_ =	shalt  }
0x49: {  	_ =	shalt  }
0x4a: {  	_ =	shalt  }
0x4b: {  	_ =	shalt  }
0x4c: {  	_ =	shalt  }
0x4d: {  	_ =	shalt  }
0x4e: {  	_ =	shalt  }
0x4f: {  	_ =	shalt  }
0x50: {  	_ =	shalt  }
0x51: {  	_ =	shalt  }
0x52: {  	_ =	shalt  }
0x53: {  	_ =	shalt  }
0x54: {  	_ =	shalt  }
0x55: {  	_ =	shalt  }
0x56: {  	_ =	shalt  }
0x57: {  	_ =	shalt  }
0x58: {  	_ =	shalt  }
0x59: {  	_ =	shalt  }
0x5a: {  	_ =	shalt  }
0x5b: {  	_ =	shalt  }
0x5c: {  	_ =	shalt  }
0x5d: {  	_ =	shalt  }
0x5e: {  	_ =	shalt  }
0x5f: {  	_ =	shalt  }
0x60: {  	_ =	shalt  }
0x61: {  	_ =	shalt  }
0x62: {  	_ =	shalt  }
0x63: {  	_ =	shalt  }
0x64: {  	_ =	shalt  }
0x65: {  	_ =	shalt  }
0x66: {  	_ =	shalt  }
0x67: {  	_ =	shalt  }
0x68: {  	_ =	shalt  }
0x69: {  	_ =	shalt  }
0x6a: {  	_ =	shalt  }
0x6b: {  	_ =	shalt  }
0x6c: {  	_ =	shalt  }
0x6d: {  	_ =	shalt  }
0x6e: {  	_ =	shalt  }
0x6f: {  	_ =	shalt  }
0x70: {  	_ =	shalt  }
0x71: {  	_ =	shalt  }
0x72: {  	_ =	shalt  }
0x73: {  	_ =	shalt  }
0x74: {  	_ =	shalt  }
0x75: {  	_ =	shalt  }
0x76: {  	_ =	shalt  }
0x77: {  	_ =	shalt  }
0x78: {  	_ =	shalt  }
0x79: {  	_ =	shalt  }
0x7a: {  	_ =	shalt  }
0x7b: {  	_ =	shalt  }
0x7c: {  	_ =	shalt  }
0x7d: {  	_ =	shalt  }
0x7e: {  	_ =	shalt  }
0x7f: {  	_ =	shalt  }
0x80: {  	_ =	shalt  }
0x81: {  	_ =	shalt  }
0x82: {  	_ =	shalt  }
0x83: {  	_ =	shalt  }
0x84: {  	_ =	shalt  }
0x85: {  	_ =	shalt  }
0x86: {  	_ =	shalt  }
0x87: {  	_ =	shalt  }
.Lfunc_end0:
.L_simem_size_0:
called_computation_lowered:
.L_overlay_start_0:
0x88: {  	s2 =	sld [smem:$0x3FD9]  }
0x89: {  	s3 =	sld [smem:$0x3FFE];
	_ =	sdelay $0x1  }
0x8a: {  	s1 =	srdreg.scid  }
0x8b: {  	s0 =	sand.u32 $0x1, s1  }
0x8c: {  	s17 =	sshll.u32 s0, $0xA;
	s2 =	sadd.s32 s3, s2  }
0x8d: {  	s2 =	sadd.s32 s2, s17  }
0x8e: {  	[smem:$0x3FC3] =	sst s2  }
0x8f: {  	_ = 	snop  }
0x90: {  	s2 =	sld [smem:$0x3FC9]  }
0x91: {  	s18 =	sld [smem:$0x3FC8]  }
0x92: {  	s4 =	sld [smem:$0x3FC6]  }
0x93: {  	s5 =	sld [smem:$0x3FC5];
	(tm) =	ssettm $0x1  }
0x94: {  	s6 =	sld [smem:$0x3FFB];
	_ =	sdelay $0x3  }
0x95: {  	_ =	strace s6  }
0x96: {  	s6 =	sld [smem:$0x3FFC];
	_ =	sdelay $0x3  }
0x97: {  	_ =	strace s6  }
0x98: {  	s6 =	sld [smem:$0x3FFD];
	_ =	sdelay $0x3  }
0x99: {  	_ =	strace s6  }
0x9a: {  	_ =	strace $0x8FFFFFFF  }
0x9b: {  	s19 =	sld [smem:$0x3FDB];
	_ =	sdelay $0x1  }
0x9c: {  	s7 =	simm.s32 $_scs_section_size  }
0x9d: {  	s8 =	simm.s32 $_size__tile_overlayer_lowered;
	s9 =	simm.s32 $_tile_overlayer_lowered  }
0x9e: {  	s22 =	simm.s32 $0x1BFF;
	s21 =	sshll.u32 s9, $0x1;
	s6 =	sadd.s32 s7, s19  }
0x9f: {  	s10 =	simm.s32 $0x0;
	s20 =	sshll.u32 s8, $0x1;
	s8 =	sadd.s32 s21, s6  }
0xa0: {  	[timem:s10], [sflag:s22] =	dma.local [hbm:s8], s20  }
0xa1: {  	_ =	swait.ge [sflag:s22], s20  }
0xa2: {  	s7 =	ssub.s32 $0x0, s20;
	[sflag:s22] =	ssyncset.done $0x0  }
0xa3: {  	[sflag:s22] =	ssyncadd.s32 s7;
	_ =	sdelay $0x1  }
0xa4: {  	s23 =	simm.s32 $0x1B8B  }
0xa5: {  	_ =	swait.ge [sflag:s23], $0x1  }
0xa6: {  	[sflag:s23] =	ssyncset.done $0x0  }
0xa7: {  	s25 =	simm.s32 $0x1B8E;
	s24 =	sld [smem:$0x3FFE];
	[sflag:s23] =	ssyncadd.s32 $0xFFFFFFFF  }
0xa8: {  	s26 =	simm.s32 $execute0_lowered;
	[smem:$0x3FD2] =	sst s25  }
0xa9: {  	s8 =	sshll.u32 s26, $0x1;
	_ =	strace $0x80000046;
	[dreg:$0x1] =	wrdreg $0xFFFFFFFF  }
0xaa: {  	s28 =	simm.s32 $_size_execute0_lowered;
	s6 =	sadd.s32 s6, s8;
	[dreg:$0x0] =	wrdreg $0x0  }
0xab: {  	s8 =	sshll.u32 s28, $0x1;
	[dreg:$0x2] =	wrdreg s6  }
0xac: {  	[dreg:$0x3] =	wrdreg s8  }
0xad: {  	[dreg:$0x4] =	wrdreg $0xC0  }
0xae: {  	_ =	task [dreg:s10], $0x5FFFF  }
0xaf: {  	[dreg:$0x1] =	wrdreg $0xFFFFFFFF  }
0xb0: {  	[dreg:$0x0] =	wrdreg $0x60  }
0xb1: {  	[dreg:$0x2] =	wrdreg s2  }
0xb2: {  	[dreg:$0x3] =	wrdreg s18  }
0xb3: {  	[dreg:$0x4] =	wrdreg s4  }
0xb4: {  	[dreg:$0x5] =	wrdreg s5  }
0xb5: {  	[dreg:$0x6] =	wrdreg s24  }
0xb6: {  	[dreg:$0x7] =	wrdreg $0x9  }
0xb7: {  	_ =	task.clear_ibuf [dreg:s10], $0x8FFFF;
	_ =	strace $0x90000046  }
0xb8: {  	s29 =	simm.s32 $0x9;
	_ =	strace $0x80000048  }
0xb9: {  	_ =	swait.ge [sflag:s29], $0x1  }
0xba: {  	[sflag:s29] =	ssyncadd.s32 $0xFFFFFFFF  }
0xbb: {  	_ =	strace $0x90000048  }
0xbc: {  	_ =	sfence  }
0xbd: {  	s30 =	sld [smem:$0x0];
	_ =	sdelay $0x2  }
0xbe: {  	s31 =	sshll.u32 s1, $0xD;
	s1 =	sshrl.u32 s1, $0x2  }
0xbf: {  	s3 =	sand.u32 $0x4000, s31;
	s1 =	sadd.s32 s1, s30  }
0xc0: {  	s0 =	sor.u32 s3, s0;
	s1 =	sshll.u32 s1, $0x11  }
0xc1: {  	s0 =	sor.u32 s1, s0  }
0xc2: {  	s0 =	sadd.s32 $0x8F2B, s0  }
0xc3: {  	[sflag:s0] =	ssyncadd.remote.s32 $0x1  }
0xc4: {  	_ =	sfence.sel $0xFFFF  }
0xc5: {  	[dreg:$0x0] =	wrdreg $0xFFFFFFFF;
	(pc) =	sbr.abs _section_cstart, $3  }
0xc6: {  	[dreg:$0x1] =	wrdreg $0xFFFFFFFF  }
0xc7: {  	_ =	task.clear_ibuf [dreg:s10], $0x2FFFF;
	_ =	strace $0x9FFFFFFF  }
0xc8: {  	(tm) =	ssettm $0x7FFFFFFF  }
0xc9: {  	_ =	shalt  }
tec
execute0_lowered:
.L_overlay_start_1:
0x0: {  	(tag) =	ssettag $0x1  }
0x1: {  	s0 =	rddreg [dreg:$0x0]  }
0x2: {  	s2 =	rddreg [dreg:$0x1]  }
0x3: {  	s3 =	rddreg [dreg:$0x2]  }
0x4: {  	s5 =	rddreg [dreg:$0x3];
	s1 =	srdreg.scid  }
0x5: {  	s6 =	stileid.u32;
	s4 =	rddreg [dreg:$0x4];
	s16 =	simm.s32 $0x9100  }
0x6: {  	s17 =	simm.s32 $0x5;
	s18 =	simm.s32 $0x800;
	s19 =	simm.s32 $0x1  }
0x7: {  	s1 =	sand.u32 $0x1, s1;
	s7 =	sshll.u32 s6, $0x1;
	s6 =	simm.s32 $0x0  }
0x8: {  	s8 =	sadd.s32 $0xC00, s4;
	s9 =	sadd.s32 $0x41000, s4;
	s11 =	sor.u32 s1, s7  }
0x9: {  	[smem:$0x7FF] =	sst s6;
	s1 =	ssub.s32 $0x2, s1;
	s7 =	smul.u32 $0x3E, s11  }
0xa: {  	s12 =	sshrl.u32 s1, $0x1;
	s29 =	smul.u32 $0x7C00, s11;
	s11 =	sshll.u32 s11, $0x1  }
0xb: {  	_ =	strace $0x80000047;
	s1 =	ssub.s32 s1, s12;
	s13 =	sor.u32 $0x4000, s11  }
0xc: {  	s31 =	sor.u32 $0x4001, s11;
	s28 =	smin.u32 s7, $0x764;
	s14 =	sadd.s32 s3, s29  }
.Ltmp0:
0xd: {  	s4 =	sadd.s32 s5, s29;
	s10 =	sadd.s32 $0x3E, s28;
	(pc) =	sbr.rel .LBB2_1-.Ltmp0, $4  }
0xe: {  	v3 =	vlaneseq.u32;
	s1 =	smax.u32 s1, $0x1;
	[dreg:$0x7] =	wrdreg s14;
	p0 =	sge.u32 s7, s10  }
0xf: {  	v6 =	vimm.s32 $0xFFFFFFFF;
	v8 =	vand.u32 $0x7, v3;
	v7 =	vmul.u32 $0x200, v3;
	[dreg:$0x9] =	wrdreg s1;
	s30 =	sshll.u32 s10, $0x9;
	s1 =	simm.s32 @!p0 $0x0  }
0x10: {  	v8 =	vmul.u32 $0x80, v8;
	v0 =	vmov s29;
	v2 =	vmov s7;
	[dreg:$0x8] =	wrdreg s4;
	s12 =	smin.u32 s30, $0xF4240;
	s1 =	simm.s32 @p0 $0x1  }
0x11: {  	s20 =	simm.s32 $0x1B200;
	s21 =	simm.s32 $0x2;
	v4 =	vmov s13;
	v5 =	vmov s31;
	v1 =	vmov s12;
	[smem:$0x7FD] =	sst s1  }
.LBB2_31:
0x12: {  	s1 =	sand.u32 $0xF, s23  }
0x13: {  	p2 =	seq.s32 s1, $0x0  }
0x14: {  	s4 =	sand.u32 @!p2 $0x10, s23  }
0x15: {  	v9 =	vld @!p2 [tilespmem:s4+$0x1B100];
	_ =	sdelay $0x2  }
0x16: {  	v10 =	vmov @!p2 s1;
	v11 =	vlaneseq.u32 @!p2  }
0x17: {  	vm0 =	vgt.u32 @!p2 v10, v11  }
0x18: {  	v9 =	vsel @!p2 vm0, v9, v4;
	_ =	sdelay $0x2  }
0x19: {  	s1 =	sshll.u32 @!p2 s4, $0x7  }
0x1a: {  	p0 =	slt.s32 s23, $0x10;
	s1 =	sor.u32 @!p2 $0x19100, s1;
	vm0 =	vmmov @!p2 $0xffff;
	[tilespmem:s4+$0x1B100] =	vst @!p2 v9;
	s4 =	simm.s32 @!p2 $0x0  }
0x1b: {  	[hbm4b:s8+s4] =	stream.indirect_vreg.scatter @!p2 [tilespmem:s1], [sflag:$0x3], $0x80, v9, vm0, $0xb8;
	[tilespmem:$0x1B280] =	vst v63  }
0x1c: {  	s1 =	simm.s32 @!p0 $0x3  }
0x1d: {  	_ =	swait.ge @!p0 [sflag:s1], $0x800  }
0x1e: {  	[sflag:s1] =	ssyncset.done @!p0 $0x0  }
0x1f: {  	[sflag:s1] =	ssyncadd.s32 @!p0 $0xFFFFF800;
	s1 =	simm.s32 @!p2 $0x3  }
0x20: {  	s4 =	sand.u32 $0xF, s22;
	_ =	swait.ge @!p2 [sflag:s1], $0x800  }
0x21: {  	p1 =	seq.s32 s4, $0x0;
	[sflag:s1] =	ssyncset.done @!p2 $0x0  }
0x22: {  	[sflag:s1] =	ssyncadd.s32 @!p2 $0xFFFFF800;
	s1 =	sand.u32 @!p1 $0x10, s22  }
0x23: {  	v9 =	vld @!p1 [tilespmem:s1+$0x1B180];
	_ =	sdelay $0x2  }
0x24: {  	v10 =	vmov @!p1 s4;
	v11 =	vlaneseq.u32 @!p1  }
0x25: {  	vm0 =	vgt.u32 @!p1 v10, v11  }
0x26: {  	v9 =	vsel @!p1 vm0, v9, v5;
	_ =	sdelay $0x2  }
0x27: {  	s4 =	sshll.u32 @!p1 s1, $0x7  }
0x28: {  	p0 =	slt.s32 s22, $0x10;
	vm0 =	vmmov @!p1 $0xffff;
	[tilespmem:s1+$0x1B180] =	vst @!p1 v9;
	s1 =	sor.u32 @!p1 $0x1A100, s4;
	s4 =	simm.s32 @!p1 $0x0  }
0x29: {  	[hbm4b:s9+s4] =	stream.indirect_vreg.scatter @!p1 [tilespmem:s1], [sflag:$0x4], $0x80, v9, vm0, $0xb8;
	[tilespmem:$0x1B280] =	vst v63  }
0x2a: {  	s1 =	simm.s32 @!p0 $0x4  }
0x2b: {  	_ =	swait.ge @!p0 [sflag:s1], $0x800  }
0x2c: {  	[sflag:s1] =	ssyncset.done @!p0 $0x0  }
0x2d: {  	[sflag:s1] =	ssyncadd.s32 @!p0 $0xFFFFF800;
	s1 =	simm.s32 @!p1 $0x4  }
0x2e: {  	_ =	swait.ge @!p1 [sflag:s1], $0x800  }
0x2f: {  	s6 =	rddreg [dreg:$0x6]  }
0x30: {  	s31 =	rddreg [dreg:$0x9];
	s6 =	sadd.s32 $0x1, s6  }
0x31: {  	p0 =	sne.s32 s6, s31  }
.Ltmp1:
0x32: {  	_ = 	snop;
	(pc) =	sbr.rel @!p0 .LBB2_32-.Ltmp1, $3  }
0x33: {  	_ =	sdelay $0x1  }
0x34: {  	[sflag:s1] =	ssyncset.done @!p1 $0x0  }
0x35: {  	[sflag:s1] =	ssyncadd.s32 @!p1 $0xFFFFF800  }
.LBB2_1:
0x36: {  	[dreg:$0x6] =	wrdreg s6  }
0x37: {  	s1 =	rddreg [dreg:$0x7]  }
0x38: {  	s4 =	simm.s32 $0x1000;
	s31 =	simm.s32 $0x7A1400;
	s24 =	simm.s32 $0x0  }
0x39: {  	[tilespmem:s16], [sflag:$0x1] =	stream.strided.gather [hbm4b:s1+s4], $0x8000, s31, s4, $0x38;
	[tilespmem:$0x1B280] =	vst v63  }
0x3a: {  	s14 =	simm.s32 $0x0;
	s1 =	simm.s32 $0x0;
	s4 =	simm.s32 $0x0  }
.LBB2_2:
0x3b: {  	s11 =	sshll.u32 s14, $0x8  }
0x3c: {  	s13 =	simm.s32 $0x0;
	s12 =	sadd.s32 s0, s11  }
0x3d: {  	[tilespmem:s13], [sflag:$0x5] =	stream.linear.gather [hbm4b:s12+s13], $0x800, $0x38;
	[tilespmem:$0x1B280] =	vst v63  }
0x3e: {  	_ =	swait.ge [sflag:s17], $0x800  }
0x3f: {  	[sflag:s17] =	ssyncset.done $0x0  }
0x40: {  	s11 =	sadd.s32 s2, s11;
	[sflag:s17] =	ssyncadd.s32 $0xFFFFF800  }
0x41: {  	[tilespmem:s18], [sflag:$0x5] =	stream.linear.gather [hbm4b:s11+s13], $0x800, $0x38;
	[tilespmem:$0x1B280] =	vst v63  }
0x42: {  	_ =	swait.ge [sflag:s17], $0x800  }
0x43: {  	[sflag:s17] =	ssyncset.done $0x0  }
0x44: {  	[sflag:s17] =	ssyncadd.s32 $0xFFFFF800  }
0x45: {  	v9 =	vld [tilespmem:s13+$0x0]  }
0x46: {  	s28 =	sand.u32 $0x7F0, s13  }
0x47: {  	v10 =	vld [tilespmem:s28+$0x800];
	_ =	sdelay $0x2  }
0x48: {  	vm0 =	vge.s32 v9, v0  }
0x49: {  	vm1 =	vlt.s32 v9, v1;
	v11 =	vshll.u32 v9, $0xE;
	v9 =	vshrl.u32 v9, $0x9  }
0x4a: {  	v12 =	vshll.u32 v10, $0xE;
	v14 =	vshrl.u32 v10, $0x9;
	vm2 =	vlt.s32 v10, v1  }
0x4b: {  	vm0 =	vmand vm0, vm1;
	vm1 =	vge.s32 v10, v0;
	v9 =	vsub.s32 v9, v2  }
0x4c: {  	v11 =	vand.u32 $0x7FC000, v11;
	v14 =	vsub.s32 v14, v2;
	v9 =	vshll.u32 v9, $0x17  }
0x4d: {  	v12 =	vand.u32 $0x7FC000, v12;
	v9 =	vor.u32 v11, v9;
	v11 =	vshll.u32 v14, $0x17  }
0x4e: {  	vm1 =	vmand vm1, vm2;
	v10 =	vor.u32 v12, v11;
	v11 =	vmpcnt.ones.xlane vm0  }
0x4f: {  	s29 =	sadd.s32 $0x0, s1;
	v12 =	vmpcnt.ones.xlane vm1  }
0x50: {  	v13 =	vor.u32 s29, v3;
	(v2sf) =	vpush v11, $0x0  }
0x51: {  	v9 =	vadd.s32 v13, v9;
	(v2sf) =	vpush v12, $0x0  }
0x52: {  	[tilespmem:s4+$0x1000] =	vst.msk vm0, v9;
	v9 =	vadd.s32 v13, v10  }
0x53: {  	s11 =	simm.s32 $0x10;
	[tilespmem:s24+$0x5080] =	vst.msk vm1, v9  }
0x54: {  	s30 =	sand.u32 $0x7F0, s11;
	v9 =	vld [tilespmem:s11+$0x0]  }
0x55: {  	v10 =	vld [tilespmem:s30+$0x800];
	_ =	sdelay $0x3  }
0x56: {  	vm0 =	vge.s32 v9, v0;
	vm1 =	vlt.s32 v9, v1;
	v12 =	vshll.u32 v9, $0xE  }
0x57: {  	v9 =	vshrl.u32 v9, $0x9;
	v11 =	vshll.u32 v10, $0xE;
	vm2 =	vlt.s32 v10, v1  }
0x58: {  	s31 =	sadd.s32 $0x10, s1;
	vm0 =	vmand vm0, vm1;
	vm1 =	vge.s32 v10, v0;
	v14 =	vsub.s32 v9, v2  }
0x59: {  	s12 =	simm.s32 $0x20;
	v9 =	vor.u32 s31, v3;
	v13 =	vmpcnt.ones.xlane vm0;
	v14 =	vshll.u32 v14, $0x17  }
.LBB2_3:
0x5a: {  	p1 =	sne.s32 s12, $0x7F0;
	vm1 =	vmand vm1, vm2;
	v12 =	vand.u32 $0x7FC000, v12;
	v10 =	vshrl.u32 v10, $0x9;
	s13 =	smov.u32 s12;
	s12 =	sadd.s32 $0x10, s12  }
0x5b: {  	s11 =	sadd.s32 $0x10, s11;
	v12 =	vor.u32 v12, v14;
	v10 =	vsub.s32 v10, v2;
	v14 =	vmpcnt.ones.xlane vm1  }
0x5c: {  	v11 =	vand.u32 $0x7FC000, v11;
	v10 =	vshll.u32 v10, $0x17;
	(v2sf) =	vpush v13, $0x0;
	s15 =	spop (v2sf)  }
0x5d: {  	v12 =	vadd.s32 v9, v12;
	v10 =	vor.u32 v11, v10;
	(v2sf) =	vpush v14, $0x0;
	s4 =	sadd.s32 s4, s15;
	s15 =	spop (v2sf)  }
0x5e: {  	s22 =	sand.u32 $0x7F0, s13;
	[tilespmem:s4+$0x1000] =	vst.msk vm0, v12;
	v9 =	vadd.s32 v9, v10;
	s24 =	sadd.s32 s24, s15  }
0x5f: {  	[tilespmem:s24+$0x5080] =	vst.msk vm1, v9  }
0x60: {  	v9 =	vld [tilespmem:s11+$0x0]  }
0x61: {  	v10 =	vld [tilespmem:s22+$0x800];
	_ =	sdelay $0x2  }
.Ltmp2:
0x62: {  	(pc) =	sbr.rel @p1 .LBB2_3-.Ltmp2, $4  }
0x63: {  	vm0 =	vge.s32 v9, v0;
	vm1 =	vlt.s32 v9, v1;
	v12 =	vshll.u32 v9, $0xE  }
0x64: {  	s13 =	sadd.s32 s13, s1;
	v9 =	vshrl.u32 v9, $0x9;
	vm0 =	vmand vm0, vm1;
	v11 =	vshll.u32 v10, $0xE  }
0x65: {  	vm1 =	vge.s32 v10, v0;
	v14 =	vsub.s32 v9, v2;
	v13 =	vmpcnt.ones.xlane vm0  }
0x66: {  	v9 =	vor.u32 s13, v3;
	vm2 =	vlt.s32 v10, v1;
	v14 =	vshll.u32 v14, $0x17  }
0x67: {  	vm1 =	vmand vm1, vm2  }
0x68: {  	v15 =	vmpcnt.ones.xlane vm1  }
0x69: {  	(v2sf) =	vpush v13, $0x0  }
0x6a: {  	(v2sf) =	vpush v15, $0x0;
	_ =	sdelay $0x9  }
0x6b: {  	s14 =	sadd.s32 $0x1, s14  }
0x6c: {  	v10 =	vshrl.u32 v10, $0x9;
	p1 =	sne.s32 s14, $0x8  }
.Ltmp3:
0x6d: {  	v12 =	vand.u32 $0x7FC000, v12;
	v10 =	vsub.s32 v10, v2;
	s11 =	spop (v2sf);
	(pc) =	sbr.rel @p1 .LBB2_2-.Ltmp3, $4  }
0x6e: {  	v11 =	vand.u32 $0x7FC000, v11;
	v12 =	vor.u32 v12, v14;
	v10 =	vshll.u32 v10, $0x17;
	s12 =	spop (v2sf)  }
0x6f: {  	v12 =	vadd.s32 v9, v12;
	v10 =	vor.u32 v11, v10;
	s4 =	sadd.s32 s4, s11;
	s31 =	spop (v2sf)  }
0x70: {  	[tilespmem:s4+$0x1000] =	vst.msk vm0, v12;
	v9 =	vadd.s32 v9, v10;
	s12 =	sadd.s32 s24, s12;
	s13 =	spop (v2sf)  }
0x71: {  	s1 =	sadd.s32 $0x800, s1;
	[tilespmem:s12+$0x5080] =	vst.msk vm1, v9;
	s4 =	sadd.s32 s4, s31;
	s24 =	sadd.s32 s12, s13  }
0x72: {  	s1 =	sld [smem:$0x7FD];
	_ =	sdelay $0x2  }
0x73: {  	p0 =	seq.s32 s1, $0x1  }
.Ltmp4:
0x74: {  	_ = 	snop;
	(pc) =	sbr.rel @p0 .LBB2_18-.Ltmp4, $3  }
0x75: {  	_ =	sdelay $0x1  }
0x76: {  	[tilespmem:s4+$0x1000] =	vst v6  }
0x77: {  	s22 =	simm.s32 $0x0;
	s23 =	simm.s32 $0x0;
	[tilespmem:s24+$0x5080] =	vst v6  }
0x78: {  	s1 =	sadd.s32 $0xF, s4  }
0x79: {  	s4 =	sand.u32 $0xF, s1  }
0x7a: {  	s11 =	sshra.s32 s1, $0x1F;
	p1 =	slt.s32 s1, $0x1;
	p2 =	sne.s32 s4, $0x0  }
.Ltmp5:
0x7b: {  	s31 =	sshrl.u32 s11, $0x1C;
	p1 =	por !p1, !p2;
	(pc) =	sbr.rel .LBB2_8-.Ltmp5, $4  }
0x7c: {  	s4 =	simm.s32 $0x1;
	s1 =	sadd.s32 s31, s1;
	p1 =	por !p1, !p1  }
0x7d: {  	s1 =	sshra.s32 s1, $0x4;
	s4 =	simm.s32 @!p1 $0x0  }
0x7e: {  	s25 =	ssub.s32 s1, s4  }
0x7f: {  	s23 =	simm.s32 $0x0;
	s26 =	smov.u32 s7;
	p1 =	slt.s32 s25, $0x1  }
.LBB2_7:
.Ltmp6:
0x80: {  	(pc) =	sbr.rel @p2 .LBB2_18-.Ltmp6, $1  }
0x81: {  	_ =	sdelay $0x3  }
.LBB2_8:
0x82: {  	s1 =	smov.u32 s26;
	s26 =	sadd.s32 $0x1, s26  }
0x83: {  	p2 =	sge.u32 s26, s10;
	s4 =	sand.u32 $0x1, s1  }
0x84: {  	s11 =	sshll.u32 @!p2 s26, $0x9;
	s12 =	sshll.u32 @!p2 s4, $0xF  }
0x85: {  	s13 =	simm.s32 @!p2 $0x1000;
	s14 =	simm.s32 @!p2 $0x7A1400;
	s11 =	smin.u32 @!p2 s11, $0xF4080  }
.Ltmp7:
0x86: {  	s12 =	ssub.s32 @!p2 $0x11100, s12;
	s11 =	sadd.s32 @!p2 s3, s11;
	(pc) =	sbr.rel @p1 .LBB2_7-.Ltmp7, $4  }
0x87: {  	[tilespmem:s12], [sflag:$0x1] =	stream.strided.gather @!p2 [hbm4b:s11+s13], $0x8000, s14, s13, $0x38;
	[tilespmem:$0x1B280] =	vst v63  }
0x88: {  	_ =	swait.ge [sflag:s19], $0x8000  }
0x89: {  	[sflag:s19] =	ssyncset.done $0x0  }
0x8a: {  	[sflag:s19] =	ssyncadd.s32 $0xFFFF8000  }
0x8b: {  	s4 =	sshll.u32 s4, $0x6  }
0x8c: {  	v9 =	vmov s4;
	s30 =	sor.u32 $0x10, s4  }
0x8d: {  	s12 =	sor.u32 $0x20, s4;
	s4 =	sor.u32 $0x30, s4;
	v9 =	vshll.u32 v9, $0x9;
	v11 =	vmov s30  }
0x8e: {  	v12 =	vmov s12;
	v13 =	vmov s4;
	v9 =	vor.u32 v7, v9  }
.Ltmp8:
0x8f: {  	s11 =	ssub.s32 s1, s7;
	v11 =	vshll.u32 v11, $0x9;
	v12 =	vshll.u32 v12, $0x9;
	v13 =	vshll.u32 v13, $0x9;
	(pc) =	sbr.rel .LBB2_10-.Ltmp8, $4  }
0x90: {  	s31 =	sshll.u32 s1, $0x9;
	v10 =	vand.u32 $0x9000, v9;
	v9 =	vmov s11;
	v11 =	vor.u32 v7, v11  }
0x91: {  	p3 =	slt.s32 s31, $0xF4080;
	s4 =	smov.u32 s31;
	v12 =	vor.u32 v7, v12;
	v13 =	vor.u32 v7, v13;
	v10 =	vor.u32 v8, v10  }
0x92: {  	s4 =	simm.s32 @!p3 $0xF4080;
	v11 =	vand.u32 $0x7FFFB000, v11;
	v12 =	vand.u32 $0x7FFFD000, v12;
	v13 =	vand.u32 $0x7FFFF000, v13  }
0x93: {  	s29 =	simm.s32 $0x0;
	s28 =	ssub.s32 s31, s4;
	v11 =	vor.u32 v8, v11;
	v12 =	vor.u32 v8, v12;
	v13 =	vor.u32 v8, v13  }
.LBB2_12:
0x94: {  	s31 =	smov.u32 s15  }
.LBB2_16:
0x95: {  	_ =	sdelay $0x2  }
0x96: {  	s6 =	simm.s32 @!p5 $0x3;
	p0 =	por p6, !p3  }
0x97: {  	[hbm4b:s8+s13] =	stream.indirect_vreg.scatter @!p0 [tilespmem:s12], [sflag:$0x3], $0x80, v16, vm0, $0xb8;
	[tilespmem:$0x1B280] =	vst v63  }
0x98: {  	_ =	swait.ge @!p5 [sflag:s6], $0x800  }
0x99: {  	[sflag:s6] =	ssyncset.done @!p5 $0x0  }
0x9a: {  	[sflag:s6] =	ssyncadd.s32 @!p5 $0xFFFFF800  }
0x9b: {  	v15 =	vld.idx.msk [tilespmem:v15+s20+$0x0], $0xffff;
	_ =	sdelay $0x4  }
0x9c: {  	(v2sf) =	vpush v15, $0x0;
	_ =	sdelay $0xe  }
0x9d: {  	s14 =	spop (v2sf)  }
0x9e: {  	s11 =	sshrl.u32 s14, $0xE  }
0x9f: {  	s11 =	sand.u32 $0x1FF, s11  }
0xa0: {  	s11 =	sadd.s32 s11, s28  }
0xa1: {  	v15 =	vmov s11  }
0xa2: {  	v62 =	vshll.u32 v15, $0x3  }
0xa3: {  	v16 =	vand.u32 $0xFFFFFC00, v62  }
0xa4: {  	v15 =	vand.u32 $0x7F, v15;
	v17 =	vadd.s32 v10, v16  }
0xa5: {  	v17 =	vor.u32 v15, v17;
	_ =	sdelay $0x4  }
0xa6: {  	v18 =	vadd.s32 v11, v16;
	v17 =	vld.idx.msk [tilespmem:v17+s16+$0x0], $0xffff  }
0xa7: {  	v18 =	vor.u32 v15, v18  }
0xa8: {  	s11 =	sadd.s32 @p3 $0x80, s31  }
0xa9: {  	s15 =	smov.u32 @p3 s11  }
0xaa: {  	s11 =	sand.u32 $0xF80, s15  }
0xab: {  	[tilespmem:s11+$0x19100] =	vst v17  }
0xac: {  	v63 =	vadd.s32 v12, v16;
	v18 =	vld.idx.msk [tilespmem:v18+s16+$0x0], $0xffff  }
0xad: {  	v17 =	vor.u32 v15, v63;
	_ =	sdelay $0x3  }
0xae: {  	[tilespmem:s11+$0x19110] =	vst v18  }
0xaf: {  	v16 =	vadd.s32 v13, v16;
	v17 =	vld.idx.msk [tilespmem:v17+s16+$0x0], $0xffff  }
0xb0: {  	v15 =	vor.u32 v15, v16;
	_ =	sdelay $0x3  }
0xb1: {  	[tilespmem:s11+$0x19120] =	vst v17  }
0xb2: {  	v15 =	vld.idx.msk [tilespmem:v15+s16+$0x0], $0xffff;
	_ =	sdelay $0x4  }
0xb3: {  	s1 =	sand.u32 $0x10, s1;
	[tilespmem:s11+$0x19130] =	vst v15  }
0xb4: {  	v15 =	vld [tilespmem:s1+$0x1B100];
	_ =	sdelay $0x3  }
0xb5: {  	vm15 =	veq.s32 v14, v3;
	s6 =	sand.u32 $0x3FFF, s14  }
0xb6: {  	v14 =	vsel vm15, s6, v15;
	_ =	sdelay $0x1  }
0xb7: {  	p0 =	sne.s32 s4, $0x0  }
0xb8: {  	s4 =	sshll.u32 @!p0 s1, $0x7  }
0xb9: {  	s23 =	sadd.s32 s30, s23;
	vm0 =	vmmov @!p0 $0xffff;
	[tilespmem:s1+$0x1B100] =	vst v14;
	s1 =	sadd.s32 @!p0 $0x19100, s4;
	s4 =	simm.s32 @!p0 $0x0  }
0xba: {  	[hbm4b:s8+s4] =	stream.indirect_vreg.scatter @!p0 [tilespmem:s1], [sflag:$0x3], $0x80, v14, vm0, $0xb8;
	[tilespmem:$0x1B280] =	vst v63  }
.LBB2_17:
0xbb: {  	s29 =	sadd.s32 $0x1, s29  }
0xbc: {  	p0 =	seq.s32 s29, s25  }
.Ltmp9:
0xbd: {  	_ = 	snop;
	(pc) =	sbr.rel @p0 .LBB2_7-.Ltmp9, $1  }
0xbe: {  	_ =	sdelay $0x3  }
.LBB2_10:
0xbf: {  	s1 =	sshll.u32 s29, $0x6  }
0xc0: {  	s1 =	sshra.s32 s1, $0x2  }
0xc1: {  	v14 =	vld [tilespmem:s1+$0x1000];
	_ =	sdelay $0x4  }
0xc2: {  	v15 =	vshra.s32 v14, $0x17  }
0xc3: {  	vm0 =	veq.s32 v15, v9  }
0xc4: {  	v15 =	vmpcnt.ones.xlane vm0;
	_ =	sdelay $0x1  }
0xc5: {  	(v2sf) =	vpush v15, $0x0;
	_ =	sdelay $0xe  }
0xc6: {  	s14 =	spop (v2sf)  }
0xc7: {  	p3 =	slt.s32 s14, $0x1  }
.Ltmp10:
0xc8: {  	_ = 	snop;
	(pc) =	sbr.rel @p3 .LBB2_17-.Ltmp10, $2  }
0xc9: {  	_ =	sdelay $0x2  }
0xca: {  	[tilespmem:s20+$0x0] =	vst.msk vm0, v14  }
0xcb: {  	p4 =	sne.s32 s14, $0x1  }
.Ltmp11:
0xcc: {  	_ = 	snop;
	(pc) =	sbr.rel @!p4 .LBB2_12-.Ltmp11, $4  }
0xcd: {  	s15 =	sshll.u32 s23, $0x7;
	s1 =	sadd.s32 $0x0, s23  }
0xce: {  	s4 =	simm.s32 $0x0;
	s11 =	sand.u32 $0xF, s1;
	p3 =	slt.s32 s1, $0x20  }
0xcf: {  	s30 =	simm.s32 $0x1;
	s12 =	sadd.s32 $0x1, s1;
	p5 =	sne.s32 @!p3 s11, $0x0  }
0xd0: {  	v15 =	vmov s4;
	v14 =	vmov s11;
	s4 =	sand.u32 $0xF, s12;
	p5 =	por p5, p3;
	p3 =	por $0x0, $0x0  }
0xd1: {  	s11 =	simm.s32 @!p5 $0x3  }
0xd2: {  	_ =	swait.ge @!p5 [sflag:s11], $0x800  }
0xd3: {  	[sflag:s11] =	ssyncset.done @!p5 $0x0  }
0xd4: {  	[sflag:s11] =	ssyncadd.s32 @!p5 $0xFFFFF800  }
0xd5: {  	v15 =	vld.idx.msk [tilespmem:v15+s20+$0x0], $0xffff;
	_ =	sdelay $0x4  }
0xd6: {  	(v2sf) =	vpush v15, $0x0;
	_ =	sdelay $0xe  }
0xd7: {  	s11 =	spop (v2sf)  }
0xd8: {  	s12 =	sshrl.u32 s11, $0xE  }
0xd9: {  	s12 =	sand.u32 $0x1FF, s12  }
0xda: {  	s12 =	sadd.s32 s12, s28  }
0xdb: {  	v15 =	vmov s12  }
0xdc: {  	v16 =	vshll.u32 v15, $0x3  }
0xdd: {  	v16 =	vand.u32 $0xFFFFFC00, v16  }
0xde: {  	v15 =	vand.u32 $0x7F, v15;
	v17 =	vadd.s32 v10, v16  }
0xdf: {  	v17 =	vor.u32 v15, v17;
	_ =	sdelay $0x4  }
0xe0: {  	v18 =	vadd.s32 v11, v16;
	v17 =	vld.idx.msk [tilespmem:v17+s16+$0x0], $0xffff  }
0xe1: {  	v18 =	vor.u32 v15, v18;
	_ =	sdelay $0x2  }
0xe2: {  	s6 =	sand.u32 $0xF80, s15  }
0xe3: {  	[tilespmem:s6+$0x19100] =	vst v17  }
0xe4: {  	v17 =	vadd.s32 v12, v16;
	v18 =	vld.idx.msk [tilespmem:v18+s16+$0x0], $0xffff  }
0xe5: {  	v17 =	vor.u32 v15, v17;
	_ =	sdelay $0x3  }
0xe6: {  	[tilespmem:s6+$0x19110] =	vst v18  }
0xe7: {  	v16 =	vadd.s32 v13, v16;
	v17 =	vld.idx.msk [tilespmem:v17+s16+$0x0], $0xffff  }
0xe8: {  	v15 =	vor.u32 v15, v16;
	_ =	sdelay $0x3  }
0xe9: {  	[tilespmem:s6+$0x19120] =	vst v17  }
0xea: {  	v15 =	vld.idx.msk [tilespmem:v15+s16+$0x0], $0xffff;
	_ =	sdelay $0x4  }
0xeb: {  	s13 =	sand.u32 $0x10, s1;
	[tilespmem:s6+$0x19130] =	vst v15  }
0xec: {  	v16 =	vld [tilespmem:s13+$0x1B100];
	_ =	sdelay $0x1  }
0xed: {  	p4 =	sne.s32 s14, $0x2;
	s1 =	sadd.s32 $0x1, s23  }
.Ltmp12:
0xee: {  	p3 =	slt.s32 s1, $0x20;
	s12 =	sand.u32 $0xF, s1;
	(pc) =	sbr.rel @!p4 .LBB2_14-.Ltmp12, $4  }
0xef: {  	vm0 =	veq.s32 v14, v3;
	p6 =	sne.s32 s4, $0x0;
	s11 =	sand.u32 $0x3FFF, s11;
	p5 =	sne.s32 @!p3 s12, $0x0  }
0xf0: {  	s31 =	smov.u32 s15;
	p5 =	por p5, p3;
	p3 =	por $0x1, $0x1;
	v16 =	vsel vm0, s11, v16  }
0xf1: {  	v15 =	vmov s30;
	s30 =	simm.s32 $0x2;
	s6 =	sadd.s32 $0x1, s1;
	s11 =	sshll.u32 @!p6 s13, $0x7  }
0xf2: {  	v14 =	vmov s12;
	s4 =	sand.u32 $0xF, s6;
	vm0 =	vmmov @!p6 $0xffff;
	[tilespmem:s13+$0x1B100] =	vst v16;
	s12 =	sadd.s32 @!p6 $0x19100, s11;
	s13 =	simm.s32 @!p6 $0x0  }
.LBB2_15:
0xf3: {  	s6 =	simm.s32 @!p5 $0x3  }
0xf4: {  	v17 =	vmov s30;
	s31 =	sadd.s32 $0x80, s31;
	s11 =	smov.u32 s30;
	s30 =	sadd.s32 $0x1, s30  }
0xf5: {  	[hbm4b:s8+s13] =	stream.indirect_vreg.scatter @!p6 [tilespmem:s12], [sflag:$0x3], $0x80, v16, vm0, $0xb8;
	[tilespmem:$0x1B280] =	vst v63  }
0xf6: {  	p4 =	sne.s32 s14, s30;
	_ =	swait.ge @!p5 [sflag:s6], $0x800  }
0xf7: {  	[sflag:s6] =	ssyncset.done @!p5 $0x0  }
0xf8: {  	[sflag:s6] =	ssyncadd.s32 @!p5 $0xFFFFF800  }
0xf9: {  	v16 =	vld.idx.msk [tilespmem:v15+s20+$0x0], $0xffff;
	v15 =	vmov v17;
	_ =	sdelay $0x5  }
0xfa: {  	(v2sf) =	vpush v16, $0x0;
	_ =	sdelay $0xe  }
0xfb: {  	s12 =	spop (v2sf)  }
0xfc: {  	s6 =	sshrl.u32 s12, $0xE  }
0xfd: {  	s6 =	sand.u32 $0x1FF, s6  }
0xfe: {  	s6 =	sadd.s32 s6, s28  }
0xff: {  	v16 =	vmov s6  }
0x100: {  	v17 =	vshll.u32 v16, $0x3  }
0x101: {  	v17 =	vand.u32 $0xFFFFFC00, v17  }
0x102: {  	v16 =	vand.u32 $0x7F, v16;
	v18 =	vadd.s32 v10, v17;
	v19 =	vadd.s32 v11, v17  }
0x103: {  	v20 =	vadd.s32 v12, v17;
	v18 =	vor.u32 v16, v18;
	v19 =	vor.u32 v16, v19  }
0x104: {  	v17 =	vadd.s32 v13, v17;
	v20 =	vor.u32 v16, v20  }
0x105: {  	v16 =	vor.u32 v16, v17;
	_ =	sdelay $0x2  }
0x106: {  	v17 =	vld.idx.msk [tilespmem:v18+s16+$0x0], $0xffff;
	_ =	sdelay $0x4  }
0x107: {  	s6 =	sand.u32 $0xF80, s31  }
0x108: {  	[tilespmem:s6+$0x19100] =	vst v17  }
0x109: {  	v17 =	vld.idx.msk [tilespmem:v19+s16+$0x0], $0xffff;
	_ =	sdelay $0x5  }
0x10a: {  	[tilespmem:s6+$0x19110] =	vst v17  }
0x10b: {  	v17 =	vld.idx.msk [tilespmem:v20+s16+$0x0], $0xffff;
	_ =	sdelay $0x5  }
0x10c: {  	[tilespmem:s6+$0x19120] =	vst v17  }
0x10d: {  	v16 =	vld.idx.msk [tilespmem:v16+s16+$0x0], $0xffff;
	_ =	sdelay $0x5  }
0x10e: {  	s13 =	sand.u32 $0x10, s1;
	[tilespmem:s6+$0x19130] =	vst v16  }
0x10f: {  	v16 =	vld [tilespmem:s13+$0x1B100];
	_ =	sdelay $0x3  }
.Ltmp13:
0x110: {  	vm0 =	veq.s32 v14, v3;
	s6 =	sand.u32 $0x3FFF, s12;
	(pc) =	sbr.rel @p4 .LBB2_15-.Ltmp13, $4  }
0x111: {  	s1 =	sadd.s32 s11, s23;
	p6 =	sne.s32 s4, $0x0;
	v16 =	vsel vm0, s6, v16  }
0x112: {  	s4 =	sand.u32 $0xF, s1;
	p5 =	slt.s32 s1, $0x20;
	s6 =	sadd.s32 $0x1, s1;
	[tilespmem:s13+$0x1B100] =	vst v16  }
0x113: {  	v14 =	vmov s4;
	p0 =	sne.s32 @!p5 s4, $0x0;
	s4 =	sand.u32 $0xF, s6;
	s6 =	sshll.u32 @!p6 s13, $0x7  }
0x114: {  	p5 =	por p0, p5;
	vm0 =	vmmov @!p6 $0xffff;
	s13 =	simm.s32 @!p6 $0x0;
	s12 =	sadd.s32 @!p6 $0x19100, s6  }
.Ltmp14:
0x115: {  	_ = 	snop;
	(pc) =	sbr.rel .LBB2_16-.Ltmp14, $1  }
0x116: {  	_ =	sdelay $0x3  }
.LBB2_14:
.Ltmp15:
0x117: {  	(pc) =	sbr.rel .LBB2_16-.Ltmp15, $2  }
0x118: {  	_ =	sdelay $0x2  }
0x119: {  	s31 =	smov.u32 s15  }
.LBB2_18:
0x11a: {  	s31 =	sld [smem:$0x7FD];
	_ =	sdelay $0x2  }
0x11b: {  	p0 =	seq.s32 s31, $0x1  }
.Ltmp16:
0x11c: {  	_ = 	snop;
	(pc) =	sbr.rel @p0 .LBB2_31-.Ltmp16, $3  }
0x11d: {  	_ =	sdelay $0x1  }
0x11e: {  	s1 =	rddreg [dreg:$0x8];
	s4 =	simm.s32 $0x1000;
	s6 =	simm.s32 $0x7A1400  }
0x11f: {  	[tilespmem:s16], [sflag:$0x2] =	stream.strided.gather [hbm4b:s1+s4], $0x8000, s6, s4, $0x38;
	[tilespmem:$0x1B280] =	vst v63  }
0x120: {  	s1 =	sadd.s32 $0xF, s24  }
0x121: {  	s4 =	sand.u32 $0xF, s1  }
0x122: {  	s6 =	sshra.s32 s1, $0x1F;
	p0 =	slt.s32 s1, $0x1;
	p1 =	sne.s32 s4, $0x0  }
.Ltmp17:
0x123: {  	s31 =	sshrl.u32 s6, $0x1C;
	p0 =	por !p0, !p1;
	(pc) =	sbr.rel .LBB2_21-.Ltmp17, $4  }
0x124: {  	s4 =	simm.s32 $0x1;
	s1 =	sadd.s32 s31, s1;
	p0 =	por !p0, !p0  }
0x125: {  	s1 =	sshra.s32 s1, $0x4;
	s4 =	simm.s32 @!p0 $0x0  }
0x126: {  	s24 =	ssub.s32 s1, s4  }
0x127: {  	s22 =	simm.s32 $0x0;
	s25 =	smov.u32 s7;
	p1 =	slt.s32 s24, $0x1  }
.LBB2_20:
.Ltmp18:
0x128: {  	(pc) =	sbr.rel @p2 .LBB2_31-.Ltmp18, $1  }
0x129: {  	_ =	sdelay $0x3  }
.LBB2_21:
0x12a: {  	s1 =	smov.u32 s25;
	s25 =	sadd.s32 $0x1, s25  }
0x12b: {  	p2 =	sge.u32 s25, s10;
	s4 =	sand.u32 $0x1, s1  }
0x12c: {  	s6 =	sshll.u32 @!p2 s25, $0x9;
	s11 =	sshll.u32 @!p2 s4, $0xF  }
0x12d: {  	s12 =	simm.s32 @!p2 $0x1000;
	s13 =	simm.s32 @!p2 $0x7A1400;
	s6 =	smin.u32 @!p2 s6, $0xF4080  }
.Ltmp19:
0x12e: {  	s11 =	ssub.s32 @!p2 $0x11100, s11;
	s6 =	sadd.s32 @!p2 s5, s6;
	(pc) =	sbr.rel @p1 .LBB2_20-.Ltmp19, $4  }
0x12f: {  	[tilespmem:s11], [sflag:$0x2] =	stream.strided.gather @!p2 [hbm4b:s6+s12], $0x8000, s13, s12, $0x38;
	[tilespmem:$0x1B280] =	vst v63  }
0x130: {  	_ =	swait.ge [sflag:s21], $0x8000  }
0x131: {  	[sflag:s21] =	ssyncset.done $0x0  }
0x132: {  	[sflag:s21] =	ssyncadd.s32 $0xFFFF8000  }
0x133: {  	s4 =	sshll.u32 s4, $0x6  }
0x134: {  	v9 =	vmov s4;
	s30 =	sor.u32 $0x10, s4  }
0x135: {  	s11 =	sor.u32 $0x20, s4;
	s4 =	sor.u32 $0x30, s4;
	v9 =	vshll.u32 v9, $0x9;
	v11 =	vmov s30  }
0x136: {  	v12 =	vmov s11;
	v13 =	vmov s4;
	v9 =	vor.u32 v7, v9  }
.Ltmp20:
0x137: {  	s6 =	ssub.s32 s1, s7;
	v11 =	vshll.u32 v11, $0x9;
	v12 =	vshll.u32 v12, $0x9;
	v13 =	vshll.u32 v13, $0x9;
	(pc) =	sbr.rel .LBB2_23-.Ltmp20, $4  }
0x138: {  	s31 =	sshll.u32 s1, $0x9;
	v10 =	vand.u32 $0x9000, v9;
	v9 =	vmov s6;
	v11 =	vor.u32 v7, v11  }
0x139: {  	p0 =	slt.s32 s31, $0xF4080;
	s4 =	smov.u32 s31;
	v12 =	vor.u32 v7, v12;
	v13 =	vor.u32 v7, v13;
	v10 =	vor.u32 v8, v10  }
0x13a: {  	s4 =	simm.s32 @!p0 $0xF4080;
	v11 =	vand.u32 $0x7FFFB000, v11;
	v12 =	vand.u32 $0x7FFFD000, v12;
	v13 =	vand.u32 $0x7FFFF000, v13  }
0x13b: {  	s28 =	simm.s32 $0x0;
	s26 =	ssub.s32 s31, s4;
	v11 =	vor.u32 v8, v11;
	v12 =	vor.u32 v8, v12;
	v13 =	vor.u32 v8, v13  }
.LBB2_25:
0x13c: {  	s15 =	smov.u32 s30  }
.LBB2_29:
0x13d: {  	_ =	sdelay $0x2  }
0x13e: {  	s6 =	simm.s32 @!p5 $0x4;
	p0 =	por p6, !p3  }
0x13f: {  	[hbm4b:s9+s13] =	stream.indirect_vreg.scatter @!p0 [tilespmem:s12], [sflag:$0x4], $0x80, v16, vm0, $0xb8;
	[tilespmem:$0x1B280] =	vst v63  }
0x140: {  	_ =	swait.ge @!p5 [sflag:s6], $0x800  }
0x141: {  	[sflag:s6] =	ssyncset.done @!p5 $0x0  }
0x142: {  	[sflag:s6] =	ssyncadd.s32 @!p5 $0xFFFFF800  }
0x143: {  	v15 =	vld.idx.msk [tilespmem:v15+s20+$0x0], $0xffff;
	_ =	sdelay $0x4  }
0x144: {  	(v2sf) =	vpush v15, $0x0;
	_ =	sdelay $0xe  }
0x145: {  	s31 =	spop (v2sf)  }
0x146: {  	s11 =	sshrl.u32 s31, $0xE  }
0x147: {  	s11 =	sand.u32 $0x1FF, s11  }
0x148: {  	s11 =	sadd.s32 s11, s26  }
0x149: {  	v15 =	vmov s11  }
0x14a: {  	v62 =	vshll.u32 v15, $0x3  }
0x14b: {  	v16 =	vand.u32 $0xFFFFFC00, v62  }
0x14c: {  	v15 =	vand.u32 $0x7F, v15;
	v17 =	vadd.s32 v10, v16  }
0x14d: {  	v17 =	vor.u32 v15, v17;
	_ =	sdelay $0x4  }
0x14e: {  	v18 =	vadd.s32 v11, v16;
	v17 =	vld.idx.msk [tilespmem:v17+s16+$0x0], $0xffff  }
0x14f: {  	v18 =	vor.u32 v15, v18  }
0x150: {  	s11 =	sadd.s32 @p3 $0x80, s15  }
0x151: {  	s30 =	smov.u32 @p3 s11  }
0x152: {  	s11 =	sand.u32 $0xF80, s30  }
0x153: {  	[tilespmem:s11+$0x1A100] =	vst v17  }
0x154: {  	v63 =	vadd.s32 v12, v16;
	v18 =	vld.idx.msk [tilespmem:v18+s16+$0x0], $0xffff  }
0x155: {  	v17 =	vor.u32 v15, v63;
	_ =	sdelay $0x3  }
0x156: {  	[tilespmem:s11+$0x1A110] =	vst v18  }
0x157: {  	v16 =	vadd.s32 v13, v16;
	v17 =	vld.idx.msk [tilespmem:v17+s16+$0x0], $0xffff  }
0x158: {  	v15 =	vor.u32 v15, v16;
	_ =	sdelay $0x3  }
0x159: {  	[tilespmem:s11+$0x1A120] =	vst v17  }
0x15a: {  	v15 =	vld.idx.msk [tilespmem:v15+s16+$0x0], $0xffff;
	_ =	sdelay $0x4  }
0x15b: {  	s1 =	sand.u32 $0x10, s1;
	[tilespmem:s11+$0x1A130] =	vst v15  }
0x15c: {  	v15 =	vld [tilespmem:s1+$0x1B180];
	_ =	sdelay $0x3  }
0x15d: {  	vm15 =	veq.s32 v14, v3;
	s6 =	sand.u32 $0x3FFF, s31  }
0x15e: {  	v14 =	vsel vm15, s6, v15;
	_ =	sdelay $0x1  }
0x15f: {  	p0 =	sne.s32 s4, $0x0  }
0x160: {  	s4 =	sshll.u32 @!p0 s1, $0x7  }
0x161: {  	s22 =	sadd.s32 s29, s22;
	vm0 =	vmmov @!p0 $0xffff;
	[tilespmem:s1+$0x1B180] =	vst v14;
	s1 =	sadd.s32 @!p0 $0x1A100, s4;
	s4 =	simm.s32 @!p0 $0x0  }
0x162: {  	[hbm4b:s9+s4] =	stream.indirect_vreg.scatter @!p0 [tilespmem:s1], [sflag:$0x4], $0x80, v14, vm0, $0xb8;
	[tilespmem:$0x1B280] =	vst v63  }
.LBB2_30:
0x163: {  	s28 =	sadd.s32 $0x1, s28  }
0x164: {  	p0 =	seq.s32 s28, s24  }
.Ltmp21:
0x165: {  	_ = 	snop;
	(pc) =	sbr.rel @p0 .LBB2_20-.Ltmp21, $1  }
0x166: {  	_ =	sdelay $0x3  }
.LBB2_23:
0x167: {  	s1 =	sshll.u32 s28, $0x6  }
0x168: {  	s1 =	sshra.s32 s1, $0x2  }
0x169: {  	v14 =	vld [tilespmem:s1+$0x5080];
	_ =	sdelay $0x4  }
0x16a: {  	v15 =	vshra.s32 v14, $0x17  }
0x16b: {  	vm0 =	veq.s32 v15, v9  }
0x16c: {  	v15 =	vmpcnt.ones.xlane vm0;
	_ =	sdelay $0x1  }
0x16d: {  	(v2sf) =	vpush v15, $0x0;
	_ =	sdelay $0xe  }
0x16e: {  	s14 =	spop (v2sf)  }
0x16f: {  	p0 =	slt.s32 s14, $0x1  }
.Ltmp22:
0x170: {  	_ = 	snop;
	(pc) =	sbr.rel @p0 .LBB2_30-.Ltmp22, $2  }
0x171: {  	_ =	sdelay $0x2  }
0x172: {  	[tilespmem:s20+$0x0] =	vst.msk vm0, v14  }
0x173: {  	p4 =	sne.s32 s14, $0x1  }
.Ltmp23:
0x174: {  	_ = 	snop;
	(pc) =	sbr.rel @!p4 .LBB2_25-.Ltmp23, $4  }
0x175: {  	s30 =	sshll.u32 s22, $0x7;
	s1 =	sadd.s32 $0x0, s22  }
0x176: {  	s4 =	simm.s32 $0x0;
	s6 =	sand.u32 $0xF, s1;
	p0 =	slt.s32 s1, $0x20  }
0x177: {  	s29 =	simm.s32 $0x1;
	s11 =	sadd.s32 $0x1, s1;
	p3 =	sne.s32 @!p0 s6, $0x0  }
0x178: {  	v15 =	vmov s4;
	v14 =	vmov s6;
	s4 =	sand.u32 $0xF, s11;
	p5 =	por p3, p0;
	p3 =	por $0x0, $0x0  }
0x179: {  	s6 =	simm.s32 @!p5 $0x4  }
0x17a: {  	_ =	swait.ge @!p5 [sflag:s6], $0x800  }
0x17b: {  	[sflag:s6] =	ssyncset.done @!p5 $0x0  }
0x17c: {  	[sflag:s6] =	ssyncadd.s32 @!p5 $0xFFFFF800  }
0x17d: {  	v15 =	vld.idx.msk [tilespmem:v15+s20+$0x0], $0xffff;
	_ =	sdelay $0x4  }
0x17e: {  	(v2sf) =	vpush v15, $0x0;
	_ =	sdelay $0xe  }
0x17f: {  	s13 =	spop (v2sf)  }
0x180: {  	s11 =	sshrl.u32 s13, $0xE  }
0x181: {  	s11 =	sand.u32 $0x1FF, s11  }
0x182: {  	s11 =	sadd.s32 s11, s26  }
0x183: {  	v15 =	vmov s11  }
0x184: {  	v16 =	vshll.u32 v15, $0x3  }
0x185: {  	v16 =	vand.u32 $0xFFFFFC00, v16  }
0x186: {  	v15 =	vand.u32 $0x7F, v15;
	v17 =	vadd.s32 v10, v16  }
0x187: {  	v17 =	vor.u32 v15, v17;
	_ =	sdelay $0x4  }
0x188: {  	v18 =	vadd.s32 v11, v16;
	v17 =	vld.idx.msk [tilespmem:v17+s16+$0x0], $0xffff  }
0x189: {  	v18 =	vor.u32 v15, v18;
	_ =	sdelay $0x2  }
0x18a: {  	s15 =	sand.u32 $0xF80, s30  }
0x18b: {  	[tilespmem:s15+$0x1A100] =	vst v17  }
0x18c: {  	v17 =	vadd.s32 v12, v16;
	v18 =	vld.idx.msk [tilespmem:v18+s16+$0x0], $0xffff  }
0x18d: {  	v17 =	vor.u32 v15, v17;
	_ =	sdelay $0x3  }
0x18e: {  	[tilespmem:s15+$0x1A110] =	vst v18  }
0x18f: {  	v16 =	vadd.s32 v13, v16;
	v17 =	vld.idx.msk [tilespmem:v17+s16+$0x0], $0xffff  }
0x190: {  	v15 =	vor.u32 v15, v16;
	_ =	sdelay $0x3  }
0x191: {  	[tilespmem:s15+$0x1A120] =	vst v17  }
0x192: {  	v15 =	vld.idx.msk [tilespmem:v15+s16+$0x0], $0xffff;
	_ =	sdelay $0x4  }
0x193: {  	s12 =	sand.u32 $0x10, s1;
	[tilespmem:s15+$0x1A130] =	vst v15  }
0x194: {  	v16 =	vld [tilespmem:s12+$0x1B180];
	_ =	sdelay $0x1  }
0x195: {  	p4 =	sne.s32 s14, $0x2;
	s1 =	sadd.s32 $0x1, s22  }
.Ltmp24:
0x196: {  	p6 =	sne.s32 s4, $0x0;
	p0 =	slt.s32 s1, $0x20;
	(pc) =	sbr.rel @!p4 .LBB2_27-.Ltmp24, $4  }
0x197: {  	vm0 =	veq.s32 v14, v3;
	s31 =	sadd.s32 $0x1, s1;
	s6 =	sand.u32 $0x3FFF, s13;
	s11 =	sand.u32 $0xF, s1  }
0x198: {  	s4 =	sand.u32 $0xF, s31;
	s13 =	simm.s32 @!p6 $0x0;
	p3 =	sne.s32 @!p0 s11, $0x0;
	v16 =	vsel vm0, s6, v16  }
0x199: {  	p5 =	por p3, p0;
	p3 =	por $0x1, $0x1;
	s6 =	sshll.u32 @!p6 s12, $0x7  }
0x19a: {  	v14 =	vmov s11;
	v15 =	vmov s29;
	s29 =	simm.s32 $0x2;
	s15 =	smov.u32 s30;
	vm0 =	vmmov @!p6 $0xffff;
	[tilespmem:s12+$0x1B180] =	vst v16;
	s12 =	sadd.s32 @!p6 $0x1A100, s6  }
.LBB2_28:
0x19b: {  	s6 =	simm.s32 @!p5 $0x4  }
0x19c: {  	v17 =	vmov s29;
	s15 =	sadd.s32 $0x80, s15;
	s11 =	smov.u32 s29;
	s29 =	sadd.s32 $0x1, s29  }
0x19d: {  	[hbm4b:s9+s13] =	stream.indirect_vreg.scatter @!p6 [tilespmem:s12], [sflag:$0x4], $0x80, v16, vm0, $0xb8;
	[tilespmem:$0x1B280] =	vst v63  }
0x19e: {  	p4 =	sne.s32 s14, s29;
	_ =	swait.ge @!p5 [sflag:s6], $0x800  }
0x19f: {  	[sflag:s6] =	ssyncset.done @!p5 $0x0  }
0x1a0: {  	[sflag:s6] =	ssyncadd.s32 @!p5 $0xFFFFF800  }
0x1a1: {  	v16 =	vld.idx.msk [tilespmem:v15+s20+$0x0], $0xffff;
	v15 =	vmov v17;
	_ =	sdelay $0x5  }
0x1a2: {  	(v2sf) =	vpush v16, $0x0;
	_ =	sdelay $0xe  }
0x1a3: {  	s12 =	spop (v2sf)  }
0x1a4: {  	s6 =	sshrl.u32 s12, $0xE  }
0x1a5: {  	s6 =	sand.u32 $0x1FF, s6  }
0x1a6: {  	s6 =	sadd.s32 s6, s26  }
0x1a7: {  	v16 =	vmov s6  }
0x1a8: {  	v17 =	vshll.u32 v16, $0x3  }
0x1a9: {  	v17 =	vand.u32 $0xFFFFFC00, v17  }
0x1aa: {  	v16 =	vand.u32 $0x7F, v16;
	v18 =	vadd.s32 v10, v17;
	v19 =	vadd.s32 v11, v17  }
0x1ab: {  	v20 =	vadd.s32 v12, v17;
	v18 =	vor.u32 v16, v18;
	v19 =	vor.u32 v16, v19  }
0x1ac: {  	v17 =	vadd.s32 v13, v17;
	v20 =	vor.u32 v16, v20  }
0x1ad: {  	v16 =	vor.u32 v16, v17;
	_ =	sdelay $0x2  }
0x1ae: {  	v17 =	vld.idx.msk [tilespmem:v18+s16+$0x0], $0xffff;
	_ =	sdelay $0x4  }
0x1af: {  	s6 =	sand.u32 $0xF80, s15  }
0x1b0: {  	[tilespmem:s6+$0x1A100] =	vst v17  }
0x1b1: {  	v17 =	vld.idx.msk [tilespmem:v19+s16+$0x0], $0xffff;
	_ =	sdelay $0x5  }
0x1b2: {  	[tilespmem:s6+$0x1A110] =	vst v17  }
0x1b3: {  	v17 =	vld.idx.msk [tilespmem:v20+s16+$0x0], $0xffff;
	_ =	sdelay $0x5  }
0x1b4: {  	[tilespmem:s6+$0x1A120] =	vst v17  }
0x1b5: {  	v16 =	vld.idx.msk [tilespmem:v16+s16+$0x0], $0xffff;
	_ =	sdelay $0x5  }
0x1b6: {  	s13 =	sand.u32 $0x10, s1;
	[tilespmem:s6+$0x1A130] =	vst v16  }
0x1b7: {  	v16 =	vld [tilespmem:s13+$0x1B180];
	_ =	sdelay $0x3  }
.Ltmp25:
0x1b8: {  	vm0 =	veq.s32 v14, v3;
	s6 =	sand.u32 $0x3FFF, s12;
	(pc) =	sbr.rel @p4 .LBB2_28-.Ltmp25, $4  }
0x1b9: {  	s1 =	sadd.s32 s11, s22;
	p6 =	sne.s32 s4, $0x0;
	v16 =	vsel vm0, s6, v16  }
0x1ba: {  	s4 =	sand.u32 $0xF, s1;
	p0 =	slt.s32 s1, $0x20;
	s6 =	sadd.s32 $0x1, s1;
	[tilespmem:s13+$0x1B180] =	vst v16  }
0x1bb: {  	v14 =	vmov s4;
	p5 =	sne.s32 @!p0 s4, $0x0;
	s4 =	sand.u32 $0xF, s6;
	s6 =	sshll.u32 @!p6 s13, $0x7  }
0x1bc: {  	p5 =	por p5, p0;
	vm0 =	vmmov @!p6 $0xffff;
	s13 =	simm.s32 @!p6 $0x0;
	s12 =	sadd.s32 @!p6 $0x1A100, s6  }
.Ltmp26:
0x1bd: {  	_ = 	snop;
	(pc) =	sbr.rel .LBB2_29-.Ltmp26, $1  }
0x1be: {  	_ =	sdelay $0x3  }
.LBB2_27:
.Ltmp27:
0x1bf: {  	(pc) =	sbr.rel .LBB2_29-.Ltmp27, $2  }
0x1c0: {  	_ =	sdelay $0x2  }
0x1c1: {  	s15 =	smov.u32 s30  }
.LBB2_32:
0x1c2: {  	_ =	sfence.sel $0x180000  }
0x1c3: {  	[bflag:$0x0] =	sbarrier.arrive $0xFFFF  }
0x1c4: {  	_ =	strace $0x90000047  }
0x1c5: {  	s0 =	stileid.u32;
	[bflag:$0x2] =	sbarrier.arrive $0xFFFF  }
0x1c6: {  	p0 =	sne.s32 s0, $0x0;
	s0 =	rddreg [dreg:$0x5]  }
0x1c7: {  	s0 =	sadd.s32 @!p0 $0x100000, s0  }
0x1c8: {  	[sflag:s0] =	ssyncadd.tile.s32 @!p0 $0x1;
	_ =	shalt  }
.Lfunc_end2:
_tile_overlayer_lowered:
.L_overlay_start_2:
0x1c9: {  	(tag) =	ssettag $0x2  }
0x1ca: {  	s0 =	rddreg [dreg:$0x0];
	s2 =	stileid.u32  }
0x1cb: {  	s1 =	rddreg [dreg:$0x1];
	p0 =	sne.s32 s2, $0x0  }
0x1cc: {  	s3 =	rddreg [dreg:$0x2];
	[bflag:$0x3] =	sbarrier.arrive $0xFFFF;
	s2 =	simm.s32 @!p0 $0x1C05  }
0x1cd: {  	[timem:s3], [sflag:s2] =	dma.local @!p0 [hbm:s0], s1  }
0x1ce: {  	s0 =	simm.s32 @!p0 $0x5  }
0x1cf: {  	_ =	swait.ge @!p0 [sflag:s0], s1  }
0x1d0: {  	s1 =	ssub.s32 @!p0 $0x0, s1;
	[sflag:s0] =	ssyncset.done @!p0 $0x0  }
0x1d1: {  	[sflag:s0] =	ssyncadd.s32 @!p0 s1  }
0x1d2: {  	[bflag:$0x3] =	sbarrier.arrive $0xFFFF  }
0x1d3: {  	_ =	shalt  }

// kernel: _sc_call.7.cloned.1.call-start
scs
__scs_entry_jumppad:
0x0: {  	(pc) =	sbr.rel $0x88, $3  }
0x1: {  	(tag) =	ssettag $0x0;
	lr =	simm.s32 $0x1  }
0x2: {  	[smem:$0x3F9C] =	sst lr;
	_ =	strace $0xD0000000  }
0x3: {  	_ = 	snop  }
0x4: {  	_ = 	snop  }
0x5: {  	_ = 	snop  }
0x6: {  	_ = 	snop  }
0x7: {  	_ = 	snop  }
__scs_overlays_trampoline_lowered:
0x8: {  	[smem:$0x3FAB] =	sst s0  }
0x9: {  	[smem:$0x3FAC] =	sst s1  }
0xa: {  	[smem:$0x3FAD] =	sst s2  }
0xb: {  	[smem:$0x3FAE] =	sst s3  }
0xc: {  	[smem:$0x3FAF] =	sst s4  }
0xd: {  	[smem:$0x3FB0] =	sst s5  }
0xe: {  	[smem:$0x3FB1] =	sst s6  }
0xf: {  	[smem:$0x3FB2] =	sst s7  }
0x10: {  	[smem:$0x3FB3] =	sst s8  }
0x11: {  	[smem:$0x3FB4] =	sst s9;
	s0 =	simm.s32 @!p0 $0x0  }
0x12: {  	s1 =	sld [smem:$0x3F9A];
	s0 =	simm.s32 @p0 $0x1  }
0x13: {  	[smem:$0x3FB5] =	sst s0;
	s0 =	simm.s32 @!p1 $0x0  }
0x14: {  	s2 =	sld [smem:$0x3F99];
	s0 =	simm.s32 @p1 $0x1  }
0x15: {  	[smem:$0x3FB6] =	sst s0;
	s0 =	simm.s32 @!p2 $0x0  }
0x16: {  	s3 =	sld [smem:$0x3FDB];
	s0 =	simm.s32 @p2 $0x1  }
0x17: {  	s4 =	simm.s32 $0x1BF5;
	[smem:$0x3FB8] =	sst s0  }
0x18: {  	s0 =	sld [smem:$0x3F9B];
	_ =	swait.ge [sflag:s4], $0x0  }
0x19: {  	s7 =	sld [smem:$0x3F9C]  }
0x1a: {  	s8 =	sadd.s32 $0xFFFFE003, lr  }
0x1b: {  	s9 =	sadd.s32 $0xFFFFFEF7, lr;
	s5 =	simm.s32 $0xFFFFFFFF;
	p2 =	slt.u32 s8, $0xFFFFF086  }
0x1c: {  	p1 =	slt.u32 s9, $0xF7A;
	s5 =	simm.s32 @!p2 $0x0  }
0x1d: {  	s5 =	simm.s32 @p1 $0x1;
	p0 =	seq.s32 s7, s2  }
0x1e: {  	s7 =	smul.u32 @!p0 $0xF7A, s2;
	p2 =	seq.s32 @!p0 s5, $0x0  }
0x1f: {  	s9 =	smul.u32 $0xF7A, s1;
	s8 =	simm.s32 @!p0 $0x1BF5;
	p2 =	por !p2, p0  }
0x20: {  	[sflag:s8] =	ssyncset.s32 @!p0 $0xFFFFF086;
	s6 =	sadd.s32 @!p0 s3, s7;
	s7 =	simm.s32 @!p0 $0x108  }
0x21: {  	s3 =	sadd.s32 s3, s9;
	s6 =	sadd.s32 @!p0 $0x88, s6;
	s7 =	simm.s32 @p2 $0x1082  }
0x22: {  	[simem:s7], [sflag:s8] =	dma.local @!p0 [hbm:s6], $0xF7A  }
0x23: {  	s9 =	sor.u32 $0xD0000000, s2;
	s6 =	simm.s32 $0x108;
	_ =	swait.ge @!p0 [sflag:s8], $0x0  }
0x24: {  	s3 =	sadd.s32 $0x88, s3;
	s6 =	simm.s32 @!p1 $0x1082;
	[sflag:s4] =	ssyncset.s32 $0xFFFFF086  }
0x25: {  	[simem:s6], [sflag:s4] =	dma.local [hbm:s3], $0xF7A  }
0x26: {  	[smem:$0x3F9C] =	sst s1;
	(tag) =	ssettag s2;
	_ =	strace s9  }
0x27: {  	s1 =	sld [smem:$0x3FAC]  }
0x28: {  	s2 =	sld [smem:$0x3FAD]  }
0x29: {  	s4 =	sld [smem:$0x3FAF]  }
0x2a: {  	p0 =	seq.s32 s5, $0x0;
	s5 =	sld [smem:$0x3FB0]  }
0x2b: {  	s6 =	sld [smem:$0x3FB1]  }
0x2c: {  	s7 =	sld [smem:$0x3FB2]  }
0x2d: {  	s3 =	simm.s32 $0x108;
	s8 =	sld [smem:$0x3FB3]  }
0x2e: {  	s3 =	simm.s32 @!p0 $0x1082;
	s9 =	sld [smem:$0x3FB4]  }
0x2f: {  	lr =	sadd.s32 s0, s3;
	s0 =	sld [smem:$0x3FAB]  }
0x30: {  	s3 =	sld [smem:$0x3FAE]  }
0x31: {  	[smem:$0x3FB7] =	sst s10  }
0x32: {  	s10 =	sld [smem:$0x3FB5];
	_ =	sdelay $0x3  }
0x33: {  	p0 =	seq.s32 s10, $0x1;
	s10 =	sld [smem:$0x3FB7];
	_ =	sdelay $0x3  }
0x34: {  	[smem:$0x3FB7] =	sst s10  }
0x35: {  	s10 =	sld [smem:$0x3FB6];
	_ =	sdelay $0x3  }
0x36: {  	p1 =	seq.s32 s10, $0x1;
	s10 =	sld [smem:$0x3FB7];
	_ =	sdelay $0x3  }
0x37: {  	[smem:$0x3FB7] =	sst s10  }
0x38: {  	s10 =	sld [smem:$0x3FB8]  }
0x39: {  	_ = 	snop;
	(pc) =	sbr.ind lr, $3  }
0x3a: {  	_ = 	snop  }
0x3b: {  	_ = 	snop  }
0x3c: {  	p2 =	seq.s32 s10, $0x1;
	s10 =	sld [smem:$0x3FB7]  }
0x3d: {  	_ =	shalt  }
0x3e: {  	_ =	shalt  }
0x3f: {  	_ =	shalt  }
0x40: {  	_ =	shalt  }
0x41: {  	_ =	shalt  }
0x42: {  	_ =	shalt  }
0x43: {  	_ =	shalt  }
0x44: {  	_ =	shalt  }
0x45: {  	_ =	shalt  }
0x46: {  	_ =	shalt  }
0x47: {  	_ =	shalt  }
0x48: {  	_ =	shalt  }
0x49: {  	_ =	shalt  }
0x4a: {  	_ =	shalt  }
0x4b: {  	_ =	shalt  }
0x4c: {  	_ =	shalt  }
0x4d: {  	_ =	shalt  }
0x4e: {  	_ =	shalt  }
0x4f: {  	_ =	shalt  }
0x50: {  	_ =	shalt  }
0x51: {  	_ =	shalt  }
0x52: {  	_ =	shalt  }
0x53: {  	_ =	shalt  }
0x54: {  	_ =	shalt  }
0x55: {  	_ =	shalt  }
0x56: {  	_ =	shalt  }
0x57: {  	_ =	shalt  }
0x58: {  	_ =	shalt  }
0x59: {  	_ =	shalt  }
0x5a: {  	_ =	shalt  }
0x5b: {  	_ =	shalt  }
0x5c: {  	_ =	shalt  }
0x5d: {  	_ =	shalt  }
0x5e: {  	_ =	shalt  }
0x5f: {  	_ =	shalt  }
0x60: {  	_ =	shalt  }
0x61: {  	_ =	shalt  }
0x62: {  	_ =	shalt  }
0x63: {  	_ =	shalt  }
0x64: {  	_ =	shalt  }
0x65: {  	_ =	shalt  }
0x66: {  	_ =	shalt  }
0x67: {  	_ =	shalt  }
0x68: {  	_ =	shalt  }
0x69: {  	_ =	shalt  }
0x6a: {  	_ =	shalt  }
0x6b: {  	_ =	shalt  }
0x6c: {  	_ =	shalt  }
0x6d: {  	_ =	shalt  }
0x6e: {  	_ =	shalt  }
0x6f: {  	_ =	shalt  }
0x70: {  	_ =	shalt  }
0x71: {  	_ =	shalt  }
0x72: {  	_ =	shalt  }
0x73: {  	_ =	shalt  }
0x74: {  	_ =	shalt  }
0x75: {  	_ =	shalt  }
0x76: {  	_ =	shalt  }
0x77: {  	_ =	shalt  }
0x78: {  	_ =	shalt  }
0x79: {  	_ =	shalt  }
0x7a: {  	_ =	shalt  }
0x7b: {  	_ =	shalt  }
0x7c: {  	_ =	shalt  }
0x7d: {  	_ =	shalt  }
0x7e: {  	_ =	shalt  }
0x7f: {  	_ =	shalt  }
0x80: {  	_ =	shalt  }
0x81: {  	_ =	shalt  }
0x82: {  	_ =	shalt  }
0x83: {  	_ =	shalt  }
0x84: {  	_ =	shalt  }
0x85: {  	_ =	shalt  }
0x86: {  	_ =	shalt  }
0x87: {  	_ =	shalt  }
.Lfunc_end0:
.L_simem_size_0:
called_computation.1_lowered:
.L_overlay_start_0:
0x88: {  	s2 =	sld [smem:$0x3FD9]  }
0x89: {  	s3 =	sld [smem:$0x3FFE];
	_ =	sdelay $0x1  }
0x8a: {  	s1 =	srdreg.scid  }
0x8b: {  	s0 =	sand.u32 $0x1, s1  }
0x8c: {  	s17 =	sshll.u32 s0, $0xA;
	s2 =	sadd.s32 s3, s2  }
0x8d: {  	s2 =	sadd.s32 s2, s17  }
0x8e: {  	[smem:$0x3FC3] =	sst s2  }
0x8f: {  	_ = 	snop  }
0x90: {  	s2 =	sld [smem:$0x3FC7];
	(tm) =	ssettm $0x1  }
0x91: {  	s18 =	sld [smem:$0x3FFB];
	_ =	sdelay $0x3  }
0x92: {  	_ =	strace s18  }
0x93: {  	s3 =	sld [smem:$0x3FFC];
	_ =	sdelay $0x3  }
0x94: {  	_ =	strace s3  }
0x95: {  	s3 =	sld [smem:$0x3FFD];
	_ =	sdelay $0x3  }
0x96: {  	_ =	strace s3  }
0x97: {  	_ =	strace $0x8FFFFFFF  }
0x98: {  	s19 =	sld [smem:$0x3FDB];
	_ =	sdelay $0x1  }
0x99: {  	s4 =	simm.s32 $_scs_section_size  }
0x9a: {  	s5 =	simm.s32 $_size__tile_overlayer_lowered;
	s6 =	simm.s32 $_tile_overlayer_lowered  }
0x9b: {  	s22 =	simm.s32 $0x1BFF;
	s21 =	sshll.u32 s6, $0x1;
	s3 =	sadd.s32 s4, s19  }
0x9c: {  	s7 =	simm.s32 $0x0;
	s20 =	sshll.u32 s5, $0x1;
	s5 =	sadd.s32 s21, s3  }
0x9d: {  	[timem:s7], [sflag:s22] =	dma.local [hbm:s5], s20  }
0x9e: {  	_ =	swait.ge [sflag:s22], s20  }
0x9f: {  	s4 =	ssub.s32 $0x0, s20;
	[sflag:s22] =	ssyncset.done $0x0  }
0xa0: {  	[sflag:s22] =	ssyncadd.s32 s4;
	_ =	sdelay $0x1  }
0xa1: {  	s23 =	simm.s32 $0x1B8B  }
0xa2: {  	_ =	swait.ge [sflag:s23], $0x1  }
0xa3: {  	[sflag:s23] =	ssyncset.done $0x0  }
0xa4: {  	s25 =	simm.s32 $0x1B8E;
	s24 =	sld [smem:$0x3FFE];
	[sflag:s23] =	ssyncadd.s32 $0xFFFFFFFF  }
0xa5: {  	s26 =	simm.s32 $execute0_lowered;
	[smem:$0x3FD2] =	sst s25  }
0xa6: {  	s5 =	sshll.u32 s26, $0x1;
	_ =	strace $0x80000049;
	[dreg:$0x1] =	wrdreg $0xFFFFFFFF  }
0xa7: {  	s28 =	simm.s32 $_size_execute0_lowered;
	s3 =	sadd.s32 s3, s5;
	[dreg:$0x0] =	wrdreg $0x0  }
0xa8: {  	s5 =	sshll.u32 s28, $0x1;
	[dreg:$0x2] =	wrdreg s3  }
0xa9: {  	[dreg:$0x3] =	wrdreg s5  }
0xaa: {  	[dreg:$0x4] =	wrdreg $0xC0  }
0xab: {  	_ =	task [dreg:s7], $0x5FFFF  }
0xac: {  	[dreg:$0x1] =	wrdreg $0xFFFFFFFF  }
0xad: {  	[dreg:$0x0] =	wrdreg $0x60  }
0xae: {  	[dreg:$0x2] =	wrdreg s24  }
0xaf: {  	[dreg:$0x3] =	wrdreg s2  }
0xb0: {  	[dreg:$0x4] =	wrdreg $0x9  }
0xb1: {  	_ =	task.clear_ibuf [dreg:s7], $0x5FFFF;
	_ =	strace $0x90000049  }
0xb2: {  	s29 =	simm.s32 $0x9;
	_ =	strace $0x8000004B  }
0xb3: {  	_ =	swait.ge [sflag:s29], $0x1  }
0xb4: {  	[sflag:s29] =	ssyncadd.s32 $0xFFFFFFFF  }
0xb5: {  	_ =	strace $0x9000004B  }
0xb6: {  	_ =	sfence  }
0xb7: {  	s30 =	sld [smem:$0x0];
	_ =	sdelay $0x2  }
0xb8: {  	s31 =	sshll.u32 s1, $0xD;
	s1 =	sshrl.u32 s1, $0x2  }
0xb9: {  	s3 =	sand.u32 $0x4000, s31;
	s1 =	sadd.s32 s1, s30  }
0xba: {  	s0 =	sor.u32 s3, s0;
	s1 =	sshll.u32 s1, $0x11  }
0xbb: {  	s0 =	sor.u32 s1, s0  }
0xbc: {  	s0 =	sadd.s32 $0x8F2B, s0  }
0xbd: {  	[sflag:s0] =	ssyncadd.remote.s32 $0x1  }
0xbe: {  	_ =	sfence.sel $0xFFFF  }
0xbf: {  	[dreg:$0x0] =	wrdreg $0xFFFFFFFF;
	(pc) =	sbr.abs _section_cstart, $3  }
0xc0: {  	[dreg:$0x1] =	wrdreg $0xFFFFFFFF  }
0xc1: {  	_ =	task.clear_ibuf [dreg:s7], $0x2FFFF;
	_ =	strace $0x9FFFFFFF  }
0xc2: {  	(tm) =	ssettm $0x7FFFFFFF  }
0xc3: {  	_ =	shalt  }
tec
execute0_lowered:
.L_overlay_start_1:
0x0: {  	(tag) =	ssettag $0x1  }
0x1: {  	s5 =	rddreg [dreg:$0x0]  }
0x2: {  	s6 =	rddreg [dreg:$0x1]  }
0x3: {  	s0 =	rddreg [dreg:$0x2]  }
0x4: {  	s2 =	simm.s32 $0x0;
	s3 =	srdreg.scid;
	s1 =	stileid.u32  }
0x5: {  	s12 =	simm.s32 $0x4000;
	s13 =	simm.s32 $0x1;
	s14 =	simm.s32 $0x8200  }
0x6: {  	s15 =	simm.s32 $0x0;
	[smem:$0x7FF] =	sst s2;
	s7 =	sand.u32 $0x1, s3  }
0x7: {  	s4 =	sshll.u32 s1, $0x1;
	s3 =	sadd.s32 $0xC00, s5;
	_ =	strace $0x8000004A  }
0x8: {  	vm0 =	vmmov $0x1;
	vm1 =	vmmov $0x3;
	vm2 =	vmmov $0x7;
	s8 =	sor.u32 s7, s4;
	s4 =	sadd.s32 $0x41000, s5;
	s7 =	ssub.s32 $0x2, s7  }
0x9: {  	vm3 =	vmmov $0xf;
	vm4 =	vmmov $0x1f;
	vm5 =	vmmov $0x3f;
	s9 =	sshll.u32 s8, $0x4;
	s31 =	sshrl.u32 s7, $0x1;
	s10 =	sshll.u32 s8, $0x6  }
0xa: {  	vm6 =	vmmov $0x7f;
	vm7 =	vmmov $0xff;
	vm8 =	vmmov $0x1ff;
	s9 =	sadd.s32 s9, s5;
	s5 =	sadd.s32 s6, s10;
	s6 =	sshll.u32 s8, $0xD  }
0xb: {  	vm9 =	vmmov $0x3ff;
	vm10 =	vmmov $0x7ff;
	vm11 =	vmmov $0xfff;
	s11 =	ssub.s32 s7, s31;
	s7 =	sadd.s32 s3, s6;
	s8 =	sadd.s32 s4, s6  }
0xc: {  	vm12 =	vmmov $0x1fff;
	vm13 =	vmmov $0x3fff;
	vm14 =	vmmov $0x7fff;
	s9 =	sadd.s32 $0x81400, s9;
	s10 =	smax.u32 s11, $0x1;
	s11 =	simm.s32 $0x2  }
.LBB2_1:
0xd: {  	s16 =	simm.s32 $0x8000  }
0xe: {  	[tilespmem:s16], [sflag:$0x2] =	stream.linear.gather [hbm4b:s5+s2], $0x200, $0x38;
	[tilespmem:$0x8280] =	vst v63  }
0xf: {  	_ =	swait.ge [sflag:s11], $0x200  }
0x10: {  	[sflag:s11] =	ssyncset.done $0x0  }
0x11: {  	[sflag:s11] =	ssyncadd.s32 $0xFFFFFE00  }
0x12: {  	v0 =	vimm.f32 $0.0e+00;
	[tilespmem:s2], [sflag:$0x1] =	stream.linear.gather [hbm4b:s7+s2], $0x2000, $0x38;
	[tilespmem:$0x8280] =	vst v63  }
0x13: {  	s17 =	simm.s32 $0x0;
	[tilespmem:$0x1FFF0] =	vst v0  }
0x14: {  	[tilespmem:s12], [sflag:$0x1] =	stream.linear.gather [hbm4b:s8+s2], $0x2000, $0x38;
	[tilespmem:$0x8280] =	vst v63  }
.LBB2_3:
0x15: {  	s18 =	smov.u32 s17  }
0x16: {  	s17 =	sadd.s32 $0x1, s17;
	p0 =	seq.s32 s18, $0x7  }
0x17: {  	s19 =	sshll.u32 @!p0 s17, $0xA;
	s18 =	sshll.u32 @!p0 s18, $0xD  }
0x18: {  	s19 =	sadd.s32 @!p0 s6, s19;
	s18 =	sand.u32 @!p0 $0x2000, s18  }
0x19: {  	s22 =	simm.s32 @!p0 $0x0;
	s20 =	sxor.u32 @!p0 $0x2000, s18;
	s21 =	sadd.s32 @!p0 s3, s19  }
0x1a: {  	[tilespmem:s20], [sflag:$0x1] =	stream.linear.gather @!p0 [hbm4b:s21+s22], $0x2000, $0x38;
	[tilespmem:$0x8280] =	vst v63  }
0x1b: {  	s19 =	sadd.s32 @!p0 s4, s19;
	s20 =	sxor.u32 @!p0 $0x6000, s18;
	s18 =	simm.s32 @p0 $0x2000  }
0x1c: {  	[tilespmem:s20], [sflag:$0x1] =	stream.linear.gather @!p0 [hbm4b:s19+s22], $0x2000, $0x38;
	[tilespmem:$0x8280] =	vst v63  }
0x1d: {  	s30 =	sadd.s32 $0x7B0, s18;
	_ =	swait.ge [sflag:s13], $0x2000  }
0x1e: {  	v1 =	vmov s30;
	[sflag:s13] =	ssyncset.done $0x0  }
0x1f: {  	[sflag:s13] =	ssyncadd.s32 $0xFFFFE000  }
0x20: {  	_ =	swait.ge [sflag:s13], $0x2000  }
0x21: {  	[sflag:s13] =	ssyncset.done $0x0  }
0x22: {  	s31 =	simm.s32 $0x0;
	[sflag:s13] =	ssyncadd.s32 $0xFFFFE000  }
0x23: {  	v2 =	vld.idx.msk [tilespmem:v1+s31+$0xFFFFFF80 ss:$0x1], $0xffff;
	_ =	sdelay $0x3  }
0x24: {  	s18 =	sadd.s32 $0x47B0, s18  }
0x25: {  	v0 =	vmov s18;
	[tilespmem:$0x1FB50] =	vst v2;
	v2 =	vld.idx.msk [tilespmem:v1+s31+$0xFFFFFF00 ss:$0x1], $0xffff;
	_ =	sdelay $0x4  }
0x26: {  	[tilespmem:$0x1FE30] =	vst v2;
	v2 =	vld.idx.msk [tilespmem:v0+s31+$0xFFFFFF00 ss:$0x1], $0xffff;
	_ =	sdelay $0x4  }
0x27: {  	[tilespmem:$0x1FE40] =	vst v2;
	v2 =	vld.idx.msk [tilespmem:v1+s31+$0xFFFFFFD0 ss:$0x1], $0xffff;
	_ =	sdelay $0x4  }
0x28: {  	[tilespmem:$0x1FE50] =	vst v2;
	v2 =	vld.idx.msk [tilespmem:v0+s31+$0xFFFFFFD0 ss:$0x1], $0xffff;
	_ =	sdelay $0x4  }
0x29: {  	[tilespmem:$0x1FE60] =	vst v2;
	v2 =	vld.idx.msk [tilespmem:v1+s31+$0xFFFFFE80 ss:$0x1], $0xffff;
	_ =	sdelay $0x4  }
0x2a: {  	[tilespmem:$0x1FB60] =	vst v2;
	v2 =	vld.idx.msk [tilespmem:v0+s31+$0xFFFFFE80 ss:$0x1], $0xffff;
	_ =	sdelay $0x4  }
0x2b: {  	[tilespmem:$0x1FB70] =	vst v2;
	v2 =	vld.idx.msk [tilespmem:v1+s31+$0xFFFFFE00 ss:$0x1], $0xffff;
	_ =	sdelay $0x4  }
0x2c: {  	[tilespmem:$0x1FB80] =	vst v2;
	v2 =	vld.idx.msk [tilespmem:v0+s31+$0xFFFFFE00 ss:$0x1], $0xffff;
	_ =	sdelay $0x4  }
0x2d: {  	[tilespmem:$0x1FB90] =	vst v2;
	v2 =	vld.idx.msk [tilespmem:v1+s31+$0xFFFFFEF0 ss:$0x1], $0xffff;
	_ =	sdelay $0x4  }
0x2e: {  	[tilespmem:$0x1FE20] =	vst v2;
	v2 =	vld.idx.msk [tilespmem:v1+s31+$0xFFFFFD80 ss:$0x1], $0xffff;
	_ =	sdelay $0x4  }
0x2f: {  	[tilespmem:$0x1FE10] =	vst v2;
	v2 =	vld.idx.msk [tilespmem:v1+s31+$0xFFFFFD00 ss:$0x1], $0xffff;
	_ =	sdelay $0x4  }
0x30: {  	[tilespmem:$0x1FBA0] =	vst v2;
	v2 =	vld.idx.msk [tilespmem:v0+s31+$0xFFFFFD00 ss:$0x1], $0xffff;
	_ =	sdelay $0x4  }
0x31: {  	[tilespmem:$0x1FBB0] =	vst v2;
	v2 =	vld.idx.msk [tilespmem:v1+s31+$0xFFFFFED0 ss:$0x1], $0xffff;
	_ =	sdelay $0x4  }
0x32: {  	[tilespmem:$0x1FDE0] =	vst v2;
	v2 =	vld.idx.msk [tilespmem:v0+s31+$0xFFFFFED0 ss:$0x1], $0xffff;
	_ =	sdelay $0x4  }
0x33: {  	[tilespmem:$0x1FDF0] =	vst v2;
	v2 =	vld.idx.msk [tilespmem:v1+s31+$0xFFFFFEE0 ss:$0x1], $0xffff;
	_ =	sdelay $0x4  }
0x34: {  	[tilespmem:$0x1FE00] =	vst v2;
	v2 =	vld.idx.msk [tilespmem:v1+s31+$0xFFFFFC80 ss:$0x1], $0xffff;
	_ =	sdelay $0x4  }
0x35: {  	[tilespmem:$0x1FBC0] =	vst v2;
	v2 =	vld.idx.msk [tilespmem:v0+s31+$0xFFFFFC80 ss:$0x1], $0xffff;
	_ =	sdelay $0x4  }
0x36: {  	[tilespmem:$0x1FBD0] =	vst v2;
	v2 =	vld.idx.msk [tilespmem:v1+s31+$0xFFFFFD70 ss:$0x1], $0xffff;
	_ =	sdelay $0x4  }
0x37: {  	[tilespmem:$0x1FDD0] =	vst v2;
	v2 =	vld.idx.msk [tilespmem:v1+s31+$0xFFFFFC00 ss:$0x1], $0xffff;
	_ =	sdelay $0x4  }
0x38: {  	[tilespmem:$0x1FDC0] =	vst v2;
	v2 =	vld.idx.msk [tilespmem:v1+s31+$0xFFFFFB80 ss:$0x1], $0xffff;
	_ =	sdelay $0x4  }
0x39: {  	[tilespmem:$0x1FBE0] =	vst v2;
	v2 =	vld.idx.msk [tilespmem:v0+s31+$0xFFFFFB80 ss:$0x1], $0xffff;
	_ =	sdelay $0x4  }
0x3a: {  	[tilespmem:$0x1FBF0] =	vst v2;
	v2 =	vld.idx.msk [tilespmem:v1+s31+$0xFFFFFD50 ss:$0x1], $0xffff;
	_ =	sdelay $0x2  }
0x3b: {  	v44 =	vld.idx.msk [tilespmem:v0+s31+$0xFFFFFF80 ss:$0x1], $0xffff  }
0x3c: {  	v45 =	vld.idx.msk [tilespmem:v1+s31+$0xFFFFFF70 ss:$0x1], $0xffff  }
0x3d: {  	[tilespmem:$0x1FD90] =	vst v2;
	v2 =	vld.idx.msk [tilespmem:v0+s31+$0xFFFFFD50 ss:$0x1], $0xffff  }
0x3e: {  	v46 =	vld.idx.msk [tilespmem:v0+s31+$0xFFFFFF70 ss:$0x1], $0xffff  }
0x3f: {  	v47 =	vld.idx.msk [tilespmem:v1+s31+$0xFFFFFE70 ss:$0x1], $0xffff  }
0x40: {  	v48 =	vld.idx.msk [tilespmem:v0+s31+$0xFFFFFE70 ss:$0x1], $0xffff  }
0x41: {  	v49 =	vld.idx.msk [tilespmem:v1+s31+$0xFFFFFF50 ss:$0x1], $0xffff  }
0x42: {  	[tilespmem:$0x1FDA0] =	vst v2;
	v2 =	vld.idx.msk [tilespmem:v1+s31+$0xFFFFFD60 ss:$0x1], $0xffff  }
0x43: {  	v50 =	vld.idx.msk [tilespmem:v0+s31+$0xFFFFFF50 ss:$0x1], $0xffff  }
0x44: {  	v51 =	vld.idx.msk [tilespmem:v1+s31+$0xFFFFFF60 ss:$0x1], $0xffff  }
0x45: {  	v52 =	vld.idx.msk [tilespmem:v0+s31+$0xFFFFFF60 ss:$0x1], $0xffff  }
0x46: {  	v53 =	vld.idx.msk [tilespmem:v1+s31+$0xFFFFFDF0 ss:$0x1], $0xffff  }
0x47: {  	[tilespmem:$0x1FDB0] =	vst v2;
	v2 =	vld.idx.msk [tilespmem:v1+s31+$0xFFFFFB00 ss:$0x1], $0xffff  }
0x48: {  	v54 =	vld.idx.msk [tilespmem:v0+s31+$0xFFFFFDF0 ss:$0x1], $0xffff  }
0x49: {  	v55 =	vld.idx.msk [tilespmem:v1+s31+$0xFFFFFE50 ss:$0x1], $0xffff  }
0x4a: {  	v56 =	vld.idx.msk [tilespmem:v0+s31+$0xFFFFFE50 ss:$0x1], $0xffff  }
0x4b: {  	v57 =	vld.idx.msk [tilespmem:v1+s31+$0xFFFFFE60 ss:$0x1], $0xffff  }
0x4c: {  	[tilespmem:$0x1FC00] =	vst v2;
	v2 =	vld.idx.msk [tilespmem:v0+s31+$0xFFFFFB00 ss:$0x1], $0xffff  }
0x4d: {  	v58 =	vld.idx.msk [tilespmem:v0+s31+$0xFFFFFE60 ss:$0x1], $0xffff  }
0x4e: {  	v59 =	vld.idx.msk [tilespmem:v1+s31+$0xFFFFFCF0 ss:$0x1], $0xffff  }
0x4f: {  	v60 =	vld.idx.msk [tilespmem:v0+s31+$0xFFFFFCF0 ss:$0x1], $0xffff  }
0x50: {  	v61 =	vld.idx.msk [tilespmem:v1+s31+$0xFFFFFDD0 ss:$0x1], $0xffff  }
0x51: {  	[tilespmem:$0x1FC10] =	vst v2;
	v2 =	vld.idx.msk [tilespmem:v1+s31+$0xFFFFFBF0 ss:$0x1], $0xffff  }
0x52: {  	v62 =	vld.idx.msk [tilespmem:v0+s31+$0xFFFFFDD0 ss:$0x1], $0xffff  }
0x53: {  	v63 =	vld.idx.msk [tilespmem:v1+s31+$0xFFFFFDE0 ss:$0x1], $0xffff  }
0x54: {  	v18 =	vld.idx.msk [tilespmem:v0+s31+$0xFFFFFDE0 ss:$0x1], $0xffff  }
0x55: {  	v43 =	vld.idx.msk [tilespmem:v1+s31+$0xFFFFFC70 ss:$0x1], $0xffff  }
0x56: {  	[tilespmem:$0x1FD70] =	vst v2;
	v2 =	vld.idx.msk [tilespmem:v1+s31+$0xFFFFFA80 ss:$0x1], $0xffff  }
0x57: {  	v42 =	vld.idx.msk [tilespmem:v0+s31+$0xFFFFFC70 ss:$0x1], $0xffff  }
0x58: {  	v17 =	vld.idx.msk [tilespmem:v1+s31+$0xFFFFFCD0 ss:$0x1], $0xffff  }
0x59: {  	v15 =	vld.idx.msk [tilespmem:v0+s31+$0xFFFFFCD0 ss:$0x1], $0xffff  }
0x5a: {  	v14 =	vld.idx.msk [tilespmem:v1+s31+$0xFFFFFCE0 ss:$0x1], $0xffff  }
0x5b: {  	[tilespmem:$0x1FD50] =	vst v2;
	v2 =	vld.idx.msk [tilespmem:v1+s31+$0xFFFFFA00 ss:$0x1], $0xffff  }
0x5c: {  	v10 =	vld.idx.msk [tilespmem:v0+s31+$0xFFFFFCE0 ss:$0x1], $0xffff  }
0x5d: {  	v32 =	vld.idx.msk [tilespmem:v1+s31+$0xFFFFFB70 ss:$0x1], $0xffff  }
0x5e: {  	v31 =	vld.idx.msk [tilespmem:v0+s31+$0xFFFFFB70 ss:$0x1], $0xffff  }
0x5f: {  	v22 =	vld.idx.msk [tilespmem:v1+s31+$0xFFFFFC50 ss:$0x1], $0xffff  }
0x60: {  	[tilespmem:$0x1FC20] =	vst v2;
	v2 =	vld.idx.msk [tilespmem:v0+s31+$0xFFFFFA00 ss:$0x1], $0xffff  }
0x61: {  	v21 =	vld.idx.msk [tilespmem:v0+s31+$0xFFFFFC50 ss:$0x1], $0xffff  }
0x62: {  	v20 =	vld.idx.msk [tilespmem:v1+s31+$0xFFFFFC60 ss:$0x1], $0xffff  }
0x63: {  	v19 =	vld.idx.msk [tilespmem:v0+s31+$0xFFFFFC60 ss:$0x1], $0xffff  }
0x64: {  	v39 =	vld.idx.msk [tilespmem:v1+s31+$0xFFFFFAF0 ss:$0x1], $0xffff  }
0x65: {  	[tilespmem:$0x1FC30] =	vst v2;
	v2 =	vld.idx.msk [tilespmem:v1+s31+$0xFFFFFBD0 ss:$0x1], $0xffff  }
0x66: {  	v38 =	vld.idx.msk [tilespmem:v0+s31+$0xFFFFFAF0 ss:$0x1], $0xffff  }
0x67: {  	v5 =	vld.idx.msk [tilespmem:v1+s31+$0xFFFFFB50 ss:$0x1], $0xffff  }
0x68: {  	v6 =	vld.idx.msk [tilespmem:v1+s31+$0xFFFFF880 ss:$0x1], $0xffff  }
0x69: {  	v9 =	vld.idx.msk [tilespmem:v1+s31+$0xFFFFFA50 ss:$0x1], $0xffff  }
0x6a: {  	[tilespmem:$0x1FD20] =	vst v2;
	v2 =	vld.idx.msk [tilespmem:v0+s31+$0xFFFFFBD0 ss:$0x1], $0xffff  }
0x6b: {  	v4 =	vld.idx.msk [tilespmem:v0+s31+$0xFFFFFB50 ss:$0x1], $0xffff  }
0x6c: {  	v13 =	vld.idx.msk [tilespmem:v1+s31+$0xFFFFFAD0 ss:$0x1], $0xffff  }
0x6d: {  	v8 =	vld.idx.msk [tilespmem:v0+s31+$0xFFFFFAD0 ss:$0x1], $0xffff;
	[tilespmem:$0x1FCB0] =	vst v6  }
0x6e: {  	v6 =	vld.idx.msk [tilespmem:v0+s31+$0xFFFFF880 ss:$0x1], $0xffff;
	[tilespmem:$0x1FCD0] =	vst v9;
	v49 =	vmul.f32 v50, v49;
	v50 =	vmul.f32 v52, v51  }
0x6f: {  	[tilespmem:$0x1FD30] =	vst v2;
	v2 =	vld.idx.msk [tilespmem:v1+s31+$0xFFFFFBE0 ss:$0x1], $0xffff  }
0x70: {  	v9 =	vld.idx.msk [tilespmem:v0+s31+$0xFFFFFA50 ss:$0x1], $0xffff;
	v49 =	vadd.f32 v50, v49;
	v50 =	vmul.f32 v56, v55;
	v55 =	vmul.f32 v58, v57  }
0x71: {  	v57 =	vld [tilespmem:$0x1FB50]  }
0x72: {  	v50 =	vadd.f32 v55, v50;
	v55 =	vmul.f32 v62, v61;
	v62 =	vld [tilespmem:$0x1FB60]  }
0x73: {  	v18 =	vmul.f32 v18, v63;
	v63 =	vld [tilespmem:$0x1FB70]  }
0x74: {  	v15 =	vmul.f32 v15, v17;
	v10 =	vmul.f32 v10, v14;
	[tilespmem:$0x1FD40] =	vst v2;
	v2 =	vld.idx.msk [tilespmem:v1+s31+$0xFFFFF980 ss:$0x1], $0xffff  }
0x75: {  	v7 =	vld.idx.msk [tilespmem:v1+s31+$0xFFFFFAE0 ss:$0x1], $0xffff;
	v45 =	vmul.f32 v46, v45  }
0x76: {  	v10 =	vadd.f32 v10, v15;
	v15 =	vmul.f32 v60, v59;
	[tilespmem:$0x1FCC0] =	vst v6;
	v6 =	vld.idx.msk [tilespmem:v1+s31+$0xFFFFF900 ss:$0x1], $0xffff  }
0x77: {  	v47 =	vmul.f32 v48, v47;
	v4 =	vmul.f32 v4, v5;
	[tilespmem:$0x1FCE0] =	vst v9;
	v9 =	vld.idx.msk [tilespmem:v1+s31+$0xFFFFFA60 ss:$0x1], $0xffff  }
0x78: {  	v45 =	vadd.f32 v45, v49;
	v5 =	vadd.f32 v15, v10;
	v44 =	vmul.f32 v44, v57;
	v10 =	vld [tilespmem:$0x1FBA0]  }
0x79: {  	v61 =	vadd.f32 v47, v50;
	v50 =	vmul.f32 v63, v62;
	[tilespmem:$0x1FC50] =	vst v2;
	v2 =	vld.idx.msk [tilespmem:v0+s31+$0xFFFFF980 ss:$0x1], $0xffff  }
0x7a: {  	v44 =	vadd.f32 v44, v45;
	v15 =	vld [tilespmem:$0x1FBB0]  }
0x7b: {  	[tilespmem:$0x1FD00] =	vst v6;
	v6 =	vld.idx.msk [tilespmem:v0+s31+$0xFFFFFAE0 ss:$0x1], $0xffff;
	v17 =	vadd.f32 v50, v61  }
0x7c: {  	(xrf2) =	vadd.scan.msk.f32 $0xffff, v44;
	v61 =	vld [tilespmem:$0x1FB80]  }
0x7d: {  	v19 =	vmul.f32 v19, v20;
	[tilespmem:$0x1FCF0] =	vst v9;
	(xrf2) =	vadd.scan.msk.f32 $0xffff, v17;
	v17 =	vmul.f32 v21, v22;
	v62 =	vld [tilespmem:$0x1FB90]  }
0x7e: {  	[tilespmem:$0x1FC60] =	vst v2;
	v2 =	vld.idx.msk [tilespmem:v1+s31+$0xFFFFFA70 ss:$0x1], $0xffff  }
0x7f: {  	v9 =	vld.idx.msk [tilespmem:v1+s31+$0xFFFFF870 ss:$0x1], $0xffff;
	v10 =	vmul.f32 v15, v10;
	v15 =	vadd.f32 v19, v17;
	v19 =	vmul.f32 v42, v43  }
0x80: {  	v18 =	vadd.f32 v18, v55;
	v55 =	vld [tilespmem:$0x1FBC0]  }
0x81: {  	v53 =	vmul.f32 v54, v53;
	v6 =	vmul.f32 v6, v7;
	v7 =	vadd.f32 v19, v15;
	v15 =	vld [tilespmem:$0x1FBD0]  }
0x82: {  	v3 =	vld.idx.msk [tilespmem:v1+s31+$0xFFFFFB60 ss:$0x1], $0xffff  }
0x83: {  	v18 =	vadd.f32 v53, v18;
	v45 =	vmul.f32 v62, v61;
	[tilespmem:$0x1FD10] =	vst v2;
	v2 =	vld.idx.msk [tilespmem:v0+s31+$0xFFFFFB60 ss:$0x1], $0xffff  }
0x84: {  	v37 =	vld.idx.msk [tilespmem:v1+s31+$0xFFFFF9F0 ss:$0x1], $0xffff  }
0x85: {  	v8 =	vmul.f32 v8, v13;
	[tilespmem:$0x1FC90] =	vst v9;
	v9 =	vld.idx.msk [tilespmem:v0+s31+$0xFFFFF870 ss:$0x1], $0xffff;
	v18 =	vadd.f32 v45, v18  }
0x86: {  	v5 =	vadd.f32 v10, v5;
	v13 =	vmul.f32 v15, v55;
	v15 =	vld [tilespmem:$0x1FBE0]  }
0x87: {  	v6 =	vadd.f32 v6, v8;
	v8 =	vmul.f32 v38, v39;
	(xrf2) =	vadd.scan.msk.f32 $0xffff, v18;
	v19 =	vld [tilespmem:$0x1FBF0]  }
0x88: {  	(xrf2) =	vadd.scan.msk.f32 $0xffff, v5;
	v5 =	vld [tilespmem:$0x1FC00];
	v2 =	vmul.f32 v2, v3  }
0x89: {  	v8 =	vadd.f32 v8, v6;
	v6 =	vld [tilespmem:$0x1FC10]  }
0x8a: {  	v35 =	vld.idx.msk [tilespmem:v0+s31+$0xFFFFF9F0 ss:$0x1], $0xffff;
	v2 =	vadd.f32 v2, v4;
	v4 =	vmul.f32 v31, v32  }
0x8b: {  	v16 =	vld.idx.msk [tilespmem:v1+s31+$0xFFFFF9D0 ss:$0x1], $0xffff  }
0x8c: {  	v11 =	vld.idx.msk [tilespmem:v0+s31+$0xFFFFF9D0 ss:$0x1], $0xffff;
	v15 =	vmul.f32 v19, v15;
	v2 =	vadd.f32 v4, v2  }
0x8d: {  	v12 =	vld.idx.msk [tilespmem:v1+s31+$0xFFFFF9E0 ss:$0x1], $0xffff;
	v7 =	vadd.f32 v13, v7  }
0x8e: {  	[tilespmem:$0x1FCA0] =	vst v9;
	v9 =	vld.idx.msk [tilespmem:v0+s31+$0xFFFFF9E0 ss:$0x1], $0xffff;
	v5 =	vmul.f32 v6, v5;
	v2 =	vadd.f32 v15, v2  }
0x8f: {  	(xrf2) =	vadd.scan.msk.f32 $0xffff, v7;
	v6 =	vld [tilespmem:$0x1FC20]  }
0x90: {  	(xrf2) =	vadd.scan.msk.f32 $0xffff, v2;
	v2 =	vadd.f32 v5, v8;
	v8 =	vld [tilespmem:$0x1FC30];
	_ =	sdelay $0x2  }
0x91: {  	v11 =	vmul.f32 v11, v16;
	v9 =	vmul.f32 v9, v12  }
0x92: {  	s18 =	simm.s32 $0x800  }
0x93: {  	v9 =	vadd.f32 v9, v11;
	v11 =	vmul.f32 v35, v37;
	v8 =	vmul.f32 v8, v6;
	v6 =	vld.idx.msk [tilespmem:v0+s18+$0xFFFFFF00 ss:$0x1], $0xffff;
	_ =	sdelay $0x1  }
0x94: {  	v5 =	vadd.f32 v11, v9;
	_ =	sdelay $0x1  }
0x95: {  	v5 =	vadd.f32 v8, v5;
	v8 =	vld [tilespmem:$0x1FC60]  }
0x96: {  	[tilespmem:$0x1FC40] =	vst v6;
	v6 =	vld [tilespmem:$0x1FC50];
	_ =	sdelay $0x2  }
0x97: {  	v26 =	vld.idx.msk [tilespmem:v1+s31+$0xFFFFF950 ss:$0x1], $0xffff  }
0x98: {  	v25 =	vld.idx.msk [tilespmem:v0+s31+$0xFFFFF950 ss:$0x1], $0xffff  }
0x99: {  	v8 =	vmul.f32 v8, v6;
	v6 =	vld.idx.msk [tilespmem:v1+s18+$0xFFFFFFD0 ss:$0x1], $0xffff  }
0x9a: {  	v24 =	vld.idx.msk [tilespmem:v1+s31+$0xFFFFF960 ss:$0x1], $0xffff  }
0x9b: {  	v23 =	vld.idx.msk [tilespmem:v0+s31+$0xFFFFF960 ss:$0x1], $0xffff;
	_ =	sdelay $0x2  }
0x9c: {  	[tilespmem:$0x1FC70] =	vst v6;
	v6 =	vld.idx.msk [tilespmem:v0+s18+$0xFFFFFFD0 ss:$0x1], $0xffff;
	_ =	sdelay $0x1  }
0x9d: {  	v41 =	vld.idx.msk [tilespmem:v1+s31+$0xFFFFF970 ss:$0x1], $0xffff;
	v7 =	vmul.f32 v25, v26;
	v15 =	vmul.f32 v23, v24  }
0x9e: {  	v40 =	vld.idx.msk [tilespmem:v0+s31+$0xFFFFF970 ss:$0x1], $0xffff  }
0x9f: {  	v7 =	vadd.f32 v15, v7;
	v15 =	vld [tilespmem:$0x1FCA0]  }
0xa0: {  	[tilespmem:$0x1FC80] =	vst v6;
	v6 =	vld [tilespmem:$0x1FC90];
	_ =	sdelay $0x1  }
0xa1: {  	v30 =	vld.idx.msk [tilespmem:v1+s31+$0xFFFFF850 ss:$0x1], $0xffff  }
0xa2: {  	v29 =	vld.idx.msk [tilespmem:v0+s31+$0xFFFFF850 ss:$0x1], $0xffff  }
0xa3: {  	v28 =	vld.idx.msk [tilespmem:v1+s31+$0xFFFFF860 ss:$0x1], $0xffff  }
0xa4: {  	v9 =	vmul.f32 v40, v41;
	v15 =	vmul.f32 v15, v6;
	v6 =	vld.idx.msk [tilespmem:v1+s18+$0xFFFFFE80 ss:$0x1], $0xffff  }
0xa5: {  	v27 =	vld.idx.msk [tilespmem:v0+s31+$0xFFFFF860 ss:$0x1], $0xffff  }
0xa6: {  	v36 =	vld.idx.msk [tilespmem:v1+s31+$0xFFFFF8D0 ss:$0x1], $0xffff;
	v7 =	vadd.f32 v9, v7  }
0xa7: {  	v33 =	vld.idx.msk [tilespmem:v0+s31+$0xFFFFF8D0 ss:$0x1], $0xffff;
	(xrf2) =	vadd.scan.msk.f32 $0xffff, v2  }
0xa8: {  	(xrf2) =	vadd.scan.msk.f32 $0xffff, v5;
	v5 =	vadd.f32 v8, v7;
	v7 =	vld [tilespmem:$0x1FCC0]  }
0xa9: {  	[tilespmem:$0x1FF00] =	vst v6;
	v6 =	vld [tilespmem:$0x1FCB0]  }
0xaa: {  	v34 =	vld.idx.msk [tilespmem:v1+s31+$0xFFFFF8E0 ss:$0x1], $0xffff  }
0xab: {  	v51 =	vld.idx.msk [tilespmem:v0+s31+$0xFFFFF8E0 ss:$0x1], $0xffff;
	_ =	sdelay $0x1  }
0xac: {  	v11 =	vmul.f32 v27, v28  }
0xad: {  	v2 =	vmul.f32 v29, v30;
	v7 =	vmul.f32 v7, v6;
	v6 =	vld.idx.msk [tilespmem:v0+s18+$0xFFFFFE80 ss:$0x1], $0xffff;
	_ =	sdelay $0x1  }
0xae: {  	v9 =	vmul.f32 v33, v36;
	v2 =	vadd.f32 v11, v2;
	v11 =	vmul.f32 v51, v34;
	_ =	sdelay $0x1  }
0xaf: {  	v8 =	vadd.f32 v11, v9;
	v11 =	vld [tilespmem:$0x1FCE0]  }
0xb0: {  	[tilespmem:$0x1FF10] =	vst v6;
	v6 =	vld [tilespmem:$0x1FCD0];
	_ =	sdelay $0x3  }
0xb1: {  	v56 =	vld.idx.msk [tilespmem:v0+s31+$0xFFFFFA60 ss:$0x1], $0xffff  }
0xb2: {  	v11 =	vmul.f32 v11, v6;
	v6 =	vld [tilespmem:$0x1FCF0];
	_ =	sdelay $0x4  }
0xb3: {  	v2 =	vadd.f32 v15, v2;
	v15 =	vmul.f32 v56, v6;
	v6 =	vld.idx.msk [tilespmem:v1+s18+$0xFFFFFF70 ss:$0x1], $0xffff;
	_ =	sdelay $0x1  }
0xb4: {  	v52 =	vld.idx.msk [tilespmem:v1+s31+$0xFFFFF8F0 ss:$0x1], $0xffff  }
0xb5: {  	v46 =	vld.idx.msk [tilespmem:v0+s31+$0xFFFFF8F0 ss:$0x1], $0xffff  }
0xb6: {  	v49 =	vld.idx.msk [tilespmem:v0+s31+$0xFFFFF900 ss:$0x1], $0xffff  }
0xb7: {  	[tilespmem:$0x1FED0] =	vst v6;
	v6 =	vld [tilespmem:$0x1FD00];
	_ =	sdelay $0x2  }
0xb8: {  	v9 =	vmul.f32 v46, v52;
	_ =	sdelay $0x1  }
0xb9: {  	(xrf2) =	vadd.scan.msk.f32 $0xffff, v5;
	v5 =	vadd.f32 v9, v8;
	v8 =	vmul.f32 v49, v6;
	v6 =	vld.idx.msk [tilespmem:v0+s18+$0xFFFFFF70 ss:$0x1], $0xffff;
	_ =	sdelay $0x3  }
0xba: {  	v48 =	vld.idx.msk [tilespmem:v0+s31+$0xFFFFFA70 ss:$0x1], $0xffff  }
0xbb: {  	[tilespmem:$0x1FEE0] =	vst v6;
	v6 =	vld [tilespmem:$0x1FD10];
	_ =	sdelay $0x4  }
0xbc: {  	v9 =	vmul.f32 v48, v6;
	v6 =	vld.idx.msk [tilespmem:v1+s18+$0xFFFFFE00 ss:$0x1], $0xffff;
	_ =	sdelay $0x3  }
0xbd: {  	v5 =	vadd.f32 v8, v5;
	v8 =	vld [tilespmem:$0x1FD30]  }
0xbe: {  	[tilespmem:$0x1FF30] =	vst v6;
	v6 =	vld [tilespmem:$0x1FD20];
	_ =	sdelay $0x3  }
0xbf: {  	v57 =	vld.idx.msk [tilespmem:v0+s31+$0xFFFFFBE0 ss:$0x1], $0xffff  }
0xc0: {  	v8 =	vmul.f32 v8, v6;
	v6 =	vld [tilespmem:$0x1FD40];
	_ =	sdelay $0x4  }
0xc1: {  	v2 =	vadd.f32 v7, v2;
	v7 =	vadd.f32 v15, v11;
	v11 =	vmul.f32 v57, v6;
	v6 =	vld.idx.msk [tilespmem:v0+s18+$0xFFFFFE00 ss:$0x1], $0xffff;
	_ =	sdelay $0x3  }
0xc2: {  	v47 =	vld.idx.msk [tilespmem:v0+s31+$0xFFFFFA80 ss:$0x1], $0xffff  }
0xc3: {  	[tilespmem:$0x1FF40] =	vst v6;
	v6 =	vld [tilespmem:$0x1FD50];
	_ =	sdelay $0x4  }
0xc4: {  	(xrf2) =	vadd.scan.msk.f32 $0xffff, v2;
	v2 =	vadd.f32 v9, v7;
	v9 =	vmul.f32 v47, v6;
	v6 =	vld.idx.msk [tilespmem:v1+s18+$0xFFFFFEF0 ss:$0x1], $0xffff;
	_ =	sdelay $0x3  }
0xc5: {  	v54 =	vld.idx.msk [tilespmem:v0+s31+$0xFFFFFBF0 ss:$0x1], $0xffff  }
0xc6: {  	[tilespmem:$0x1FD60] =	vst v6;
	v6 =	vld [tilespmem:$0x1FD70];
	_ =	sdelay $0x3  }
0xc7: {  	v7 =	vld [tilespmem:$0x1FDA0]  }
0xc8: {  	v8 =	vadd.f32 v11, v8;
	v11 =	vmul.f32 v54, v6;
	v6 =	vld [tilespmem:$0x1FD90];
	_ =	sdelay $0x3  }
0xc9: {  	v14 =	vld.idx.msk [tilespmem:v0+s31+$0xFFFFFD60 ss:$0x1], $0xffff  }
0xca: {  	v2 =	vadd.f32 v9, v2;
	v9 =	vmul.f32 v7, v6;
	v6 =	vld [tilespmem:$0x1FDB0];
	_ =	sdelay $0x4  }
0xcb: {  	v14 =	vmul.f32 v14, v6;
	v6 =	vld.idx.msk [tilespmem:v1+s18+$0xFFFFFE70 ss:$0x1], $0xffff;
	_ =	sdelay $0x3  }
0xcc: {  	v44 =	vld.idx.msk [tilespmem:v0+s31+$0xFFFFFC00 ss:$0x1], $0xffff  }
0xcd: {  	[tilespmem:$0x1FEF0] =	vst v6;
	v6 =	vld [tilespmem:$0x1FDC0];
	_ =	sdelay $0x3  }
0xce: {  	v63 =	vld.idx.msk [tilespmem:v0+s31+$0xFFFFFD70 ss:$0x1], $0xffff  }
0xcf: {  	v8 =	vadd.f32 v11, v8;
	v11 =	vmul.f32 v44, v6;
	v6 =	vld [tilespmem:$0x1FDD0];
	_ =	sdelay $0x2  }
0xd0: {  	v15, _, _ =	vpop (xrf2);
	(xrf2) =	vadd.scan.msk.f32 $0xffff, v5;
	v5 =	vld.idx.msk [tilespmem:v1+s18+$0xFFFFFD80 ss:$0x1], $0xffff  }
0xd1: {  	v7 =	vld [tilespmem:$0x1FDF0]  }
0xd2: {  	v60 =	vmul.f32 v63, v6;
	v6 =	vld [tilespmem:$0x1FDE0];
	_ =	sdelay $0x3  }
0xd3: {  	v20 =	vld.idx.msk [tilespmem:v0+s31+$0xFFFFFEE0 ss:$0x1], $0xffff;
	[tilespmem:$0x1FD80] =	vst v5;
	v5, _, _ =	vpop (xrf2)  }
0xd4: {  	v16, _, _ =	vpop (xrf2);
	(xrf2) =	vadd.scan.msk.f32 $0xffff, v2;
	v2 =	vadd.f32 v11, v8;
	v8 =	vmul.f32 v7, v6;
	v6 =	vld [tilespmem:$0x1FE00];
	_ =	sdelay $0x3  }
0xd5: {  	v3 =	vld.idx.msk [tilespmem:v0+s31+$0xFFFFFD80 ss:$0x1], $0xffff  }
0xd6: {  	v11 =	vmul.f32 v20, v6;
	v6 =	vld [tilespmem:$0x1FE10];
	_ =	sdelay $0x3  }
0xd7: {  	v17 =	vld.idx.msk [tilespmem:v0+s31+$0xFFFFFEF0 ss:$0x1], $0xffff  }
0xd8: {  	v3 =	vmul.f32 v3, v6;
	v6 =	vld [tilespmem:$0x1FE20];
	_ =	sdelay $0x1  }
0xd9: {  	v18, _, _ =	vpop (xrf2)  }
0xda: {  	v23, _, _ =	vpop (xrf2)  }
0xdb: {  	v20, _, _ =	vpop (xrf2);
	(xrf2) =	vadd.scan.msk.f32 $0xffff, v2;
	v2 =	vld [tilespmem:$0x1FE30]  }
0xdc: {  	v8 =	vadd.f32 v11, v8;
	v11 =	vmul.f32 v17, v6;
	v6 =	vld [tilespmem:$0x1FE40]  }
0xdd: {  	v9 =	vadd.f32 v14, v9;
	_ =	sdelay $0x1  }
0xde: {  	v9 =	vadd.f32 v60, v9;
	_ =	sdelay $0x1  }
0xdf: {  	v3 =	vadd.f32 v3, v9;
	v9 =	vmul.f32 v6, v2;
	v2 =	vld.idx.msk [tilespmem:v1+s18+$0xFFFFFD00 ss:$0x1], $0xffff;
	_ =	sdelay $0x3  }
0xe0: {  	v6 =	vld [tilespmem:$0x1FE60]  }
0xe1: {  	[tilespmem:$0x1FF70] =	vst v2;
	v2 =	vld [tilespmem:$0x1FE50];
	_ =	sdelay $0x4  }
0xe2: {  	v8 =	vadd.f32 v11, v8;
	v11 =	vmul.f32 v6, v2;
	v2 =	vld.idx.msk [tilespmem:v0+s18+$0xFFFFFD00 ss:$0x1], $0xffff;
	_ =	sdelay $0x4  }
0xe3: {  	[tilespmem:$0x1FF80] =	vst v2;
	v2 =	vld.idx.msk [tilespmem:v0+s18+$0xFFFFFDF0 ss:$0x1], $0xffff;
	_ =	sdelay $0x4  }
0xe4: {  	[tilespmem:$0x1FF20] =	vst v2;
	v2 =	vld.idx.msk [tilespmem:v0+s18+$0xFFFFFED0 ss:$0x1], $0xffff;
	_ =	sdelay $0x4  }
0xe5: {  	[tilespmem:$0x1FE70] =	vst v2;
	v2 =	vld.idx.msk [tilespmem:v1+s18+$0xFFFFFEE0 ss:$0x1], $0xffff;
	_ =	sdelay $0x4  }
0xe6: {  	[tilespmem:$0x1FE80] =	vst v2;
	v2 =	vld.idx.msk [tilespmem:v1+s18+$0xFFFFFC80 ss:$0x1], $0xffff;
	_ =	sdelay $0x2  }
0xe7: {  	v21 =	vld.idx.msk [tilespmem:v1+s31+$0xFFFFFFE0 ss:$0x1], $0xffff  }
0xe8: {  	v10 =	vld.idx.msk [tilespmem:v0+s31+$0xFFFFFFE0 ss:$0x1], $0xffff  }
0xe9: {  	[tilespmem:$0x1FFA0] =	vst v2;
	v2 =	vld.idx.msk [tilespmem:v0+s18+$0xFFFFFC80 ss:$0x1], $0xffff  }
0xea: {  	v19 =	vld.idx.msk [tilespmem:v0+s31+$0xFFFFFFF0 ss:$0x1], $0xffff  }
0xeb: {  	v4 =	vld.idx.msk [tilespmem:v1+s31+$0xFFFFFFF0 ss:$0x1], $0xffff  }
0xec: {  	v58 =	vld.idx.msk [tilespmem:v1+s31+$0x0 ss:$0x1], $0xffff;
	v61, _, _ =	vpop (xrf2)  }
0xed: {  	v59 =	vld.idx.msk [tilespmem:v0+s31+$0x0 ss:$0x1], $0xffff;
	v17, _, _ =	vpop (xrf2)  }
0xee: {  	v10 =	vmul.f32 v10, v21;
	v25, _, _ =	vpop (xrf2);
	[tilespmem:$0x1FFB0] =	vst v2;
	v2 =	vld.idx.msk [tilespmem:v1+s18+$0xFFFFFD70 ss:$0x1], $0xffff  }
0xef: {  	(xrf2) =	vadd.scan.msk.f32 $0xffff, v3;
	v21, _, _ =	vpop (xrf2)  }
0xf0: {  	v4 =	vmul.f32 v19, v4;
	v3 =	vadd.f32 v9, v8;
	v9, _, _ =	vpop (xrf2);
	v8 =	vadd.f32 v10, v11  }
0xf1: {  	v19 =	vbroadcast v9, $0xF;
	v11 =	vbroadcast v21, $0xF  }
0xf2: {  	(xrf2) =	vadd.scan.msk.f32 $0xffff, v3;
	v21 =	vbroadcast v25, $0xF;
	v4 =	vadd.f32 v4, v8  }
0xf3: {  	v62 =	vbroadcast v17, $0xF;
	v63, _, _ =	vpop (xrf2);
	v8 =	vmul.f32 v59, v58;
	v3 =	vsel vm0, v11, v19;
	[tilespmem:$0x1FE90] =	vst v2;
	v2 =	vld.idx.msk [tilespmem:v1+s18+$0xFFFFFC00 ss:$0x1], $0xffff  }
0xf4: {  	v13 =	vbroadcast v63, $0xF;
	v3 =	vsel vm1, v3, v21  }
0xf5: {  	v4 =	vadd.f32 v8, v4;
	v3 =	vsel vm2, v3, v62;
	v8 =	vbroadcast v61, $0xF  }
0xf6: {  	v32 =	vbroadcast v20, $0xF;
	v35, _, _ =	vpop (xrf2);
	v3 =	vsel vm3, v3, v13  }
0xf7: {  	(xrf2) =	vadd.scan.msk.f32 $0xffff, v4;
	v3 =	vsel vm4, v3, v8;
	v4 =	vbroadcast v35, $0xF  }
0xf8: {  	v36 =	vbroadcast v23, $0xF;
	v3 =	vsel vm5, v3, v32;
	[tilespmem:$0x1FEA0] =	vst v2;
	v2 =	vld.idx.msk [tilespmem:v1+s18+$0xFFFFFCF0 ss:$0x1], $0xffff  }
0xf9: {  	v37, _, _ =	vpop (xrf2);
	v3 =	vsel vm6, v3, v4;
	v4 =	vbroadcast v18, $0xF  }
0xfa: {  	v14 =	vbroadcast v37, $0xF;
	v3 =	vsel vm7, v3, v36  }
0xfb: {  	v3 =	vsel vm8, v3, v4;
	v4 =	vbroadcast v16, $0xF  }
0xfc: {  	v38, _, _ =	vpop (xrf2);
	v3 =	vsel vm9, v3, v14  }
0xfd: {  	v5 =	vbroadcast v5, $0xF;
	v3 =	vsel vm10, v3, v4;
	v4 =	vbroadcast v38, $0xF;
	[tilespmem:$0x1FF50] =	vst v2;
	v2 =	vld.idx.msk [tilespmem:v0+s18+$0xFFFFFCF0 ss:$0x1], $0xffff;
	_ =	sdelay $0x1  }
0xfe: {  	v3 =	vsel vm11, v3, v5;
	v5 =	vbroadcast v15, $0xF  }
0xff: {  	v53 =	vld.idx.msk [tilespmem:v0+s18+$0xFFFFFF80 ss:$0x1], $0xffff;
	v3 =	vsel vm12, v3, v4  }
0x100: {  	v39 =	vld.idx.msk [tilespmem:v1+s18+$0xFFFFFF50 ss:$0x1], $0xffff;
	v3 =	vsel vm13, v3, v5;
	v4, _, _ =	vpop (xrf2)  }
0x101: {  	v57 =	vsel vm14, v3, v4;
	[tilespmem:$0x1FF60] =	vst v2;
	v2 =	vld.idx.msk [tilespmem:v1+s18+$0xFFFFFB80 ss:$0x1], $0xffff  }
0x102: {  	v12 =	vld.idx.msk [tilespmem:v0+s18+$0xFFFFFDD0 ss:$0x1], $0xffff;
	v3 =	vand.u32 $0x7FFFFFFF, v57  }
0x103: {  	v50 =	vld.idx.msk [tilespmem:v1+s18+$0xFFFFFDF0 ss:$0x1], $0xffff;
	v3 =	vsub.f32 $0.0e+00, v3  }
0x104: {  	v22 =	vld.idx.msk [tilespmem:v1+s18+$0xFFFFFF00 ss:$0x1], $0xffff  }
0x105: {  	v45 =	vld.idx.msk [tilespmem:v0+s18+$0xFFFFFC60 ss:$0x1], $0xffff;
	v3 =	vmul.f32 $1.442695020e+00, v3  }
0x106: {  	[tilespmem:$0x1FFC0] =	vst v2;
	v2 =	vld.idx.msk [tilespmem:v0+s18+$0xFFFFFB80 ss:$0x1], $0xffff  }
0x107: {  	v42 =	vld.idx.msk [tilespmem:v1+s18+$0xFFFFFE50 ss:$0x1], $0xffff;
	(erf) = vpow2.f32 v3  }
0x108: {  	v43 =	vld.idx.msk [tilespmem:v1+s18+$0xFFFFFB50 ss:$0x1], $0xffff  }
0x109: {  	v55 =	vld [tilespmem:s16+$0x0]  }
0x10a: {  	v26 =	vld.idx.msk [tilespmem:v1+s18+$0xFFFFFF80 ss:$0x1], $0xffff  }
0x10b: {  	[tilespmem:$0x1FFD0] =	vst v2;
	v2 =	vld.idx.msk [tilespmem:v1+s18+$0xFFFFFC70 ss:$0x1], $0xffff  }
0x10c: {  	v31 =	vld.idx.msk [tilespmem:v0+s18+$0xFFFFF880 ss:$0x1], $0xffff  }
0x10d: {  	v24 =	vld.idx.msk [tilespmem:v0+s18+$0xFFFFFB60 ss:$0x1], $0xffff  }
0x10e: {  	v40 =	vld.idx.msk [tilespmem:v0+s18+$0xFFFFFF50 ss:$0x1], $0xffff  }
0x10f: {  	v27 =	vld.idx.msk [tilespmem:v0+s18+$0xFFFFFA00 ss:$0x1], $0xffff  }
0x110: {  	v21 =	vpop (erf);
	[tilespmem:$0x1FF90] =	vst v2;
	v2 =	vld.idx.msk [tilespmem:v0+s18+$0xFFFFFD50 ss:$0x1], $0xffff  }
0x111: {  	v28 =	vld.idx.msk [tilespmem:v1+s18+$0xFFFFF980 ss:$0x1], $0xffff;
	v19 =	vadd.f32 $2.000000000e+00, v21  }
0x112: {  	v41 =	vld.idx.msk [tilespmem:v1+s18+$0xFFFFFAD0 ss:$0x1], $0xffff  }
0x113: {  	v33 =	vld.idx.msk [tilespmem:v0+s18+$0xFFFFFF60 ss:$0x1], $0xffff;
	(erf) = vrcp.f32 v19  }
0x114: {  	v34 =	vld.idx.msk [tilespmem:v1+s18+$0xFFFFFF60 ss:$0x1], $0xffff  }
0x115: {  	[tilespmem:$0x1FEB0] =	vst v2;
	v2 =	vld.idx.msk [tilespmem:v1+s18+$0xFFFFFD60 ss:$0x1], $0xffff  }
0x116: {  	v30 =	vld.idx.msk [tilespmem:v0+s18+$0xFFFFF980 ss:$0x1], $0xffff  }
0x117: {  	v29 =	vld.idx.msk [tilespmem:v1+s18+$0xFFFFF880 ss:$0x1], $0xffff  }
0x118: {  	v51 =	vld.idx.msk [tilespmem:v1+s18+$0xFFFFFED0 ss:$0x1], $0xffff  }
0x119: {  	v39 =	vmul.f32 v40, v39;
	v33 =	vmul.f32 v33, v34;
	v34 =	vld.idx.msk [tilespmem:v1+s18+$0xFFFFFA60 ss:$0x1], $0xffff  }
0x11a: {  	[tilespmem:$0x1FEC0] =	vst v2;
	v2 =	vld.idx.msk [tilespmem:v0+s18+$0xFFFFFB00 ss:$0x1], $0xffff  }
0x11b: {  	v33 =	vadd.f32 v33, v39;
	v39 =	vld.idx.msk [tilespmem:v1+s18+$0xFFFFF970 ss:$0x1], $0xffff  }
0x11c: {  	v46 =	vld.idx.msk [tilespmem:v0+s18+$0xFFFFFC50 ss:$0x1], $0xffff;
	v23 =	vpop (erf)  }
0x11d: {  	v52 =	vld.idx.msk [tilespmem:v1+s18+$0xFFFFF9F0 ss:$0x1], $0xffff;
	v4 =	vmul.f32 v23, v21  }
0x11e: {  	v56 =	vld.idx.msk [tilespmem:v1+s18+$0xFFFFFA00 ss:$0x1], $0xffff  }
0x11f: {  	v49 =	vld.idx.msk [tilespmem:v0+s18+$0xFFFFFC70 ss:$0x1], $0xffff;
	[tilespmem:$0x1FFE0] =	vst v2;
	v2 =	vmul.f32 v4, v4  }
0x120: {  	v40 =	vld [tilespmem:$0x1FEE0]  }
0x121: {  	v48 =	vld.idx.msk [tilespmem:v1+s18+$0xFFFFFC50 ss:$0x1], $0xffff;
	v25 =	vmul.f32 $1.111111120e-01, v2  }
0x122: {  	v47 =	vld.idx.msk [tilespmem:v1+s18+$0xFFFFFC60 ss:$0x1], $0xffff  }
0x123: {  	v54 =	vld.idx.msk [tilespmem:v1+s18+$0xFFFFFDD0 ss:$0x1], $0xffff;
	v25 =	vadd.f32 $1.428571490e-01, v25  }
0x124: {  	v44 =	vld.idx.msk [tilespmem:v0+s18+$0xFFFFFE70 ss:$0x1], $0xffff  }
0x125: {  	v60 =	vld.idx.msk [tilespmem:v0+s18+$0xFFFFFAF0 ss:$0x1], $0xffff;
	v25 =	vmul.f32 v25, v2  }
0x126: {  	v7 =	vld.idx.msk [tilespmem:v0+s18+$0xFFFFF9F0 ss:$0x1], $0xffff  }
0x127: {  	v20 =	vld.idx.msk [tilespmem:v0+s18+$0xFFFFFBD0 ss:$0x1], $0xffff;
	v3 =	vadd.f32 $2.000000030e-01, v25  }
0x128: {  	v17 =	vld.idx.msk [tilespmem:v1+s18+$0xFFFFFBF0 ss:$0x1], $0xffff  }
0x129: {  	v9 =	vld.idx.msk [tilespmem:v1+s18+$0xFFFFFAE0 ss:$0x1], $0xffff;
	v3 =	vmul.f32 v3, v2  }
0x12a: {  	v37 =	vld.idx.msk [tilespmem:v0+s18+$0xFFFFFB50 ss:$0x1], $0xffff  }
0x12b: {  	v10 =	vld.idx.msk [tilespmem:v0+s18+$0xFFFFFE60 ss:$0x1], $0xffff;
	v3 =	vadd.f32 $3.333333430e-01, v3  }
0x12c: {  	v8 =	vld.idx.msk [tilespmem:v1+s18+$0xFFFFFE60 ss:$0x1], $0xffff  }
0x12d: {  	v2 =	vmul.f32 v3, v2;
	v3 =	vld [tilespmem:$0x1FED0]  }
0x12e: {  	v63 =	vld.idx.msk [tilespmem:v0+s18+$0xFFFFFCD0 ss:$0x1], $0xffff  }
0x12f: {  	v6 =	vld.idx.msk [tilespmem:v0+s18+$0xFFFFFCE0 ss:$0x1], $0xffff  }
0x130: {  	v43 =	vmul.f32 v37, v43;
	v37 =	vld.idx.msk [tilespmem:v1+s18+$0xFFFFF960 ss:$0x1], $0xffff  }
0x131: {  	v58 =	vld.idx.msk [tilespmem:v0+s18+$0xFFFFFDE0 ss:$0x1], $0xffff;
	v8 =	vmul.f32 v10, v8;
	v4 =	vadd.f32 v4, v4;
	v2 =	vadd.f32 $1.000000000e+00, v2  }
0x132: {  	v10 =	vmax.f32 v57, $0.0e+00;
	v14 =	vmul.f32 v40, v3;
	v3 =	vmul.f32 v57, v55;
	v57 =	vld [tilespmem:$0x1FEF0]  }
0x133: {  	v59 =	vld.idx.msk [tilespmem:v1+s18+$0xFFFFFB70 ss:$0x1], $0xffff;
	v2 =	vmul.f32 v2, v4  }
0x134: {  	v11 =	vld.idx.msk [tilespmem:v0+s18+$0xFFFFFB70 ss:$0x1], $0xffff;
	v3 =	vsub.f32 v10, v3;
	v4 =	vadd.f32 v14, v33;
	v10 =	vmul.f32 v53, v26  }
0x135: {  	v32 =	vld.idx.msk [tilespmem:v0+s18+$0xFFFFFE50 ss:$0x1], $0xffff  }
0x136: {  	v4 =	vadd.f32 v10, v4;
	v10 =	vld [tilespmem:$0x1FF00]  }
0x137: {  	v44 =	vmul.f32 v44, v57;
	v57 =	vld [tilespmem:$0x1FF10]  }
0x138: {  	v62 =	vld.idx.msk [tilespmem:v1+s18+$0xFFFFFCD0 ss:$0x1], $0xffff  }
0x139: {  	v13 =	vld.idx.msk [tilespmem:v1+s18+$0xFFFFFDE0 ss:$0x1], $0xffff  }
0x13a: {  	v61 =	vld.idx.msk [tilespmem:v1+s18+$0xFFFFFAF0 ss:$0x1], $0xffff  }
0x13b: {  	v35 =	vld.idx.msk [tilespmem:v1+s18+$0xFFFFFCE0 ss:$0x1], $0xffff;
	v42 =	vmul.f32 v32, v42  }
0x13c: {  	v2 =	vadd.f32 v2, v3;
	v3 =	vmul.f32 v12, v54;
	v12 =	vmul.f32 v57, v10;
	v10 =	vld [tilespmem:$0x1FF20]  }
0x13d: {  	v18 =	vld.idx.msk [tilespmem:v1+s18+$0xFFFFFA80 ss:$0x1], $0xffff  }
0x13e: {  	v36 =	vld.idx.msk [tilespmem:v1+s18+$0xFFFFFB60 ss:$0x1], $0xffff;
	v58 =	vmul.f32 v58, v13;
	v8 =	vadd.f32 v8, v42  }
0x13f: {  	v16 =	vld.idx.msk [tilespmem:v1+s18+$0xFFFFFD50 ss:$0x1], $0xffff  }
0x140: {  	v3 =	vadd.f32 v58, v3;
	v58 =	vld [tilespmem:$0x1FF40];
	v8 =	vadd.f32 v44, v8  }
0x141: {  	v54 =	vmul.f32 v10, v50;
	v10 =	vld [tilespmem:$0x1FFF0]  }
0x142: {  	(xrf2) =	vadd.scan.msk.f32 $0xffff, v4;
	v4 =	vadd.f32 v12, v8;
	v8 =	vld [tilespmem:$0x1FF30]  }
0x143: {  	v13 =	vld.idx.msk [tilespmem:v1+s18+$0xFFFFF9D0 ss:$0x1], $0xffff  }
0x144: {  	v6 =	vmul.f32 v6, v35;
	v35 =	vld.idx.msk [tilespmem:v0+s18+$0xFFFFF950 ss:$0x1], $0xffff  }
0x145: {  	v38 =	vld.idx.msk [tilespmem:v0+s18+$0xFFFFFAD0 ss:$0x1], $0xffff  }
0x146: {  	v32 =	vld.idx.msk [tilespmem:v1+s18+$0xFFFFFA50 ss:$0x1], $0xffff;
	v50 =	vadd.f32 v2, v10;
	v2 =	vmul.f32 v63, v62  }
0x147: {  	v62 =	vmul.f32 v58, v8;
	v8 =	vld [tilespmem:$0x1FF60]  }
0x148: {  	v2 =	vadd.f32 v6, v2;
	v6 =	vld [tilespmem:$0x1FF50]  }
0x149: {  	v15 =	vld.idx.msk [tilespmem:v1+s18+$0xFFFFFB00 ss:$0x1], $0xffff  }
0x14a: {  	v42 =	vld.idx.msk [tilespmem:v1+s18+$0xFFFFF870 ss:$0x1], $0xffff  }
0x14b: {  	v24 =	vmul.f32 v24, v36;
	v36 =	vld.idx.msk [tilespmem:v1+s18+$0xFFFFF850 ss:$0x1], $0xffff  }
0x14c: {  	v3 =	vadd.f32 v54, v3;
	v54 =	vld [tilespmem:$0x1FF80]  }
0x14d: {  	v63 =	vmul.f32 v8, v6;
	v8 =	vld [tilespmem:$0x1FF70]  }
0x14e: {  	v5 =	vld.idx.msk [tilespmem:v0+s18+$0xFFFFFAE0 ss:$0x1], $0xffff  }
0x14f: {  	v24 =	vadd.f32 v24, v43;
	v43 =	vld.idx.msk [tilespmem:v0+s18+$0xFFFFF860 ss:$0x1], $0xffff  }
0x150: {  	v41 =	vmul.f32 v38, v41;
	v38 =	vld.idx.msk [tilespmem:v0+s18+$0xFFFFF850 ss:$0x1], $0xffff  }
0x151: {  	v19 =	vld.idx.msk [tilespmem:v1+s18+$0xFFFFFBD0 ss:$0x1], $0xffff  }
0x152: {  	v55 =	vmul.f32 v54, v8;
	v8 =	vld [tilespmem:$0x1FF90]  }
0x153: {  	v21 =	vld.idx.msk [tilespmem:v1+s18+$0xFFFFFBE0 ss:$0x1], $0xffff  }
0x154: {  	v23 =	vld.idx.msk [tilespmem:v1+s18+$0xFFFFFA70 ss:$0x1], $0xffff;
	v3 =	vadd.f32 v62, v3  }
0x155: {  	v25 =	vld.idx.msk [tilespmem:v1+s18+$0xFFFFF900 ss:$0x1], $0xffff;
	(xrf2) =	vadd.scan.msk.f32 $0xffff, v4  }
0x156: {  	(xrf2) =	vadd.scan.msk.f32 $0xffff, v3;
	v3 =	vld [tilespmem:$0x1FFA0]  }
0x157: {  	v58 =	vmul.f32 v49, v8;
	v8 =	vld [tilespmem:$0x1FFB0]  }
0x158: {  	v45 =	vmul.f32 v45, v47;
	v40 =	vld.idx.msk [tilespmem:v0+s18+$0xFFFFF970 ss:$0x1], $0xffff;
	v4 =	vmul.f32 v46, v48  }
0x159: {  	v33 =	vld.idx.msk [tilespmem:v0+s18+$0xFFFFFA50 ss:$0x1], $0xffff  }
0x15a: {  	v53 =	vld.idx.msk [tilespmem:v0+s18+$0xFFFFF9E0 ss:$0x1], $0xffff;
	v4 =	vadd.f32 v45, v4  }
0x15b: {  	v44 =	vld.idx.msk [tilespmem:v0+s18+$0xFFFFF870 ss:$0x1], $0xffff;
	v2 =	vadd.f32 v63, v2  }
0x15c: {  	v4 =	vadd.f32 v58, v4;
	v3 =	vmul.f32 v8, v3;
	v8 =	vmul.f32 v5, v9;
	v5 =	vld [tilespmem:$0x1FFC0]  }
0x15d: {  	v2 =	vadd.f32 v55, v2;
	v9 =	vld [tilespmem:$0x1FFD0]  }
0x15e: {  	v57 =	vld.idx.msk [tilespmem:v0+s18+$0xFFFFF9D0 ss:$0x1], $0xffff;
	v3 =	vadd.f32 v3, v4  }
0x15f: {  	v10 =	vld.idx.msk [tilespmem:v1+s18+$0xFFFFF9E0 ss:$0x1], $0xffff;
	(xrf2) =	vadd.scan.msk.f32 $0xffff, v2  }
0x160: {  	v59 =	vmul.f32 v11, v59;
	(xrf2) =	vadd.scan.msk.f32 $0xffff, v3;
	v3 =	vld [tilespmem:$0x1FFE0]  }
0x161: {  	v6 =	vld.idx.msk [tilespmem:v1+s18+$0xFFFFF950 ss:$0x1], $0xffff;
	v4 =	vadd.f32 v8, v41;
	v8 =	vmul.f32 v60, v61  }
0x162: {  	v2 =	vadd.f32 v59, v24;
	v49 =	vld.idx.msk [tilespmem:v0+s18+$0xFFFFF960 ss:$0x1], $0xffff;
	v24 =	vmul.f32 v9, v5  }
0x163: {  	v5 =	vld.idx.msk [tilespmem:v1+s18+$0xFFFFF860 ss:$0x1], $0xffff  }
0x164: {  	v62 =	vmul.f32 v53, v10;
	v61 =	vmul.f32 v57, v13;
	v63 =	vadd.f32 v24, v2;
	v2 =	vld.idx.msk [tilespmem:v1+s18+$0xFFFFF8D0 ss:$0x1], $0xffff  }
0x165: {  	v41 =	vadd.f32 v8, v4;
	v8, _, _ =	vpop (xrf2);
	v46 =	vmul.f32 v3, v15;
	v3 =	vld.idx.msk [tilespmem:v0+s18+$0xFFFFF8D0 ss:$0x1], $0xffff  }
0x166: {  	s20 =	simm.s32 $0x4000;
	s19 =	smov.u32 s16;
	v47 =	vmul.f32 v7, v52;
	v45 =	vadd.f32 v62, v61;
	v4 =	vld.idx.msk [tilespmem:v1+s18+$0xFFFFF8E0 ss:$0x1], $0xffff;
	v24, _, _ =	vpop (xrf2);
	(xrf2) =	vadd.scan.msk.f32 $0xffff, v63  }
.LBB2_4:
0x167: {  	v48 =	vld.idx.msk [tilespmem:v0+s18+$0xFFFFF8E0 ss:$0x1], $0xffff;
	v6 =	vmul.f32 v35, v6;
	v61 =	vmul.f32 v49, v37  }
0x168: {  	v14 =	vld.idx.msk [tilespmem:v1+s18+$0xFFFFF8F0 ss:$0x1], $0xffff;
	v45 =	vadd.f32 v47, v45;
	v7 =	vmul.f32 v27, v56  }
0x169: {  	v27 =	vld.idx.msk [tilespmem:v0+s18+$0xFFFFF8F0 ss:$0x1], $0xffff;
	v49 =	vmul.f32 v40, v39;
	v36 =	vmul.f32 v38, v36;
	v6 =	vadd.f32 v61, v6  }
0x16a: {  	v53 =	vld.idx.msk [tilespmem:v0+s18+$0xFFFFFA60 ss:$0x1], $0xffff;
	v62 =	vadd.f32 v46, v41;
	v5 =	vmul.f32 v43, v5;
	v2 =	vmul.f32 v3, v2  }
0x16b: {  	v54 =	vld.idx.msk [tilespmem:v0+s18+$0xFFFFF900 ss:$0x1], $0xffff;
	v52 =	vadd.f32 v7, v45;
	v7 =	vmul.f32 v30, v28;
	v6 =	vadd.f32 v49, v6  }
0x16c: {  	v55 =	vld.idx.msk [tilespmem:v0+s18+$0xFFFFFA70 ss:$0x1], $0xffff;
	v3 =	vmul.f32 v48, v4;
	v5 =	vadd.f32 v5, v36;
	v30 =	vmul.f32 v44, v42  }
0x16d: {  	v29 =	vmul.f32 v31, v29;
	v4 =	vadd.f32 v7, v6;
	v6 =	vld.idx.msk [tilespmem:v0+s18+$0xFFFFFBE0 ss:$0x1], $0xffff  }
0x16e: {  	v63, _, _ =	vpop (xrf2);
	(xrf2) =	vadd.scan.msk.f32 $0xffff, v62;
	v2 =	vadd.f32 v3, v2;
	v5 =	vadd.f32 v30, v5;
	v3 =	vmul.f32 v27, v14  }
0x16f: {  	v26, _, _ =	vpop (xrf2);
	(xrf2) =	vadd.scan.msk.f32 $0xffff, v52;
	v27 =	vld.idx.msk [tilespmem:v0+s18+$0xFFFFFBF0 ss:$0x1], $0xffff  }
0x170: {  	v28, _, _ =	vpop (xrf2);
	v2 =	vadd.f32 v3, v2;
	v3 =	vmul.f32 v54, v25;
	(xrf2) =	vadd.scan.msk.f32 $0xffff, v4;
	v4 =	vadd.f32 v29, v5  }
0x171: {  	v30 =	vld.idx.msk [tilespmem:v0+s18+$0xFFFFFA80 ss:$0x1], $0xffff;
	v5 =	vmul.f32 v33, v32;
	v29 =	vmul.f32 v53, v34  }
0x172: {  	v56, _, _ =	vpop (xrf2);
	v2 =	vadd.f32 v3, v2;
	v3 =	vmul.f32 v20, v19;
	(xrf2) =	vadd.scan.msk.f32 $0xffff, v4;
	v4 =	vmul.f32 v6, v21  }
0x173: {  	v15 =	vld.idx.msk [tilespmem:v1+s18+$0xFFFFFFE0 ss:$0x1], $0xffff;
	v23 =	vmul.f32 v55, v23  }
0x174: {  	v31 =	vld.idx.msk [tilespmem:v0+s18+$0xFFFFFD60 ss:$0x1], $0xffff;
	v5 =	vadd.f32 v29, v5;
	v3 =	vadd.f32 v4, v3;
	v4 =	vmul.f32 v27, v17  }
0x175: {  	v25 =	vld.idx.msk [tilespmem:v0+s18+$0xFFFFFC00 ss:$0x1], $0xffff  }
0x176: {  	v18 =	vmul.f32 v30, v18;
	v5 =	vadd.f32 v23, v5;
	v3 =	vadd.f32 v4, v3;
	v4 =	vld [tilespmem:$0x1FEA0]  }
0x177: {  	v7 =	vld [tilespmem:$0x1FEC0]  }
0x178: {  	v20, _, _ =	vpop (xrf2);
	(xrf2) =	vadd.scan.msk.f32 $0xffff, v2;
	v2 =	vadd.f32 v18, v5;
	v5 =	vld [tilespmem:$0x1FEB0]  }
0x179: {  	v13 =	vld.idx.msk [tilespmem:v0+s18+$0xFFFFFFE0 ss:$0x1], $0xffff  }
0x17a: {  	v29 =	vld.idx.msk [tilespmem:v0+s18+$0xFFFFFD70 ss:$0x1], $0xffff  }
0x17b: {  	v6 =	vld.idx.msk [tilespmem:v0+s18+$0xFFFFFEE0 ss:$0x1], $0xffff;
	v4 =	vmul.f32 v25, v4  }
0x17c: {  	v14 =	vmul.f32 v31, v7;
	v7 =	vld [tilespmem:$0x1FE90]  }
0x17d: {  	v5 =	vmul.f32 v5, v16;
	v16, _, _ =	vpop (xrf2);
	(xrf2) =	vadd.scan.msk.f32 $0xffff, v2;
	v2 =	vadd.f32 v4, v3;
	v3 =	vld [tilespmem:$0x1FE70]  }
0x17e: {  	v4 =	vld [tilespmem:$0x1FE80]  }
0x17f: {  	v57 =	vld.idx.msk [tilespmem:v1+s18+$0xFFFFFFF0 ss:$0x1], $0xffff  }
0x180: {  	v19 =	vld.idx.msk [tilespmem:v0+s18+$0xFFFFFD80 ss:$0x1], $0xffff  }
0x181: {  	v12 =	vmul.f32 v29, v7;
	v7 =	vld [tilespmem:$0x1FD80]  }
0x182: {  	v10 =	vld.idx.msk [tilespmem:v1+s18+$0x0 ss:$0x1], $0xffff  }
0x183: {  	v11 =	vld.idx.msk [tilespmem:v0+s18+$0x0 ss:$0x1], $0xffff;
	v3 =	vmul.f32 v3, v51;
	v4 =	vmul.f32 v6, v4  }
0x184: {  	v17 =	vld.idx.msk [tilespmem:v0+s18+$0xFFFFFEF0 ss:$0x1], $0xffff;
	v5 =	vadd.f32 v14, v5  }
0x185: {  	v3 =	vadd.f32 v4, v3;
	v4 =	vld [tilespmem:$0x1FD60]  }
0x186: {  	s19 =	sadd.s32 $0x10, s19;
	v59 =	vld [tilespmem:$0x1FC80];
	v58 =	vmul.f32 v19, v7;
	v5 =	vadd.f32 v12, v5  }
0x187: {  	v19 =	vld [tilespmem:s19+$0x0]  }
0x188: {  	v9, _, _ =	vpop (xrf2);
	(xrf2) =	vadd.scan.msk.f32 $0xffff, v2;
	v2 =	vadd.f32 v58, v5;
	v5 =	vld [tilespmem:$0x1FC40]  }
0x189: {  	v6 =	vld.idx.msk [tilespmem:v0+s18+$0xFFFFFFF0 ss:$0x1], $0xffff;
	s18 =	sshra.s32 s20, $0x2  }
0x18a: {  	v33 =	vld.idx.msk [tilespmem:v1+s18+$0xFFFFFF80 ss:$0x1], $0xffff;
	v4 =	vmul.f32 v17, v4  }
0x18b: {  	v34 =	vld.idx.msk [tilespmem:v0+s18+$0xFFFFFF80 ss:$0x1], $0xffff  }
0x18c: {  	v3 =	vadd.f32 v4, v3;
	v4 =	vld [tilespmem:$0x1FC70]  }
0x18d: {  	v7, _, _ =	vpop (xrf2);
	(xrf2) =	vadd.scan.msk.f32 $0xffff, v2;
	v2 =	vld.idx.msk [tilespmem:v1+s18+$0xFFFFFF00 ss:$0x1], $0xffff  }
0x18e: {  	v61 =	vbroadcast v7, $0xF;
	v7 =	vld.idx.msk [tilespmem:v1+s18+$0xFFFFFFD0 ss:$0x1], $0xffff  }
0x18f: {  	v32 =	vld.idx.msk [tilespmem:v1+s18+$0xFFFFFF70 ss:$0x1], $0xffff  }
0x190: {  	v40 =	vld.idx.msk [tilespmem:v0+s18+$0xFFFFFF70 ss:$0x1], $0xffff;
	v17 =	vmul.f32 v5, v22  }
0x191: {  	v60 =	vmul.f32 v13, v15;
	v42 =	vld.idx.msk [tilespmem:v1+s18+$0xFFFFFE70 ss:$0x1], $0xffff;
	v4 =	vmul.f32 v59, v4  }
0x192: {  	v44 =	vld.idx.msk [tilespmem:v0+s18+$0xFFFFFE70 ss:$0x1], $0xffff;
	[tilespmem:$0x1FB10] =	vst v2;
	v2 =	vadd.f32 v17, v3  }
0x193: {  	v39 =	vld.idx.msk [tilespmem:v1+s18+$0xFFFFFF50 ss:$0x1], $0xffff;
	v3 =	vadd.f32 v60, v4;
	v4 =	vmul.f32 v6, v57  }
0x194: {  	v5, _, _ =	vpop (xrf2);
	(xrf2) =	vadd.scan.msk.f32 $0xffff, v2;
	v2 =	vld.idx.msk [tilespmem:v0+s18+$0xFFFFFFD0 ss:$0x1], $0xffff  }
0x195: {  	v6 =	vld.idx.msk [tilespmem:v0+s18+$0xFFFFFF00 ss:$0x1], $0xffff;
	v3 =	vadd.f32 v4, v3;
	v4 =	vmul.f32 v11, v10  }
0x196: {  	v52 =	vld.idx.msk [tilespmem:v0+s18+$0xFFFFFF50 ss:$0x1], $0xffff  }
0x197: {  	v3 =	vadd.f32 v4, v3;
	v4 =	vld.idx.msk [tilespmem:v0+s18+$0xFFFFFE80 ss:$0x1], $0xffff  }
0x198: {  	v54 =	vld.idx.msk [tilespmem:v1+s18+$0xFFFFFF60 ss:$0x1], $0xffff;
	v5 =	vbroadcast v5, $0xF;
	[tilespmem:$0x1FC70] =	vst v7  }
0x199: {  	v49 =	vld.idx.msk [tilespmem:v1+s18+$0xFFFFFDF0 ss:$0x1], $0xffff;
	v7 =	vbroadcast v9, $0xF;
	[tilespmem:$0x1FC80] =	vst v2  }
0x19a: {  	v45 =	vld.idx.msk [tilespmem:v0+s18+$0xFFFFFDF0 ss:$0x1], $0xffff;
	v2 =	vsel vm0, v61, v5;
	v5 =	vbroadcast v16, $0xF;
	[tilespmem:$0x1FC40] =	vst v6;
	v6, _, _ =	vpop (xrf2)  }
0x19b: {  	v62 =	vld.idx.msk [tilespmem:v0+s18+$0xFFFFFE50 ss:$0x1], $0xffff;
	v2 =	vsel vm1, v2, v7;
	v7 =	vbroadcast v6, $0xF  }
0x19c: {  	v43 =	vld.idx.msk [tilespmem:v1+s18+$0xFFFFFCF0 ss:$0x1], $0xffff;
	v2 =	vsel vm2, v2, v5;
	[tilespmem:$0x1FAA0] =	vst v4;
	v4 =	vbroadcast v20, $0xF  }
0x19d: {  	v41 =	vld.idx.msk [tilespmem:v0+s18+$0xFFFFFCF0 ss:$0x1], $0xffff;
	v5 =	vbroadcast v56, $0xF;
	v2 =	vsel vm3, v2, v7  }
0x19e: {  	v2 =	vsel vm4, v2, v4;
	v4 =	vld.idx.msk [tilespmem:v1+s18+$0xFFFFFE00 ss:$0x1], $0xffff  }
0x19f: {  	v2 =	vsel vm5, v2, v5;
	v5 =	vld.idx.msk [tilespmem:v0+s18+$0xFFFFFE00 ss:$0x1], $0xffff  }
0x1a0: {  	v47 =	vld.idx.msk [tilespmem:v0+s18+$0xFFFFFB80 ss:$0x1], $0xffff  }
0x1a1: {  	v38 =	vld.idx.msk [tilespmem:v1+s18+$0xFFFFFC70 ss:$0x1], $0xffff;
	v6, _, _ =	vpop (xrf2)  }
0x1a2: {  	v37 =	vld.idx.msk [tilespmem:v0+s18+$0xFFFFFC70 ss:$0x1], $0xffff;
	(xrf2) =	vadd.scan.msk.f32 $0xffff, v3;
	v3 =	vbroadcast v6, $0xF  }
0x1a3: {  	v35 =	vld.idx.msk [tilespmem:v1+s18+$0xFFFFFD50 ss:$0x1], $0xffff;
	[tilespmem:$0x1FAB0] =	vst v4;
	v4 =	vbroadcast v28, $0xF  }
0x1a4: {  	v46 =	vld.idx.msk [tilespmem:v0+s18+$0xFFFFFB00 ss:$0x1], $0xffff;
	v2 =	vsel vm6, v2, v3;
	[tilespmem:$0x1FAC0] =	vst v5;
	v5, _, _ =	vpop (xrf2)  }
0x1a5: {  	v2 =	vsel vm7, v2, v4;
	v4 =	vbroadcast v5, $0xF;
	v5 =	vld.idx.msk [tilespmem:v1+s18+$0xFFFFFD80 ss:$0x1], $0xffff  }
0x1a6: {  	v36 =	vld.idx.msk [tilespmem:v1+s18+$0xFFFFFBF0 ss:$0x1], $0xffff  }
0x1a7: {  	v12 =	vld.idx.msk [tilespmem:v0+s18+$0xFFFFFCE0 ss:$0x1], $0xffff;
	v3 =	vbroadcast v26, $0xF  }
0x1a8: {  	v58 =	vld.idx.msk [tilespmem:v1+s18+$0xFFFFFB70 ss:$0x1], $0xffff  }
0x1a9: {  	v13 =	vld.idx.msk [tilespmem:v1+s18+$0xFFFFFC50 ss:$0x1], $0xffff;
	v2 =	vsel vm8, v2, v3;
	v3 =	vbroadcast v63, $0xF  }
0x1aa: {  	v14 =	vld.idx.msk [tilespmem:v0+s18+$0xFFFFFC50 ss:$0x1], $0xffff;
	v2 =	vsel vm9, v2, v4;
	v4 =	vbroadcast v24, $0xF;
	[tilespmem:$0x1FD80] =	vst v5;
	v5, _, _ =	vpop (xrf2)  }
0x1ab: {  	v15 =	vld.idx.msk [tilespmem:v1+s18+$0xFFFFFC60 ss:$0x1], $0xffff;
	v2 =	vsel vm10, v2, v3;
	v5 =	vbroadcast v5, $0xF  }
0x1ac: {  	v27 =	vld.idx.msk [tilespmem:v0+s18+$0xFFFFFA00 ss:$0x1], $0xffff;
	v2 =	vsel vm11, v2, v4;
	v4 =	vbroadcast v8, $0xF  }
0x1ad: {  	v48 =	vld.idx.msk [tilespmem:v0+s18+$0xFFFFFBD0 ss:$0x1], $0xffff;
	v2 =	vsel vm12, v2, v5  }
0x1ae: {  	v53 =	vld.idx.msk [tilespmem:v1+s18+$0xFFFFFBE0 ss:$0x1], $0xffff;
	v3, _, _ =	vpop (xrf2);
	v2 =	vsel vm13, v2, v4  }
0x1af: {  	v20 =	vsel vm14, v2, v3;
	v2 =	vld.idx.msk [tilespmem:v1+s18+$0xFFFFFD00 ss:$0x1], $0xffff  }
0x1b0: {  	v30 =	vld.idx.msk [tilespmem:v0+s18+$0xFFFFF980 ss:$0x1], $0xffff  }
0x1b1: {  	v55 =	vld.idx.msk [tilespmem:v1+s18+$0xFFFFFA70 ss:$0x1], $0xffff  }
0x1b2: {  	v29 =	vld.idx.msk [tilespmem:v1+s18+$0xFFFFF880 ss:$0x1], $0xffff  }
0x1b3: {  	v31 =	vld.idx.msk [tilespmem:v0+s18+$0xFFFFF880 ss:$0x1], $0xffff  }
0x1b4: {  	v51 =	vld.idx.msk [tilespmem:v0+s18+$0xFFFFF9F0 ss:$0x1], $0xffff;
	[tilespmem:$0x1FAD0] =	vst v2;
	v2 =	vand.u32 $0x7FFFFFFF, v20  }
0x1b5: {  	v9 =	vld.idx.msk [tilespmem:v1+s18+$0xFFFFFE80 ss:$0x1], $0xffff;
	v2 =	vsub.f32 $0.0e+00, v2  }
0x1b6: {  	v52 =	vmul.f32 v52, v39;
	v39 =	vld.idx.msk [tilespmem:v1+s18+$0xFFFFF970 ss:$0x1], $0xffff  }
0x1b7: {  	v44 =	vmul.f32 v44, v42;
	v42 =	vld.idx.msk [tilespmem:v1+s18+$0xFFFFF870 ss:$0x1], $0xffff;
	v2 =	vmul.f32 $1.442695020e+00, v2  }
0x1b8: {  	v22 =	vld.idx.msk [tilespmem:v1+s18+$0xFFFFFAE0 ss:$0x1], $0xffff  }
0x1b9: {  	(erf) = vpow2.f32 v2;
	v2 =	vld.idx.msk [tilespmem:v1+s18+$0xFFFFFEE0 ss:$0x1], $0xffff  }
0x1ba: {  	[tilespmem:$0x1FA90] =	vst v9;
	v9 =	vld.idx.msk [tilespmem:v1+s18+$0xFFFFFCD0 ss:$0x1], $0xffff  }
0x1bb: {  	v59 =	vld.idx.msk [tilespmem:v0+s18+$0xFFFFFB70 ss:$0x1], $0xffff  }
0x1bc: {  	v57 =	vld.idx.msk [tilespmem:v0+s18+$0xFFFFFF60 ss:$0x1], $0xffff  }
0x1bd: {  	v60 =	vld.idx.msk [tilespmem:v1+s18+$0xFFFFFE50 ss:$0x1], $0xffff  }
0x1be: {  	[tilespmem:$0x1FE80] =	vst v2;
	v2 =	vld.idx.msk [tilespmem:v1+s18+$0xFFFFFC80 ss:$0x1], $0xffff  }
0x1bf: {  	v10 =	vld.idx.msk [tilespmem:v0+s18+$0xFFFFFCD0 ss:$0x1], $0xffff  }
0x1c0: {  	v11 =	vld.idx.msk [tilespmem:v1+s18+$0xFFFFFCE0 ss:$0x1], $0xffff  }
0x1c1: {  	v16 =	vld.idx.msk [tilespmem:v0+s18+$0xFFFFFC60 ss:$0x1], $0xffff  }
0x1c2: {  	v61 =	vld.idx.msk [tilespmem:v1+s18+$0xFFFFFAF0 ss:$0x1], $0xffff  }
0x1c3: {  	[tilespmem:$0x1FAF0] =	vst v2;
	v2 =	vld.idx.msk [tilespmem:v0+s18+$0xFFFFFC80 ss:$0x1], $0xffff  }
0x1c4: {  	v56 =	vld.idx.msk [tilespmem:v1+s18+$0xFFFFFA00 ss:$0x1], $0xffff  }
0x1c5: {  	v54 =	vmul.f32 v57, v54;
	v57 =	vld.idx.msk [tilespmem:v0+s18+$0xFFFFFAE0 ss:$0x1], $0xffff  }
0x1c6: {  	v60 =	vmul.f32 v62, v60;
	v62 =	vmul.f32 v34, v33;
	v33 =	vld.idx.msk [tilespmem:v0+s18+$0xFFFFFA50 ss:$0x1], $0xffff  }
0x1c7: {  	v3 =	vld.idx.msk [tilespmem:v0+s18+$0xFFFFFD00 ss:$0x1], $0xffff  }
0x1c8: {  	[tilespmem:$0x1FB00] =	vst v2;
	v2 =	vld.idx.msk [tilespmem:v1+s18+$0xFFFFFD70 ss:$0x1], $0xffff  }
0x1c9: {  	v34 =	vld.idx.msk [tilespmem:v1+s18+$0xFFFFFA60 ss:$0x1], $0xffff  }
0x1ca: {  	v6 =	vld.idx.msk [tilespmem:v1+s18+$0xFFFFFEF0 ss:$0x1], $0xffff  }
0x1cb: {  	v52 =	vadd.f32 v54, v52;
	v54 =	vmul.f32 v40, v32;
	v40 =	vld.idx.msk [tilespmem:v0+s18+$0xFFFFF970 ss:$0x1], $0xffff  }
0x1cc: {  	[tilespmem:$0x1FAE0] =	vst v3;
	v3 =	vld.idx.msk [tilespmem:v1+s18+$0xFFFFFED0 ss:$0x1], $0xffff  }
0x1cd: {  	[tilespmem:$0x1FE90] =	vst v2;
	v2 =	vld.idx.msk [tilespmem:v1+s18+$0xFFFFFC00 ss:$0x1], $0xffff  }
0x1ce: {  	v32 =	vld.idx.msk [tilespmem:v1+s18+$0xFFFFFA50 ss:$0x1], $0xffff  }
0x1cf: {  	v7 =	vld.idx.msk [tilespmem:v0+s18+$0xFFFFFDE0 ss:$0x1], $0xffff  }
0x1d0: {  	[tilespmem:$0x1FD60] =	vst v6;
	v8 =	vld.idx.msk [tilespmem:v1+s18+$0xFFFFFB80 ss:$0x1], $0xffff  }
0x1d1: {  	[tilespmem:$0x1FB40] =	vst v3;
	v3 =	vld.idx.msk [tilespmem:v0+s18+$0xFFFFFED0 ss:$0x1], $0xffff  }
0x1d2: {  	v6 =	vld.idx.msk [tilespmem:v1+s18+$0xFFFFFDE0 ss:$0x1], $0xffff;
	[tilespmem:$0x1FEA0] =	vst v2;
	v2 =	vpop (erf)  }
0x1d3: {  	v26 =	vld.idx.msk [tilespmem:v1+s18+$0xFFFFFBD0 ss:$0x1], $0xffff;
	v5 =	vadd.f32 $2.000000000e+00, v2  }
0x1d4: {  	v63 =	vld.idx.msk [tilespmem:v1+s18+$0xFFFFFE60 ss:$0x1], $0xffff  }
0x1d5: {  	[tilespmem:$0x1FB20] =	vst v8;
	v8 =	vld.idx.msk [tilespmem:v0+s18+$0xFFFFFD50 ss:$0x1], $0xffff;
	(erf) = vrcp.f32 v5  }
0x1d6: {  	[tilespmem:$0x1FE70] =	vst v3;
	v3 =	vld.idx.msk [tilespmem:v1+s18+$0xFFFFFDD0 ss:$0x1], $0xffff  }
0x1d7: {  	v5 =	vld.idx.msk [tilespmem:v0+s18+$0xFFFFFDD0 ss:$0x1], $0xffff  }
0x1d8: {  	v4 =	vld.idx.msk [tilespmem:v0+s18+$0xFFFFFE60 ss:$0x1], $0xffff  }
0x1d9: {  	v24 =	vld.idx.msk [tilespmem:v1+s18+$0xFFFFFA80 ss:$0x1], $0xffff;
	v25 =	vmul.f32 v20, v19  }
0x1da: {  	v52 =	vadd.f32 v54, v52;
	v28 =	vmax.f32 v20, $0.0e+00;
	v19 =	vld.idx.msk [tilespmem:v0+s18+$0xFFFFFB60 ss:$0x1], $0xffff  }
0x1db: {  	v25 =	vsub.f32 v28, v25;
	v28 =	vld.idx.msk [tilespmem:v1+s18+$0xFFFFF980 ss:$0x1], $0xffff;
	[tilespmem:$0x1FEB0] =	vst v8  }
0x1dc: {  	v8 =	vld.idx.msk [tilespmem:v1+s18+$0xFFFFFD60 ss:$0x1], $0xffff;
	v3 =	vmul.f32 v5, v3;
	v5 =	vmul.f32 v7, v6;
	v6 =	vadd.f32 v62, v52  }
0x1dd: {  	v4 =	vmul.f32 v4, v63;
	v63 =	vld [tilespmem:$0x1FAA0]  }
0x1de: {  	v3 =	vadd.f32 v5, v3;
	v5 =	vmul.f32 v45, v49;
	(xrf2) =	vadd.scan.msk.f32 $0xffff, v6;
	v6 =	vmul.f32 v10, v9;
	v10 =	vld [tilespmem:$0x1FAC0];
	v17 =	vpop (erf)  }
0x1df: {  	v21 =	vmul.f32 v17, v2;
	v2 =	vld.idx.msk [tilespmem:v1+s18+$0xFFFFFB00 ss:$0x1], $0xffff  }
0x1e0: {  	v3 =	vadd.f32 v5, v3;
	v5 =	vld [tilespmem:$0x1FAB0]  }
0x1e1: {  	v20 =	vld.idx.msk [tilespmem:v1+s18+$0xFFFFF9F0 ss:$0x1], $0xffff;
	v4 =	vadd.f32 v4, v60  }
0x1e2: {  	v60 =	vmul.f32 v57, v22;
	v22 =	vld [tilespmem:$0x1FB10]  }
0x1e3: {  	v4 =	vadd.f32 v44, v4;
	v44 =	vld.idx.msk [tilespmem:v0+s18+$0xFFFFF870 ss:$0x1], $0xffff;
	[tilespmem:$0x1FEC0] =	vst v8;
	v9 =	vmul.f32 v12, v11  }
0x1e4: {  	v8 =	vld.idx.msk [tilespmem:v0+s18+$0xFFFFFB50 ss:$0x1], $0xffff;
	[tilespmem:$0x1FB30] =	vst v2;
	v2 =	vmul.f32 v21, v21  }
0x1e5: {  	v54 =	vld [tilespmem:$0x1FB00];
	v11 =	vmul.f32 v41, v43;
	v9 =	vadd.f32 v9, v6;
	v5 =	vmul.f32 v10, v5  }
0x1e6: {  	v7 =	vld [tilespmem:$0x1FA90];
	v18 =	vmul.f32 $1.111111120e-01, v2  }
0x1e7: {  	v3 =	vadd.f32 v5, v3;
	v5 =	vadd.f32 v11, v9;
	v9 =	vld [tilespmem:$0x1FAD0]  }
0x1e8: {  	v11 =	vld [tilespmem:$0x1FAE0];
	v23 =	vadd.f32 $1.428571490e-01, v18  }
0x1e9: {  	v52 =	vld.idx.msk [tilespmem:v1+s18+$0xFFFFF9D0 ss:$0x1], $0xffff  }
0x1ea: {  	v43 =	vmul.f32 v16, v15;
	v16 =	vmov v35;
	v35 =	vld.idx.msk [tilespmem:v0+s18+$0xFFFFF950 ss:$0x1], $0xffff;
	v23 =	vmul.f32 v23, v2  }
0x1eb: {  	v41 =	vmul.f32 v14, v13;
	v45 =	vmul.f32 v37, v38;
	v37 =	vld.idx.msk [tilespmem:v1+s18+$0xFFFFF960 ss:$0x1], $0xffff  }
0x1ec: {  	v49 =	vld.idx.msk [tilespmem:v0+s18+$0xFFFFF960 ss:$0x1], $0xffff;
	v23 =	vadd.f32 $2.000000030e-01, v23  }
0x1ed: {  	v38 =	vld.idx.msk [tilespmem:v0+s18+$0xFFFFF850 ss:$0x1], $0xffff;
	v9 =	vmul.f32 v11, v9;
	v11 =	vadd.f32 v43, v41  }
0x1ee: {  	v6 =	vld.idx.msk [tilespmem:v1+s18+$0xFFFFF950 ss:$0x1], $0xffff;
	v23 =	vmul.f32 v23, v2  }
0x1ef: {  	v7 =	vmul.f32 v63, v7;
	v5 =	vadd.f32 v9, v5;
	v9 =	vadd.f32 v45, v11;
	v11 =	vld [tilespmem:$0x1FAF0]  }
0x1f0: {  	v17 =	vld.idx.msk [tilespmem:v1+s18+$0xFFFFFB50 ss:$0x1], $0xffff;
	v23 =	vadd.f32 $3.333333430e-01, v23  }
0x1f1: {  	v4 =	vadd.f32 v7, v4;
	v7 =	vld.idx.msk [tilespmem:v0+s18+$0xFFFFF9D0 ss:$0x1], $0xffff  }
0x1f2: {  	v10 =	vld.idx.msk [tilespmem:v1+s18+$0xFFFFF9E0 ss:$0x1], $0xffff;
	v23 =	vmul.f32 v23, v2  }
0x1f3: {  	(xrf2) =	vadd.scan.msk.f32 $0xffff, v4;
	v4 =	vld.idx.msk [tilespmem:v0+s18+$0xFFFFF9E0 ss:$0x1], $0xffff  }
0x1f4: {  	v21 =	vadd.f32 v21, v21;
	v18 =	vld.idx.msk [tilespmem:v1+s18+$0xFFFFFB60 ss:$0x1], $0xffff;
	v11 =	vmul.f32 v54, v11;
	v23 =	vadd.f32 $1.000000000e+00, v23  }
0x1f5: {  	v2 =	vld.idx.msk [tilespmem:v0+s18+$0xFFFFFAF0 ss:$0x1], $0xffff  }
0x1f6: {  	v9 =	vadd.f32 v11, v9;
	v11 =	vld [tilespmem:$0x1FB20];
	v23 =	vmul.f32 v23, v21  }
0x1f7: {  	v21 =	vld.idx.msk [tilespmem:v1+s18+$0xFFFFFAD0 ss:$0x1], $0xffff  }
0x1f8: {  	v25 =	vadd.f32 v23, v25;
	v23 =	vld.idx.msk [tilespmem:v0+s18+$0xFFFFFAD0 ss:$0x1], $0xffff  }
0x1f9: {  	(xrf2) =	vadd.scan.msk.f32 $0xffff, v3;
	v3 =	vmul.f32 v8, v17;
	v17 =	vmov v36;
	v36 =	vld.idx.msk [tilespmem:v1+s18+$0xFFFFF850 ss:$0x1], $0xffff;
	v15 =	vmul.f32 v19, v18  }
0x1fa: {  	v43 =	vld.idx.msk [tilespmem:v0+s18+$0xFFFFF860 ss:$0x1], $0xffff;
	(xrf2) =	vadd.scan.msk.f32 $0xffff, v5  }
0x1fb: {  	v58 =	vmul.f32 v59, v58;
	v8, _, _ =	vpop (xrf2);
	v3 =	vadd.f32 v15, v3;
	(xrf2) =	vadd.scan.msk.f32 $0xffff, v9;
	v9 =	vmul.f32 v4, v10;
	v4 =	vld [tilespmem:$0x1FB30]  }
0x1fc: {  	p0 =	seq.s32 s20, $0x6000;
	v5 =	vld.idx.msk [tilespmem:v1+s18+$0xFFFFF860 ss:$0x1], $0xffff;
	v63 =	vmul.f32 v2, v61  }
.Ltmp0:
0x1fd: {  	v3 =	vadd.f32 v58, v3;
	v2 =	vld.idx.msk [tilespmem:v1+s18+$0xFFFFF8D0 ss:$0x1], $0xffff;
	v11 =	vmul.f32 v47, v11;
	v59 =	vmul.f32 v23, v21;
	(pc) =	sbr.rel @!p0 .LBB2_4-.Ltmp0, $4  }
0x1fe: {  	v7 =	vmul.f32 v7, v52;
	v47 =	vmul.f32 v51, v20;
	v51 =	vld [tilespmem:$0x1FB40];
	v50 =	vadd.f32 v25, v50  }
0x1ff: {  	v19 =	vmov v26;
	v25 =	vld.idx.msk [tilespmem:v1+s18+$0xFFFFF900 ss:$0x1], $0xffff;
	v10 =	vadd.f32 v11, v3;
	v62 =	vadd.f32 v60, v59  }
0x200: {  	v18 =	vmov v24;
	v24, _, _ =	vpop (xrf2);
	v45 =	vadd.f32 v9, v7;
	v3 =	vld.idx.msk [tilespmem:v0+s18+$0xFFFFF8D0 ss:$0x1], $0xffff;
	v46 =	vmul.f32 v46, v4  }
0x201: {  	s20 =	sadd.s32 $0x2000, s20;
	v20 =	vmovc v48;
	v4 =	vld.idx.msk [tilespmem:v1+s18+$0xFFFFF8E0 ss:$0x1], $0xffff;
	(xrf2) =	vadd.scan.msk.f32 $0xffff, v10;
	v23 =	vmov v55;
	v21 =	vmov v53;
	v41 =	vadd.f32 v63, v62  }
0x202: {  	_ =	sdelay $0x3  }
0x203: {  	v7 =	vld.idx.msk [tilespmem:v0+s18+$0xFFFFF8E0 ss:$0x1], $0xffff  }
0x204: {  	v11 =	vld.idx.msk [tilespmem:v1+s18+$0xFFFFF8F0 ss:$0x1], $0xffff  }
0x205: {  	v14 =	vld.idx.msk [tilespmem:v0+s18+$0xFFFFF8F0 ss:$0x1], $0xffff  }
0x206: {  	v15 =	vld.idx.msk [tilespmem:v0+s18+$0xFFFFFA60 ss:$0x1], $0xffff  }
0x207: {  	v63 =	vld.idx.msk [tilespmem:v0+s18+$0xFFFFF900 ss:$0x1], $0xffff  }
0x208: {  	v13 =	vmul.f32 v27, v56;
	v27 =	vld.idx.msk [tilespmem:v0+s18+$0xFFFFFA70 ss:$0x1], $0xffff  }
0x209: {  	v6 =	vmul.f32 v35, v6;
	v35 =	vld.idx.msk [tilespmem:v0+s18+$0xFFFFFBE0 ss:$0x1], $0xffff  }
0x20a: {  	v9 =	vmul.f32 v49, v37;
	v37 =	vld.idx.msk [tilespmem:v0+s18+$0xFFFFFA80 ss:$0x1], $0xffff  }
0x20b: {  	v61 =	vmul.f32 v40, v39;
	v39 =	vld.idx.msk [tilespmem:v0+s18+$0xFFFFFBF0 ss:$0x1], $0xffff  }
0x20c: {  	v26 =	vmul.f32 v30, v28;
	v30 =	vmul.f32 v44, v42;
	v42 =	vld.idx.msk [tilespmem:v0+s18+$0xFFFFFD60 ss:$0x1], $0xffff  }
0x20d: {  	v44 =	vld.idx.msk [tilespmem:v0+s18+$0xFFFFFC00 ss:$0x1], $0xffff  }
0x20e: {  	v12 =	vadd.f32 v47, v45;
	v45 =	vld.idx.msk [tilespmem:v0+s18+$0xFFFFFD70 ss:$0x1], $0xffff  }
0x20f: {  	v47 =	vld.idx.msk [tilespmem:v0+s18+$0xFFFFFEE0 ss:$0x1], $0xffff  }
0x210: {  	v49 =	vld.idx.msk [tilespmem:v0+s18+$0xFFFFFD80 ss:$0x1], $0xffff  }
0x211: {  	v62 =	vmul.f32 v38, v36;
	v5 =	vmul.f32 v43, v5;
	v52 =	vld.idx.msk [tilespmem:v0+s18+$0xFFFFFEF0 ss:$0x1], $0xffff  }
0x212: {  	v36 =	vmul.f32 v31, v29;
	v40 =	vmul.f32 v33, v32;
	v54 =	vld [tilespmem:$0x1FEB0]  }
0x213: {  	v55 =	vld [tilespmem:$0x1FEC0];
	v6 =	vadd.f32 v9, v6;
	v2 =	vmul.f32 v3, v2;
	v28 =	vmul.f32 v7, v4  }
0x214: {  	v57 =	vld.idx.msk [tilespmem:v1+s18+$0xFFFFFFE0 ss:$0x1], $0xffff;
	v10 =	vadd.f32 v46, v41;
	v46 =	vmul.f32 v20, v19;
	v5 =	vadd.f32 v5, v62  }
0x215: {  	v58 =	vld [tilespmem:$0x1FEA0];
	v6 =	vadd.f32 v61, v6;
	v38 =	vmul.f32 v14, v11;
	v2 =	vadd.f32 v28, v2  }
0x216: {  	v60 =	vld.idx.msk [tilespmem:v0+s18+$0xFFFFFFE0 ss:$0x1], $0xffff;
	v12 =	vadd.f32 v13, v12;
	v4 =	vadd.f32 v30, v5;
	v41 =	vmul.f32 v15, v34  }
0x217: {  	v29 =	vld [tilespmem:$0x1FD60];
	(xrf2) =	vadd.scan.msk.f32 $0xffff, v10;
	v43 =	vmul.f32 v63, v25;
	v6 =	vadd.f32 v26, v6;
	v2 =	vadd.f32 v38, v2  }
0x218: {  	v20 =	vld [tilespmem:$0x1FE70];
	(xrf2) =	vadd.scan.msk.f32 $0xffff, v12;
	v10 =	vmul.f32 v27, v23;
	v4 =	vadd.f32 v36, v4;
	v11 =	vadd.f32 v41, v40  }
0x219: {  	v61 =	vld [tilespmem:$0x1FE90];
	v7 =	vmul.f32 v35, v21;
	(xrf2) =	vadd.scan.msk.f32 $0xffff, v6;
	v2 =	vadd.f32 v43, v2  }
0x21a: {  	v48 =	vmul.f32 v37, v18;
	v21 =	vld [tilespmem:$0x1FE80];
	(xrf2) =	vadd.scan.msk.f32 $0xffff, v4;
	v10 =	vadd.f32 v10, v11  }
0x21b: {  	v5 =	vmul.f32 v39, v17;
	v26 =	vld [tilespmem:$0x1FD80];
	v3 =	vadd.f32 v7, v46;
	(xrf2) =	vadd.scan.msk.f32 $0xffff, v2  }
0x21c: {  	v33 =	vld [tilespmem:$0x1FC40];
	v6 =	vmul.f32 v42, v55;
	v53 =	vadd.f32 v48, v10;
	v10 =	vmul.f32 v54, v16  }
0x21d: {  	v56, _, _ =	vpop (xrf2);
	v35 =	vld [tilespmem:$0x1FC70];
	v3 =	vadd.f32 v5, v3;
	v5 =	vmul.f32 v44, v58  }
0x21e: {  	v59, _, _ =	vpop (xrf2);
	v36 =	vld [tilespmem:$0x1FC80];
	v6 =	vadd.f32 v6, v10;
	v10 =	vmul.f32 v45, v61;
	(xrf2) =	vadd.scan.msk.f32 $0xffff, v53  }
0x21f: {  	v62, _, _ =	vpop (xrf2);
	v63 =	vld.idx.msk [tilespmem:v1+s18+$0xFFFFFFF0 ss:$0x1], $0xffff;
	v4 =	vmul.f32 v47, v21;
	v3 =	vadd.f32 v5, v3;
	v5 =	vmul.f32 v20, v51  }
0x220: {  	v25 =	vld.idx.msk [tilespmem:v0+s18+$0xFFFFFFF0 ss:$0x1], $0xffff;
	v23, _, _ =	vpop (xrf2);
	v6 =	vadd.f32 v10, v6;
	v10 =	vmul.f32 v49, v26  }
0x221: {  	v31 =	vld.idx.msk [tilespmem:v0+s18+$0x0 ss:$0x1], $0xffff;
	v27, _, _ =	vpop (xrf2);
	v4 =	vadd.f32 v4, v5;
	v2 =	vmul.f32 v52, v29;
	(xrf2) =	vadd.scan.msk.f32 $0xffff, v3  }
0x222: {  	v14 =	vmul.f32 v60, v57;
	v28 =	vld.idx.msk [tilespmem:v1+s18+$0x0 ss:$0x1], $0xffff;
	v30, _, _ =	vpop (xrf2);
	v32 =	vadd.f32 v10, v6  }
0x223: {  	v2 =	vadd.f32 v2, v4;
	v4 =	vmul.f32 v36, v35;
	v6 =	vmul.f32 v33, v22;
	v34, _, _ =	vpop (xrf2)  }
0x224: {  	v37, _, _ =	vpop (xrf2);
	(xrf2) =	vadd.scan.msk.f32 $0xffff, v32  }
0x225: {  	v38 =	vmul.f32 v25, v63;
	v4 =	vadd.f32 v14, v4;
	v2 =	vadd.f32 v6, v2;
	v39, _, _ =	vpop (xrf2)  }
0x226: {  	v40 =	vbroadcast v37, $0xF;
	v6 =	vbroadcast v39, $0xF  }
0x227: {  	v0 =	vmul.f32 v31, v28;
	v10 =	vbroadcast v34, $0xF;
	v4 =	vadd.f32 v38, v4;
	(xrf2) =	vadd.scan.msk.f32 $0xffff, v2  }
0x228: {  	v42 =	vbroadcast v30, $0xF;
	v43, _, _ =	vpop (xrf2);
	v41 =	vsel vm0, v40, v6  }
0x229: {  	v0 =	vadd.f32 v0, v4;
	v3 =	vbroadcast v43, $0xF;
	v1 =	vsel vm1, v41, v10  }
0x22a: {  	v44 =	vbroadcast v27, $0xF;
	v1 =	vsel vm2, v1, v42  }
0x22b: {  	v45 =	vbroadcast v23, $0xF;
	(xrf2) =	vadd.scan.msk.f32 $0xffff, v0;
	v46, _, _ =	vpop (xrf2);
	v1 =	vsel vm3, v1, v3  }
0x22c: {  	v48 =	vbroadcast v46, $0xF;
	v47 =	vsel vm4, v1, v44  }
0x22d: {  	v49 =	vbroadcast v62, $0xF;
	v0 =	vsel vm5, v47, v45  }
0x22e: {  	v51 =	vbroadcast v59, $0xF;
	v52, _, _ =	vpop (xrf2);
	v0 =	vsel vm6, v0, v48  }
0x22f: {  	v53 =	vbroadcast v52, $0xF;
	v0 =	vsel vm7, v0, v49  }
0x230: {  	v54 =	vbroadcast v56, $0xF;
	v0 =	vsel vm8, v0, v51  }
0x231: {  	v55 =	vbroadcast v24, $0xF;
	v56, _, _ =	vpop (xrf2);
	v0 =	vsel vm9, v0, v53  }
0x232: {  	v57 =	vbroadcast v56, $0xF;
	v0 =	vsel vm10, v0, v54  }
0x233: {  	v58 =	vbroadcast v8, $0xF;
	v0 =	vsel vm11, v0, v55  }
0x234: {  	v0 =	vsel vm12, v0, v57  }
0x235: {  	v59, _, _ =	vpop (xrf2);
	v0 =	vsel vm13, v0, v58  }
0x236: {  	v0 =	vsel vm14, v0, v59  }
0x237: {  	v1 =	vand.u32 $0x7FFFFFFF, v0  }
0x238: {  	v1 =	vsub.f32 $0.0e+00, v1;
	_ =	sdelay $0x1  }
0x239: {  	v1 =	vmul.f32 $1.442695020e+00, v1;
	_ =	sdelay $0x1  }
0x23a: {  	(erf) = vpow2.f32 v1;
	_ =	sdelay $0x8  }
0x23b: {  	v1 =	vpop (erf)  }
0x23c: {  	v60 =	vadd.f32 $2.000000000e+00, v1;
	_ =	sdelay $0x1  }
0x23d: {  	(erf) = vrcp.f32 v60;
	_ =	sdelay $0x8  }
0x23e: {  	v2 =	vpop (erf)  }
0x23f: {  	v1 =	vmul.f32 v2, v1;
	_ =	sdelay $0x1  }
0x240: {  	v2 =	vmul.f32 v1, v1;
	_ =	sdelay $0x1  }
0x241: {  	v61 =	vmul.f32 $1.111111120e-01, v2;
	_ =	sdelay $0x1  }
0x242: {  	v3 =	vadd.f32 $1.428571490e-01, v61;
	_ =	sdelay $0x1  }
0x243: {  	v3 =	vmul.f32 v3, v2;
	_ =	sdelay $0x1  }
0x244: {  	v3 =	vadd.f32 $2.000000030e-01, v3;
	_ =	sdelay $0x1  }
0x245: {  	s31 =	sadd.s32 $0x10, s19;
	v3 =	vmul.f32 v3, v2  }
0x246: {  	v62 =	vld [tilespmem:s31+$0x0]  }
0x247: {  	v3 =	vadd.f32 $3.333333430e-01, v3;
	_ =	sdelay $0x1  }
0x248: {  	v2 =	vmul.f32 v3, v2;
	_ =	sdelay $0x1  }
0x249: {  	v63 =	vmul.f32 v0, v62;
	v1 =	vadd.f32 v1, v1;
	v2 =	vadd.f32 $1.000000000e+00, v2  }
0x24a: {  	v0 =	vmax.f32 v0, $0.0e+00  }
0x24b: {  	v0 =	vsub.f32 v0, v63;
	v1 =	vmul.f32 v2, v1;
	_ =	sdelay $0x1  }
0x24c: {  	v0 =	vadd.f32 v1, v0;
	_ =	sdelay $0x1  }
0x24d: {  	v0 =	vadd.f32 v0, v50;
	_ =	sdelay $0x1  }
0x24e: {  	[tilespmem:$0x1FFF0] =	vst v0  }
0x24f: {  	p0 =	seq.s32 s17, $0x8  }
.Ltmp1:
0x250: {  	_ = 	snop;
	(pc) =	sbr.rel @!p0 .LBB2_3-.Ltmp1, $2  }
0x251: {  	_ =	sdelay $0x2  }
0x252: {  	s16 =	sadd.s32 $0x40, s16  }
0x253: {  	v0 =	vld [tilespmem:$0x1FFF0];
	_ =	sdelay $0x2  }
0x254: {  	s15 =	sadd.s32 $0x1, s15  }
0x255: {  	p0 =	sne.s32 s15, s10  }
.Ltmp2:
0x256: {  	[tilespmem:$0x8200] =	vst v0;
	(pc) =	sbr.rel @p0 .LBB2_1-.Ltmp2, $4  }
0x257: {  	[hbm4b:s9+s2] =	stream.linear.scatter [tilespmem:s14], [sflag:$0x2], $0x80, $0x38;
	[tilespmem:$0x8280] =	vst v63  }
0x258: {  	_ =	swait.ge [sflag:s11], $0x80  }
0x259: {  	[sflag:s11] =	ssyncset.done $0x0  }
0x25a: {  	[sflag:s11] =	ssyncadd.s32 $0xFFFFFF80  }
0x25b: {  	_ =	sfence.sel $0x180000  }
0x25c: {  	[bflag:$0x0] =	sbarrier.arrive $0xFFFF  }
0x25d: {  	p0 =	sne.s32 s1, $0x0;
	_ =	strace $0x9000004A  }
0x25e: {  	s0 =	sadd.s32 @!p0 $0x100000, s0;
	[bflag:$0x2] =	sbarrier.arrive $0xFFFF  }
0x25f: {  	[sflag:s0] =	ssyncadd.tile.s32 @!p0 $0x1;
	_ =	shalt  }
.Lfunc_end2:
_tile_overlayer_lowered:
.L_overlay_start_2:
0x260: {  	(tag) =	ssettag $0x2  }
0x261: {  	s0 =	rddreg [dreg:$0x0];
	s2 =	stileid.u32  }
0x262: {  	s1 =	rddreg [dreg:$0x1];
	p0 =	sne.s32 s2, $0x0  }
0x263: {  	s3 =	rddreg [dreg:$0x2];
	[bflag:$0x3] =	sbarrier.arrive $0xFFFF;
	s2 =	simm.s32 @!p0 $0x1C02  }
0x264: {  	[timem:s3], [sflag:s2] =	dma.local @!p0 [hbm:s0], s1  }
0x265: {  	s0 =	simm.s32 @!p0 $0x2  }
0x266: {  	_ =	swait.ge @!p0 [sflag:s0], s1  }
0x267: {  	s1 =	ssub.s32 @!p0 $0x0, s1;
	[sflag:s0] =	ssyncset.done @!p0 $0x0  }
0x268: {  	[sflag:s0] =	ssyncadd.s32 @!p0 s1  }
0x269: {  	[bflag:$0x3] =	sbarrier.arrive $0xFFFF  }
0x26a: {  	_ =	shalt  }

</sc_bundles>
